<compile_context>
chip_gen: v7x
topology: tpu7x:2x2x1
jax: 0.10.2.dev20260603
libtpu: 0.0.44.dev20260713+nightly
codegen_flags: <defaults>
</compile_context>

<pallas_src>
import jax
import jax.numpy as jnp
from jax import lax
from jax.experimental import pallas as pl
from jax.experimental.pallas import tpu as pltpu
from jax.experimental.pallas import tpu_sc as plsc

NUM_FIELDS = 26
VOCAB = 100000
EMBED_DIM = 32
BATCH = 16384
SCALE = NUM_FIELDS ** -0.5

_info = plsc.get_sparse_core_info()
NC, NS, L = _info.num_cores, _info.num_subcores, _info.num_lanes
NW = NC * NS
H0 = 50048
H1 = VOCAB - H0
TAIL = VOCAB % 128
H1MAIN = H1 - TAIL
CLAMPS = (H0, H1)
IC = 4096
NIC = BATCH // IC
CPF = 2 * NIC
GF = 3
NGROUPS = 24 // GF
UNROLL = 4


def _body(xt_hbm, tabT_hbm, tail_hbm, outT_hbm, idx0_v, idx1_v, idx2_v,
          row0_v, row1_v, acc_v, rsem0, rsem1, isem0, isem1, isem2):
    wid = lax.axis_index("s") * NC + lax.axis_index("c")
    idxs = (idx0_v, idx1_v, idx2_v)
    isems = (isem0, isem1, isem2)

    zeros = jnp.zeros((L,), jnp.float32)
    row0_v[pl.ds(H0, L)] = zeros

    @plsc.parallel_loop(0, BATCH, step=L, unroll=2)
    def _zero(i):
        acc_v[pl.ds(i, L)] = zeros

    def row_descs(f, h):
        if h == 0:
            return [pltpu.make_async_copy(
                tabT_hbm.at[f, wid, pl.ds(0, H0)],
                row0_v.at[pl.ds(0, H0)], rsem0)]
        return [
            pltpu.make_async_copy(
                tabT_hbm.at[f, wid, pl.ds(H0, H1MAIN)],
                row1_v.at[pl.ds(0, H1MAIN)], rsem1),
            pltpu.make_async_copy(
                tail_hbm.at[f, wid], row1_v.at[pl.ds(H1MAIN, 128)], rsem1),
        ]

    def row_issue(f, h):
        for d in row_descs(f, h):
            d.start()

    def row_wait(h):
        for d in row_descs(0, h):
            d.wait()

    def idx_issue(f, gg, bank):
        pltpu.make_async_copy(
            xt_hbm.at[f, pl.ds((gg % NIC) * IC, IC)], idxs[bank],
            isems[bank]).start()

    def idx_wait(bank):
        pltpu.make_async_copy(
            xt_hbm.at[0, pl.ds(0, IC)], idxs[bank], isems[bank]).wait()

    def do_field(f, ell0, last=False):
        for h in (0, 1):
            row_wait(h)
            for c in range(NIC):
                gg = h * NIC + c
                bank = (ell0 + gg) % 3
                cbase = c * IC
                idx_wait(bank)

                @plsc.parallel_loop(0, IC, step=L, unroll=UNROLL)
                def _gather(i):
                    iv = idxs[bank][pl.ds(i, L)]
                    if h:
                        iv = iv - H0
                    ivc = jnp.minimum(plsc.bitcast(iv, jnp.uint32),
                                      jnp.uint32(CLAMPS[h]))
                    vals = plsc.load_gather(
                        (row0_v, row1_v)[h],
                        [plsc.bitcast(ivc, jnp.int32)])
                    plsc.addupdate(acc_v.at[pl.ds(cbase + i, L)], vals)

                ng = gg + 3
                if ng < CPF:
                    idx_issue(f, ng, bank)
                elif not last:
                    idx_issue(f + 1, ng - CPF, bank)
            if not last:
                row_issue(f + 1, h)

    row_issue(0, 0)
    row_issue(0, 1)
    idx_issue(0, 0, 0)
    idx_issue(0, 1, 1)
    idx_issue(0, 2, 2)

    @pl.loop(0, NGROUPS)
    def _group(g):
        fb = g * GF
        for df in range(GF):
            do_field(fb + df, (df * CPF) % 3)

    do_field(24, (24 * CPF) % 3)
    do_field(25, (25 * CPF) % 3, last=True)

    @plsc.parallel_loop(0, BATCH, step=L, unroll=2)
    def _scale(i):
        sl = pl.ds(i, L)
        acc_v[sl] = acc_v[sl] * SCALE

    pltpu.sync_copy(acc_v, outT_hbm.at[wid])


def _embed_sum(xt, tabT, tail):
    mesh = plsc.VectorSubcoreMesh(core_axis_name="c", subcore_axis_name="s")
    return pl.kernel(
        _body,
        out_type=jax.ShapeDtypeStruct((EMBED_DIM, BATCH), jnp.float32),
        mesh=mesh,
        scratch_types=[
            pltpu.VMEM((IC,), jnp.int32),
            pltpu.VMEM((IC,), jnp.int32),
            pltpu.VMEM((IC,), jnp.int32),
            pltpu.VMEM((H0 + L,), jnp.float32),
            pltpu.VMEM((H1MAIN + 128,), jnp.float32),
            pltpu.VMEM((BATCH,), jnp.float32),
            pltpu.SemaphoreType.DMA,
            pltpu.SemaphoreType.DMA,
            pltpu.SemaphoreType.DMA,
            pltpu.SemaphoreType.DMA,
            pltpu.SemaphoreType.DMA,
        ],
        compiler_params=pltpu.CompilerParams(needs_layout_passes=False),
    )(xt, tabT, tail)


def kernel(x, tables):
    if x.ndim == 1:
        x = x[:, None]
    xt = x.T
    tabT = tables.transpose(0, 2, 1)
    tail = jnp.pad(tables[:, VOCAB - TAIL:, :].transpose(0, 2, 1),
                   ((0, 0), (0, 0), (0, 128 - TAIL)))
    outT = _embed_sum(xt, tabT, tail)
    return outT.T

# --- scband reference (transcript-rebuilt; emitter-appended) ---
"""Pipeline reference for scband-multi-label-embed-7069516169365 (READ-ONLY COPY).

The authoritative reference and input builder live on the scoring server;
editing this copy changes nothing except your own understanding.
"""

import jax, jax.numpy as jnp
import numpy as np

NUM_FIELDS = 26
VOCAB = 100000
EMBED_DIM = 32
BATCH = 16384


def setup_inputs(seed: int = 0) -> dict:
    key = jax.random.key(seed)
    k_x, k_t = jax.random.split(key)
    x = jax.random.randint(k_x, (BATCH, NUM_FIELDS), 0, VOCAB, dtype=jnp.int64 if jax.config.read('jax_enable_x64') else jnp.int32).astype(jnp.int32)
    tables = jax.random.normal(k_t, (NUM_FIELDS, VOCAB, EMBED_DIM), dtype=jnp.float32) * 0.02
    return {"x": x, "tables": tables}


def reference(x, tables):
    # MultiLabelEmbed forward: per-field embedding lookup, summed, then normalized
    if x.ndim == 1:
        x = x[:, None]
    # tables: [F, V, D]; x: [B, F] -> gather per field -> [F, B, D]
    emb = jax.vmap(lambda t, ix: jnp.take(t, ix, axis=0), in_axes=(0, 1), out_axes=0)(tables, x)
    out = emb.sum(axis=0)
    # normalize=True: multiply by len(label_counts) ** -0.5
    out = out * (NUM_FIELDS ** -0.5)
    return out

if __name__ == "__main__":
    import jax
    _d = setup_inputs()
    print(jax.jit(kernel)(*tuple(_d.values())))

</pallas_src>

<mosaic_0001>
#map = affine_map<(d0, d1) -> (0, 0)>
#map1 = affine_map<(d0, d1) -> (0, 0, 0)>
module attributes {stable_mosaic.version = 14 : i64} {
  func.func @_body(%arg0: i32, %arg1: i32, %arg2: memref<26x16384xi32, #tpu.memory_space<hbm>>, %arg3: memref<26x32x100000xf32, #tpu.memory_space<hbm>>, %arg4: memref<26x32x128xf32, #tpu.memory_space<hbm>>, %arg5: memref<32x16384xf32, #tpu.memory_space<hbm>>, %arg6: memref<4096xi32, #tpu.memory_space<vmem>>, %arg7: memref<4096xi32, #tpu.memory_space<vmem>>, %arg8: memref<4096xi32, #tpu.memory_space<vmem>>, %arg9: memref<50064xf32, #tpu.memory_space<vmem>>, %arg10: memref<50048xf32, #tpu.memory_space<vmem>>, %arg11: memref<16384xf32, #tpu.memory_space<vmem>>, %arg12: memref<!tpu.dma_semaphore, #tpu.memory_space<semaphore_mem>>, %arg13: memref<!tpu.dma_semaphore, #tpu.memory_space<semaphore_mem>>, %arg14: memref<!tpu.dma_semaphore, #tpu.memory_space<semaphore_mem>>, %arg15: memref<!tpu.dma_semaphore, #tpu.memory_space<semaphore_mem>>, %arg16: memref<!tpu.dma_semaphore, #tpu.memory_space<semaphore_mem>>) attributes {dimension_semantics = [#tpu.dimension_semantics<core_parallel>, #tpu.dimension_semantics<subcore_parallel>], iteration_bounds = array<i64: 2, 16>, scalar_prefetch = 0 : i64, scratch_operands = 11 : i64, tpu.core_type = #tpu.core_type<sc_vector_subcore>, window_params = [{transform_indices = #map}, {transform_indices = #map1}, {transform_indices = #map1}, {transform_indices = #map}]} {
    %mul3A = arith.constant 2 : i32
    %mul3A_0 = arith.muli %arg1, %mul3A : i32
    %add3A = arith.addi %mul3A_0, %arg0 : i32
    %broadcast_in_dim3A = arith.constant 0.000000e+00 : f32
    %broadcast_in_dim3A_1 = vector.broadcast %broadcast_in_dim3A : f32 to vector<16xf32>
    %swap3A = arith.constant 50048 : index
    %swap3A_2 = tpu.vector_load %arg9[%swap3A] {strides = array<i32>} : memref<50064xf32, #tpu.memory_space<vmem>>, vector<16xf32>,
    tpu.vector_store %arg9[%swap3A], %broadcast_in_dim3A_1 {strides = array<i32>} : memref<50064xf32, #tpu.memory_space<vmem>>, vector<16xf32>,
    %parallel_loop3A = arith.constant 0 : i32
    %parallel_loop3A_3 = arith.constant 16384 : i32
    %parallel_loop3A_4 = arith.constant 16 : i32
    scf.for %parallel_loop3A_414 = %parallel_loop3A to %parallel_loop3A_3 step %parallel_loop3A_4  : i32 {
      %parallel_loop3A_415 = arith.index_cast %parallel_loop3A_414 : i32 to index
      %parallel_loop3A_416 = tpu.vector_load %arg11[%parallel_loop3A_415] {strides = array<i32>} : memref<16384xf32, #tpu.memory_space<vmem>>, vector<16xf32>,
      tpu.vector_store %arg11[%parallel_loop3A_415], %broadcast_in_dim3A_1 {strides = array<i32>} : memref<16384xf32, #tpu.memory_space<vmem>>, vector<16xf32>,
    } {sc.loop_unroll_factor = 2 : i64, sc.parallel_access}
    %dma_start3A = arith.constant 0 : i32
    %dma_start3A_5 = arith.constant 0 : i32
    %dma_start3A_6 = tpu.memref_slice %arg9[%dma_start3A_5] : memref<50064xf32, #tpu.memory_space<vmem>> -> memref<50048xf32, #tpu.memory_space<vmem>>
    %dma_start3A_7 = arith.constant 0 : i32
    %dma_start3A_8 = tpu.memref_slice %arg3[%dma_start3A, %add3A, %dma_start3A_7] : memref<26x32x100000xf32, #tpu.memory_space<hbm>> -> memref<1x1x50048xf32, #tpu.memory_space<hbm>>
    %dma_start3A_9 = tpu.memref_squeeze %dma_start3A_8 : memref<1x1x50048xf32, #tpu.memory_space<hbm>> -> memref<50048xf32, #tpu.memory_space<hbm>>
    %dma_start3A_10 = arith.constant 0 : i32
    %dma_start3A_11 = tpu.memref_slice %arg9[%dma_start3A_10] : memref<50064xf32, #tpu.memory_space<vmem>> -> memref<50048xf32, #tpu.memory_space<vmem>>
    %dma_start3A_12 = arith.constant 0 : i32
    %dma_start3A_13 = tpu.memref_slice %arg3[%dma_start3A, %add3A, %dma_start3A_12] : memref<26x32x100000xf32, #tpu.memory_space<hbm>> -> memref<1x1x50048xf32, #tpu.memory_space<hbm>>
    %dma_start3A_14 = tpu.memref_squeeze %dma_start3A_13 : memref<1x1x50048xf32, #tpu.memory_space<hbm>> -> memref<50048xf32, #tpu.memory_space<hbm>>
    tpu.enqueue_dma source(%dma_start3A_14 : memref<50048xf32, #tpu.memory_space<hbm>>) target(%dma_start3A_11 : memref<50048xf32, #tpu.memory_space<vmem>>) target_semaphore(%arg12 : memref<!tpu.dma_semaphore, #tpu.memory_space<semaphore_mem>>)
    %dma_start3A_15 = arith.constant 0 : i32
    %dma_start3A_16 = arith.constant 0 : i32
    %dma_start3A_17 = tpu.memref_slice %arg10[%dma_start3A_16] : memref<50048xf32, #tpu.memory_space<vmem>> -> memref<49920xf32, #tpu.memory_space<vmem>>
    %dma_start3A_18 = arith.constant 50048 : i32
    %dma_start3A_19 = tpu.memref_slice %arg3[%dma_start3A_15, %add3A, %dma_start3A_18] : memref<26x32x100000xf32, #tpu.memory_space<hbm>> -> memref<1x1x49920xf32, #tpu.memory_space<hbm>>
    %dma_start3A_20 = tpu.memref_squeeze %dma_start3A_19 : memref<1x1x49920xf32, #tpu.memory_space<hbm>> -> memref<49920xf32, #tpu.memory_space<hbm>>
    %dma_start3A_21 = arith.constant 0 : i32
    %dma_start3A_22 = tpu.memref_slice %arg10[%dma_start3A_21] : memref<50048xf32, #tpu.memory_space<vmem>> -> memref<49920xf32, #tpu.memory_space<vmem>>
    %dma_start3A_23 = arith.constant 50048 : i32
    %dma_start3A_24 = tpu.memref_slice %arg3[%dma_start3A_15, %add3A, %dma_start3A_23] : memref<26x32x100000xf32, #tpu.memory_space<hbm>> -> memref<1x1x49920xf32, #tpu.memory_space<hbm>>
    %dma_start3A_25 = tpu.memref_squeeze %dma_start3A_24 : memref<1x1x49920xf32, #tpu.memory_space<hbm>> -> memref<49920xf32, #tpu.memory_space<hbm>>
    tpu.enqueue_dma source(%dma_start3A_25 : memref<49920xf32, #tpu.memory_space<hbm>>) target(%dma_start3A_22 : memref<49920xf32, #tpu.memory_space<vmem>>) target_semaphore(%arg13 : memref<!tpu.dma_semaphore, #tpu.memory_space<semaphore_mem>>)
    %dma_start3A_26 = arith.constant 0 : i32
    %dma_start3A_27 = arith.constant 49920 : i32
    %dma_start3A_28 = tpu.memref_slice %arg10[%dma_start3A_27] : memref<50048xf32, #tpu.memory_space<vmem>> -> memref<128xf32, #tpu.memory_space<vmem>>
    %dma_start3A_29 = arith.constant 0 : i32
    %dma_start3A_30 = tpu.memref_slice %arg4[%dma_start3A_26, %add3A, %dma_start3A_29] : memref<26x32x128xf32, #tpu.memory_space<hbm>> -> memref<1x1x128xf32, #tpu.memory_space<hbm>>
    %dma_start3A_31 = tpu.memref_squeeze %dma_start3A_30 : memref<1x1x128xf32, #tpu.memory_space<hbm>> -> memref<128xf32, #tpu.memory_space<hbm>>
    %dma_start3A_32 = arith.constant 49920 : i32
    %dma_start3A_33 = tpu.memref_slice %arg10[%dma_start3A_32] : memref<50048xf32, #tpu.memory_space<vmem>> -> memref<128xf32, #tpu.memory_space<vmem>>
    %dma_start3A_34 = arith.constant 0 : i32
    %dma_start3A_35 = tpu.memref_slice %arg4[%dma_start3A_26, %add3A, %dma_start3A_34] : memref<26x32x128xf32, #tpu.memory_space<hbm>> -> memref<1x1x128xf32, #tpu.memory_space<hbm>>
    %dma_start3A_36 = tpu.memref_squeeze %dma_start3A_35 : memref<1x1x128xf32, #tpu.memory_space<hbm>> -> memref<128xf32, #tpu.memory_space<hbm>>
    tpu.enqueue_dma source(%dma_start3A_36 : memref<128xf32, #tpu.memory_space<hbm>>) target(%dma_start3A_33 : memref<128xf32, #tpu.memory_space<vmem>>) target_semaphore(%arg13 : memref<!tpu.dma_semaphore, #tpu.memory_space<semaphore_mem>>)
    %dma_start3A_37 = arith.constant 0 : i32
    %dma_start3A_38 = arith.constant 0 : i32
    %dma_start3A_39 = tpu.memref_slice %arg2[%dma_start3A_37, %dma_start3A_38] : memref<26x16384xi32, #tpu.memory_space<hbm>> -> memref<1x4096xi32, #tpu.memory_space<hbm>>
    %dma_start3A_40 = tpu.memref_squeeze %dma_start3A_39 : memref<1x4096xi32, #tpu.memory_space<hbm>> -> memref<4096xi32, #tpu.memory_space<hbm>>
    %dma_start3A_41 = arith.constant 0 : i32
    %dma_start3A_42 = tpu.memref_slice %arg2[%dma_start3A_37, %dma_start3A_41] : memref<26x16384xi32, #tpu.memory_space<hbm>> -> memref<1x4096xi32, #tpu.memory_space<hbm>>
    %dma_start3A_43 = tpu.memref_squeeze %dma_start3A_42 : memref<1x4096xi32, #tpu.memory_space<hbm>> -> memref<4096xi32, #tpu.memory_space<hbm>>
    tpu.enqueue_dma source(%dma_start3A_43 : memref<4096xi32, #tpu.memory_space<hbm>>) target(%arg6 : memref<4096xi32, #tpu.memory_space<vmem>>) target_semaphore(%arg14 : memref<!tpu.dma_semaphore, #tpu.memory_space<semaphore_mem>>)
    %dma_start3A_44 = arith.constant 0 : i32
    %dma_start3A_45 = arith.constant 4096 : i32
    %dma_start3A_46 = tpu.memref_slice %arg2[%dma_start3A_44, %dma_start3A_45] : memref<26x16384xi32, #tpu.memory_space<hbm>> -> memref<1x4096xi32, #tpu.memory_space<hbm>>
    %dma_start3A_47 = tpu.memref_squeeze %dma_start3A_46 : memref<1x4096xi32, #tpu.memory_space<hbm>> -> memref<4096xi32, #tpu.memory_space<hbm>>
    %dma_start3A_48 = arith.constant 4096 : i32
    %dma_start3A_49 = tpu.memref_slice %arg2[%dma_start3A_44, %dma_start3A_48] : memref<26x16384xi32, #tpu.memory_space<hbm>> -> memref<1x4096xi32, #tpu.memory_space<hbm>>
    %dma_start3A_50 = tpu.memref_squeeze %dma_start3A_49 : memref<1x4096xi32, #tpu.memory_space<hbm>> -> memref<4096xi32, #tpu.memory_space<hbm>>
    tpu.enqueue_dma source(%dma_start3A_50 : memref<4096xi32, #tpu.memory_space<hbm>>) target(%arg7 : memref<4096xi32, #tpu.memory_space<vmem>>) target_semaphore(%arg15 : memref<!tpu.dma_semaphore, #tpu.memory_space<semaphore_mem>>)
    %dma_start3A_51 = arith.constant 0 : i32
    %dma_start3A_52 = arith.constant 8192 : i32
    %dma_start3A_53 = tpu.memref_slice %arg2[%dma_start3A_51, %dma_start3A_52] : memref<26x16384xi32, #tpu.memory_space<hbm>> -> memref<1x4096xi32, #tpu.memory_space<hbm>>
    %dma_start3A_54 = tpu.memref_squeeze %dma_start3A_53 : memref<1x4096xi32, #tpu.memory_space<hbm>> -> memref<4096xi32, #tpu.memory_space<hbm>>
    %dma_start3A_55 = arith.constant 8192 : i32
    %dma_start3A_56 = tpu.memref_slice %arg2[%dma_start3A_51, %dma_start3A_55] : memref<26x16384xi32, #tpu.memory_space<hbm>> -> memref<1x4096xi32, #tpu.memory_space<hbm>>
    %dma_start3A_57 = tpu.memref_squeeze %dma_start3A_56 : memref<1x4096xi32, #tpu.memory_space<hbm>> -> memref<4096xi32, #tpu.memory_space<hbm>>
    tpu.enqueue_dma source(%dma_start3A_57 : memref<4096xi32, #tpu.memory_space<hbm>>) target(%arg8 : memref<4096xi32, #tpu.memory_space<vmem>>) target_semaphore(%arg16 : memref<!tpu.dma_semaphore, #tpu.memory_space<semaphore_mem>>)
    %scan3A = arith.constant 0 : i32
    %scan3A_58 = arith.constant 8 : i32
    %scan3A_59 = arith.addi %scan3A, %scan3A_58 : i32
    %scan3A_60 = arith.constant 1 : i32
    scf.for %scan3A_414 = %scan3A to %scan3A_59 step %scan3A_60  : i32 {
      %mul3A_415 = arith.constant 1 : i32
      %mul3A_416 = arith.muli %scan3A_414, %mul3A_415 : i32
      %add3A_417 = arith.constant 0 : i32
      %add3A_418 = arith.addi %add3A_417, %mul3A_416 : i32
      %mul3A_419 = arith.constant 3 : i32
      %mul3A_420 = arith.muli %add3A_418, %mul3A_419 : i32
      %add3A_421 = arith.constant 0 : i32
      %add3A_422 = arith.addi %mul3A_420, %add3A_421 : i32
      %dma_wait3A_423 = arith.constant 0 : i32
      %dma_wait3A_424 = arith.constant 0 : i32
      %dma_wait3A_425 = tpu.memref_slice %arg9[%dma_wait3A_424] : memref<50064xf32, #tpu.memory_space<vmem>> -> memref<50048xf32, #tpu.memory_space<vmem>>
      %dma_wait3A_426 = arith.constant 0 : i32
      %dma_wait3A_427 = tpu.memref_slice %arg3[%dma_wait3A_423, %add3A, %dma_wait3A_426] : memref<26x32x100000xf32, #tpu.memory_space<hbm>> -> memref<1x1x50048xf32, #tpu.memory_space<hbm>>
      %dma_wait3A_428 = tpu.memref_squeeze %dma_wait3A_427 : memref<1x1x50048xf32, #tpu.memory_space<hbm>> -> memref<50048xf32, #tpu.memory_space<hbm>>
      %dma_wait3A_429 = arith.constant 0 : i32
      %dma_wait3A_430 = tpu.memref_slice %arg9[%dma_wait3A_429] : memref<50064xf32, #tpu.memory_space<vmem>> -> memref<50048xf32, #tpu.memory_space<vmem>>
      %dma_wait3A_431 = arith.constant 0 : i32
      %dma_wait3A_432 = tpu.memref_slice %arg3[%dma_wait3A_423, %add3A, %dma_wait3A_431] : memref<26x32x100000xf32, #tpu.memory_space<hbm>> -> memref<1x1x50048xf32, #tpu.memory_space<hbm>>
      %dma_wait3A_433 = tpu.memref_squeeze %dma_wait3A_432 : memref<1x1x50048xf32, #tpu.memory_space<hbm>> -> memref<50048xf32, #tpu.memory_space<hbm>>
      tpu.wait_dma2 semaphore(%arg12 : memref<!tpu.dma_semaphore, #tpu.memory_space<semaphore_mem>>) src(%dma_wait3A_433 : memref<50048xf32, #tpu.memory_space<hbm>>) dst(%dma_wait3A_430 : memref<50048xf32, #tpu.memory_space<vmem>>)
      %dma_wait3A_434 = arith.constant 0 : i32
      %dma_wait3A_435 = arith.constant 0 : i32
      %dma_wait3A_436 = tpu.memref_slice %arg2[%dma_wait3A_434, %dma_wait3A_435] : memref<26x16384xi32, #tpu.memory_space<hbm>> -> memref<1x4096xi32, #tpu.memory_space<hbm>>
      %dma_wait3A_437 = tpu.memref_squeeze %dma_wait3A_436 : memref<1x4096xi32, #tpu.memory_space<hbm>> -> memref<4096xi32, #tpu.memory_space<hbm>>
      %dma_wait3A_438 = arith.constant 0 : i32
      %dma_wait3A_439 = tpu.memref_slice %arg2[%dma_wait3A_434, %dma_wait3A_438] : memref<26x16384xi32, #tpu.memory_space<hbm>> -> memref<1x4096xi32, #tpu.memory_space<hbm>>
      %dma_wait3A_440 = tpu.memref_squeeze %dma_wait3A_439 : memref<1x4096xi32, #tpu.memory_space<hbm>> -> memref<4096xi32, #tpu.memory_space<hbm>>
      tpu.wait_dma2 semaphore(%arg14 : memref<!tpu.dma_semaphore, #tpu.memory_space<semaphore_mem>>) src(%dma_wait3A_440 : memref<4096xi32, #tpu.memory_space<hbm>>) dst(%arg6 : memref<4096xi32, #tpu.memory_space<vmem>>)
      %parallel_loop3A_441 = arith.constant 0 : i32
      %parallel_loop3A_442 = arith.constant 4096 : i32
      %parallel_loop3A_443 = arith.constant 16 : i32
      scf.for %parallel_loop3A_1030 = %parallel_loop3A_441 to %parallel_loop3A_442 step %parallel_loop3A_443  : i32 {
        %parallel_loop3A_1031 = arith.index_cast %parallel_loop3A_1030 : i32 to index
        %parallel_loop3A_1032 = tpu.vector_load %arg6[%parallel_loop3A_1031] {strides = array<i32>} : memref<4096xi32, #tpu.memory_space<vmem>>, vector<16xi32>,
        %parallel_loop3A_1033 = vector.bitcast %parallel_loop3A_1032 : vector<16xi32> to vector<16xi32>
        %parallel_loop3A_1034 = arith.constant 50048 : i32
        %parallel_loop3A_1035 = vector.broadcast %parallel_loop3A_1034 : i32 to vector<16xi32>
        %parallel_loop3A_1036 = arith.minui %parallel_loop3A_1033, %parallel_loop3A_1035 : vector<16xi32>
        %parallel_loop3A_1037 = vector.bitcast %parallel_loop3A_1036 : vector<16xi32> to vector<16xi32>
        %parallel_loop3A_1038 = tpu.vector_load_idx %arg9[%parallel_loop3A_1037] : memref<50064xf32, #tpu.memory_space<vmem>>[vector<16xi32>], vector<16xf32>,
        %parallel_loop3A_1039 = arith.constant 0 : i32
        %parallel_loop3A_1040 = arith.addi %parallel_loop3A_1039, %parallel_loop3A_1030 : i32
        %parallel_loop3A_1041 = arith.index_cast %parallel_loop3A_1040 : i32 to index
        %parallel_loop3A_1042 = tpu.vector_load %arg11[%parallel_loop3A_1041] {strides = array<i32>} : memref<16384xf32, #tpu.memory_space<vmem>>, vector<16xf32>,
        tpu.vector_store %arg11[%parallel_loop3A_1041], %parallel_loop3A_1038 {add = true, strides = array<i32>} : memref<16384xf32, #tpu.memory_space<vmem>>, vector<16xf32>,
      } {sc.loop_unroll_factor = 4 : i64, sc.parallel_access}
      %dma_start3A_444 = arith.constant 12288 : i32
      %dma_start3A_445 = tpu.memref_slice %arg2[%add3A_422, %dma_start3A_444] : memref<26x16384xi32, #tpu.memory_space<hbm>> -> memref<1x4096xi32, #tpu.memory_space<hbm>>
      %dma_start3A_446 = tpu.memref_squeeze %dma_start3A_445 : memref<1x4096xi32, #tpu.memory_space<hbm>> -> memref<4096xi32, #tpu.memory_space<hbm>>
      %dma_start3A_447 = arith.constant 12288 : i32
      %dma_start3A_448 = tpu.memref_slice %arg2[%add3A_422, %dma_start3A_447] : memref<26x16384xi32, #tpu.memory_space<hbm>> -> memref<1x4096xi32, #tpu.memory_space<hbm>>
      %dma_start3A_449 = tpu.memref_squeeze %dma_start3A_448 : memref<1x4096xi32, #tpu.memory_space<hbm>> -> memref<4096xi32, #tpu.memory_space<hbm>>
      tpu.enqueue_dma source(%dma_start3A_449 : memref<4096xi32, #tpu.memory_space<hbm>>) target(%arg6 : memref<4096xi32, #tpu.memory_space<vmem>>) target_semaphore(%arg14 : memref<!tpu.dma_semaphore, #tpu.memory_space<semaphore_mem>>)
      %dma_wait3A_450 = arith.constant 0 : i32
      %dma_wait3A_451 = arith.constant 0 : i32
      %dma_wait3A_452 = tpu.memref_slice %arg2[%dma_wait3A_450, %dma_wait3A_451] : memref<26x16384xi32, #tpu.memory_space<hbm>> -> memref<1x4096xi32, #tpu.memory_space<hbm>>
      %dma_wait3A_453 = tpu.memref_squeeze %dma_wait3A_452 : memref<1x4096xi32, #tpu.memory_space<hbm>> -> memref<4096xi32, #tpu.memory_space<hbm>>
      %dma_wait3A_454 = arith.constant 0 : i32
      %dma_wait3A_455 = tpu.memref_slice %arg2[%dma_wait3A_450, %dma_wait3A_454] : memref<26x16384xi32, #tpu.memory_space<hbm>> -> memref<1x4096xi32, #tpu.memory_space<hbm>>
      %dma_wait3A_456 = tpu.memref_squeeze %dma_wait3A_455 : memref<1x4096xi32, #tpu.memory_space<hbm>> -> memref<4096xi32, #tpu.memory_space<hbm>>
      tpu.wait_dma2 semaphore(%arg15 : memref<!tpu.dma_semaphore, #tpu.memory_space<semaphore_mem>>) src(%dma_wait3A_456 : memref<4096xi32, #tpu.memory_space<hbm>>) dst(%arg7 : memref<4096xi32, #tpu.memory_space<vmem>>)
      %parallel_loop3A_457 = arith.constant 0 : i32
      %parallel_loop3A_458 = arith.constant 4096 : i32
      %parallel_loop3A_459 = arith.constant 16 : i32
      scf.for %parallel_loop3A_1030 = %parallel_loop3A_457 to %parallel_loop3A_458 step %parallel_loop3A_459  : i32 {
        %parallel_loop3A_1031 = arith.index_cast %parallel_loop3A_1030 : i32 to index
        %parallel_loop3A_1032 = tpu.vector_load %arg7[%parallel_loop3A_1031] {strides = array<i32>} : memref<4096xi32, #tpu.memory_space<vmem>>, vector<16xi32>,
        %parallel_loop3A_1033 = vector.bitcast %parallel_loop3A_1032 : vector<16xi32> to vector<16xi32>
        %parallel_loop3A_1034 = arith.constant 50048 : i32
        %parallel_loop3A_1035 = vector.broadcast %parallel_loop3A_1034 : i32 to vector<16xi32>
        %parallel_loop3A_1036 = arith.minui %parallel_loop3A_1033, %parallel_loop3A_1035 : vector<16xi32>
        %parallel_loop3A_1037 = vector.bitcast %parallel_loop3A_1036 : vector<16xi32> to vector<16xi32>
        %parallel_loop3A_1038 = tpu.vector_load_idx %arg9[%parallel_loop3A_1037] : memref<50064xf32, #tpu.memory_space<vmem>>[vector<16xi32>], vector<16xf32>,
        %parallel_loop3A_1039 = arith.constant 4096 : i32
        %parallel_loop3A_1040 = arith.addi %parallel_loop3A_1039, %parallel_loop3A_1030 : i32
        %parallel_loop3A_1041 = arith.index_cast %parallel_loop3A_1040 : i32 to index
        %parallel_loop3A_1042 = tpu.vector_load %arg11[%parallel_loop3A_1041] {strides = array<i32>} : memref<16384xf32, #tpu.memory_space<vmem>>, vector<16xf32>,
        tpu.vector_store %arg11[%parallel_loop3A_1041], %parallel_loop3A_1038 {add = true, strides = array<i32>} : memref<16384xf32, #tpu.memory_space<vmem>>, vector<16xf32>,
      } {sc.loop_unroll_factor = 4 : i64, sc.parallel_access}
      %dma_start3A_460 = arith.constant 0 : i32
      %dma_start3A_461 = tpu.memref_slice %arg2[%add3A_422, %dma_start3A_460] : memref<26x16384xi32, #tpu.memory_space<hbm>> -> memref<1x4096xi32, #tpu.memory_space<hbm>>
      %dma_start3A_462 = tpu.memref_squeeze %dma_start3A_461 : memref<1x4096xi32, #tpu.memory_space<hbm>> -> memref<4096xi32, #tpu.memory_space<hbm>>
      %dma_start3A_463 = arith.constant 0 : i32
      %dma_start3A_464 = tpu.memref_slice %arg2[%add3A_422, %dma_start3A_463] : memref<26x16384xi32, #tpu.memory_space<hbm>> -> memref<1x4096xi32, #tpu.memory_space<hbm>>
      %dma_start3A_465 = tpu.memref_squeeze %dma_start3A_464 : memref<1x4096xi32, #tpu.memory_space<hbm>> -> memref<4096xi32, #tpu.memory_space<hbm>>
      tpu.enqueue_dma source(%dma_start3A_465 : memref<4096xi32, #tpu.memory_space<hbm>>) target(%arg7 : memref<4096xi32, #tpu.memory_space<vmem>>) target_semaphore(%arg15 : memref<!tpu.dma_semaphore, #tpu.memory_space<semaphore_mem>>)
      %dma_wait3A_466 = arith.constant 0 : i32
      %dma_wait3A_467 = arith.constant 0 : i32
      %dma_wait3A_468 = tpu.memref_slice %arg2[%dma_wait3A_466, %dma_wait3A_467] : memref<26x16384xi32, #tpu.memory_space<hbm>> -> memref<1x4096xi32, #tpu.memory_space<hbm>>
      %dma_wait3A_469 = tpu.memref_squeeze %dma_wait3A_468 : memref<1x4096xi32, #tpu.memory_space<hbm>> -> memref<4096xi32, #tpu.memory_space<hbm>>
      %dma_wait3A_470 = arith.constant 0 : i32
      %dma_wait3A_471 = tpu.memref_slice %arg2[%dma_wait3A_466, %dma_wait3A_470] : memref<26x16384xi32, #tpu.memory_space<hbm>> -> memref<1x4096xi32, #tpu.memory_space<hbm>>
      %dma_wait3A_472 = tpu.memref_squeeze %dma_wait3A_471 : memref<1x4096xi32, #tpu.memory_space<hbm>> -> memref<4096xi32, #tpu.memory_space<hbm>>
      tpu.wait_dma2 semaphore(%arg16 : memref<!tpu.dma_semaphore, #tpu.memory_space<semaphore_mem>>) src(%dma_wait3A_472 : memref<4096xi32, #tpu.memory_space<hbm>>) dst(%arg8 : memref<4096xi32, #tpu.memory_space<vmem>>)
      %parallel_loop3A_473 = arith.constant 0 : i32
      %parallel_loop3A_474 = arith.constant 4096 : i32
      %parallel_loop3A_475 = arith.constant 16 : i32
      scf.for %parallel_loop3A_1030 = %parallel_loop3A_473 to %parallel_loop3A_474 step %parallel_loop3A_475  : i32 {
        %parallel_loop3A_1031 = arith.index_cast %parallel_loop3A_1030 : i32 to index
        %parallel_loop3A_1032 = tpu.vector_load %arg8[%parallel_loop3A_1031] {strides = array<i32>} : memref<4096xi32, #tpu.memory_space<vmem>>, vector<16xi32>,
        %parallel_loop3A_1033 = vector.bitcast %parallel_loop3A_1032 : vector<16xi32> to vector<16xi32>
        %parallel_loop3A_1034 = arith.constant 50048 : i32
        %parallel_loop3A_1035 = vector.broadcast %parallel_loop3A_1034 : i32 to vector<16xi32>
        %parallel_loop3A_1036 = arith.minui %parallel_loop3A_1033, %parallel_loop3A_1035 : vector<16xi32>
        %parallel_loop3A_1037 = vector.bitcast %parallel_loop3A_1036 : vector<16xi32> to vector<16xi32>
        %parallel_loop3A_1038 = tpu.vector_load_idx %arg9[%parallel_loop3A_1037] : memref<50064xf32, #tpu.memory_space<vmem>>[vector<16xi32>], vector<16xf32>,
        %parallel_loop3A_1039 = arith.constant 8192 : i32
        %parallel_loop3A_1040 = arith.addi %parallel_loop3A_1039, %parallel_loop3A_1030 : i32
        %parallel_loop3A_1041 = arith.index_cast %parallel_loop3A_1040 : i32 to index
        %parallel_loop3A_1042 = tpu.vector_load %arg11[%parallel_loop3A_1041] {strides = array<i32>} : memref<16384xf32, #tpu.memory_space<vmem>>, vector<16xf32>,
        tpu.vector_store %arg11[%parallel_loop3A_1041], %parallel_loop3A_1038 {add = true, strides = array<i32>} : memref<16384xf32, #tpu.memory_space<vmem>>, vector<16xf32>,
      } {sc.loop_unroll_factor = 4 : i64, sc.parallel_access}
      %dma_start3A_476 = arith.constant 4096 : i32
      %dma_start3A_477 = tpu.memref_slice %arg2[%add3A_422, %dma_start3A_476] : memref<26x16384xi32, #tpu.memory_space<hbm>> -> memref<1x4096xi32, #tpu.memory_space<hbm>>
      %dma_start3A_478 = tpu.memref_squeeze %dma_start3A_477 : memref<1x4096xi32, #tpu.memory_space<hbm>> -> memref<4096xi32, #tpu.memory_space<hbm>>
      %dma_start3A_479 = arith.constant 4096 : i32
      %dma_start3A_480 = tpu.memref_slice %arg2[%add3A_422, %dma_start3A_479] : memref<26x16384xi32, #tpu.memory_space<hbm>> -> memref<1x4096xi32, #tpu.memory_space<hbm>>
      %dma_start3A_481 = tpu.memref_squeeze %dma_start3A_480 : memref<1x4096xi32, #tpu.memory_space<hbm>> -> memref<4096xi32, #tpu.memory_space<hbm>>
      tpu.enqueue_dma source(%dma_start3A_481 : memref<4096xi32, #tpu.memory_space<hbm>>) target(%arg8 : memref<4096xi32, #tpu.memory_space<vmem>>) target_semaphore(%arg16 : memref<!tpu.dma_semaphore, #tpu.memory_space<semaphore_mem>>)
      %dma_wait3A_482 = arith.constant 0 : i32
      %dma_wait3A_483 = arith.constant 0 : i32
      %dma_wait3A_484 = tpu.memref_slice %arg2[%dma_wait3A_482, %dma_wait3A_483] : memref<26x16384xi32, #tpu.memory_space<hbm>> -> memref<1x4096xi32, #tpu.memory_space<hbm>>
      %dma_wait3A_485 = tpu.memref_squeeze %dma_wait3A_484 : memref<1x4096xi32, #tpu.memory_space<hbm>> -> memref<4096xi32, #tpu.memory_space<hbm>>
      %dma_wait3A_486 = arith.constant 0 : i32
      %dma_wait3A_487 = tpu.memref_slice %arg2[%dma_wait3A_482, %dma_wait3A_486] : memref<26x16384xi32, #tpu.memory_space<hbm>> -> memref<1x4096xi32, #tpu.memory_space<hbm>>
      %dma_wait3A_488 = tpu.memref_squeeze %dma_wait3A_487 : memref<1x4096xi32, #tpu.memory_space<hbm>> -> memref<4096xi32, #tpu.memory_space<hbm>>
      tpu.wait_dma2 semaphore(%arg14 : memref<!tpu.dma_semaphore, #tpu.memory_space<semaphore_mem>>) src(%dma_wait3A_488 : memref<4096xi32, #tpu.memory_space<hbm>>) dst(%arg6 : memref<4096xi32, #tpu.memory_space<vmem>>)
      %parallel_loop3A_489 = arith.constant 0 : i32
      %parallel_loop3A_490 = arith.constant 4096 : i32
      %parallel_loop3A_491 = arith.constant 16 : i32
      scf.for %parallel_loop3A_1030 = %parallel_loop3A_489 to %parallel_loop3A_490 step %parallel_loop3A_491  : i32 {
        %parallel_loop3A_1031 = arith.index_cast %parallel_loop3A_1030 : i32 to index
        %parallel_loop3A_1032 = tpu.vector_load %arg6[%parallel_loop3A_1031] {strides = array<i32>} : memref<4096xi32, #tpu.memory_space<vmem>>, vector<16xi32>,
        %parallel_loop3A_1033 = vector.bitcast %parallel_loop3A_1032 : vector<16xi32> to vector<16xi32>
        %parallel_loop3A_1034 = arith.constant 50048 : i32
        %parallel_loop3A_1035 = vector.broadcast %parallel_loop3A_1034 : i32 to vector<16xi32>
        %parallel_loop3A_1036 = arith.minui %parallel_loop3A_1033, %parallel_loop3A_1035 : vector<16xi32>
        %parallel_loop3A_1037 = vector.bitcast %parallel_loop3A_1036 : vector<16xi32> to vector<16xi32>
        %parallel_loop3A_1038 = tpu.vector_load_idx %arg9[%parallel_loop3A_1037] : memref<50064xf32, #tpu.memory_space<vmem>>[vector<16xi32>], vector<16xf32>,
        %parallel_loop3A_1039 = arith.constant 12288 : i32
        %parallel_loop3A_1040 = arith.addi %parallel_loop3A_1039, %parallel_loop3A_1030 : i32
        %parallel_loop3A_1041 = arith.index_cast %parallel_loop3A_1040 : i32 to index
        %parallel_loop3A_1042 = tpu.vector_load %arg11[%parallel_loop3A_1041] {strides = array<i32>} : memref<16384xf32, #tpu.memory_space<vmem>>, vector<16xf32>,
        tpu.vector_store %arg11[%parallel_loop3A_1041], %parallel_loop3A_1038 {add = true, strides = array<i32>} : memref<16384xf32, #tpu.memory_space<vmem>>, vector<16xf32>,
      } {sc.loop_unroll_factor = 4 : i64, sc.parallel_access}
      %dma_start3A_492 = arith.constant 8192 : i32
      %dma_start3A_493 = tpu.memref_slice %arg2[%add3A_422, %dma_start3A_492] : memref<26x16384xi32, #tpu.memory_space<hbm>> -> memref<1x4096xi32, #tpu.memory_space<hbm>>
      %dma_start3A_494 = tpu.memref_squeeze %dma_start3A_493 : memref<1x4096xi32, #tpu.memory_space<hbm>> -> memref<4096xi32, #tpu.memory_space<hbm>>
      %dma_start3A_495 = arith.constant 8192 : i32
      %dma_start3A_496 = tpu.memref_slice %arg2[%add3A_422, %dma_start3A_495] : memref<26x16384xi32, #tpu.memory_space<hbm>> -> memref<1x4096xi32, #tpu.memory_space<hbm>>
      %dma_start3A_497 = tpu.memref_squeeze %dma_start3A_496 : memref<1x4096xi32, #tpu.memory_space<hbm>> -> memref<4096xi32, #tpu.memory_space<hbm>>
      tpu.enqueue_dma source(%dma_start3A_497 : memref<4096xi32, #tpu.memory_space<hbm>>) target(%arg6 : memref<4096xi32, #tpu.memory_space<vmem>>) target_semaphore(%arg14 : memref<!tpu.dma_semaphore, #tpu.memory_space<semaphore_mem>>)
      %add3A_498 = arith.constant 1 : i32
      %add3A_499 = arith.addi %add3A_422, %add3A_498 : i32
      %dma_start3A_500 = arith.constant 0 : i32
      %dma_start3A_501 = tpu.memref_slice %arg9[%dma_start3A_500] : memref<50064xf32, #tpu.memory_space<vmem>> -> memref<50048xf32, #tpu.memory_space<vmem>>
      %dma_start3A_502 = arith.constant 0 : i32
      %dma_start3A_503 = tpu.memref_slice %arg3[%add3A_499, %add3A, %dma_start3A_502] : memref<26x32x100000xf32, #tpu.memory_space<hbm>> -> memref<1x1x50048xf32, #tpu.memory_space<hbm>>
      %dma_start3A_504 = tpu.memref_squeeze %dma_start3A_503 : memref<1x1x50048xf32, #tpu.memory_space<hbm>> -> memref<50048xf32, #tpu.memory_space<hbm>>
      %dma_start3A_505 = arith.constant 0 : i32
      %dma_start3A_506 = tpu.memref_slice %arg9[%dma_start3A_505] : memref<50064xf32, #tpu.memory_space<vmem>> -> memref<50048xf32, #tpu.memory_space<vmem>>
      %dma_start3A_507 = arith.constant 0 : i32
      %dma_start3A_508 = tpu.memref_slice %arg3[%add3A_499, %add3A, %dma_start3A_507] : memref<26x32x100000xf32, #tpu.memory_space<hbm>> -> memref<1x1x50048xf32, #tpu.memory_space<hbm>>
      %dma_start3A_509 = tpu.memref_squeeze %dma_start3A_508 : memref<1x1x50048xf32, #tpu.memory_space<hbm>> -> memref<50048xf32, #tpu.memory_space<hbm>>
      tpu.enqueue_dma source(%dma_start3A_509 : memref<50048xf32, #tpu.memory_space<hbm>>) target(%dma_start3A_506 : memref<50048xf32, #tpu.memory_space<vmem>>) target_semaphore(%arg12 : memref<!tpu.dma_semaphore, #tpu.memory_space<semaphore_mem>>)
      %dma_wait3A_510 = arith.constant 0 : i32
      %dma_wait3A_511 = arith.constant 0 : i32
      %dma_wait3A_512 = tpu.memref_slice %arg10[%dma_wait3A_511] : memref<50048xf32, #tpu.memory_space<vmem>> -> memref<49920xf32, #tpu.memory_space<vmem>>
      %dma_wait3A_513 = arith.constant 50048 : i32
      %dma_wait3A_514 = tpu.memref_slice %arg3[%dma_wait3A_510, %add3A, %dma_wait3A_513] : memref<26x32x100000xf32, #tpu.memory_space<hbm>> -> memref<1x1x49920xf32, #tpu.memory_space<hbm>>
      %dma_wait3A_515 = tpu.memref_squeeze %dma_wait3A_514 : memref<1x1x49920xf32, #tpu.memory_space<hbm>> -> memref<49920xf32, #tpu.memory_space<hbm>>
      %dma_wait3A_516 = arith.constant 0 : i32
      %dma_wait3A_517 = tpu.memref_slice %arg10[%dma_wait3A_516] : memref<50048xf32, #tpu.memory_space<vmem>> -> memref<49920xf32, #tpu.memory_space<vmem>>
      %dma_wait3A_518 = arith.constant 50048 : i32
      %dma_wait3A_519 = tpu.memref_slice %arg3[%dma_wait3A_510, %add3A, %dma_wait3A_518] : memref<26x32x100000xf32, #tpu.memory_space<hbm>> -> memref<1x1x49920xf32, #tpu.memory_space<hbm>>
      %dma_wait3A_520 = tpu.memref_squeeze %dma_wait3A_519 : memref<1x1x49920xf32, #tpu.memory_space<hbm>> -> memref<49920xf32, #tpu.memory_space<hbm>>
      tpu.wait_dma2 semaphore(%arg13 : memref<!tpu.dma_semaphore, #tpu.memory_space<semaphore_mem>>) src(%dma_wait3A_520 : memref<49920xf32, #tpu.memory_space<hbm>>) dst(%dma_wait3A_517 : memref<49920xf32, #tpu.memory_space<vmem>>)
      %dma_wait3A_521 = arith.constant 0 : i32
      %dma_wait3A_522 = arith.constant 49920 : i32
      %dma_wait3A_523 = tpu.memref_slice %arg10[%dma_wait3A_522] : memref<50048xf32, #tpu.memory_space<vmem>> -> memref<128xf32, #tpu.memory_space<vmem>>
      %dma_wait3A_524 = arith.constant 0 : i32
      %dma_wait3A_525 = tpu.memref_slice %arg4[%dma_wait3A_521, %add3A, %dma_wait3A_524] : memref<26x32x128xf32, #tpu.memory_space<hbm>> -> memref<1x1x128xf32, #tpu.memory_space<hbm>>
      %dma_wait3A_526 = tpu.memref_squeeze %dma_wait3A_525 : memref<1x1x128xf32, #tpu.memory_space<hbm>> -> memref<128xf32, #tpu.memory_space<hbm>>
      %dma_wait3A_527 = arith.constant 49920 : i32
      %dma_wait3A_528 = tpu.memref_slice %arg10[%dma_wait3A_527] : memref<50048xf32, #tpu.memory_space<vmem>> -> memref<128xf32, #tpu.memory_space<vmem>>
      %dma_wait3A_529 = arith.constant 0 : i32
      %dma_wait3A_530 = tpu.memref_slice %arg4[%dma_wait3A_521, %add3A, %dma_wait3A_529] : memref<26x32x128xf32, #tpu.memory_space<hbm>> -> memref<1x1x128xf32, #tpu.memory_space<hbm>>
      %dma_wait3A_531 = tpu.memref_squeeze %dma_wait3A_530 : memref<1x1x128xf32, #tpu.memory_space<hbm>> -> memref<128xf32, #tpu.memory_space<hbm>>
      tpu.wait_dma2 semaphore(%arg13 : memref<!tpu.dma_semaphore, #tpu.memory_space<semaphore_mem>>) src(%dma_wait3A_531 : memref<128xf32, #tpu.memory_space<hbm>>) dst(%dma_wait3A_528 : memref<128xf32, #tpu.memory_space<vmem>>)
      %dma_wait3A_532 = arith.constant 0 : i32
      %dma_wait3A_533 = arith.constant 0 : i32
      %dma_wait3A_534 = tpu.memref_slice %arg2[%dma_wait3A_532, %dma_wait3A_533] : memref<26x16384xi32, #tpu.memory_space<hbm>> -> memref<1x4096xi32, #tpu.memory_space<hbm>>
      %dma_wait3A_535 = tpu.memref_squeeze %dma_wait3A_534 : memref<1x4096xi32, #tpu.memory_space<hbm>> -> memref<4096xi32, #tpu.memory_space<hbm>>
      %dma_wait3A_536 = arith.constant 0 : i32
      %dma_wait3A_537 = tpu.memref_slice %arg2[%dma_wait3A_532, %dma_wait3A_536] : memref<26x16384xi32, #tpu.memory_space<hbm>> -> memref<1x4096xi32, #tpu.memory_space<hbm>>
      %dma_wait3A_538 = tpu.memref_squeeze %dma_wait3A_537 : memref<1x4096xi32, #tpu.memory_space<hbm>> -> memref<4096xi32, #tpu.memory_space<hbm>>
      tpu.wait_dma2 semaphore(%arg15 : memref<!tpu.dma_semaphore, #tpu.memory_space<semaphore_mem>>) src(%dma_wait3A_538 : memref<4096xi32, #tpu.memory_space<hbm>>) dst(%arg7 : memref<4096xi32, #tpu.memory_space<vmem>>)
      %parallel_loop3A_539 = arith.constant 0 : i32
      %parallel_loop3A_540 = arith.constant 4096 : i32
      %parallel_loop3A_541 = arith.constant 16 : i32
      scf.for %parallel_loop3A_1030 = %parallel_loop3A_539 to %parallel_loop3A_540 step %parallel_loop3A_541  : i32 {
        %parallel_loop3A_1031 = arith.index_cast %parallel_loop3A_1030 : i32 to index
        %parallel_loop3A_1032 = tpu.vector_load %arg7[%parallel_loop3A_1031] {strides = array<i32>} : memref<4096xi32, #tpu.memory_space<vmem>>, vector<16xi32>,
        %parallel_loop3A_1033 = arith.constant 50048 : i32
        %parallel_loop3A_1034 = vector.broadcast %parallel_loop3A_1033 : i32 to vector<16xi32>
        %parallel_loop3A_1035 = arith.subi %parallel_loop3A_1032, %parallel_loop3A_1034 : vector<16xi32>
        %parallel_loop3A_1036 = vector.bitcast %parallel_loop3A_1035 : vector<16xi32> to vector<16xi32>
        %parallel_loop3A_1037 = arith.constant 49952 : i32
        %parallel_loop3A_1038 = vector.broadcast %parallel_loop3A_1037 : i32 to vector<16xi32>
        %parallel_loop3A_1039 = arith.minui %parallel_loop3A_1036, %parallel_loop3A_1038 : vector<16xi32>
        %parallel_loop3A_1040 = vector.bitcast %parallel_loop3A_1039 : vector<16xi32> to vector<16xi32>
        %parallel_loop3A_1041 = tpu.vector_load_idx %arg10[%parallel_loop3A_1040] : memref<50048xf32, #tpu.memory_space<vmem>>[vector<16xi32>], vector<16xf32>,
        %parallel_loop3A_1042 = arith.constant 0 : i32
        %parallel_loop3A_1043 = arith.addi %parallel_loop3A_1042, %parallel_loop3A_1030 : i32
        %parallel_loop3A_1044 = arith.index_cast %parallel_loop3A_1043 : i32 to index
        %parallel_loop3A_1045 = tpu.vector_load %arg11[%parallel_loop3A_1044] {strides = array<i32>} : memref<16384xf32, #tpu.memory_space<vmem>>, vector<16xf32>,
        tpu.vector_store %arg11[%parallel_loop3A_1044], %parallel_loop3A_1041 {add = true, strides = array<i32>} : memref<16384xf32, #tpu.memory_space<vmem>>, vector<16xf32>,
      } {sc.loop_unroll_factor = 4 : i64, sc.parallel_access}
      %dma_start3A_542 = arith.constant 12288 : i32
      %dma_start3A_543 = tpu.memref_slice %arg2[%add3A_422, %dma_start3A_542] : memref<26x16384xi32, #tpu.memory_space<hbm>> -> memref<1x4096xi32, #tpu.memory_space<hbm>>
      %dma_start3A_544 = tpu.memref_squeeze %dma_start3A_543 : memref<1x4096xi32, #tpu.memory_space<hbm>> -> memref<4096xi32, #tpu.memory_space<hbm>>
      %dma_start3A_545 = arith.constant 12288 : i32
      %dma_start3A_546 = tpu.memref_slice %arg2[%add3A_422, %dma_start3A_545] : memref<26x16384xi32, #tpu.memory_space<hbm>> -> memref<1x4096xi32, #tpu.memory_space<hbm>>
      %dma_start3A_547 = tpu.memref_squeeze %dma_start3A_546 : memref<1x4096xi32, #tpu.memory_space<hbm>> -> memref<4096xi32, #tpu.memory_space<hbm>>
      tpu.enqueue_dma source(%dma_start3A_547 : memref<4096xi32, #tpu.memory_space<hbm>>) target(%arg7 : memref<4096xi32, #tpu.memory_space<vmem>>) target_semaphore(%arg15 : memref<!tpu.dma_semaphore, #tpu.memory_space<semaphore_mem>>)
      %dma_wait3A_548 = arith.constant 0 : i32
      %dma_wait3A_549 = arith.constant 0 : i32
      %dma_wait3A_550 = tpu.memref_slice %arg2[%dma_wait3A_548, %dma_wait3A_549] : memref<26x16384xi32, #tpu.memory_space<hbm>> -> memref<1x4096xi32, #tpu.memory_space<hbm>>
      %dma_wait3A_551 = tpu.memref_squeeze %dma_wait3A_550 : memref<1x4096xi32, #tpu.memory_space<hbm>> -> memref<4096xi32, #tpu.memory_space<hbm>>
      %dma_wait3A_552 = arith.constant 0 : i32
      %dma_wait3A_553 = tpu.memref_slice %arg2[%dma_wait3A_548, %dma_wait3A_552] : memref<26x16384xi32, #tpu.memory_space<hbm>> -> memref<1x4096xi32, #tpu.memory_space<hbm>>
      %dma_wait3A_554 = tpu.memref_squeeze %dma_wait3A_553 : memref<1x4096xi32, #tpu.memory_space<hbm>> -> memref<4096xi32, #tpu.memory_space<hbm>>
      tpu.wait_dma2 semaphore(%arg16 : memref<!tpu.dma_semaphore, #tpu.memory_space<semaphore_mem>>) src(%dma_wait3A_554 : memref<4096xi32, #tpu.memory_space<hbm>>) dst(%arg8 : memref<4096xi32, #tpu.memory_space<vmem>>)
      %parallel_loop3A_555 = arith.constant 0 : i32
      %parallel_loop3A_556 = arith.constant 4096 : i32
      %parallel_loop3A_557 = arith.constant 16 : i32
      scf.for %parallel_loop3A_1030 = %parallel_loop3A_555 to %parallel_loop3A_556 step %parallel_loop3A_557  : i32 {
        %parallel_loop3A_1031 = arith.index_cast %parallel_loop3A_1030 : i32 to index
        %parallel_loop3A_1032 = tpu.vector_load %arg8[%parallel_loop3A_1031] {strides = array<i32>} : memref<4096xi32, #tpu.memory_space<vmem>>, vector<16xi32>,
        %parallel_loop3A_1033 = arith.constant 50048 : i32
        %parallel_loop3A_1034 = vector.broadcast %parallel_loop3A_1033 : i32 to vector<16xi32>
        %parallel_loop3A_1035 = arith.subi %parallel_loop3A_1032, %parallel_loop3A_1034 : vector<16xi32>
        %parallel_loop3A_1036 = vector.bitcast %parallel_loop3A_1035 : vector<16xi32> to vector<16xi32>
        %parallel_loop3A_1037 = arith.constant 49952 : i32
        %parallel_loop3A_1038 = vector.broadcast %parallel_loop3A_1037 : i32 to vector<16xi32>
        %parallel_loop3A_1039 = arith.minui %parallel_loop3A_1036, %parallel_loop3A_1038 : vector<16xi32>
        %parallel_loop3A_1040 = vector.bitcast %parallel_loop3A_1039 : vector<16xi32> to vector<16xi32>
        %parallel_loop3A_1041 = tpu.vector_load_idx %arg10[%parallel_loop3A_1040] : memref<50048xf32, #tpu.memory_space<vmem>>[vector<16xi32>], vector<16xf32>,
        %parallel_loop3A_1042 = arith.constant 4096 : i32
        %parallel_loop3A_1043 = arith.addi %parallel_loop3A_1042, %parallel_loop3A_1030 : i32
        %parallel_loop3A_1044 = arith.index_cast %parallel_loop3A_1043 : i32 to index
        %parallel_loop3A_1045 = tpu.vector_load %arg11[%parallel_loop3A_1044] {strides = array<i32>} : memref<16384xf32, #tpu.memory_space<vmem>>, vector<16xf32>,
        tpu.vector_store %arg11[%parallel_loop3A_1044], %parallel_loop3A_1041 {add = true, strides = array<i32>} : memref<16384xf32, #tpu.memory_space<vmem>>, vector<16xf32>,
      } {sc.loop_unroll_factor = 4 : i64, sc.parallel_access}
      %add3A_558 = arith.constant 1 : i32
      %add3A_559 = arith.addi %add3A_422, %add3A_558 : i32
      %dma_start3A_560 = arith.constant 0 : i32
      %dma_start3A_561 = tpu.memref_slice %arg2[%add3A_559, %dma_start3A_560] : memref<26x16384xi32, #tpu.memory_space<hbm>> -> memref<1x4096xi32, #tpu.memory_space<hbm>>
      %dma_start3A_562 = tpu.memref_squeeze %dma_start3A_561 : memref<1x4096xi32, #tpu.memory_space<hbm>> -> memref<4096xi32, #tpu.memory_space<hbm>>
      %dma_start3A_563 = arith.constant 0 : i32
      %dma_start3A_564 = tpu.memref_slice %arg2[%add3A_559, %dma_start3A_563] : memref<26x16384xi32, #tpu.memory_space<hbm>> -> memref<1x4096xi32, #tpu.memory_space<hbm>>
      %dma_start3A_565 = tpu.memref_squeeze %dma_start3A_564 : memref<1x4096xi32, #tpu.memory_space<hbm>> -> memref<4096xi32, #tpu.memory_space<hbm>>
      tpu.enqueue_dma source(%dma_start3A_565 : memref<4096xi32, #tpu.memory_space<hbm>>) target(%arg8 : memref<4096xi32, #tpu.memory_space<vmem>>) target_semaphore(%arg16 : memref<!tpu.dma_semaphore, #tpu.memory_space<semaphore_mem>>)
      %dma_wait3A_566 = arith.constant 0 : i32
      %dma_wait3A_567 = arith.constant 0 : i32
      %dma_wait3A_568 = tpu.memref_slice %arg2[%dma_wait3A_566, %dma_wait3A_567] : memref<26x16384xi32, #tpu.memory_space<hbm>> -> memref<1x4096xi32, #tpu.memory_space<hbm>>
      %dma_wait3A_569 = tpu.memref_squeeze %dma_wait3A_568 : memref<1x4096xi32, #tpu.memory_space<hbm>> -> memref<4096xi32, #tpu.memory_space<hbm>>
      %dma_wait3A_570 = arith.constant 0 : i32
      %dma_wait3A_571 = tpu.memref_slice %arg2[%dma_wait3A_566, %dma_wait3A_570] : memref<26x16384xi32, #tpu.memory_space<hbm>> -> memref<1x4096xi32, #tpu.memory_space<hbm>>
      %dma_wait3A_572 = tpu.memref_squeeze %dma_wait3A_571 : memref<1x4096xi32, #tpu.memory_space<hbm>> -> memref<4096xi32, #tpu.memory_space<hbm>>
      tpu.wait_dma2 semaphore(%arg14 : memref<!tpu.dma_semaphore, #tpu.memory_space<semaphore_mem>>) src(%dma_wait3A_572 : memref<4096xi32, #tpu.memory_space<hbm>>) dst(%arg6 : memref<4096xi32, #tpu.memory_space<vmem>>)
      %parallel_loop3A_573 = arith.constant 0 : i32
      %parallel_loop3A_574 = arith.constant 4096 : i32
      %parallel_loop3A_575 = arith.constant 16 : i32
      scf.for %parallel_loop3A_1030 = %parallel_loop3A_573 to %parallel_loop3A_574 step %parallel_loop3A_575  : i32 {
        %parallel_loop3A_1031 = arith.index_cast %parallel_loop3A_1030 : i32 to index
        %parallel_loop3A_1032 = tpu.vector_load %arg6[%parallel_loop3A_1031] {strides = array<i32>} : memref<4096xi32, #tpu.memory_space<vmem>>, vector<16xi32>,
        %parallel_loop3A_1033 = arith.constant 50048 : i32
        %parallel_loop3A_1034 = vector.broadcast %parallel_loop3A_1033 : i32 to vector<16xi32>
        %parallel_loop3A_1035 = arith.subi %parallel_loop3A_1032, %parallel_loop3A_1034 : vector<16xi32>
        %parallel_loop3A_1036 = vector.bitcast %parallel_loop3A_1035 : vector<16xi32> to vector<16xi32>
        %parallel_loop3A_1037 = arith.constant 49952 : i32
        %parallel_loop3A_1038 = vector.broadcast %parallel_loop3A_1037 : i32 to vector<16xi32>
        %parallel_loop3A_1039 = arith.minui %parallel_loop3A_1036, %parallel_loop3A_1038 : vector<16xi32>
        %parallel_loop3A_1040 = vector.bitcast %parallel_loop3A_1039 : vector<16xi32> to vector<16xi32>
        %parallel_loop3A_1041 = tpu.vector_load_idx %arg10[%parallel_loop3A_1040] : memref<50048xf32, #tpu.memory_space<vmem>>[vector<16xi32>], vector<16xf32>,
        %parallel_loop3A_1042 = arith.constant 8192 : i32
        %parallel_loop3A_1043 = arith.addi %parallel_loop3A_1042, %parallel_loop3A_1030 : i32
        %parallel_loop3A_1044 = arith.index_cast %parallel_loop3A_1043 : i32 to index
        %parallel_loop3A_1045 = tpu.vector_load %arg11[%parallel_loop3A_1044] {strides = array<i32>} : memref<16384xf32, #tpu.memory_space<vmem>>, vector<16xf32>,
        tpu.vector_store %arg11[%parallel_loop3A_1044], %parallel_loop3A_1041 {add = true, strides = array<i32>} : memref<16384xf32, #tpu.memory_space<vmem>>, vector<16xf32>,
      } {sc.loop_unroll_factor = 4 : i64, sc.parallel_access}
      %add3A_576 = arith.constant 1 : i32
      %add3A_577 = arith.addi %add3A_422, %add3A_576 : i32
      %dma_start3A_578 = arith.constant 4096 : i32
      %dma_start3A_579 = tpu.memref_slice %arg2[%add3A_577, %dma_start3A_578] : memref<26x16384xi32, #tpu.memory_space<hbm>> -> memref<1x4096xi32, #tpu.memory_space<hbm>>
      %dma_start3A_580 = tpu.memref_squeeze %dma_start3A_579 : memref<1x4096xi32, #tpu.memory_space<hbm>> -> memref<4096xi32, #tpu.memory_space<hbm>>
      %dma_start3A_581 = arith.constant 4096 : i32
      %dma_start3A_582 = tpu.memref_slice %arg2[%add3A_577, %dma_start3A_581] : memref<26x16384xi32, #tpu.memory_space<hbm>> -> memref<1x4096xi32, #tpu.memory_space<hbm>>
      %dma_start3A_583 = tpu.memref_squeeze %dma_start3A_582 : memref<1x4096xi32, #tpu.memory_space<hbm>> -> memref<4096xi32, #tpu.memory_space<hbm>>
      tpu.enqueue_dma source(%dma_start3A_583 : memref<4096xi32, #tpu.memory_space<hbm>>) target(%arg6 : memref<4096xi32, #tpu.memory_space<vmem>>) target_semaphore(%arg14 : memref<!tpu.dma_semaphore, #tpu.memory_space<semaphore_mem>>)
      %dma_wait3A_584 = arith.constant 0 : i32
      %dma_wait3A_585 = arith.constant 0 : i32
      %dma_wait3A_586 = tpu.memref_slice %arg2[%dma_wait3A_584, %dma_wait3A_585] : memref<26x16384xi32, #tpu.memory_space<hbm>> -> memref<1x4096xi32, #tpu.memory_space<hbm>>
      %dma_wait3A_587 = tpu.memref_squeeze %dma_wait3A_586 : memref<1x4096xi32, #tpu.memory_space<hbm>> -> memref<4096xi32, #tpu.memory_space<hbm>>
      %dma_wait3A_588 = arith.constant 0 : i32
      %dma_wait3A_589 = tpu.memref_slice %arg2[%dma_wait3A_584, %dma_wait3A_588] : memref<26x16384xi32, #tpu.memory_space<hbm>> -> memref<1x4096xi32, #tpu.memory_space<hbm>>
      %dma_wait3A_590 = tpu.memref_squeeze %dma_wait3A_589 : memref<1x4096xi32, #tpu.memory_space<hbm>> -> memref<4096xi32, #tpu.memory_space<hbm>>
      tpu.wait_dma2 semaphore(%arg15 : memref<!tpu.dma_semaphore, #tpu.memory_space<semaphore_mem>>) src(%dma_wait3A_590 : memref<4096xi32, #tpu.memory_space<hbm>>) dst(%arg7 : memref<4096xi32, #tpu.memory_space<vmem>>)
      %parallel_loop3A_591 = arith.constant 0 : i32
      %parallel_loop3A_592 = arith.constant 4096 : i32
      %parallel_loop3A_593 = arith.constant 16 : i32
      scf.for %parallel_loop3A_1030 = %parallel_loop3A_591 to %parallel_loop3A_592 step %parallel_loop3A_593  : i32 {
        %parallel_loop3A_1031 = arith.index_cast %parallel_loop3A_1030 : i32 to index
        %parallel_loop3A_1032 = tpu.vector_load %arg7[%parallel_loop3A_1031] {strides = array<i32>} : memref<4096xi32, #tpu.memory_space<vmem>>, vector<16xi32>,
        %parallel_loop3A_1033 = arith.constant 50048 : i32
        %parallel_loop3A_1034 = vector.broadcast %parallel_loop3A_1033 : i32 to vector<16xi32>
        %parallel_loop3A_1035 = arith.subi %parallel_loop3A_1032, %parallel_loop3A_1034 : vector<16xi32>
        %parallel_loop3A_1036 = vector.bitcast %parallel_loop3A_1035 : vector<16xi32> to vector<16xi32>
        %parallel_loop3A_1037 = arith.constant 49952 : i32
        %parallel_loop3A_1038 = vector.broadcast %parallel_loop3A_1037 : i32 to vector<16xi32>
        %parallel_loop3A_1039 = arith.minui %parallel_loop3A_1036, %parallel_loop3A_1038 : vector<16xi32>
        %parallel_loop3A_1040 = vector.bitcast %parallel_loop3A_1039 : vector<16xi32> to vector<16xi32>
        %parallel_loop3A_1041 = tpu.vector_load_idx %arg10[%parallel_loop3A_1040] : memref<50048xf32, #tpu.memory_space<vmem>>[vector<16xi32>], vector<16xf32>,
        %parallel_loop3A_1042 = arith.constant 12288 : i32
        %parallel_loop3A_1043 = arith.addi %parallel_loop3A_1042, %parallel_loop3A_1030 : i32
        %parallel_loop3A_1044 = arith.index_cast %parallel_loop3A_1043 : i32 to index
        %parallel_loop3A_1045 = tpu.vector_load %arg11[%parallel_loop3A_1044] {strides = array<i32>} : memref<16384xf32, #tpu.memory_space<vmem>>, vector<16xf32>,
        tpu.vector_store %arg11[%parallel_loop3A_1044], %parallel_loop3A_1041 {add = true, strides = array<i32>} : memref<16384xf32, #tpu.memory_space<vmem>>, vector<16xf32>,
      } {sc.loop_unroll_factor = 4 : i64, sc.parallel_access}
      %add3A_594 = arith.constant 1 : i32
      %add3A_595 = arith.addi %add3A_422, %add3A_594 : i32
      %dma_start3A_596 = arith.constant 8192 : i32
      %dma_start3A_597 = tpu.memref_slice %arg2[%add3A_595, %dma_start3A_596] : memref<26x16384xi32, #tpu.memory_space<hbm>> -> memref<1x4096xi32, #tpu.memory_space<hbm>>
      %dma_start3A_598 = tpu.memref_squeeze %dma_start3A_597 : memref<1x4096xi32, #tpu.memory_space<hbm>> -> memref<4096xi32, #tpu.memory_space<hbm>>
      %dma_start3A_599 = arith.constant 8192 : i32
      %dma_start3A_600 = tpu.memref_slice %arg2[%add3A_595, %dma_start3A_599] : memref<26x16384xi32, #tpu.memory_space<hbm>> -> memref<1x4096xi32, #tpu.memory_space<hbm>>
      %dma_start3A_601 = tpu.memref_squeeze %dma_start3A_600 : memref<1x4096xi32, #tpu.memory_space<hbm>> -> memref<4096xi32, #tpu.memory_space<hbm>>
      tpu.enqueue_dma source(%dma_start3A_601 : memref<4096xi32, #tpu.memory_space<hbm>>) target(%arg7 : memref<4096xi32, #tpu.memory_space<vmem>>) target_semaphore(%arg15 : memref<!tpu.dma_semaphore, #tpu.memory_space<semaphore_mem>>)
      %add3A_602 = arith.constant 1 : i32
      %add3A_603 = arith.addi %add3A_422, %add3A_602 : i32
      %dma_start3A_604 = arith.constant 0 : i32
      %dma_start3A_605 = tpu.memref_slice %arg10[%dma_start3A_604] : memref<50048xf32, #tpu.memory_space<vmem>> -> memref<49920xf32, #tpu.memory_space<vmem>>
      %dma_start3A_606 = arith.constant 50048 : i32
      %dma_start3A_607 = tpu.memref_slice %arg3[%add3A_603, %add3A, %dma_start3A_606] : memref<26x32x100000xf32, #tpu.memory_space<hbm>> -> memref<1x1x49920xf32, #tpu.memory_space<hbm>>
      %dma_start3A_608 = tpu.memref_squeeze %dma_start3A_607 : memref<1x1x49920xf32, #tpu.memory_space<hbm>> -> memref<49920xf32, #tpu.memory_space<hbm>>
      %dma_start3A_609 = arith.constant 0 : i32
      %dma_start3A_610 = tpu.memref_slice %arg10[%dma_start3A_609] : memref<50048xf32, #tpu.memory_space<vmem>> -> memref<49920xf32, #tpu.memory_space<vmem>>
      %dma_start3A_611 = arith.constant 50048 : i32
      %dma_start3A_612 = tpu.memref_slice %arg3[%add3A_603, %add3A, %dma_start3A_611] : memref<26x32x100000xf32, #tpu.memory_space<hbm>> -> memref<1x1x49920xf32, #tpu.memory_space<hbm>>
      %dma_start3A_613 = tpu.memref_squeeze %dma_start3A_612 : memref<1x1x49920xf32, #tpu.memory_space<hbm>> -> memref<49920xf32, #tpu.memory_space<hbm>>
      tpu.enqueue_dma source(%dma_start3A_613 : memref<49920xf32, #tpu.memory_space<hbm>>) target(%dma_start3A_610 : memref<49920xf32, #tpu.memory_space<vmem>>) target_semaphore(%arg13 : memref<!tpu.dma_semaphore, #tpu.memory_space<semaphore_mem>>)
      %dma_start3A_614 = arith.constant 49920 : i32
      %dma_start3A_615 = tpu.memref_slice %arg10[%dma_start3A_614] : memref<50048xf32, #tpu.memory_space<vmem>> -> memref<128xf32, #tpu.memory_space<vmem>>
      %dma_start3A_616 = arith.constant 0 : i32
      %dma_start3A_617 = tpu.memref_slice %arg4[%add3A_603, %add3A, %dma_start3A_616] : memref<26x32x128xf32, #tpu.memory_space<hbm>> -> memref<1x1x128xf32, #tpu.memory_space<hbm>>
      %dma_start3A_618 = tpu.memref_squeeze %dma_start3A_617 : memref<1x1x128xf32, #tpu.memory_space<hbm>> -> memref<128xf32, #tpu.memory_space<hbm>>
      %dma_start3A_619 = arith.constant 49920 : i32
      %dma_start3A_620 = tpu.memref_slice %arg10[%dma_start3A_619] : memref<50048xf32, #tpu.memory_space<vmem>> -> memref<128xf32, #tpu.memory_space<vmem>>
      %dma_start3A_621 = arith.constant 0 : i32
      %dma_start3A_622 = tpu.memref_slice %arg4[%add3A_603, %add3A, %dma_start3A_621] : memref<26x32x128xf32, #tpu.memory_space<hbm>> -> memref<1x1x128xf32, #tpu.memory_space<hbm>>
      %dma_start3A_623 = tpu.memref_squeeze %dma_start3A_622 : memref<1x1x128xf32, #tpu.memory_space<hbm>> -> memref<128xf32, #tpu.memory_space<hbm>>
      tpu.enqueue_dma source(%dma_start3A_623 : memref<128xf32, #tpu.memory_space<hbm>>) target(%dma_start3A_620 : memref<128xf32, #tpu.memory_space<vmem>>) target_semaphore(%arg13 : memref<!tpu.dma_semaphore, #tpu.memory_space<semaphore_mem>>)
      %add3A_624 = arith.constant 1 : i32
      %add3A_625 = arith.addi %mul3A_420, %add3A_624 : i32
      %dma_wait3A_626 = arith.constant 0 : i32
      %dma_wait3A_627 = arith.constant 0 : i32
      %dma_wait3A_628 = tpu.memref_slice %arg9[%dma_wait3A_627] : memref<50064xf32, #tpu.memory_space<vmem>> -> memref<50048xf32, #tpu.memory_space<vmem>>
      %dma_wait3A_629 = arith.constant 0 : i32
      %dma_wait3A_630 = tpu.memref_slice %arg3[%dma_wait3A_626, %add3A, %dma_wait3A_629] : memref<26x32x100000xf32, #tpu.memory_space<hbm>> -> memref<1x1x50048xf32, #tpu.memory_space<hbm>>
      %dma_wait3A_631 = tpu.memref_squeeze %dma_wait3A_630 : memref<1x1x50048xf32, #tpu.memory_space<hbm>> -> memref<50048xf32, #tpu.memory_space<hbm>>
      %dma_wait3A_632 = arith.constant 0 : i32
      %dma_wait3A_633 = tpu.memref_slice %arg9[%dma_wait3A_632] : memref<50064xf32, #tpu.memory_space<vmem>> -> memref<50048xf32, #tpu.memory_space<vmem>>
      %dma_wait3A_634 = arith.constant 0 : i32
      %dma_wait3A_635 = tpu.memref_slice %arg3[%dma_wait3A_626, %add3A, %dma_wait3A_634] : memref<26x32x100000xf32, #tpu.memory_space<hbm>> -> memref<1x1x50048xf32, #tpu.memory_space<hbm>>
      %dma_wait3A_636 = tpu.memref_squeeze %dma_wait3A_635 : memref<1x1x50048xf32, #tpu.memory_space<hbm>> -> memref<50048xf32, #tpu.memory_space<hbm>>
      tpu.wait_dma2 semaphore(%arg12 : memref<!tpu.dma_semaphore, #tpu.memory_space<semaphore_mem>>) src(%dma_wait3A_636 : memref<50048xf32, #tpu.memory_space<hbm>>) dst(%dma_wait3A_633 : memref<50048xf32, #tpu.memory_space<vmem>>)
      %dma_wait3A_637 = arith.constant 0 : i32
      %dma_wait3A_638 = arith.constant 0 : i32
      %dma_wait3A_639 = tpu.memref_slice %arg2[%dma_wait3A_637, %dma_wait3A_638] : memref<26x16384xi32, #tpu.memory_space<hbm>> -> memref<1x4096xi32, #tpu.memory_space<hbm>>
      %dma_wait3A_640 = tpu.memref_squeeze %dma_wait3A_639 : memref<1x4096xi32, #tpu.memory_space<hbm>> -> memref<4096xi32, #tpu.memory_space<hbm>>
      %dma_wait3A_641 = arith.constant 0 : i32
      %dma_wait3A_642 = tpu.memref_slice %arg2[%dma_wait3A_637, %dma_wait3A_641] : memref<26x16384xi32, #tpu.memory_space<hbm>> -> memref<1x4096xi32, #tpu.memory_space<hbm>>
      %dma_wait3A_643 = tpu.memref_squeeze %dma_wait3A_642 : memref<1x4096xi32, #tpu.memory_space<hbm>> -> memref<4096xi32, #tpu.memory_space<hbm>>
      tpu.wait_dma2 semaphore(%arg16 : memref<!tpu.dma_semaphore, #tpu.memory_space<semaphore_mem>>) src(%dma_wait3A_643 : memref<4096xi32, #tpu.memory_space<hbm>>) dst(%arg8 : memref<4096xi32, #tpu.memory_space<vmem>>)
      %parallel_loop3A_644 = arith.constant 0 : i32
      %parallel_loop3A_645 = arith.constant 4096 : i32
      %parallel_loop3A_646 = arith.constant 16 : i32
      scf.for %parallel_loop3A_1030 = %parallel_loop3A_644 to %parallel_loop3A_645 step %parallel_loop3A_646  : i32 {
        %parallel_loop3A_1031 = arith.index_cast %parallel_loop3A_1030 : i32 to index
        %parallel_loop3A_1032 = tpu.vector_load %arg8[%parallel_loop3A_1031] {strides = array<i32>} : memref<4096xi32, #tpu.memory_space<vmem>>, vector<16xi32>,
        %parallel_loop3A_1033 = vector.bitcast %parallel_loop3A_1032 : vector<16xi32> to vector<16xi32>
        %parallel_loop3A_1034 = arith.constant 50048 : i32
        %parallel_loop3A_1035 = vector.broadcast %parallel_loop3A_1034 : i32 to vector<16xi32>
        %parallel_loop3A_1036 = arith.minui %parallel_loop3A_1033, %parallel_loop3A_1035 : vector<16xi32>
        %parallel_loop3A_1037 = vector.bitcast %parallel_loop3A_1036 : vector<16xi32> to vector<16xi32>
        %parallel_loop3A_1038 = tpu.vector_load_idx %arg9[%parallel_loop3A_1037] : memref<50064xf32, #tpu.memory_space<vmem>>[vector<16xi32>], vector<16xf32>,
        %parallel_loop3A_1039 = arith.constant 0 : i32
        %parallel_loop3A_1040 = arith.addi %parallel_loop3A_1039, %parallel_loop3A_1030 : i32
        %parallel_loop3A_1041 = arith.index_cast %parallel_loop3A_1040 : i32 to index
        %parallel_loop3A_1042 = tpu.vector_load %arg11[%parallel_loop3A_1041] {strides = array<i32>} : memref<16384xf32, #tpu.memory_space<vmem>>, vector<16xf32>,
        tpu.vector_store %arg11[%parallel_loop3A_1041], %parallel_loop3A_1038 {add = true, strides = array<i32>} : memref<16384xf32, #tpu.memory_space<vmem>>, vector<16xf32>,
      } {sc.loop_unroll_factor = 4 : i64, sc.parallel_access}
      %dma_start3A_647 = arith.constant 12288 : i32
      %dma_start3A_648 = tpu.memref_slice %arg2[%add3A_625, %dma_start3A_647] : memref<26x16384xi32, #tpu.memory_space<hbm>> -> memref<1x4096xi32, #tpu.memory_space<hbm>>
      %dma_start3A_649 = tpu.memref_squeeze %dma_start3A_648 : memref<1x4096xi32, #tpu.memory_space<hbm>> -> memref<4096xi32, #tpu.memory_space<hbm>>
      %dma_start3A_650 = arith.constant 12288 : i32
      %dma_start3A_651 = tpu.memref_slice %arg2[%add3A_625, %dma_start3A_650] : memref<26x16384xi32, #tpu.memory_space<hbm>> -> memref<1x4096xi32, #tpu.memory_space<hbm>>
      %dma_start3A_652 = tpu.memref_squeeze %dma_start3A_651 : memref<1x4096xi32, #tpu.memory_space<hbm>> -> memref<4096xi32, #tpu.memory_space<hbm>>
      tpu.enqueue_dma source(%dma_start3A_652 : memref<4096xi32, #tpu.memory_space<hbm>>) target(%arg8 : memref<4096xi32, #tpu.memory_space<vmem>>) target_semaphore(%arg16 : memref<!tpu.dma_semaphore, #tpu.memory_space<semaphore_mem>>)
      %dma_wait3A_653 = arith.constant 0 : i32
      %dma_wait3A_654 = arith.constant 0 : i32
      %dma_wait3A_655 = tpu.memref_slice %arg2[%dma_wait3A_653, %dma_wait3A_654] : memref<26x16384xi32, #tpu.memory_space<hbm>> -> memref<1x4096xi32, #tpu.memory_space<hbm>>
      %dma_wait3A_656 = tpu.memref_squeeze %dma_wait3A_655 : memref<1x4096xi32, #tpu.memory_space<hbm>> -> memref<4096xi32, #tpu.memory_space<hbm>>
      %dma_wait3A_657 = arith.constant 0 : i32
      %dma_wait3A_658 = tpu.memref_slice %arg2[%dma_wait3A_653, %dma_wait3A_657] : memref<26x16384xi32, #tpu.memory_space<hbm>> -> memref<1x4096xi32, #tpu.memory_space<hbm>>
      %dma_wait3A_659 = tpu.memref_squeeze %dma_wait3A_658 : memref<1x4096xi32, #tpu.memory_space<hbm>> -> memref<4096xi32, #tpu.memory_space<hbm>>
      tpu.wait_dma2 semaphore(%arg14 : memref<!tpu.dma_semaphore, #tpu.memory_space<semaphore_mem>>) src(%dma_wait3A_659 : memref<4096xi32, #tpu.memory_space<hbm>>) dst(%arg6 : memref<4096xi32, #tpu.memory_space<vmem>>)
      %parallel_loop3A_660 = arith.constant 0 : i32
      %parallel_loop3A_661 = arith.constant 4096 : i32
      %parallel_loop3A_662 = arith.constant 16 : i32
      scf.for %parallel_loop3A_1030 = %parallel_loop3A_660 to %parallel_loop3A_661 step %parallel_loop3A_662  : i32 {
        %parallel_loop3A_1031 = arith.index_cast %parallel_loop3A_1030 : i32 to index
        %parallel_loop3A_1032 = tpu.vector_load %arg6[%parallel_loop3A_1031] {strides = array<i32>} : memref<4096xi32, #tpu.memory_space<vmem>>, vector<16xi32>,
        %parallel_loop3A_1033 = vector.bitcast %parallel_loop3A_1032 : vector<16xi32> to vector<16xi32>
        %parallel_loop3A_1034 = arith.constant 50048 : i32
        %parallel_loop3A_1035 = vector.broadcast %parallel_loop3A_1034 : i32 to vector<16xi32>
        %parallel_loop3A_1036 = arith.minui %parallel_loop3A_1033, %parallel_loop3A_1035 : vector<16xi32>
        %parallel_loop3A_1037 = vector.bitcast %parallel_loop3A_1036 : vector<16xi32> to vector<16xi32>
        %parallel_loop3A_1038 = tpu.vector_load_idx %arg9[%parallel_loop3A_1037] : memref<50064xf32, #tpu.memory_space<vmem>>[vector<16xi32>], vector<16xf32>,
        %parallel_loop3A_1039 = arith.constant 4096 : i32
        %parallel_loop3A_1040 = arith.addi %parallel_loop3A_1039, %parallel_loop3A_1030 : i32
        %parallel_loop3A_1041 = arith.index_cast %parallel_loop3A_1040 : i32 to index
        %parallel_loop3A_1042 = tpu.vector_load %arg11[%parallel_loop3A_1041] {strides = array<i32>} : memref<16384xf32, #tpu.memory_space<vmem>>, vector<16xf32>,
        tpu.vector_store %arg11[%parallel_loop3A_1041], %parallel_loop3A_1038 {add = true, strides = array<i32>} : memref<16384xf32, #tpu.memory_space<vmem>>, vector<16xf32>,
      } {sc.loop_unroll_factor = 4 : i64, sc.parallel_access}
      %dma_start3A_663 = arith.constant 0 : i32
      %dma_start3A_664 = tpu.memref_slice %arg2[%add3A_625, %dma_start3A_663] : memref<26x16384xi32, #tpu.memory_space<hbm>> -> memref<1x4096xi32, #tpu.memory_space<hbm>>
      %dma_start3A_665 = tpu.memref_squeeze %dma_start3A_664 : memref<1x4096xi32, #tpu.memory_space<hbm>> -> memref<4096xi32, #tpu.memory_space<hbm>>
      %dma_start3A_666 = arith.constant 0 : i32
      %dma_start3A_667 = tpu.memref_slice %arg2[%add3A_625, %dma_start3A_666] : memref<26x16384xi32, #tpu.memory_space<hbm>> -> memref<1x4096xi32, #tpu.memory_space<hbm>>
      %dma_start3A_668 = tpu.memref_squeeze %dma_start3A_667 : memref<1x4096xi32, #tpu.memory_space<hbm>> -> memref<4096xi32, #tpu.memory_space<hbm>>
      tpu.enqueue_dma source(%dma_start3A_668 : memref<4096xi32, #tpu.memory_space<hbm>>) target(%arg6 : memref<4096xi32, #tpu.memory_space<vmem>>) target_semaphore(%arg14 : memref<!tpu.dma_semaphore, #tpu.memory_space<semaphore_mem>>)
      %dma_wait3A_669 = arith.constant 0 : i32
      %dma_wait3A_670 = arith.constant 0 : i32
      %dma_wait3A_671 = tpu.memref_slice %arg2[%dma_wait3A_669, %dma_wait3A_670] : memref<26x16384xi32, #tpu.memory_space<hbm>> -> memref<1x4096xi32, #tpu.memory_space<hbm>>
      %dma_wait3A_672 = tpu.memref_squeeze %dma_wait3A_671 : memref<1x4096xi32, #tpu.memory_space<hbm>> -> memref<4096xi32, #tpu.memory_space<hbm>>
      %dma_wait3A_673 = arith.constant 0 : i32
      %dma_wait3A_674 = tpu.memref_slice %arg2[%dma_wait3A_669, %dma_wait3A_673] : memref<26x16384xi32, #tpu.memory_space<hbm>> -> memref<1x4096xi32, #tpu.memory_space<hbm>>
      %dma_wait3A_675 = tpu.memref_squeeze %dma_wait3A_674 : memref<1x4096xi32, #tpu.memory_space<hbm>> -> memref<4096xi32, #tpu.memory_space<hbm>>
      tpu.wait_dma2 semaphore(%arg15 : memref<!tpu.dma_semaphore, #tpu.memory_space<semaphore_mem>>) src(%dma_wait3A_675 : memref<4096xi32, #tpu.memory_space<hbm>>) dst(%arg7 : memref<4096xi32, #tpu.memory_space<vmem>>)
      %parallel_loop3A_676 = arith.constant 0 : i32
      %parallel_loop3A_677 = arith.constant 4096 : i32
      %parallel_loop3A_678 = arith.constant 16 : i32
      scf.for %parallel_loop3A_1030 = %parallel_loop3A_676 to %parallel_loop3A_677 step %parallel_loop3A_678  : i32 {
        %parallel_loop3A_1031 = arith.index_cast %parallel_loop3A_1030 : i32 to index
        %parallel_loop3A_1032 = tpu.vector_load %arg7[%parallel_loop3A_1031] {strides = array<i32>} : memref<4096xi32, #tpu.memory_space<vmem>>, vector<16xi32>,
        %parallel_loop3A_1033 = vector.bitcast %parallel_loop3A_1032 : vector<16xi32> to vector<16xi32>
        %parallel_loop3A_1034 = arith.constant 50048 : i32
        %parallel_loop3A_1035 = vector.broadcast %parallel_loop3A_1034 : i32 to vector<16xi32>
        %parallel_loop3A_1036 = arith.minui %parallel_loop3A_1033, %parallel_loop3A_1035 : vector<16xi32>
        %parallel_loop3A_1037 = vector.bitcast %parallel_loop3A_1036 : vector<16xi32> to vector<16xi32>
        %parallel_loop3A_1038 = tpu.vector_load_idx %arg9[%parallel_loop3A_1037] : memref<50064xf32, #tpu.memory_space<vmem>>[vector<16xi32>], vector<16xf32>,
        %parallel_loop3A_1039 = arith.constant 8192 : i32
        %parallel_loop3A_1040 = arith.addi %parallel_loop3A_1039, %parallel_loop3A_1030 : i32
        %parallel_loop3A_1041 = arith.index_cast %parallel_loop3A_1040 : i32 to index
        %parallel_loop3A_1042 = tpu.vector_load %arg11[%parallel_loop3A_1041] {strides = array<i32>} : memref<16384xf32, #tpu.memory_space<vmem>>, vector<16xf32>,
        tpu.vector_store %arg11[%parallel_loop3A_1041], %parallel_loop3A_1038 {add = true, strides = array<i32>} : memref<16384xf32, #tpu.memory_space<vmem>>, vector<16xf32>,
      } {sc.loop_unroll_factor = 4 : i64, sc.parallel_access}
      %dma_start3A_679 = arith.constant 4096 : i32
      %dma_start3A_680 = tpu.memref_slice %arg2[%add3A_625, %dma_start3A_679] : memref<26x16384xi32, #tpu.memory_space<hbm>> -> memref<1x4096xi32, #tpu.memory_space<hbm>>
      %dma_start3A_681 = tpu.memref_squeeze %dma_start3A_680 : memref<1x4096xi32, #tpu.memory_space<hbm>> -> memref<4096xi32, #tpu.memory_space<hbm>>
      %dma_start3A_682 = arith.constant 4096 : i32
      %dma_start3A_683 = tpu.memref_slice %arg2[%add3A_625, %dma_start3A_682] : memref<26x16384xi32, #tpu.memory_space<hbm>> -> memref<1x4096xi32, #tpu.memory_space<hbm>>
      %dma_start3A_684 = tpu.memref_squeeze %dma_start3A_683 : memref<1x4096xi32, #tpu.memory_space<hbm>> -> memref<4096xi32, #tpu.memory_space<hbm>>
      tpu.enqueue_dma source(%dma_start3A_684 : memref<4096xi32, #tpu.memory_space<hbm>>) target(%arg7 : memref<4096xi32, #tpu.memory_space<vmem>>) target_semaphore(%arg15 : memref<!tpu.dma_semaphore, #tpu.memory_space<semaphore_mem>>)
      %dma_wait3A_685 = arith.constant 0 : i32
      %dma_wait3A_686 = arith.constant 0 : i32
      %dma_wait3A_687 = tpu.memref_slice %arg2[%dma_wait3A_685, %dma_wait3A_686] : memref<26x16384xi32, #tpu.memory_space<hbm>> -> memref<1x4096xi32, #tpu.memory_space<hbm>>
      %dma_wait3A_688 = tpu.memref_squeeze %dma_wait3A_687 : memref<1x4096xi32, #tpu.memory_space<hbm>> -> memref<4096xi32, #tpu.memory_space<hbm>>
      %dma_wait3A_689 = arith.constant 0 : i32
      %dma_wait3A_690 = tpu.memref_slice %arg2[%dma_wait3A_685, %dma_wait3A_689] : memref<26x16384xi32, #tpu.memory_space<hbm>> -> memref<1x4096xi32, #tpu.memory_space<hbm>>
      %dma_wait3A_691 = tpu.memref_squeeze %dma_wait3A_690 : memref<1x4096xi32, #tpu.memory_space<hbm>> -> memref<4096xi32, #tpu.memory_space<hbm>>
      tpu.wait_dma2 semaphore(%arg16 : memref<!tpu.dma_semaphore, #tpu.memory_space<semaphore_mem>>) src(%dma_wait3A_691 : memref<4096xi32, #tpu.memory_space<hbm>>) dst(%arg8 : memref<4096xi32, #tpu.memory_space<vmem>>)
      %parallel_loop3A_692 = arith.constant 0 : i32
      %parallel_loop3A_693 = arith.constant 4096 : i32
      %parallel_loop3A_694 = arith.constant 16 : i32
      scf.for %parallel_loop3A_1030 = %parallel_loop3A_692 to %parallel_loop3A_693 step %parallel_loop3A_694  : i32 {
        %parallel_loop3A_1031 = arith.index_cast %parallel_loop3A_1030 : i32 to index
        %parallel_loop3A_1032 = tpu.vector_load %arg8[%parallel_loop3A_1031] {strides = array<i32>} : memref<4096xi32, #tpu.memory_space<vmem>>, vector<16xi32>,
        %parallel_loop3A_1033 = vector.bitcast %parallel_loop3A_1032 : vector<16xi32> to vector<16xi32>
        %parallel_loop3A_1034 = arith.constant 50048 : i32
        %parallel_loop3A_1035 = vector.broadcast %parallel_loop3A_1034 : i32 to vector<16xi32>
        %parallel_loop3A_1036 = arith.minui %parallel_loop3A_1033, %parallel_loop3A_1035 : vector<16xi32>
        %parallel_loop3A_1037 = vector.bitcast %parallel_loop3A_1036 : vector<16xi32> to vector<16xi32>
        %parallel_loop3A_1038 = tpu.vector_load_idx %arg9[%parallel_loop3A_1037] : memref<50064xf32, #tpu.memory_space<vmem>>[vector<16xi32>], vector<16xf32>,
        %parallel_loop3A_1039 = arith.constant 12288 : i32
        %parallel_loop3A_1040 = arith.addi %parallel_loop3A_1039, %parallel_loop3A_1030 : i32
        %parallel_loop3A_1041 = arith.index_cast %parallel_loop3A_1040 : i32 to index
        %parallel_loop3A_1042 = tpu.vector_load %arg11[%parallel_loop3A_1041] {strides = array<i32>} : memref<16384xf32, #tpu.memory_space<vmem>>, vector<16xf32>,
        tpu.vector_store %arg11[%parallel_loop3A_1041], %parallel_loop3A_1038 {add = true, strides = array<i32>} : memref<16384xf32, #tpu.memory_space<vmem>>, vector<16xf32>,
      } {sc.loop_unroll_factor = 4 : i64, sc.parallel_access}
      %dma_start3A_695 = arith.constant 8192 : i32
      %dma_start3A_696 = tpu.memref_slice %arg2[%add3A_625, %dma_start3A_695] : memref<26x16384xi32, #tpu.memory_space<hbm>> -> memref<1x4096xi32, #tpu.memory_space<hbm>>
      %dma_start3A_697 = tpu.memref_squeeze %dma_start3A_696 : memref<1x4096xi32, #tpu.memory_space<hbm>> -> memref<4096xi32, #tpu.memory_space<hbm>>
      %dma_start3A_698 = arith.constant 8192 : i32
      %dma_start3A_699 = tpu.memref_slice %arg2[%add3A_625, %dma_start3A_698] : memref<26x16384xi32, #tpu.memory_space<hbm>> -> memref<1x4096xi32, #tpu.memory_space<hbm>>
      %dma_start3A_700 = tpu.memref_squeeze %dma_start3A_699 : memref<1x4096xi32, #tpu.memory_space<hbm>> -> memref<4096xi32, #tpu.memory_space<hbm>>
      tpu.enqueue_dma source(%dma_start3A_700 : memref<4096xi32, #tpu.memory_space<hbm>>) target(%arg8 : memref<4096xi32, #tpu.memory_space<vmem>>) target_semaphore(%arg16 : memref<!tpu.dma_semaphore, #tpu.memory_space<semaphore_mem>>)
      %add3A_701 = arith.constant 1 : i32
      %add3A_702 = arith.addi %add3A_625, %add3A_701 : i32
      %dma_start3A_703 = arith.constant 0 : i32
      %dma_start3A_704 = tpu.memref_slice %arg9[%dma_start3A_703] : memref<50064xf32, #tpu.memory_space<vmem>> -> memref<50048xf32, #tpu.memory_space<vmem>>
      %dma_start3A_705 = arith.constant 0 : i32
      %dma_start3A_706 = tpu.memref_slice %arg3[%add3A_702, %add3A, %dma_start3A_705] : memref<26x32x100000xf32, #tpu.memory_space<hbm>> -> memref<1x1x50048xf32, #tpu.memory_space<hbm>>
      %dma_start3A_707 = tpu.memref_squeeze %dma_start3A_706 : memref<1x1x50048xf32, #tpu.memory_space<hbm>> -> memref<50048xf32, #tpu.memory_space<hbm>>
      %dma_start3A_708 = arith.constant 0 : i32
      %dma_start3A_709 = tpu.memref_slice %arg9[%dma_start3A_708] : memref<50064xf32, #tpu.memory_space<vmem>> -> memref<50048xf32, #tpu.memory_space<vmem>>
      %dma_start3A_710 = arith.constant 0 : i32
      %dma_start3A_711 = tpu.memref_slice %arg3[%add3A_702, %add3A, %dma_start3A_710] : memref<26x32x100000xf32, #tpu.memory_space<hbm>> -> memref<1x1x50048xf32, #tpu.memory_space<hbm>>
      %dma_start3A_712 = tpu.memref_squeeze %dma_start3A_711 : memref<1x1x50048xf32, #tpu.memory_space<hbm>> -> memref<50048xf32, #tpu.memory_space<hbm>>
      tpu.enqueue_dma source(%dma_start3A_712 : memref<50048xf32, #tpu.memory_space<hbm>>) target(%dma_start3A_709 : memref<50048xf32, #tpu.memory_space<vmem>>) target_semaphore(%arg12 : memref<!tpu.dma_semaphore, #tpu.memory_space<semaphore_mem>>)
      %dma_wait3A_713 = arith.constant 0 : i32
      %dma_wait3A_714 = arith.constant 0 : i32
      %dma_wait3A_715 = tpu.memref_slice %arg10[%dma_wait3A_714] : memref<50048xf32, #tpu.memory_space<vmem>> -> memref<49920xf32, #tpu.memory_space<vmem>>
      %dma_wait3A_716 = arith.constant 50048 : i32
      %dma_wait3A_717 = tpu.memref_slice %arg3[%dma_wait3A_713, %add3A, %dma_wait3A_716] : memref<26x32x100000xf32, #tpu.memory_space<hbm>> -> memref<1x1x49920xf32, #tpu.memory_space<hbm>>
      %dma_wait3A_718 = tpu.memref_squeeze %dma_wait3A_717 : memref<1x1x49920xf32, #tpu.memory_space<hbm>> -> memref<49920xf32, #tpu.memory_space<hbm>>
      %dma_wait3A_719 = arith.constant 0 : i32
      %dma_wait3A_720 = tpu.memref_slice %arg10[%dma_wait3A_719] : memref<50048xf32, #tpu.memory_space<vmem>> -> memref<49920xf32, #tpu.memory_space<vmem>>
      %dma_wait3A_721 = arith.constant 50048 : i32
      %dma_wait3A_722 = tpu.memref_slice %arg3[%dma_wait3A_713, %add3A, %dma_wait3A_721] : memref<26x32x100000xf32, #tpu.memory_space<hbm>> -> memref<1x1x49920xf32, #tpu.memory_space<hbm>>
      %dma_wait3A_723 = tpu.memref_squeeze %dma_wait3A_722 : memref<1x1x49920xf32, #tpu.memory_space<hbm>> -> memref<49920xf32, #tpu.memory_space<hbm>>
      tpu.wait_dma2 semaphore(%arg13 : memref<!tpu.dma_semaphore, #tpu.memory_space<semaphore_mem>>) src(%dma_wait3A_723 : memref<49920xf32, #tpu.memory_space<hbm>>) dst(%dma_wait3A_720 : memref<49920xf32, #tpu.memory_space<vmem>>)
      %dma_wait3A_724 = arith.constant 0 : i32
      %dma_wait3A_725 = arith.constant 49920 : i32
      %dma_wait3A_726 = tpu.memref_slice %arg10[%dma_wait3A_725] : memref<50048xf32, #tpu.memory_space<vmem>> -> memref<128xf32, #tpu.memory_space<vmem>>
      %dma_wait3A_727 = arith.constant 0 : i32
      %dma_wait3A_728 = tpu.memref_slice %arg4[%dma_wait3A_724, %add3A, %dma_wait3A_727] : memref<26x32x128xf32, #tpu.memory_space<hbm>> -> memref<1x1x128xf32, #tpu.memory_space<hbm>>
      %dma_wait3A_729 = tpu.memref_squeeze %dma_wait3A_728 : memref<1x1x128xf32, #tpu.memory_space<hbm>> -> memref<128xf32, #tpu.memory_space<hbm>>
      %dma_wait3A_730 = arith.constant 49920 : i32
      %dma_wait3A_731 = tpu.memref_slice %arg10[%dma_wait3A_730] : memref<50048xf32, #tpu.memory_space<vmem>> -> memref<128xf32, #tpu.memory_space<vmem>>
      %dma_wait3A_732 = arith.constant 0 : i32
      %dma_wait3A_733 = tpu.memref_slice %arg4[%dma_wait3A_724, %add3A, %dma_wait3A_732] : memref<26x32x128xf32, #tpu.memory_space<hbm>> -> memref<1x1x128xf32, #tpu.memory_space<hbm>>
      %dma_wait3A_734 = tpu.memref_squeeze %dma_wait3A_733 : memref<1x1x128xf32, #tpu.memory_space<hbm>> -> memref<128xf32, #tpu.memory_space<hbm>>
      tpu.wait_dma2 semaphore(%arg13 : memref<!tpu.dma_semaphore, #tpu.memory_space<semaphore_mem>>) src(%dma_wait3A_734 : memref<128xf32, #tpu.memory_space<hbm>>) dst(%dma_wait3A_731 : memref<128xf32, #tpu.memory_space<vmem>>)
      %dma_wait3A_735 = arith.constant 0 : i32
      %dma_wait3A_736 = arith.constant 0 : i32
      %dma_wait3A_737 = tpu.memref_slice %arg2[%dma_wait3A_735, %dma_wait3A_736] : memref<26x16384xi32, #tpu.memory_space<hbm>> -> memref<1x4096xi32, #tpu.memory_space<hbm>>
      %dma_wait3A_738 = tpu.memref_squeeze %dma_wait3A_737 : memref<1x4096xi32, #tpu.memory_space<hbm>> -> memref<4096xi32, #tpu.memory_space<hbm>>
      %dma_wait3A_739 = arith.constant 0 : i32
      %dma_wait3A_740 = tpu.memref_slice %arg2[%dma_wait3A_735, %dma_wait3A_739] : memref<26x16384xi32, #tpu.memory_space<hbm>> -> memref<1x4096xi32, #tpu.memory_space<hbm>>
      %dma_wait3A_741 = tpu.memref_squeeze %dma_wait3A_740 : memref<1x4096xi32, #tpu.memory_space<hbm>> -> memref<4096xi32, #tpu.memory_space<hbm>>
      tpu.wait_dma2 semaphore(%arg14 : memref<!tpu.dma_semaphore, #tpu.memory_space<semaphore_mem>>) src(%dma_wait3A_741 : memref<4096xi32, #tpu.memory_space<hbm>>) dst(%arg6 : memref<4096xi32, #tpu.memory_space<vmem>>)
      %parallel_loop3A_742 = arith.constant 0 : i32
      %parallel_loop3A_743 = arith.constant 4096 : i32
      %parallel_loop3A_744 = arith.constant 16 : i32
      scf.for %parallel_loop3A_1030 = %parallel_loop3A_742 to %parallel_loop3A_743 step %parallel_loop3A_744  : i32 {
        %parallel_loop3A_1031 = arith.index_cast %parallel_loop3A_1030 : i32 to index
        %parallel_loop3A_1032 = tpu.vector_load %arg6[%parallel_loop3A_1031] {strides = array<i32>} : memref<4096xi32, #tpu.memory_space<vmem>>, vector<16xi32>,
        %parallel_loop3A_1033 = arith.constant 50048 : i32
        %parallel_loop3A_1034 = vector.broadcast %parallel_loop3A_1033 : i32 to vector<16xi32>
        %parallel_loop3A_1035 = arith.subi %parallel_loop3A_1032, %parallel_loop3A_1034 : vector<16xi32>
        %parallel_loop3A_1036 = vector.bitcast %parallel_loop3A_1035 : vector<16xi32> to vector<16xi32>
        %parallel_loop3A_1037 = arith.constant 49952 : i32
        %parallel_loop3A_1038 = vector.broadcast %parallel_loop3A_1037 : i32 to vector<16xi32>
        %parallel_loop3A_1039 = arith.minui %parallel_loop3A_1036, %parallel_loop3A_1038 : vector<16xi32>
        %parallel_loop3A_1040 = vector.bitcast %parallel_loop3A_1039 : vector<16xi32> to vector<16xi32>
        %parallel_loop3A_1041 = tpu.vector_load_idx %arg10[%parallel_loop3A_1040] : memref<50048xf32, #tpu.memory_space<vmem>>[vector<16xi32>], vector<16xf32>,
        %parallel_loop3A_1042 = arith.constant 0 : i32
        %parallel_loop3A_1043 = arith.addi %parallel_loop3A_1042, %parallel_loop3A_1030 : i32
        %parallel_loop3A_1044 = arith.index_cast %parallel_loop3A_1043 : i32 to index
        %parallel_loop3A_1045 = tpu.vector_load %arg11[%parallel_loop3A_1044] {strides = array<i32>} : memref<16384xf32, #tpu.memory_space<vmem>>, vector<16xf32>,
        tpu.vector_store %arg11[%parallel_loop3A_1044], %parallel_loop3A_1041 {add = true, strides = array<i32>} : memref<16384xf32, #tpu.memory_space<vmem>>, vector<16xf32>,
      } {sc.loop_unroll_factor = 4 : i64, sc.parallel_access}
      %dma_start3A_745 = arith.constant 12288 : i32
      %dma_start3A_746 = tpu.memref_slice %arg2[%add3A_625, %dma_start3A_745] : memref<26x16384xi32, #tpu.memory_space<hbm>> -> memref<1x4096xi32, #tpu.memory_space<hbm>>
      %dma_start3A_747 = tpu.memref_squeeze %dma_start3A_746 : memref<1x4096xi32, #tpu.memory_space<hbm>> -> memref<4096xi32, #tpu.memory_space<hbm>>
      %dma_start3A_748 = arith.constant 12288 : i32
      %dma_start3A_749 = tpu.memref_slice %arg2[%add3A_625, %dma_start3A_748] : memref<26x16384xi32, #tpu.memory_space<hbm>> -> memref<1x4096xi32, #tpu.memory_space<hbm>>
      %dma_start3A_750 = tpu.memref_squeeze %dma_start3A_749 : memref<1x4096xi32, #tpu.memory_space<hbm>> -> memref<4096xi32, #tpu.memory_space<hbm>>
      tpu.enqueue_dma source(%dma_start3A_750 : memref<4096xi32, #tpu.memory_space<hbm>>) target(%arg6 : memref<4096xi32, #tpu.memory_space<vmem>>) target_semaphore(%arg14 : memref<!tpu.dma_semaphore, #tpu.memory_space<semaphore_mem>>)
      %dma_wait3A_751 = arith.constant 0 : i32
      %dma_wait3A_752 = arith.constant 0 : i32
      %dma_wait3A_753 = tpu.memref_slice %arg2[%dma_wait3A_751, %dma_wait3A_752] : memref<26x16384xi32, #tpu.memory_space<hbm>> -> memref<1x4096xi32, #tpu.memory_space<hbm>>
      %dma_wait3A_754 = tpu.memref_squeeze %dma_wait3A_753 : memref<1x4096xi32, #tpu.memory_space<hbm>> -> memref<4096xi32, #tpu.memory_space<hbm>>
      %dma_wait3A_755 = arith.constant 0 : i32
      %dma_wait3A_756 = tpu.memref_slice %arg2[%dma_wait3A_751, %dma_wait3A_755] : memref<26x16384xi32, #tpu.memory_space<hbm>> -> memref<1x4096xi32, #tpu.memory_space<hbm>>
      %dma_wait3A_757 = tpu.memref_squeeze %dma_wait3A_756 : memref<1x4096xi32, #tpu.memory_space<hbm>> -> memref<4096xi32, #tpu.memory_space<hbm>>
      tpu.wait_dma2 semaphore(%arg15 : memref<!tpu.dma_semaphore, #tpu.memory_space<semaphore_mem>>) src(%dma_wait3A_757 : memref<4096xi32, #tpu.memory_space<hbm>>) dst(%arg7 : memref<4096xi32, #tpu.memory_space<vmem>>)
      %parallel_loop3A_758 = arith.constant 0 : i32
      %parallel_loop3A_759 = arith.constant 4096 : i32
      %parallel_loop3A_760 = arith.constant 16 : i32
      scf.for %parallel_loop3A_1030 = %parallel_loop3A_758 to %parallel_loop3A_759 step %parallel_loop3A_760  : i32 {
        %parallel_loop3A_1031 = arith.index_cast %parallel_loop3A_1030 : i32 to index
        %parallel_loop3A_1032 = tpu.vector_load %arg7[%parallel_loop3A_1031] {strides = array<i32>} : memref<4096xi32, #tpu.memory_space<vmem>>, vector<16xi32>,
        %parallel_loop3A_1033 = arith.constant 50048 : i32
        %parallel_loop3A_1034 = vector.broadcast %parallel_loop3A_1033 : i32 to vector<16xi32>
        %parallel_loop3A_1035 = arith.subi %parallel_loop3A_1032, %parallel_loop3A_1034 : vector<16xi32>
        %parallel_loop3A_1036 = vector.bitcast %parallel_loop3A_1035 : vector<16xi32> to vector<16xi32>
        %parallel_loop3A_1037 = arith.constant 49952 : i32
        %parallel_loop3A_1038 = vector.broadcast %parallel_loop3A_1037 : i32 to vector<16xi32>
        %parallel_loop3A_1039 = arith.minui %parallel_loop3A_1036, %parallel_loop3A_1038 : vector<16xi32>
        %parallel_loop3A_1040 = vector.bitcast %parallel_loop3A_1039 : vector<16xi32> to vector<16xi32>
        %parallel_loop3A_1041 = tpu.vector_load_idx %arg10[%parallel_loop3A_1040] : memref<50048xf32, #tpu.memory_space<vmem>>[vector<16xi32>], vector<16xf32>,
        %parallel_loop3A_1042 = arith.constant 4096 : i32
        %parallel_loop3A_1043 = arith.addi %parallel_loop3A_1042, %parallel_loop3A_1030 : i32
        %parallel_loop3A_1044 = arith.index_cast %parallel_loop3A_1043 : i32 to index
        %parallel_loop3A_1045 = tpu.vector_load %arg11[%parallel_loop3A_1044] {strides = array<i32>} : memref<16384xf32, #tpu.memory_space<vmem>>, vector<16xf32>,
        tpu.vector_store %arg11[%parallel_loop3A_1044], %parallel_loop3A_1041 {add = true, strides = array<i32>} : memref<16384xf32, #tpu.memory_space<vmem>>, vector<16xf32>,
      } {sc.loop_unroll_factor = 4 : i64, sc.parallel_access}
      %add3A_761 = arith.constant 1 : i32
      %add3A_762 = arith.addi %add3A_625, %add3A_761 : i32
      %dma_start3A_763 = arith.constant 0 : i32
      %dma_start3A_764 = tpu.memref_slice %arg2[%add3A_762, %dma_start3A_763] : memref<26x16384xi32, #tpu.memory_space<hbm>> -> memref<1x4096xi32, #tpu.memory_space<hbm>>
      %dma_start3A_765 = tpu.memref_squeeze %dma_start3A_764 : memref<1x4096xi32, #tpu.memory_space<hbm>> -> memref<4096xi32, #tpu.memory_space<hbm>>
      %dma_start3A_766 = arith.constant 0 : i32
      %dma_start3A_767 = tpu.memref_slice %arg2[%add3A_762, %dma_start3A_766] : memref<26x16384xi32, #tpu.memory_space<hbm>> -> memref<1x4096xi32, #tpu.memory_space<hbm>>
      %dma_start3A_768 = tpu.memref_squeeze %dma_start3A_767 : memref<1x4096xi32, #tpu.memory_space<hbm>> -> memref<4096xi32, #tpu.memory_space<hbm>>
      tpu.enqueue_dma source(%dma_start3A_768 : memref<4096xi32, #tpu.memory_space<hbm>>) target(%arg7 : memref<4096xi32, #tpu.memory_space<vmem>>) target_semaphore(%arg15 : memref<!tpu.dma_semaphore, #tpu.memory_space<semaphore_mem>>)
      %dma_wait3A_769 = arith.constant 0 : i32
      %dma_wait3A_770 = arith.constant 0 : i32
      %dma_wait3A_771 = tpu.memref_slice %arg2[%dma_wait3A_769, %dma_wait3A_770] : memref<26x16384xi32, #tpu.memory_space<hbm>> -> memref<1x4096xi32, #tpu.memory_space<hbm>>
      %dma_wait3A_772 = tpu.memref_squeeze %dma_wait3A_771 : memref<1x4096xi32, #tpu.memory_space<hbm>> -> memref<4096xi32, #tpu.memory_space<hbm>>
      %dma_wait3A_773 = arith.constant 0 : i32
      %dma_wait3A_774 = tpu.memref_slice %arg2[%dma_wait3A_769, %dma_wait3A_773] : memref<26x16384xi32, #tpu.memory_space<hbm>> -> memref<1x4096xi32, #tpu.memory_space<hbm>>
      %dma_wait3A_775 = tpu.memref_squeeze %dma_wait3A_774 : memref<1x4096xi32, #tpu.memory_space<hbm>> -> memref<4096xi32, #tpu.memory_space<hbm>>
      tpu.wait_dma2 semaphore(%arg16 : memref<!tpu.dma_semaphore, #tpu.memory_space<semaphore_mem>>) src(%dma_wait3A_775 : memref<4096xi32, #tpu.memory_space<hbm>>) dst(%arg8 : memref<4096xi32, #tpu.memory_space<vmem>>)
      %parallel_loop3A_776 = arith.constant 0 : i32
      %parallel_loop3A_777 = arith.constant 4096 : i32
      %parallel_loop3A_778 = arith.constant 16 : i32
      scf.for %parallel_loop3A_1030 = %parallel_loop3A_776 to %parallel_loop3A_777 step %parallel_loop3A_778  : i32 {
        %parallel_loop3A_1031 = arith.index_cast %parallel_loop3A_1030 : i32 to index
        %parallel_loop3A_1032 = tpu.vector_load %arg8[%parallel_loop3A_1031] {strides = array<i32>} : memref<4096xi32, #tpu.memory_space<vmem>>, vector<16xi32>,
        %parallel_loop3A_1033 = arith.constant 50048 : i32
        %parallel_loop3A_1034 = vector.broadcast %parallel_loop3A_1033 : i32 to vector<16xi32>
        %parallel_loop3A_1035 = arith.subi %parallel_loop3A_1032, %parallel_loop3A_1034 : vector<16xi32>
        %parallel_loop3A_1036 = vector.bitcast %parallel_loop3A_1035 : vector<16xi32> to vector<16xi32>
        %parallel_loop3A_1037 = arith.constant 49952 : i32
        %parallel_loop3A_1038 = vector.broadcast %parallel_loop3A_1037 : i32 to vector<16xi32>
        %parallel_loop3A_1039 = arith.minui %parallel_loop3A_1036, %parallel_loop3A_1038 : vector<16xi32>
        %parallel_loop3A_1040 = vector.bitcast %parallel_loop3A_1039 : vector<16xi32> to vector<16xi32>
        %parallel_loop3A_1041 = tpu.vector_load_idx %arg10[%parallel_loop3A_1040] : memref<50048xf32, #tpu.memory_space<vmem>>[vector<16xi32>], vector<16xf32>,
        %parallel_loop3A_1042 = arith.constant 8192 : i32
        %parallel_loop3A_1043 = arith.addi %parallel_loop3A_1042, %parallel_loop3A_1030 : i32
        %parallel_loop3A_1044 = arith.index_cast %parallel_loop3A_1043 : i32 to index
        %parallel_loop3A_1045 = tpu.vector_load %arg11[%parallel_loop3A_1044] {strides = array<i32>} : memref<16384xf32, #tpu.memory_space<vmem>>, vector<16xf32>,
        tpu.vector_store %arg11[%parallel_loop3A_1044], %parallel_loop3A_1041 {add = true, strides = array<i32>} : memref<16384xf32, #tpu.memory_space<vmem>>, vector<16xf32>,
      } {sc.loop_unroll_factor = 4 : i64, sc.parallel_access}
      %add3A_779 = arith.constant 1 : i32
      %add3A_780 = arith.addi %add3A_625, %add3A_779 : i32
      %dma_start3A_781 = arith.constant 4096 : i32
      %dma_start3A_782 = tpu.memref_slice %arg2[%add3A_780, %dma_start3A_781] : memref<26x16384xi32, #tpu.memory_space<hbm>> -> memref<1x4096xi32, #tpu.memory_space<hbm>>
      %dma_start3A_783 = tpu.memref_squeeze %dma_start3A_782 : memref<1x4096xi32, #tpu.memory_space<hbm>> -> memref<4096xi32, #tpu.memory_space<hbm>>
      %dma_start3A_784 = arith.constant 4096 : i32
      %dma_start3A_785 = tpu.memref_slice %arg2[%add3A_780, %dma_start3A_784] : memref<26x16384xi32, #tpu.memory_space<hbm>> -> memref<1x4096xi32, #tpu.memory_space<hbm>>
      %dma_start3A_786 = tpu.memref_squeeze %dma_start3A_785 : memref<1x4096xi32, #tpu.memory_space<hbm>> -> memref<4096xi32, #tpu.memory_space<hbm>>
      tpu.enqueue_dma source(%dma_start3A_786 : memref<4096xi32, #tpu.memory_space<hbm>>) target(%arg8 : memref<4096xi32, #tpu.memory_space<vmem>>) target_semaphore(%arg16 : memref<!tpu.dma_semaphore, #tpu.memory_space<semaphore_mem>>)
      %dma_wait3A_787 = arith.constant 0 : i32
      %dma_wait3A_788 = arith.constant 0 : i32
      %dma_wait3A_789 = tpu.memref_slice %arg2[%dma_wait3A_787, %dma_wait3A_788] : memref<26x16384xi32, #tpu.memory_space<hbm>> -> memref<1x4096xi32, #tpu.memory_space<hbm>>
      %dma_wait3A_790 = tpu.memref_squeeze %dma_wait3A_789 : memref<1x4096xi32, #tpu.memory_space<hbm>> -> memref<4096xi32, #tpu.memory_space<hbm>>
      %dma_wait3A_791 = arith.constant 0 : i32
      %dma_wait3A_792 = tpu.memref_slice %arg2[%dma_wait3A_787, %dma_wait3A_791] : memref<26x16384xi32, #tpu.memory_space<hbm>> -> memref<1x4096xi32, #tpu.memory_space<hbm>>
      %dma_wait3A_793 = tpu.memref_squeeze %dma_wait3A_792 : memref<1x4096xi32, #tpu.memory_space<hbm>> -> memref<4096xi32, #tpu.memory_space<hbm>>
      tpu.wait_dma2 semaphore(%arg14 : memref<!tpu.dma_semaphore, #tpu.memory_space<semaphore_mem>>) src(%dma_wait3A_793 : memref<4096xi32, #tpu.memory_space<hbm>>) dst(%arg6 : memref<4096xi32, #tpu.memory_space<vmem>>)
      %parallel_loop3A_794 = arith.constant 0 : i32
      %parallel_loop3A_795 = arith.constant 4096 : i32
      %parallel_loop3A_796 = arith.constant 16 : i32
      scf.for %parallel_loop3A_1030 = %parallel_loop3A_794 to %parallel_loop3A_795 step %parallel_loop3A_796  : i32 {
        %parallel_loop3A_1031 = arith.index_cast %parallel_loop3A_1030 : i32 to index
        %parallel_loop3A_1032 = tpu.vector_load %arg6[%parallel_loop3A_1031] {strides = array<i32>} : memref<4096xi32, #tpu.memory_space<vmem>>, vector<16xi32>,
        %parallel_loop3A_1033 = arith.constant 50048 : i32
        %parallel_loop3A_1034 = vector.broadcast %parallel_loop3A_1033 : i32 to vector<16xi32>
        %parallel_loop3A_1035 = arith.subi %parallel_loop3A_1032, %parallel_loop3A_1034 : vector<16xi32>
        %parallel_loop3A_1036 = vector.bitcast %parallel_loop3A_1035 : vector<16xi32> to vector<16xi32>
        %parallel_loop3A_1037 = arith.constant 49952 : i32
        %parallel_loop3A_1038 = vector.broadcast %parallel_loop3A_1037 : i32 to vector<16xi32>
        %parallel_loop3A_1039 = arith.minui %parallel_loop3A_1036, %parallel_loop3A_1038 : vector<16xi32>
        %parallel_loop3A_1040 = vector.bitcast %parallel_loop3A_1039 : vector<16xi32> to vector<16xi32>
        %parallel_loop3A_1041 = tpu.vector_load_idx %arg10[%parallel_loop3A_1040] : memref<50048xf32, #tpu.memory_space<vmem>>[vector<16xi32>], vector<16xf32>,
        %parallel_loop3A_1042 = arith.constant 12288 : i32
        %parallel_loop3A_1043 = arith.addi %parallel_loop3A_1042, %parallel_loop3A_1030 : i32
        %parallel_loop3A_1044 = arith.index_cast %parallel_loop3A_1043 : i32 to index
        %parallel_loop3A_1045 = tpu.vector_load %arg11[%parallel_loop3A_1044] {strides = array<i32>} : memref<16384xf32, #tpu.memory_space<vmem>>, vector<16xf32>,
        tpu.vector_store %arg11[%parallel_loop3A_1044], %parallel_loop3A_1041 {add = true, strides = array<i32>} : memref<16384xf32, #tpu.memory_space<vmem>>, vector<16xf32>,
      } {sc.loop_unroll_factor = 4 : i64, sc.parallel_access}
      %add3A_797 = arith.constant 1 : i32
      %add3A_798 = arith.addi %add3A_625, %add3A_797 : i32
      %dma_start3A_799 = arith.constant 8192 : i32
      %dma_start3A_800 = tpu.memref_slice %arg2[%add3A_798, %dma_start3A_799] : memref<26x16384xi32, #tpu.memory_space<hbm>> -> memref<1x4096xi32, #tpu.memory_space<hbm>>
      %dma_start3A_801 = tpu.memref_squeeze %dma_start3A_800 : memref<1x4096xi32, #tpu.memory_space<hbm>> -> memref<4096xi32, #tpu.memory_space<hbm>>
      %dma_start3A_802 = arith.constant 8192 : i32
      %dma_start3A_803 = tpu.memref_slice %arg2[%add3A_798, %dma_start3A_802] : memref<26x16384xi32, #tpu.memory_space<hbm>> -> memref<1x4096xi32, #tpu.memory_space<hbm>>
      %dma_start3A_804 = tpu.memref_squeeze %dma_start3A_803 : memref<1x4096xi32, #tpu.memory_space<hbm>> -> memref<4096xi32, #tpu.memory_space<hbm>>
      tpu.enqueue_dma source(%dma_start3A_804 : memref<4096xi32, #tpu.memory_space<hbm>>) target(%arg6 : memref<4096xi32, #tpu.memory_space<vmem>>) target_semaphore(%arg14 : memref<!tpu.dma_semaphore, #tpu.memory_space<semaphore_mem>>)
      %add3A_805 = arith.constant 1 : i32
      %add3A_806 = arith.addi %add3A_625, %add3A_805 : i32
      %dma_start3A_807 = arith.constant 0 : i32
      %dma_start3A_808 = tpu.memref_slice %arg10[%dma_start3A_807] : memref<50048xf32, #tpu.memory_space<vmem>> -> memref<49920xf32, #tpu.memory_space<vmem>>
      %dma_start3A_809 = arith.constant 50048 : i32
      %dma_start3A_810 = tpu.memref_slice %arg3[%add3A_806, %add3A, %dma_start3A_809] : memref<26x32x100000xf32, #tpu.memory_space<hbm>> -> memref<1x1x49920xf32, #tpu.memory_space<hbm>>
      %dma_start3A_811 = tpu.memref_squeeze %dma_start3A_810 : memref<1x1x49920xf32, #tpu.memory_space<hbm>> -> memref<49920xf32, #tpu.memory_space<hbm>>
      %dma_start3A_812 = arith.constant 0 : i32
      %dma_start3A_813 = tpu.memref_slice %arg10[%dma_start3A_812] : memref<50048xf32, #tpu.memory_space<vmem>> -> memref<49920xf32, #tpu.memory_space<vmem>>
      %dma_start3A_814 = arith.constant 50048 : i32
      %dma_start3A_815 = tpu.memref_slice %arg3[%add3A_806, %add3A, %dma_start3A_814] : memref<26x32x100000xf32, #tpu.memory_space<hbm>> -> memref<1x1x49920xf32, #tpu.memory_space<hbm>>
      %dma_start3A_816 = tpu.memref_squeeze %dma_start3A_815 : memref<1x1x49920xf32, #tpu.memory_space<hbm>> -> memref<49920xf32, #tpu.memory_space<hbm>>
      tpu.enqueue_dma source(%dma_start3A_816 : memref<49920xf32, #tpu.memory_space<hbm>>) target(%dma_start3A_813 : memref<49920xf32, #tpu.memory_space<vmem>>) target_semaphore(%arg13 : memref<!tpu.dma_semaphore, #tpu.memory_space<semaphore_mem>>)
      %dma_start3A_817 = arith.constant 49920 : i32
      %dma_start3A_818 = tpu.memref_slice %arg10[%dma_start3A_817] : memref<50048xf32, #tpu.memory_space<vmem>> -> memref<128xf32, #tpu.memory_space<vmem>>
      %dma_start3A_819 = arith.constant 0 : i32
      %dma_start3A_820 = tpu.memref_slice %arg4[%add3A_806, %add3A, %dma_start3A_819] : memref<26x32x128xf32, #tpu.memory_space<hbm>> -> memref<1x1x128xf32, #tpu.memory_space<hbm>>
      %dma_start3A_821 = tpu.memref_squeeze %dma_start3A_820 : memref<1x1x128xf32, #tpu.memory_space<hbm>> -> memref<128xf32, #tpu.memory_space<hbm>>
      %dma_start3A_822 = arith.constant 49920 : i32
      %dma_start3A_823 = tpu.memref_slice %arg10[%dma_start3A_822] : memref<50048xf32, #tpu.memory_space<vmem>> -> memref<128xf32, #tpu.memory_space<vmem>>
      %dma_start3A_824 = arith.constant 0 : i32
      %dma_start3A_825 = tpu.memref_slice %arg4[%add3A_806, %add3A, %dma_start3A_824] : memref<26x32x128xf32, #tpu.memory_space<hbm>> -> memref<1x1x128xf32, #tpu.memory_space<hbm>>
      %dma_start3A_826 = tpu.memref_squeeze %dma_start3A_825 : memref<1x1x128xf32, #tpu.memory_space<hbm>> -> memref<128xf32, #tpu.memory_space<hbm>>
      tpu.enqueue_dma source(%dma_start3A_826 : memref<128xf32, #tpu.memory_space<hbm>>) target(%dma_start3A_823 : memref<128xf32, #tpu.memory_space<vmem>>) target_semaphore(%arg13 : memref<!tpu.dma_semaphore, #tpu.memory_space<semaphore_mem>>)
      %add3A_827 = arith.constant 2 : i32
      %add3A_828 = arith.addi %mul3A_420, %add3A_827 : i32
      %dma_wait3A_829 = arith.constant 0 : i32
      %dma_wait3A_830 = arith.constant 0 : i32
      %dma_wait3A_831 = tpu.memref_slice %arg9[%dma_wait3A_830] : memref<50064xf32, #tpu.memory_space<vmem>> -> memref<50048xf32, #tpu.memory_space<vmem>>
      %dma_wait3A_832 = arith.constant 0 : i32
      %dma_wait3A_833 = tpu.memref_slice %arg3[%dma_wait3A_829, %add3A, %dma_wait3A_832] : memref<26x32x100000xf32, #tpu.memory_space<hbm>> -> memref<1x1x50048xf32, #tpu.memory_space<hbm>>
      %dma_wait3A_834 = tpu.memref_squeeze %dma_wait3A_833 : memref<1x1x50048xf32, #tpu.memory_space<hbm>> -> memref<50048xf32, #tpu.memory_space<hbm>>
      %dma_wait3A_835 = arith.constant 0 : i32
      %dma_wait3A_836 = tpu.memref_slice %arg9[%dma_wait3A_835] : memref<50064xf32, #tpu.memory_space<vmem>> -> memref<50048xf32, #tpu.memory_space<vmem>>
      %dma_wait3A_837 = arith.constant 0 : i32
      %dma_wait3A_838 = tpu.memref_slice %arg3[%dma_wait3A_829, %add3A, %dma_wait3A_837] : memref<26x32x100000xf32, #tpu.memory_space<hbm>> -> memref<1x1x50048xf32, #tpu.memory_space<hbm>>
      %dma_wait3A_839 = tpu.memref_squeeze %dma_wait3A_838 : memref<1x1x50048xf32, #tpu.memory_space<hbm>> -> memref<50048xf32, #tpu.memory_space<hbm>>
      tpu.wait_dma2 semaphore(%arg12 : memref<!tpu.dma_semaphore, #tpu.memory_space<semaphore_mem>>) src(%dma_wait3A_839 : memref<50048xf32, #tpu.memory_space<hbm>>) dst(%dma_wait3A_836 : memref<50048xf32, #tpu.memory_space<vmem>>)
      %dma_wait3A_840 = arith.constant 0 : i32
      %dma_wait3A_841 = arith.constant 0 : i32
      %dma_wait3A_842 = tpu.memref_slice %arg2[%dma_wait3A_840, %dma_wait3A_841] : memref<26x16384xi32, #tpu.memory_space<hbm>> -> memref<1x4096xi32, #tpu.memory_space<hbm>>
      %dma_wait3A_843 = tpu.memref_squeeze %dma_wait3A_842 : memref<1x4096xi32, #tpu.memory_space<hbm>> -> memref<4096xi32, #tpu.memory_space<hbm>>
      %dma_wait3A_844 = arith.constant 0 : i32
      %dma_wait3A_845 = tpu.memref_slice %arg2[%dma_wait3A_840, %dma_wait3A_844] : memref<26x16384xi32, #tpu.memory_space<hbm>> -> memref<1x4096xi32, #tpu.memory_space<hbm>>
      %dma_wait3A_846 = tpu.memref_squeeze %dma_wait3A_845 : memref<1x4096xi32, #tpu.memory_space<hbm>> -> memref<4096xi32, #tpu.memory_space<hbm>>
      tpu.wait_dma2 semaphore(%arg15 : memref<!tpu.dma_semaphore, #tpu.memory_space<semaphore_mem>>) src(%dma_wait3A_846 : memref<4096xi32, #tpu.memory_space<hbm>>) dst(%arg7 : memref<4096xi32, #tpu.memory_space<vmem>>)
      %parallel_loop3A_847 = arith.constant 0 : i32
      %parallel_loop3A_848 = arith.constant 4096 : i32
      %parallel_loop3A_849 = arith.constant 16 : i32
      scf.for %parallel_loop3A_1030 = %parallel_loop3A_847 to %parallel_loop3A_848 step %parallel_loop3A_849  : i32 {
        %parallel_loop3A_1031 = arith.index_cast %parallel_loop3A_1030 : i32 to index
        %parallel_loop3A_1032 = tpu.vector_load %arg7[%parallel_loop3A_1031] {strides = array<i32>} : memref<4096xi32, #tpu.memory_space<vmem>>, vector<16xi32>,
        %parallel_loop3A_1033 = vector.bitcast %parallel_loop3A_1032 : vector<16xi32> to vector<16xi32>
        %parallel_loop3A_1034 = arith.constant 50048 : i32
        %parallel_loop3A_1035 = vector.broadcast %parallel_loop3A_1034 : i32 to vector<16xi32>
        %parallel_loop3A_1036 = arith.minui %parallel_loop3A_1033, %parallel_loop3A_1035 : vector<16xi32>
        %parallel_loop3A_1037 = vector.bitcast %parallel_loop3A_1036 : vector<16xi32> to vector<16xi32>
        %parallel_loop3A_1038 = tpu.vector_load_idx %arg9[%parallel_loop3A_1037] : memref<50064xf32, #tpu.memory_space<vmem>>[vector<16xi32>], vector<16xf32>,
        %parallel_loop3A_1039 = arith.constant 0 : i32
        %parallel_loop3A_1040 = arith.addi %parallel_loop3A_1039, %parallel_loop3A_1030 : i32
        %parallel_loop3A_1041 = arith.index_cast %parallel_loop3A_1040 : i32 to index
        %parallel_loop3A_1042 = tpu.vector_load %arg11[%parallel_loop3A_1041] {strides = array<i32>} : memref<16384xf32, #tpu.memory_space<vmem>>, vector<16xf32>,
        tpu.vector_store %arg11[%parallel_loop3A_1041], %parallel_loop3A_1038 {add = true, strides = array<i32>} : memref<16384xf32, #tpu.memory_space<vmem>>, vector<16xf32>,
      } {sc.loop_unroll_factor = 4 : i64, sc.parallel_access}
      %dma_start3A_850 = arith.constant 12288 : i32
      %dma_start3A_851 = tpu.memref_slice %arg2[%add3A_828, %dma_start3A_850] : memref<26x16384xi32, #tpu.memory_space<hbm>> -> memref<1x4096xi32, #tpu.memory_space<hbm>>
      %dma_start3A_852 = tpu.memref_squeeze %dma_start3A_851 : memref<1x4096xi32, #tpu.memory_space<hbm>> -> memref<4096xi32, #tpu.memory_space<hbm>>
      %dma_start3A_853 = arith.constant 12288 : i32
      %dma_start3A_854 = tpu.memref_slice %arg2[%add3A_828, %dma_start3A_853] : memref<26x16384xi32, #tpu.memory_space<hbm>> -> memref<1x4096xi32, #tpu.memory_space<hbm>>
      %dma_start3A_855 = tpu.memref_squeeze %dma_start3A_854 : memref<1x4096xi32, #tpu.memory_space<hbm>> -> memref<4096xi32, #tpu.memory_space<hbm>>
      tpu.enqueue_dma source(%dma_start3A_855 : memref<4096xi32, #tpu.memory_space<hbm>>) target(%arg7 : memref<4096xi32, #tpu.memory_space<vmem>>) target_semaphore(%arg15 : memref<!tpu.dma_semaphore, #tpu.memory_space<semaphore_mem>>)
      %dma_wait3A_856 = arith.constant 0 : i32
      %dma_wait3A_857 = arith.constant 0 : i32
      %dma_wait3A_858 = tpu.memref_slice %arg2[%dma_wait3A_856, %dma_wait3A_857] : memref<26x16384xi32, #tpu.memory_space<hbm>> -> memref<1x4096xi32, #tpu.memory_space<hbm>>
      %dma_wait3A_859 = tpu.memref_squeeze %dma_wait3A_858 : memref<1x4096xi32, #tpu.memory_space<hbm>> -> memref<4096xi32, #tpu.memory_space<hbm>>
      %dma_wait3A_860 = arith.constant 0 : i32
      %dma_wait3A_861 = tpu.memref_slice %arg2[%dma_wait3A_856, %dma_wait3A_860] : memref<26x16384xi32, #tpu.memory_space<hbm>> -> memref<1x4096xi32, #tpu.memory_space<hbm>>
      %dma_wait3A_862 = tpu.memref_squeeze %dma_wait3A_861 : memref<1x4096xi32, #tpu.memory_space<hbm>> -> memref<4096xi32, #tpu.memory_space<hbm>>
      tpu.wait_dma2 semaphore(%arg16 : memref<!tpu.dma_semaphore, #tpu.memory_space<semaphore_mem>>) src(%dma_wait3A_862 : memref<4096xi32, #tpu.memory_space<hbm>>) dst(%arg8 : memref<4096xi32, #tpu.memory_space<vmem>>)
      %parallel_loop3A_863 = arith.constant 0 : i32
      %parallel_loop3A_864 = arith.constant 4096 : i32
      %parallel_loop3A_865 = arith.constant 16 : i32
      scf.for %parallel_loop3A_1030 = %parallel_loop3A_863 to %parallel_loop3A_864 step %parallel_loop3A_865  : i32 {
        %parallel_loop3A_1031 = arith.index_cast %parallel_loop3A_1030 : i32 to index
        %parallel_loop3A_1032 = tpu.vector_load %arg8[%parallel_loop3A_1031] {strides = array<i32>} : memref<4096xi32, #tpu.memory_space<vmem>>, vector<16xi32>,
        %parallel_loop3A_1033 = vector.bitcast %parallel_loop3A_1032 : vector<16xi32> to vector<16xi32>
        %parallel_loop3A_1034 = arith.constant 50048 : i32
        %parallel_loop3A_1035 = vector.broadcast %parallel_loop3A_1034 : i32 to vector<16xi32>
        %parallel_loop3A_1036 = arith.minui %parallel_loop3A_1033, %parallel_loop3A_1035 : vector<16xi32>
        %parallel_loop3A_1037 = vector.bitcast %parallel_loop3A_1036 : vector<16xi32> to vector<16xi32>
        %parallel_loop3A_1038 = tpu.vector_load_idx %arg9[%parallel_loop3A_1037] : memref<50064xf32, #tpu.memory_space<vmem>>[vector<16xi32>], vector<16xf32>,
        %parallel_loop3A_1039 = arith.constant 4096 : i32
        %parallel_loop3A_1040 = arith.addi %parallel_loop3A_1039, %parallel_loop3A_1030 : i32
        %parallel_loop3A_1041 = arith.index_cast %parallel_loop3A_1040 : i32 to index
        %parallel_loop3A_1042 = tpu.vector_load %arg11[%parallel_loop3A_1041] {strides = array<i32>} : memref<16384xf32, #tpu.memory_space<vmem>>, vector<16xf32>,
        tpu.vector_store %arg11[%parallel_loop3A_1041], %parallel_loop3A_1038 {add = true, strides = array<i32>} : memref<16384xf32, #tpu.memory_space<vmem>>, vector<16xf32>,
      } {sc.loop_unroll_factor = 4 : i64, sc.parallel_access}
      %dma_start3A_866 = arith.constant 0 : i32
      %dma_start3A_867 = tpu.memref_slice %arg2[%add3A_828, %dma_start3A_866] : memref<26x16384xi32, #tpu.memory_space<hbm>> -> memref<1x4096xi32, #tpu.memory_space<hbm>>
      %dma_start3A_868 = tpu.memref_squeeze %dma_start3A_867 : memref<1x4096xi32, #tpu.memory_space<hbm>> -> memref<4096xi32, #tpu.memory_space<hbm>>
      %dma_start3A_869 = arith.constant 0 : i32
      %dma_start3A_870 = tpu.memref_slice %arg2[%add3A_828, %dma_start3A_869] : memref<26x16384xi32, #tpu.memory_space<hbm>> -> memref<1x4096xi32, #tpu.memory_space<hbm>>
      %dma_start3A_871 = tpu.memref_squeeze %dma_start3A_870 : memref<1x4096xi32, #tpu.memory_space<hbm>> -> memref<4096xi32, #tpu.memory_space<hbm>>
      tpu.enqueue_dma source(%dma_start3A_871 : memref<4096xi32, #tpu.memory_space<hbm>>) target(%arg8 : memref<4096xi32, #tpu.memory_space<vmem>>) target_semaphore(%arg16 : memref<!tpu.dma_semaphore, #tpu.memory_space<semaphore_mem>>)
      %dma_wait3A_872 = arith.constant 0 : i32
      %dma_wait3A_873 = arith.constant 0 : i32
      %dma_wait3A_874 = tpu.memref_slice %arg2[%dma_wait3A_872, %dma_wait3A_873] : memref<26x16384xi32, #tpu.memory_space<hbm>> -> memref<1x4096xi32, #tpu.memory_space<hbm>>
      %dma_wait3A_875 = tpu.memref_squeeze %dma_wait3A_874 : memref<1x4096xi32, #tpu.memory_space<hbm>> -> memref<4096xi32, #tpu.memory_space<hbm>>
      %dma_wait3A_876 = arith.constant 0 : i32
      %dma_wait3A_877 = tpu.memref_slice %arg2[%dma_wait3A_872, %dma_wait3A_876] : memref<26x16384xi32, #tpu.memory_space<hbm>> -> memref<1x4096xi32, #tpu.memory_space<hbm>>
      %dma_wait3A_878 = tpu.memref_squeeze %dma_wait3A_877 : memref<1x4096xi32, #tpu.memory_space<hbm>> -> memref<4096xi32, #tpu.memory_space<hbm>>
      tpu.wait_dma2 semaphore(%arg14 : memref<!tpu.dma_semaphore, #tpu.memory_space<semaphore_mem>>) src(%dma_wait3A_878 : memref<4096xi32, #tpu.memory_space<hbm>>) dst(%arg6 : memref<4096xi32, #tpu.memory_space<vmem>>)
      %parallel_loop3A_879 = arith.constant 0 : i32
      %parallel_loop3A_880 = arith.constant 4096 : i32
      %parallel_loop3A_881 = arith.constant 16 : i32
      scf.for %parallel_loop3A_1030 = %parallel_loop3A_879 to %parallel_loop3A_880 step %parallel_loop3A_881  : i32 {
        %parallel_loop3A_1031 = arith.index_cast %parallel_loop3A_1030 : i32 to index
        %parallel_loop3A_1032 = tpu.vector_load %arg6[%parallel_loop3A_1031] {strides = array<i32>} : memref<4096xi32, #tpu.memory_space<vmem>>, vector<16xi32>,
        %parallel_loop3A_1033 = vector.bitcast %parallel_loop3A_1032 : vector<16xi32> to vector<16xi32>
        %parallel_loop3A_1034 = arith.constant 50048 : i32
        %parallel_loop3A_1035 = vector.broadcast %parallel_loop3A_1034 : i32 to vector<16xi32>
        %parallel_loop3A_1036 = arith.minui %parallel_loop3A_1033, %parallel_loop3A_1035 : vector<16xi32>
        %parallel_loop3A_1037 = vector.bitcast %parallel_loop3A_1036 : vector<16xi32> to vector<16xi32>
        %parallel_loop3A_1038 = tpu.vector_load_idx %arg9[%parallel_loop3A_1037] : memref<50064xf32, #tpu.memory_space<vmem>>[vector<16xi32>], vector<16xf32>,
        %parallel_loop3A_1039 = arith.constant 8192 : i32
        %parallel_loop3A_1040 = arith.addi %parallel_loop3A_1039, %parallel_loop3A_1030 : i32
        %parallel_loop3A_1041 = arith.index_cast %parallel_loop3A_1040 : i32 to index
        %parallel_loop3A_1042 = tpu.vector_load %arg11[%parallel_loop3A_1041] {strides = array<i32>} : memref<16384xf32, #tpu.memory_space<vmem>>, vector<16xf32>,
        tpu.vector_store %arg11[%parallel_loop3A_1041], %parallel_loop3A_1038 {add = true, strides = array<i32>} : memref<16384xf32, #tpu.memory_space<vmem>>, vector<16xf32>,
      } {sc.loop_unroll_factor = 4 : i64, sc.parallel_access}
      %dma_start3A_882 = arith.constant 4096 : i32
      %dma_start3A_883 = tpu.memref_slice %arg2[%add3A_828, %dma_start3A_882] : memref<26x16384xi32, #tpu.memory_space<hbm>> -> memref<1x4096xi32, #tpu.memory_space<hbm>>
      %dma_start3A_884 = tpu.memref_squeeze %dma_start3A_883 : memref<1x4096xi32, #tpu.memory_space<hbm>> -> memref<4096xi32, #tpu.memory_space<hbm>>
      %dma_start3A_885 = arith.constant 4096 : i32
      %dma_start3A_886 = tpu.memref_slice %arg2[%add3A_828, %dma_start3A_885] : memref<26x16384xi32, #tpu.memory_space<hbm>> -> memref<1x4096xi32, #tpu.memory_space<hbm>>
      %dma_start3A_887 = tpu.memref_squeeze %dma_start3A_886 : memref<1x4096xi32, #tpu.memory_space<hbm>> -> memref<4096xi32, #tpu.memory_space<hbm>>
      tpu.enqueue_dma source(%dma_start3A_887 : memref<4096xi32, #tpu.memory_space<hbm>>) target(%arg6 : memref<4096xi32, #tpu.memory_space<vmem>>) target_semaphore(%arg14 : memref<!tpu.dma_semaphore, #tpu.memory_space<semaphore_mem>>)
      %dma_wait3A_888 = arith.constant 0 : i32
      %dma_wait3A_889 = arith.constant 0 : i32
      %dma_wait3A_890 = tpu.memref_slice %arg2[%dma_wait3A_888, %dma_wait3A_889] : memref<26x16384xi32, #tpu.memory_space<hbm>> -> memref<1x4096xi32, #tpu.memory_space<hbm>>
      %dma_wait3A_891 = tpu.memref_squeeze %dma_wait3A_890 : memref<1x4096xi32, #tpu.memory_space<hbm>> -> memref<4096xi32, #tpu.memory_space<hbm>>
      %dma_wait3A_892 = arith.constant 0 : i32
      %dma_wait3A_893 = tpu.memref_slice %arg2[%dma_wait3A_888, %dma_wait3A_892] : memref<26x16384xi32, #tpu.memory_space<hbm>> -> memref<1x4096xi32, #tpu.memory_space<hbm>>
      %dma_wait3A_894 = tpu.memref_squeeze %dma_wait3A_893 : memref<1x4096xi32, #tpu.memory_space<hbm>> -> memref<4096xi32, #tpu.memory_space<hbm>>
      tpu.wait_dma2 semaphore(%arg15 : memref<!tpu.dma_semaphore, #tpu.memory_space<semaphore_mem>>) src(%dma_wait3A_894 : memref<4096xi32, #tpu.memory_space<hbm>>) dst(%arg7 : memref<4096xi32, #tpu.memory_space<vmem>>)
      %parallel_loop3A_895 = arith.constant 0 : i32
      %parallel_loop3A_896 = arith.constant 4096 : i32
      %parallel_loop3A_897 = arith.constant 16 : i32
      scf.for %parallel_loop3A_1030 = %parallel_loop3A_895 to %parallel_loop3A_896 step %parallel_loop3A_897  : i32 {
        %parallel_loop3A_1031 = arith.index_cast %parallel_loop3A_1030 : i32 to index
        %parallel_loop3A_1032 = tpu.vector_load %arg7[%parallel_loop3A_1031] {strides = array<i32>} : memref<4096xi32, #tpu.memory_space<vmem>>, vector<16xi32>,
        %parallel_loop3A_1033 = vector.bitcast %parallel_loop3A_1032 : vector<16xi32> to vector<16xi32>
        %parallel_loop3A_1034 = arith.constant 50048 : i32
        %parallel_loop3A_1035 = vector.broadcast %parallel_loop3A_1034 : i32 to vector<16xi32>
        %parallel_loop3A_1036 = arith.minui %parallel_loop3A_1033, %parallel_loop3A_1035 : vector<16xi32>
        %parallel_loop3A_1037 = vector.bitcast %parallel_loop3A_1036 : vector<16xi32> to vector<16xi32>
        %parallel_loop3A_1038 = tpu.vector_load_idx %arg9[%parallel_loop3A_1037] : memref<50064xf32, #tpu.memory_space<vmem>>[vector<16xi32>], vector<16xf32>,
        %parallel_loop3A_1039 = arith.constant 12288 : i32
        %parallel_loop3A_1040 = arith.addi %parallel_loop3A_1039, %parallel_loop3A_1030 : i32
        %parallel_loop3A_1041 = arith.index_cast %parallel_loop3A_1040 : i32 to index
        %parallel_loop3A_1042 = tpu.vector_load %arg11[%parallel_loop3A_1041] {strides = array<i32>} : memref<16384xf32, #tpu.memory_space<vmem>>, vector<16xf32>,
        tpu.vector_store %arg11[%parallel_loop3A_1041], %parallel_loop3A_1038 {add = true, strides = array<i32>} : memref<16384xf32, #tpu.memory_space<vmem>>, vector<16xf32>,
      } {sc.loop_unroll_factor = 4 : i64, sc.parallel_access}
      %dma_start3A_898 = arith.constant 8192 : i32
      %dma_start3A_899 = tpu.memref_slice %arg2[%add3A_828, %dma_start3A_898] : memref<26x16384xi32, #tpu.memory_space<hbm>> -> memref<1x4096xi32, #tpu.memory_space<hbm>>
      %dma_start3A_900 = tpu.memref_squeeze %dma_start3A_899 : memref<1x4096xi32, #tpu.memory_space<hbm>> -> memref<4096xi32, #tpu.memory_space<hbm>>
      %dma_start3A_901 = arith.constant 8192 : i32
      %dma_start3A_902 = tpu.memref_slice %arg2[%add3A_828, %dma_start3A_901] : memref<26x16384xi32, #tpu.memory_space<hbm>> -> memref<1x4096xi32, #tpu.memory_space<hbm>>
      %dma_start3A_903 = tpu.memref_squeeze %dma_start3A_902 : memref<1x4096xi32, #tpu.memory_space<hbm>> -> memref<4096xi32, #tpu.memory_space<hbm>>
      tpu.enqueue_dma source(%dma_start3A_903 : memref<4096xi32, #tpu.memory_space<hbm>>) target(%arg7 : memref<4096xi32, #tpu.memory_space<vmem>>) target_semaphore(%arg15 : memref<!tpu.dma_semaphore, #tpu.memory_space<semaphore_mem>>)
      %add3A_904 = arith.constant 1 : i32
      %add3A_905 = arith.addi %add3A_828, %add3A_904 : i32
      %dma_start3A_906 = arith.constant 0 : i32
      %dma_start3A_907 = tpu.memref_slice %arg9[%dma_start3A_906] : memref<50064xf32, #tpu.memory_space<vmem>> -> memref<50048xf32, #tpu.memory_space<vmem>>
      %dma_start3A_908 = arith.constant 0 : i32
      %dma_start3A_909 = tpu.memref_slice %arg3[%add3A_905, %add3A, %dma_start3A_908] : memref<26x32x100000xf32, #tpu.memory_space<hbm>> -> memref<1x1x50048xf32, #tpu.memory_space<hbm>>
      %dma_start3A_910 = tpu.memref_squeeze %dma_start3A_909 : memref<1x1x50048xf32, #tpu.memory_space<hbm>> -> memref<50048xf32, #tpu.memory_space<hbm>>
      %dma_start3A_911 = arith.constant 0 : i32
      %dma_start3A_912 = tpu.memref_slice %arg9[%dma_start3A_911] : memref<50064xf32, #tpu.memory_space<vmem>> -> memref<50048xf32, #tpu.memory_space<vmem>>
      %dma_start3A_913 = arith.constant 0 : i32
      %dma_start3A_914 = tpu.memref_slice %arg3[%add3A_905, %add3A, %dma_start3A_913] : memref<26x32x100000xf32, #tpu.memory_space<hbm>> -> memref<1x1x50048xf32, #tpu.memory_space<hbm>>
      %dma_start3A_915 = tpu.memref_squeeze %dma_start3A_914 : memref<1x1x50048xf32, #tpu.memory_space<hbm>> -> memref<50048xf32, #tpu.memory_space<hbm>>
      tpu.enqueue_dma source(%dma_start3A_915 : memref<50048xf32, #tpu.memory_space<hbm>>) target(%dma_start3A_912 : memref<50048xf32, #tpu.memory_space<vmem>>) target_semaphore(%arg12 : memref<!tpu.dma_semaphore, #tpu.memory_space<semaphore_mem>>)
      %dma_wait3A_916 = arith.constant 0 : i32
      %dma_wait3A_917 = arith.constant 0 : i32
      %dma_wait3A_918 = tpu.memref_slice %arg10[%dma_wait3A_917] : memref<50048xf32, #tpu.memory_space<vmem>> -> memref<49920xf32, #tpu.memory_space<vmem>>
      %dma_wait3A_919 = arith.constant 50048 : i32
      %dma_wait3A_920 = tpu.memref_slice %arg3[%dma_wait3A_916, %add3A, %dma_wait3A_919] : memref<26x32x100000xf32, #tpu.memory_space<hbm>> -> memref<1x1x49920xf32, #tpu.memory_space<hbm>>
      %dma_wait3A_921 = tpu.memref_squeeze %dma_wait3A_920 : memref<1x1x49920xf32, #tpu.memory_space<hbm>> -> memref<49920xf32, #tpu.memory_space<hbm>>
      %dma_wait3A_922 = arith.constant 0 : i32
      %dma_wait3A_923 = tpu.memref_slice %arg10[%dma_wait3A_922] : memref<50048xf32, #tpu.memory_space<vmem>> -> memref<49920xf32, #tpu.memory_space<vmem>>
      %dma_wait3A_924 = arith.constant 50048 : i32
      %dma_wait3A_925 = tpu.memref_slice %arg3[%dma_wait3A_916, %add3A, %dma_wait3A_924] : memref<26x32x100000xf32, #tpu.memory_space<hbm>> -> memref<1x1x49920xf32, #tpu.memory_space<hbm>>
      %dma_wait3A_926 = tpu.memref_squeeze %dma_wait3A_925 : memref<1x1x49920xf32, #tpu.memory_space<hbm>> -> memref<49920xf32, #tpu.memory_space<hbm>>
      tpu.wait_dma2 semaphore(%arg13 : memref<!tpu.dma_semaphore, #tpu.memory_space<semaphore_mem>>) src(%dma_wait3A_926 : memref<49920xf32, #tpu.memory_space<hbm>>) dst(%dma_wait3A_923 : memref<49920xf32, #tpu.memory_space<vmem>>)
      %dma_wait3A_927 = arith.constant 0 : i32
      %dma_wait3A_928 = arith.constant 49920 : i32
      %dma_wait3A_929 = tpu.memref_slice %arg10[%dma_wait3A_928] : memref<50048xf32, #tpu.memory_space<vmem>> -> memref<128xf32, #tpu.memory_space<vmem>>
      %dma_wait3A_930 = arith.constant 0 : i32
      %dma_wait3A_931 = tpu.memref_slice %arg4[%dma_wait3A_927, %add3A, %dma_wait3A_930] : memref<26x32x128xf32, #tpu.memory_space<hbm>> -> memref<1x1x128xf32, #tpu.memory_space<hbm>>
      %dma_wait3A_932 = tpu.memref_squeeze %dma_wait3A_931 : memref<1x1x128xf32, #tpu.memory_space<hbm>> -> memref<128xf32, #tpu.memory_space<hbm>>
      %dma_wait3A_933 = arith.constant 49920 : i32
      %dma_wait3A_934 = tpu.memref_slice %arg10[%dma_wait3A_933] : memref<50048xf32, #tpu.memory_space<vmem>> -> memref<128xf32, #tpu.memory_space<vmem>>
      %dma_wait3A_935 = arith.constant 0 : i32
      %dma_wait3A_936 = tpu.memref_slice %arg4[%dma_wait3A_927, %add3A, %dma_wait3A_935] : memref<26x32x128xf32, #tpu.memory_space<hbm>> -> memref<1x1x128xf32, #tpu.memory_space<hbm>>
      %dma_wait3A_937 = tpu.memref_squeeze %dma_wait3A_936 : memref<1x1x128xf32, #tpu.memory_space<hbm>> -> memref<128xf32, #tpu.memory_space<hbm>>
      tpu.wait_dma2 semaphore(%arg13 : memref<!tpu.dma_semaphore, #tpu.memory_space<semaphore_mem>>) src(%dma_wait3A_937 : memref<128xf32, #tpu.memory_space<hbm>>) dst(%dma_wait3A_934 : memref<128xf32, #tpu.memory_space<vmem>>)
      %dma_wait3A_938 = arith.constant 0 : i32
      %dma_wait3A_939 = arith.constant 0 : i32
      %dma_wait3A_940 = tpu.memref_slice %arg2[%dma_wait3A_938, %dma_wait3A_939] : memref<26x16384xi32, #tpu.memory_space<hbm>> -> memref<1x4096xi32, #tpu.memory_space<hbm>>
      %dma_wait3A_941 = tpu.memref_squeeze %dma_wait3A_940 : memref<1x4096xi32, #tpu.memory_space<hbm>> -> memref<4096xi32, #tpu.memory_space<hbm>>
      %dma_wait3A_942 = arith.constant 0 : i32
      %dma_wait3A_943 = tpu.memref_slice %arg2[%dma_wait3A_938, %dma_wait3A_942] : memref<26x16384xi32, #tpu.memory_space<hbm>> -> memref<1x4096xi32, #tpu.memory_space<hbm>>
      %dma_wait3A_944 = tpu.memref_squeeze %dma_wait3A_943 : memref<1x4096xi32, #tpu.memory_space<hbm>> -> memref<4096xi32, #tpu.memory_space<hbm>>
      tpu.wait_dma2 semaphore(%arg16 : memref<!tpu.dma_semaphore, #tpu.memory_space<semaphore_mem>>) src(%dma_wait3A_944 : memref<4096xi32, #tpu.memory_space<hbm>>) dst(%arg8 : memref<4096xi32, #tpu.memory_space<vmem>>)
      %parallel_loop3A_945 = arith.constant 0 : i32
      %parallel_loop3A_946 = arith.constant 4096 : i32
      %parallel_loop3A_947 = arith.constant 16 : i32
      scf.for %parallel_loop3A_1030 = %parallel_loop3A_945 to %parallel_loop3A_946 step %parallel_loop3A_947  : i32 {
        %parallel_loop3A_1031 = arith.index_cast %parallel_loop3A_1030 : i32 to index
        %parallel_loop3A_1032 = tpu.vector_load %arg8[%parallel_loop3A_1031] {strides = array<i32>} : memref<4096xi32, #tpu.memory_space<vmem>>, vector<16xi32>,
        %parallel_loop3A_1033 = arith.constant 50048 : i32
        %parallel_loop3A_1034 = vector.broadcast %parallel_loop3A_1033 : i32 to vector<16xi32>
        %parallel_loop3A_1035 = arith.subi %parallel_loop3A_1032, %parallel_loop3A_1034 : vector<16xi32>
        %parallel_loop3A_1036 = vector.bitcast %parallel_loop3A_1035 : vector<16xi32> to vector<16xi32>
        %parallel_loop3A_1037 = arith.constant 49952 : i32
        %parallel_loop3A_1038 = vector.broadcast %parallel_loop3A_1037 : i32 to vector<16xi32>
        %parallel_loop3A_1039 = arith.minui %parallel_loop3A_1036, %parallel_loop3A_1038 : vector<16xi32>
        %parallel_loop3A_1040 = vector.bitcast %parallel_loop3A_1039 : vector<16xi32> to vector<16xi32>
        %parallel_loop3A_1041 = tpu.vector_load_idx %arg10[%parallel_loop3A_1040] : memref<50048xf32, #tpu.memory_space<vmem>>[vector<16xi32>], vector<16xf32>,
        %parallel_loop3A_1042 = arith.constant 0 : i32
        %parallel_loop3A_1043 = arith.addi %parallel_loop3A_1042, %parallel_loop3A_1030 : i32
        %parallel_loop3A_1044 = arith.index_cast %parallel_loop3A_1043 : i32 to index
        %parallel_loop3A_1045 = tpu.vector_load %arg11[%parallel_loop3A_1044] {strides = array<i32>} : memref<16384xf32, #tpu.memory_space<vmem>>, vector<16xf32>,
        tpu.vector_store %arg11[%parallel_loop3A_1044], %parallel_loop3A_1041 {add = true, strides = array<i32>} : memref<16384xf32, #tpu.memory_space<vmem>>, vector<16xf32>,
      } {sc.loop_unroll_factor = 4 : i64, sc.parallel_access}
      %dma_start3A_948 = arith.constant 12288 : i32
      %dma_start3A_949 = tpu.memref_slice %arg2[%add3A_828, %dma_start3A_948] : memref<26x16384xi32, #tpu.memory_space<hbm>> -> memref<1x4096xi32, #tpu.memory_space<hbm>>
      %dma_start3A_950 = tpu.memref_squeeze %dma_start3A_949 : memref<1x4096xi32, #tpu.memory_space<hbm>> -> memref<4096xi32, #tpu.memory_space<hbm>>
      %dma_start3A_951 = arith.constant 12288 : i32
      %dma_start3A_952 = tpu.memref_slice %arg2[%add3A_828, %dma_start3A_951] : memref<26x16384xi32, #tpu.memory_space<hbm>> -> memref<1x4096xi32, #tpu.memory_space<hbm>>
      %dma_start3A_953 = tpu.memref_squeeze %dma_start3A_952 : memref<1x4096xi32, #tpu.memory_space<hbm>> -> memref<4096xi32, #tpu.memory_space<hbm>>
      tpu.enqueue_dma source(%dma_start3A_953 : memref<4096xi32, #tpu.memory_space<hbm>>) target(%arg8 : memref<4096xi32, #tpu.memory_space<vmem>>) target_semaphore(%arg16 : memref<!tpu.dma_semaphore, #tpu.memory_space<semaphore_mem>>)
      %dma_wait3A_954 = arith.constant 0 : i32
      %dma_wait3A_955 = arith.constant 0 : i32
      %dma_wait3A_956 = tpu.memref_slice %arg2[%dma_wait3A_954, %dma_wait3A_955] : memref<26x16384xi32, #tpu.memory_space<hbm>> -> memref<1x4096xi32, #tpu.memory_space<hbm>>
      %dma_wait3A_957 = tpu.memref_squeeze %dma_wait3A_956 : memref<1x4096xi32, #tpu.memory_space<hbm>> -> memref<4096xi32, #tpu.memory_space<hbm>>
      %dma_wait3A_958 = arith.constant 0 : i32
      %dma_wait3A_959 = tpu.memref_slice %arg2[%dma_wait3A_954, %dma_wait3A_958] : memref<26x16384xi32, #tpu.memory_space<hbm>> -> memref<1x4096xi32, #tpu.memory_space<hbm>>
      %dma_wait3A_960 = tpu.memref_squeeze %dma_wait3A_959 : memref<1x4096xi32, #tpu.memory_space<hbm>> -> memref<4096xi32, #tpu.memory_space<hbm>>
      tpu.wait_dma2 semaphore(%arg14 : memref<!tpu.dma_semaphore, #tpu.memory_space<semaphore_mem>>) src(%dma_wait3A_960 : memref<4096xi32, #tpu.memory_space<hbm>>) dst(%arg6 : memref<4096xi32, #tpu.memory_space<vmem>>)
      %parallel_loop3A_961 = arith.constant 0 : i32
      %parallel_loop3A_962 = arith.constant 4096 : i32
      %parallel_loop3A_963 = arith.constant 16 : i32
      scf.for %parallel_loop3A_1030 = %parallel_loop3A_961 to %parallel_loop3A_962 step %parallel_loop3A_963  : i32 {
        %parallel_loop3A_1031 = arith.index_cast %parallel_loop3A_1030 : i32 to index
        %parallel_loop3A_1032 = tpu.vector_load %arg6[%parallel_loop3A_1031] {strides = array<i32>} : memref<4096xi32, #tpu.memory_space<vmem>>, vector<16xi32>,
        %parallel_loop3A_1033 = arith.constant 50048 : i32
        %parallel_loop3A_1034 = vector.broadcast %parallel_loop3A_1033 : i32 to vector<16xi32>
        %parallel_loop3A_1035 = arith.subi %parallel_loop3A_1032, %parallel_loop3A_1034 : vector<16xi32>
        %parallel_loop3A_1036 = vector.bitcast %parallel_loop3A_1035 : vector<16xi32> to vector<16xi32>
        %parallel_loop3A_1037 = arith.constant 49952 : i32
        %parallel_loop3A_1038 = vector.broadcast %parallel_loop3A_1037 : i32 to vector<16xi32>
        %parallel_loop3A_1039 = arith.minui %parallel_loop3A_1036, %parallel_loop3A_1038 : vector<16xi32>
        %parallel_loop3A_1040 = vector.bitcast %parallel_loop3A_1039 : vector<16xi32> to vector<16xi32>
        %parallel_loop3A_1041 = tpu.vector_load_idx %arg10[%parallel_loop3A_1040] : memref<50048xf32, #tpu.memory_space<vmem>>[vector<16xi32>], vector<16xf32>,
        %parallel_loop3A_1042 = arith.constant 4096 : i32
        %parallel_loop3A_1043 = arith.addi %parallel_loop3A_1042, %parallel_loop3A_1030 : i32
        %parallel_loop3A_1044 = arith.index_cast %parallel_loop3A_1043 : i32 to index
        %parallel_loop3A_1045 = tpu.vector_load %arg11[%parallel_loop3A_1044] {strides = array<i32>} : memref<16384xf32, #tpu.memory_space<vmem>>, vector<16xf32>,
        tpu.vector_store %arg11[%parallel_loop3A_1044], %parallel_loop3A_1041 {add = true, strides = array<i32>} : memref<16384xf32, #tpu.memory_space<vmem>>, vector<16xf32>,
      } {sc.loop_unroll_factor = 4 : i64, sc.parallel_access}
      %add3A_964 = arith.constant 1 : i32
      %add3A_965 = arith.addi %add3A_828, %add3A_964 : i32
      %dma_start3A_966 = arith.constant 0 : i32
      %dma_start3A_967 = tpu.memref_slice %arg2[%add3A_965, %dma_start3A_966] : memref<26x16384xi32, #tpu.memory_space<hbm>> -> memref<1x4096xi32, #tpu.memory_space<hbm>>
      %dma_start3A_968 = tpu.memref_squeeze %dma_start3A_967 : memref<1x4096xi32, #tpu.memory_space<hbm>> -> memref<4096xi32, #tpu.memory_space<hbm>>
      %dma_start3A_969 = arith.constant 0 : i32
      %dma_start3A_970 = tpu.memref_slice %arg2[%add3A_965, %dma_start3A_969] : memref<26x16384xi32, #tpu.memory_space<hbm>> -> memref<1x4096xi32, #tpu.memory_space<hbm>>
      %dma_start3A_971 = tpu.memref_squeeze %dma_start3A_970 : memref<1x4096xi32, #tpu.memory_space<hbm>> -> memref<4096xi32, #tpu.memory_space<hbm>>
      tpu.enqueue_dma source(%dma_start3A_971 : memref<4096xi32, #tpu.memory_space<hbm>>) target(%arg6 : memref<4096xi32, #tpu.memory_space<vmem>>) target_semaphore(%arg14 : memref<!tpu.dma_semaphore, #tpu.memory_space<semaphore_mem>>)
      %dma_wait3A_972 = arith.constant 0 : i32
      %dma_wait3A_973 = arith.constant 0 : i32
      %dma_wait3A_974 = tpu.memref_slice %arg2[%dma_wait3A_972, %dma_wait3A_973] : memref<26x16384xi32, #tpu.memory_space<hbm>> -> memref<1x4096xi32, #tpu.memory_space<hbm>>
      %dma_wait3A_975 = tpu.memref_squeeze %dma_wait3A_974 : memref<1x4096xi32, #tpu.memory_space<hbm>> -> memref<4096xi32, #tpu.memory_space<hbm>>
      %dma_wait3A_976 = arith.constant 0 : i32
      %dma_wait3A_977 = tpu.memref_slice %arg2[%dma_wait3A_972, %dma_wait3A_976] : memref<26x16384xi32, #tpu.memory_space<hbm>> -> memref<1x4096xi32, #tpu.memory_space<hbm>>
      %dma_wait3A_978 = tpu.memref_squeeze %dma_wait3A_977 : memref<1x4096xi32, #tpu.memory_space<hbm>> -> memref<4096xi32, #tpu.memory_space<hbm>>
      tpu.wait_dma2 semaphore(%arg15 : memref<!tpu.dma_semaphore, #tpu.memory_space<semaphore_mem>>) src(%dma_wait3A_978 : memref<4096xi32, #tpu.memory_space<hbm>>) dst(%arg7 : memref<4096xi32, #tpu.memory_space<vmem>>)
      %parallel_loop3A_979 = arith.constant 0 : i32
      %parallel_loop3A_980 = arith.constant 4096 : i32
      %parallel_loop3A_981 = arith.constant 16 : i32
      scf.for %parallel_loop3A_1030 = %parallel_loop3A_979 to %parallel_loop3A_980 step %parallel_loop3A_981  : i32 {
        %parallel_loop3A_1031 = arith.index_cast %parallel_loop3A_1030 : i32 to index
        %parallel_loop3A_1032 = tpu.vector_load %arg7[%parallel_loop3A_1031] {strides = array<i32>} : memref<4096xi32, #tpu.memory_space<vmem>>, vector<16xi32>,
        %parallel_loop3A_1033 = arith.constant 50048 : i32
        %parallel_loop3A_1034 = vector.broadcast %parallel_loop3A_1033 : i32 to vector<16xi32>
        %parallel_loop3A_1035 = arith.subi %parallel_loop3A_1032, %parallel_loop3A_1034 : vector<16xi32>
        %parallel_loop3A_1036 = vector.bitcast %parallel_loop3A_1035 : vector<16xi32> to vector<16xi32>
        %parallel_loop3A_1037 = arith.constant 49952 : i32
        %parallel_loop3A_1038 = vector.broadcast %parallel_loop3A_1037 : i32 to vector<16xi32>
        %parallel_loop3A_1039 = arith.minui %parallel_loop3A_1036, %parallel_loop3A_1038 : vector<16xi32>
        %parallel_loop3A_1040 = vector.bitcast %parallel_loop3A_1039 : vector<16xi32> to vector<16xi32>
        %parallel_loop3A_1041 = tpu.vector_load_idx %arg10[%parallel_loop3A_1040] : memref<50048xf32, #tpu.memory_space<vmem>>[vector<16xi32>], vector<16xf32>,
        %parallel_loop3A_1042 = arith.constant 8192 : i32
        %parallel_loop3A_1043 = arith.addi %parallel_loop3A_1042, %parallel_loop3A_1030 : i32
        %parallel_loop3A_1044 = arith.index_cast %parallel_loop3A_1043 : i32 to index
        %parallel_loop3A_1045 = tpu.vector_load %arg11[%parallel_loop3A_1044] {strides = array<i32>} : memref<16384xf32, #tpu.memory_space<vmem>>, vector<16xf32>,
        tpu.vector_store %arg11[%parallel_loop3A_1044], %parallel_loop3A_1041 {add = true, strides = array<i32>} : memref<16384xf32, #tpu.memory_space<vmem>>, vector<16xf32>,
      } {sc.loop_unroll_factor = 4 : i64, sc.parallel_access}
      %add3A_982 = arith.constant 1 : i32
      %add3A_983 = arith.addi %add3A_828, %add3A_982 : i32
      %dma_start3A_984 = arith.constant 4096 : i32
      %dma_start3A_985 = tpu.memref_slice %arg2[%add3A_983, %dma_start3A_984] : memref<26x16384xi32, #tpu.memory_space<hbm>> -> memref<1x4096xi32, #tpu.memory_space<hbm>>
      %dma_start3A_986 = tpu.memref_squeeze %dma_start3A_985 : memref<1x4096xi32, #tpu.memory_space<hbm>> -> memref<4096xi32, #tpu.memory_space<hbm>>
      %dma_start3A_987 = arith.constant 4096 : i32
      %dma_start3A_988 = tpu.memref_slice %arg2[%add3A_983, %dma_start3A_987] : memref<26x16384xi32, #tpu.memory_space<hbm>> -> memref<1x4096xi32, #tpu.memory_space<hbm>>
      %dma_start3A_989 = tpu.memref_squeeze %dma_start3A_988 : memref<1x4096xi32, #tpu.memory_space<hbm>> -> memref<4096xi32, #tpu.memory_space<hbm>>
      tpu.enqueue_dma source(%dma_start3A_989 : memref<4096xi32, #tpu.memory_space<hbm>>) target(%arg7 : memref<4096xi32, #tpu.memory_space<vmem>>) target_semaphore(%arg15 : memref<!tpu.dma_semaphore, #tpu.memory_space<semaphore_mem>>)
      %dma_wait3A_990 = arith.constant 0 : i32
      %dma_wait3A_991 = arith.constant 0 : i32
      %dma_wait3A_992 = tpu.memref_slice %arg2[%dma_wait3A_990, %dma_wait3A_991] : memref<26x16384xi32, #tpu.memory_space<hbm>> -> memref<1x4096xi32, #tpu.memory_space<hbm>>
      %dma_wait3A_993 = tpu.memref_squeeze %dma_wait3A_992 : memref<1x4096xi32, #tpu.memory_space<hbm>> -> memref<4096xi32, #tpu.memory_space<hbm>>
      %dma_wait3A_994 = arith.constant 0 : i32
      %dma_wait3A_995 = tpu.memref_slice %arg2[%dma_wait3A_990, %dma_wait3A_994] : memref<26x16384xi32, #tpu.memory_space<hbm>> -> memref<1x4096xi32, #tpu.memory_space<hbm>>
      %dma_wait3A_996 = tpu.memref_squeeze %dma_wait3A_995 : memref<1x4096xi32, #tpu.memory_space<hbm>> -> memref<4096xi32, #tpu.memory_space<hbm>>
      tpu.wait_dma2 semaphore(%arg16 : memref<!tpu.dma_semaphore, #tpu.memory_space<semaphore_mem>>) src(%dma_wait3A_996 : memref<4096xi32, #tpu.memory_space<hbm>>) dst(%arg8 : memref<4096xi32, #tpu.memory_space<vmem>>)
      %parallel_loop3A_997 = arith.constant 0 : i32
      %parallel_loop3A_998 = arith.constant 4096 : i32
      %parallel_loop3A_999 = arith.constant 16 : i32
      scf.for %parallel_loop3A_1030 = %parallel_loop3A_997 to %parallel_loop3A_998 step %parallel_loop3A_999  : i32 {
        %parallel_loop3A_1031 = arith.index_cast %parallel_loop3A_1030 : i32 to index
        %parallel_loop3A_1032 = tpu.vector_load %arg8[%parallel_loop3A_1031] {strides = array<i32>} : memref<4096xi32, #tpu.memory_space<vmem>>, vector<16xi32>,
        %parallel_loop3A_1033 = arith.constant 50048 : i32
        %parallel_loop3A_1034 = vector.broadcast %parallel_loop3A_1033 : i32 to vector<16xi32>
        %parallel_loop3A_1035 = arith.subi %parallel_loop3A_1032, %parallel_loop3A_1034 : vector<16xi32>
        %parallel_loop3A_1036 = vector.bitcast %parallel_loop3A_1035 : vector<16xi32> to vector<16xi32>
        %parallel_loop3A_1037 = arith.constant 49952 : i32
        %parallel_loop3A_1038 = vector.broadcast %parallel_loop3A_1037 : i32 to vector<16xi32>
        %parallel_loop3A_1039 = arith.minui %parallel_loop3A_1036, %parallel_loop3A_1038 : vector<16xi32>
        %parallel_loop3A_1040 = vector.bitcast %parallel_loop3A_1039 : vector<16xi32> to vector<16xi32>
        %parallel_loop3A_1041 = tpu.vector_load_idx %arg10[%parallel_loop3A_1040] : memref<50048xf32, #tpu.memory_space<vmem>>[vector<16xi32>], vector<16xf32>,
        %parallel_loop3A_1042 = arith.constant 12288 : i32
        %parallel_loop3A_1043 = arith.addi %parallel_loop3A_1042, %parallel_loop3A_1030 : i32
        %parallel_loop3A_1044 = arith.index_cast %parallel_loop3A_1043 : i32 to index
        %parallel_loop3A_1045 = tpu.vector_load %arg11[%parallel_loop3A_1044] {strides = array<i32>} : memref<16384xf32, #tpu.memory_space<vmem>>, vector<16xf32>,
        tpu.vector_store %arg11[%parallel_loop3A_1044], %parallel_loop3A_1041 {add = true, strides = array<i32>} : memref<16384xf32, #tpu.memory_space<vmem>>, vector<16xf32>,
      } {sc.loop_unroll_factor = 4 : i64, sc.parallel_access}
      %add3A_1000 = arith.constant 1 : i32
      %add3A_1001 = arith.addi %add3A_828, %add3A_1000 : i32
      %dma_start3A_1002 = arith.constant 8192 : i32
      %dma_start3A_1003 = tpu.memref_slice %arg2[%add3A_1001, %dma_start3A_1002] : memref<26x16384xi32, #tpu.memory_space<hbm>> -> memref<1x4096xi32, #tpu.memory_space<hbm>>
      %dma_start3A_1004 = tpu.memref_squeeze %dma_start3A_1003 : memref<1x4096xi32, #tpu.memory_space<hbm>> -> memref<4096xi32, #tpu.memory_space<hbm>>
      %dma_start3A_1005 = arith.constant 8192 : i32
      %dma_start3A_1006 = tpu.memref_slice %arg2[%add3A_1001, %dma_start3A_1005] : memref<26x16384xi32, #tpu.memory_space<hbm>> -> memref<1x4096xi32, #tpu.memory_space<hbm>>
      %dma_start3A_1007 = tpu.memref_squeeze %dma_start3A_1006 : memref<1x4096xi32, #tpu.memory_space<hbm>> -> memref<4096xi32, #tpu.memory_space<hbm>>
      tpu.enqueue_dma source(%dma_start3A_1007 : memref<4096xi32, #tpu.memory_space<hbm>>) target(%arg8 : memref<4096xi32, #tpu.memory_space<vmem>>) target_semaphore(%arg16 : memref<!tpu.dma_semaphore, #tpu.memory_space<semaphore_mem>>)
      %add3A_1008 = arith.constant 1 : i32
      %add3A_1009 = arith.addi %add3A_828, %add3A_1008 : i32
      %dma_start3A_1010 = arith.constant 0 : i32
      %dma_start3A_1011 = tpu.memref_slice %arg10[%dma_start3A_1010] : memref<50048xf32, #tpu.memory_space<vmem>> -> memref<49920xf32, #tpu.memory_space<vmem>>
      %dma_start3A_1012 = arith.constant 50048 : i32
      %dma_start3A_1013 = tpu.memref_slice %arg3[%add3A_1009, %add3A, %dma_start3A_1012] : memref<26x32x100000xf32, #tpu.memory_space<hbm>> -> memref<1x1x49920xf32, #tpu.memory_space<hbm>>
      %dma_start3A_1014 = tpu.memref_squeeze %dma_start3A_1013 : memref<1x1x49920xf32, #tpu.memory_space<hbm>> -> memref<49920xf32, #tpu.memory_space<hbm>>
      %dma_start3A_1015 = arith.constant 0 : i32
      %dma_start3A_1016 = tpu.memref_slice %arg10[%dma_start3A_1015] : memref<50048xf32, #tpu.memory_space<vmem>> -> memref<49920xf32, #tpu.memory_space<vmem>>
      %dma_start3A_1017 = arith.constant 50048 : i32
      %dma_start3A_1018 = tpu.memref_slice %arg3[%add3A_1009, %add3A, %dma_start3A_1017] : memref<26x32x100000xf32, #tpu.memory_space<hbm>> -> memref<1x1x49920xf32, #tpu.memory_space<hbm>>
      %dma_start3A_1019 = tpu.memref_squeeze %dma_start3A_1018 : memref<1x1x49920xf32, #tpu.memory_space<hbm>> -> memref<49920xf32, #tpu.memory_space<hbm>>
      tpu.enqueue_dma source(%dma_start3A_1019 : memref<49920xf32, #tpu.memory_space<hbm>>) target(%dma_start3A_1016 : memref<49920xf32, #tpu.memory_space<vmem>>) target_semaphore(%arg13 : memref<!tpu.dma_semaphore, #tpu.memory_space<semaphore_mem>>)
      %dma_start3A_1020 = arith.constant 49920 : i32
      %dma_start3A_1021 = tpu.memref_slice %arg10[%dma_start3A_1020] : memref<50048xf32, #tpu.memory_space<vmem>> -> memref<128xf32, #tpu.memory_space<vmem>>
      %dma_start3A_1022 = arith.constant 0 : i32
      %dma_start3A_1023 = tpu.memref_slice %arg4[%add3A_1009, %add3A, %dma_start3A_1022] : memref<26x32x128xf32, #tpu.memory_space<hbm>> -> memref<1x1x128xf32, #tpu.memory_space<hbm>>
      %dma_start3A_1024 = tpu.memref_squeeze %dma_start3A_1023 : memref<1x1x128xf32, #tpu.memory_space<hbm>> -> memref<128xf32, #tpu.memory_space<hbm>>
      %dma_start3A_1025 = arith.constant 49920 : i32
      %dma_start3A_1026 = tpu.memref_slice %arg10[%dma_start3A_1025] : memref<50048xf32, #tpu.memory_space<vmem>> -> memref<128xf32, #tpu.memory_space<vmem>>
      %dma_start3A_1027 = arith.constant 0 : i32
      %dma_start3A_1028 = tpu.memref_slice %arg4[%add3A_1009, %add3A, %dma_start3A_1027] : memref<26x32x128xf32, #tpu.memory_space<hbm>> -> memref<1x1x128xf32, #tpu.memory_space<hbm>>
      %dma_start3A_1029 = tpu.memref_squeeze %dma_start3A_1028 : memref<1x1x128xf32, #tpu.memory_space<hbm>> -> memref<128xf32, #tpu.memory_space<hbm>>
      tpu.enqueue_dma source(%dma_start3A_1029 : memref<128xf32, #tpu.memory_space<hbm>>) target(%dma_start3A_1026 : memref<128xf32, #tpu.memory_space<vmem>>) target_semaphore(%arg13 : memref<!tpu.dma_semaphore, #tpu.memory_space<semaphore_mem>>)
    }
    %scan3A_61 = arith.constant 8 : i32
    %dma_wait3A = arith.constant 0 : i32
    %dma_wait3A_62 = arith.constant 0 : i32
    %dma_wait3A_63 = tpu.memref_slice %arg9[%dma_wait3A_62] : memref<50064xf32, #tpu.memory_space<vmem>> -> memref<50048xf32, #tpu.memory_space<vmem>>
    %dma_wait3A_64 = arith.constant 0 : i32
    %dma_wait3A_65 = tpu.memref_slice %arg3[%dma_wait3A, %add3A, %dma_wait3A_64] : memref<26x32x100000xf32, #tpu.memory_space<hbm>> -> memref<1x1x50048xf32, #tpu.memory_space<hbm>>
    %dma_wait3A_66 = tpu.memref_squeeze %dma_wait3A_65 : memref<1x1x50048xf32, #tpu.memory_space<hbm>> -> memref<50048xf32, #tpu.memory_space<hbm>>
    %dma_wait3A_67 = arith.constant 0 : i32
    %dma_wait3A_68 = tpu.memref_slice %arg9[%dma_wait3A_67] : memref<50064xf32, #tpu.memory_space<vmem>> -> memref<50048xf32, #tpu.memory_space<vmem>>
    %dma_wait3A_69 = arith.constant 0 : i32
    %dma_wait3A_70 = tpu.memref_slice %arg3[%dma_wait3A, %add3A, %dma_wait3A_69] : memref<26x32x100000xf32, #tpu.memory_space<hbm>> -> memref<1x1x50048xf32, #tpu.memory_space<hbm>>
    %dma_wait3A_71 = tpu.memref_squeeze %dma_wait3A_70 : memref<1x1x50048xf32, #tpu.memory_space<hbm>> -> memref<50048xf32, #tpu.memory_space<hbm>>
    tpu.wait_dma2 semaphore(%arg12 : memref<!tpu.dma_semaphore, #tpu.memory_space<semaphore_mem>>) src(%dma_wait3A_71 : memref<50048xf32, #tpu.memory_space<hbm>>) dst(%dma_wait3A_68 : memref<50048xf32, #tpu.memory_space<vmem>>)
    %dma_wait3A_72 = arith.constant 0 : i32
    %dma_wait3A_73 = arith.constant 0 : i32
    %dma_wait3A_74 = tpu.memref_slice %arg2[%dma_wait3A_72, %dma_wait3A_73] : memref<26x16384xi32, #tpu.memory_space<hbm>> -> memref<1x4096xi32, #tpu.memory_space<hbm>>
    %dma_wait3A_75 = tpu.memref_squeeze %dma_wait3A_74 : memref<1x4096xi32, #tpu.memory_space<hbm>> -> memref<4096xi32, #tpu.memory_space<hbm>>
    %dma_wait3A_76 = arith.constant 0 : i32
    %dma_wait3A_77 = tpu.memref_slice %arg2[%dma_wait3A_72, %dma_wait3A_76] : memref<26x16384xi32, #tpu.memory_space<hbm>> -> memref<1x4096xi32, #tpu.memory_space<hbm>>
    %dma_wait3A_78 = tpu.memref_squeeze %dma_wait3A_77 : memref<1x4096xi32, #tpu.memory_space<hbm>> -> memref<4096xi32, #tpu.memory_space<hbm>>
    tpu.wait_dma2 semaphore(%arg14 : memref<!tpu.dma_semaphore, #tpu.memory_space<semaphore_mem>>) src(%dma_wait3A_78 : memref<4096xi32, #tpu.memory_space<hbm>>) dst(%arg6 : memref<4096xi32, #tpu.memory_space<vmem>>)
    %parallel_loop3A_79 = arith.constant 0 : i32
    %parallel_loop3A_80 = arith.constant 4096 : i32
    %parallel_loop3A_81 = arith.constant 16 : i32
    scf.for %parallel_loop3A_414 = %parallel_loop3A_79 to %parallel_loop3A_80 step %parallel_loop3A_81  : i32 {
      %parallel_loop3A_415 = arith.index_cast %parallel_loop3A_414 : i32 to index
      %parallel_loop3A_416 = tpu.vector_load %arg6[%parallel_loop3A_415] {strides = array<i32>} : memref<4096xi32, #tpu.memory_space<vmem>>, vector<16xi32>,
      %parallel_loop3A_417 = vector.bitcast %parallel_loop3A_416 : vector<16xi32> to vector<16xi32>
      %parallel_loop3A_418 = arith.constant 50048 : i32
      %parallel_loop3A_419 = vector.broadcast %parallel_loop3A_418 : i32 to vector<16xi32>
      %parallel_loop3A_420 = arith.minui %parallel_loop3A_417, %parallel_loop3A_419 : vector<16xi32>
      %parallel_loop3A_421 = vector.bitcast %parallel_loop3A_420 : vector<16xi32> to vector<16xi32>
      %parallel_loop3A_422 = tpu.vector_load_idx %arg9[%parallel_loop3A_421] : memref<50064xf32, #tpu.memory_space<vmem>>[vector<16xi32>], vector<16xf32>,
      %parallel_loop3A_423 = arith.constant 0 : i32
      %parallel_loop3A_424 = arith.addi %parallel_loop3A_423, %parallel_loop3A_414 : i32
      %parallel_loop3A_425 = arith.index_cast %parallel_loop3A_424 : i32 to index
      %parallel_loop3A_426 = tpu.vector_load %arg11[%parallel_loop3A_425] {strides = array<i32>} : memref<16384xf32, #tpu.memory_space<vmem>>, vector<16xf32>,
      tpu.vector_store %arg11[%parallel_loop3A_425], %parallel_loop3A_422 {add = true, strides = array<i32>} : memref<16384xf32, #tpu.memory_space<vmem>>, vector<16xf32>,
    } {sc.loop_unroll_factor = 4 : i64, sc.parallel_access}
    %dma_start3A_82 = arith.constant 24 : i32
    %dma_start3A_83 = arith.constant 12288 : i32
    %dma_start3A_84 = tpu.memref_slice %arg2[%dma_start3A_82, %dma_start3A_83] : memref<26x16384xi32, #tpu.memory_space<hbm>> -> memref<1x4096xi32, #tpu.memory_space<hbm>>
    %dma_start3A_85 = tpu.memref_squeeze %dma_start3A_84 : memref<1x4096xi32, #tpu.memory_space<hbm>> -> memref<4096xi32, #tpu.memory_space<hbm>>
    %dma_start3A_86 = arith.constant 12288 : i32
    %dma_start3A_87 = tpu.memref_slice %arg2[%dma_start3A_82, %dma_start3A_86] : memref<26x16384xi32, #tpu.memory_space<hbm>> -> memref<1x4096xi32, #tpu.memory_space<hbm>>
    %dma_start3A_88 = tpu.memref_squeeze %dma_start3A_87 : memref<1x4096xi32, #tpu.memory_space<hbm>> -> memref<4096xi32, #tpu.memory_space<hbm>>
    tpu.enqueue_dma source(%dma_start3A_88 : memref<4096xi32, #tpu.memory_space<hbm>>) target(%arg6 : memref<4096xi32, #tpu.memory_space<vmem>>) target_semaphore(%arg14 : memref<!tpu.dma_semaphore, #tpu.memory_space<semaphore_mem>>)
    %dma_wait3A_89 = arith.constant 0 : i32
    %dma_wait3A_90 = arith.constant 0 : i32
    %dma_wait3A_91 = tpu.memref_slice %arg2[%dma_wait3A_89, %dma_wait3A_90] : memref<26x16384xi32, #tpu.memory_space<hbm>> -> memref<1x4096xi32, #tpu.memory_space<hbm>>
    %dma_wait3A_92 = tpu.memref_squeeze %dma_wait3A_91 : memref<1x4096xi32, #tpu.memory_space<hbm>> -> memref<4096xi32, #tpu.memory_space<hbm>>
    %dma_wait3A_93 = arith.constant 0 : i32
    %dma_wait3A_94 = tpu.memref_slice %arg2[%dma_wait3A_89, %dma_wait3A_93] : memref<26x16384xi32, #tpu.memory_space<hbm>> -> memref<1x4096xi32, #tpu.memory_space<hbm>>
    %dma_wait3A_95 = tpu.memref_squeeze %dma_wait3A_94 : memref<1x4096xi32, #tpu.memory_space<hbm>> -> memref<4096xi32, #tpu.memory_space<hbm>>
    tpu.wait_dma2 semaphore(%arg15 : memref<!tpu.dma_semaphore, #tpu.memory_space<semaphore_mem>>) src(%dma_wait3A_95 : memref<4096xi32, #tpu.memory_space<hbm>>) dst(%arg7 : memref<4096xi32, #tpu.memory_space<vmem>>)
    %parallel_loop3A_96 = arith.constant 0 : i32
    %parallel_loop3A_97 = arith.constant 4096 : i32
    %parallel_loop3A_98 = arith.constant 16 : i32
    scf.for %parallel_loop3A_414 = %parallel_loop3A_96 to %parallel_loop3A_97 step %parallel_loop3A_98  : i32 {
      %parallel_loop3A_415 = arith.index_cast %parallel_loop3A_414 : i32 to index
      %parallel_loop3A_416 = tpu.vector_load %arg7[%parallel_loop3A_415] {strides = array<i32>} : memref<4096xi32, #tpu.memory_space<vmem>>, vector<16xi32>,
      %parallel_loop3A_417 = vector.bitcast %parallel_loop3A_416 : vector<16xi32> to vector<16xi32>
      %parallel_loop3A_418 = arith.constant 50048 : i32
      %parallel_loop3A_419 = vector.broadcast %parallel_loop3A_418 : i32 to vector<16xi32>
      %parallel_loop3A_420 = arith.minui %parallel_loop3A_417, %parallel_loop3A_419 : vector<16xi32>
      %parallel_loop3A_421 = vector.bitcast %parallel_loop3A_420 : vector<16xi32> to vector<16xi32>
      %parallel_loop3A_422 = tpu.vector_load_idx %arg9[%parallel_loop3A_421] : memref<50064xf32, #tpu.memory_space<vmem>>[vector<16xi32>], vector<16xf32>,
      %parallel_loop3A_423 = arith.constant 4096 : i32
      %parallel_loop3A_424 = arith.addi %parallel_loop3A_423, %parallel_loop3A_414 : i32
      %parallel_loop3A_425 = arith.index_cast %parallel_loop3A_424 : i32 to index
      %parallel_loop3A_426 = tpu.vector_load %arg11[%parallel_loop3A_425] {strides = array<i32>} : memref<16384xf32, #tpu.memory_space<vmem>>, vector<16xf32>,
      tpu.vector_store %arg11[%parallel_loop3A_425], %parallel_loop3A_422 {add = true, strides = array<i32>} : memref<16384xf32, #tpu.memory_space<vmem>>, vector<16xf32>,
    } {sc.loop_unroll_factor = 4 : i64, sc.parallel_access}
    %dma_start3A_99 = arith.constant 24 : i32
    %dma_start3A_100 = arith.constant 0 : i32
    %dma_start3A_101 = tpu.memref_slice %arg2[%dma_start3A_99, %dma_start3A_100] : memref<26x16384xi32, #tpu.memory_space<hbm>> -> memref<1x4096xi32, #tpu.memory_space<hbm>>
    %dma_start3A_102 = tpu.memref_squeeze %dma_start3A_101 : memref<1x4096xi32, #tpu.memory_space<hbm>> -> memref<4096xi32, #tpu.memory_space<hbm>>
    %dma_start3A_103 = arith.constant 0 : i32
    %dma_start3A_104 = tpu.memref_slice %arg2[%dma_start3A_99, %dma_start3A_103] : memref<26x16384xi32, #tpu.memory_space<hbm>> -> memref<1x4096xi32, #tpu.memory_space<hbm>>
    %dma_start3A_105 = tpu.memref_squeeze %dma_start3A_104 : memref<1x4096xi32, #tpu.memory_space<hbm>> -> memref<4096xi32, #tpu.memory_space<hbm>>
    tpu.enqueue_dma source(%dma_start3A_105 : memref<4096xi32, #tpu.memory_space<hbm>>) target(%arg7 : memref<4096xi32, #tpu.memory_space<vmem>>) target_semaphore(%arg15 : memref<!tpu.dma_semaphore, #tpu.memory_space<semaphore_mem>>)
    %dma_wait3A_106 = arith.constant 0 : i32
    %dma_wait3A_107 = arith.constant 0 : i32
    %dma_wait3A_108 = tpu.memref_slice %arg2[%dma_wait3A_106, %dma_wait3A_107] : memref<26x16384xi32, #tpu.memory_space<hbm>> -> memref<1x4096xi32, #tpu.memory_space<hbm>>
    %dma_wait3A_109 = tpu.memref_squeeze %dma_wait3A_108 : memref<1x4096xi32, #tpu.memory_space<hbm>> -> memref<4096xi32, #tpu.memory_space<hbm>>
    %dma_wait3A_110 = arith.constant 0 : i32
    %dma_wait3A_111 = tpu.memref_slice %arg2[%dma_wait3A_106, %dma_wait3A_110] : memref<26x16384xi32, #tpu.memory_space<hbm>> -> memref<1x4096xi32, #tpu.memory_space<hbm>>
    %dma_wait3A_112 = tpu.memref_squeeze %dma_wait3A_111 : memref<1x4096xi32, #tpu.memory_space<hbm>> -> memref<4096xi32, #tpu.memory_space<hbm>>
    tpu.wait_dma2 semaphore(%arg16 : memref<!tpu.dma_semaphore, #tpu.memory_space<semaphore_mem>>) src(%dma_wait3A_112 : memref<4096xi32, #tpu.memory_space<hbm>>) dst(%arg8 : memref<4096xi32, #tpu.memory_space<vmem>>)
    %parallel_loop3A_113 = arith.constant 0 : i32
    %parallel_loop3A_114 = arith.constant 4096 : i32
    %parallel_loop3A_115 = arith.constant 16 : i32
    scf.for %parallel_loop3A_414 = %parallel_loop3A_113 to %parallel_loop3A_114 step %parallel_loop3A_115  : i32 {
      %parallel_loop3A_415 = arith.index_cast %parallel_loop3A_414 : i32 to index
      %parallel_loop3A_416 = tpu.vector_load %arg8[%parallel_loop3A_415] {strides = array<i32>} : memref<4096xi32, #tpu.memory_space<vmem>>, vector<16xi32>,
      %parallel_loop3A_417 = vector.bitcast %parallel_loop3A_416 : vector<16xi32> to vector<16xi32>
      %parallel_loop3A_418 = arith.constant 50048 : i32
      %parallel_loop3A_419 = vector.broadcast %parallel_loop3A_418 : i32 to vector<16xi32>
      %parallel_loop3A_420 = arith.minui %parallel_loop3A_417, %parallel_loop3A_419 : vector<16xi32>
      %parallel_loop3A_421 = vector.bitcast %parallel_loop3A_420 : vector<16xi32> to vector<16xi32>
      %parallel_loop3A_422 = tpu.vector_load_idx %arg9[%parallel_loop3A_421] : memref<50064xf32, #tpu.memory_space<vmem>>[vector<16xi32>], vector<16xf32>,
      %parallel_loop3A_423 = arith.constant 8192 : i32
      %parallel_loop3A_424 = arith.addi %parallel_loop3A_423, %parallel_loop3A_414 : i32
      %parallel_loop3A_425 = arith.index_cast %parallel_loop3A_424 : i32 to index
      %parallel_loop3A_426 = tpu.vector_load %arg11[%parallel_loop3A_425] {strides = array<i32>} : memref<16384xf32, #tpu.memory_space<vmem>>, vector<16xf32>,
      tpu.vector_store %arg11[%parallel_loop3A_425], %parallel_loop3A_422 {add = true, strides = array<i32>} : memref<16384xf32, #tpu.memory_space<vmem>>, vector<16xf32>,
    } {sc.loop_unroll_factor = 4 : i64, sc.parallel_access}
    %dma_start3A_116 = arith.constant 24 : i32
    %dma_start3A_117 = arith.constant 4096 : i32
    %dma_start3A_118 = tpu.memref_slice %arg2[%dma_start3A_116, %dma_start3A_117] : memref<26x16384xi32, #tpu.memory_space<hbm>> -> memref<1x4096xi32, #tpu.memory_space<hbm>>
    %dma_start3A_119 = tpu.memref_squeeze %dma_start3A_118 : memref<1x4096xi32, #tpu.memory_space<hbm>> -> memref<4096xi32, #tpu.memory_space<hbm>>
    %dma_start3A_120 = arith.constant 4096 : i32
    %dma_start3A_121 = tpu.memref_slice %arg2[%dma_start3A_116, %dma_start3A_120] : memref<26x16384xi32, #tpu.memory_space<hbm>> -> memref<1x4096xi32, #tpu.memory_space<hbm>>
    %dma_start3A_122 = tpu.memref_squeeze %dma_start3A_121 : memref<1x4096xi32, #tpu.memory_space<hbm>> -> memref<4096xi32, #tpu.memory_space<hbm>>
    tpu.enqueue_dma source(%dma_start3A_122 : memref<4096xi32, #tpu.memory_space<hbm>>) target(%arg8 : memref<4096xi32, #tpu.memory_space<vmem>>) target_semaphore(%arg16 : memref<!tpu.dma_semaphore, #tpu.memory_space<semaphore_mem>>)
    %dma_wait3A_123 = arith.constant 0 : i32
    %dma_wait3A_124 = arith.constant 0 : i32
    %dma_wait3A_125 = tpu.memref_slice %arg2[%dma_wait3A_123, %dma_wait3A_124] : memref<26x16384xi32, #tpu.memory_space<hbm>> -> memref<1x4096xi32, #tpu.memory_space<hbm>>
    %dma_wait3A_126 = tpu.memref_squeeze %dma_wait3A_125 : memref<1x4096xi32, #tpu.memory_space<hbm>> -> memref<4096xi32, #tpu.memory_space<hbm>>
    %dma_wait3A_127 = arith.constant 0 : i32
    %dma_wait3A_128 = tpu.memref_slice %arg2[%dma_wait3A_123, %dma_wait3A_127] : memref<26x16384xi32, #tpu.memory_space<hbm>> -> memref<1x4096xi32, #tpu.memory_space<hbm>>
    %dma_wait3A_129 = tpu.memref_squeeze %dma_wait3A_128 : memref<1x4096xi32, #tpu.memory_space<hbm>> -> memref<4096xi32, #tpu.memory_space<hbm>>
    tpu.wait_dma2 semaphore(%arg14 : memref<!tpu.dma_semaphore, #tpu.memory_space<semaphore_mem>>) src(%dma_wait3A_129 : memref<4096xi32, #tpu.memory_space<hbm>>) dst(%arg6 : memref<4096xi32, #tpu.memory_space<vmem>>)
    %parallel_loop3A_130 = arith.constant 0 : i32
    %parallel_loop3A_131 = arith.constant 4096 : i32
    %parallel_loop3A_132 = arith.constant 16 : i32
    scf.for %parallel_loop3A_414 = %parallel_loop3A_130 to %parallel_loop3A_131 step %parallel_loop3A_132  : i32 {
      %parallel_loop3A_415 = arith.index_cast %parallel_loop3A_414 : i32 to index
      %parallel_loop3A_416 = tpu.vector_load %arg6[%parallel_loop3A_415] {strides = array<i32>} : memref<4096xi32, #tpu.memory_space<vmem>>, vector<16xi32>,
      %parallel_loop3A_417 = vector.bitcast %parallel_loop3A_416 : vector<16xi32> to vector<16xi32>
      %parallel_loop3A_418 = arith.constant 50048 : i32
      %parallel_loop3A_419 = vector.broadcast %parallel_loop3A_418 : i32 to vector<16xi32>
      %parallel_loop3A_420 = arith.minui %parallel_loop3A_417, %parallel_loop3A_419 : vector<16xi32>
      %parallel_loop3A_421 = vector.bitcast %parallel_loop3A_420 : vector<16xi32> to vector<16xi32>
      %parallel_loop3A_422 = tpu.vector_load_idx %arg9[%parallel_loop3A_421] : memref<50064xf32, #tpu.memory_space<vmem>>[vector<16xi32>], vector<16xf32>,
      %parallel_loop3A_423 = arith.constant 12288 : i32
      %parallel_loop3A_424 = arith.addi %parallel_loop3A_423, %parallel_loop3A_414 : i32
      %parallel_loop3A_425 = arith.index_cast %parallel_loop3A_424 : i32 to index
      %parallel_loop3A_426 = tpu.vector_load %arg11[%parallel_loop3A_425] {strides = array<i32>} : memref<16384xf32, #tpu.memory_space<vmem>>, vector<16xf32>,
      tpu.vector_store %arg11[%parallel_loop3A_425], %parallel_loop3A_422 {add = true, strides = array<i32>} : memref<16384xf32, #tpu.memory_space<vmem>>, vector<16xf32>,
    } {sc.loop_unroll_factor = 4 : i64, sc.parallel_access}
    %dma_start3A_133 = arith.constant 24 : i32
    %dma_start3A_134 = arith.constant 8192 : i32
    %dma_start3A_135 = tpu.memref_slice %arg2[%dma_start3A_133, %dma_start3A_134] : memref<26x16384xi32, #tpu.memory_space<hbm>> -> memref<1x4096xi32, #tpu.memory_space<hbm>>
    %dma_start3A_136 = tpu.memref_squeeze %dma_start3A_135 : memref<1x4096xi32, #tpu.memory_space<hbm>> -> memref<4096xi32, #tpu.memory_space<hbm>>
    %dma_start3A_137 = arith.constant 8192 : i32
    %dma_start3A_138 = tpu.memref_slice %arg2[%dma_start3A_133, %dma_start3A_137] : memref<26x16384xi32, #tpu.memory_space<hbm>> -> memref<1x4096xi32, #tpu.memory_space<hbm>>
    %dma_start3A_139 = tpu.memref_squeeze %dma_start3A_138 : memref<1x4096xi32, #tpu.memory_space<hbm>> -> memref<4096xi32, #tpu.memory_space<hbm>>
    tpu.enqueue_dma source(%dma_start3A_139 : memref<4096xi32, #tpu.memory_space<hbm>>) target(%arg6 : memref<4096xi32, #tpu.memory_space<vmem>>) target_semaphore(%arg14 : memref<!tpu.dma_semaphore, #tpu.memory_space<semaphore_mem>>)
    %dma_start3A_140 = arith.constant 25 : i32
    %dma_start3A_141 = arith.constant 0 : i32
    %dma_start3A_142 = tpu.memref_slice %arg9[%dma_start3A_141] : memref<50064xf32, #tpu.memory_space<vmem>> -> memref<50048xf32, #tpu.memory_space<vmem>>
    %dma_start3A_143 = arith.constant 0 : i32
    %dma_start3A_144 = tpu.memref_slice %arg3[%dma_start3A_140, %add3A, %dma_start3A_143] : memref<26x32x100000xf32, #tpu.memory_space<hbm>> -> memref<1x1x50048xf32, #tpu.memory_space<hbm>>
    %dma_start3A_145 = tpu.memref_squeeze %dma_start3A_144 : memref<1x1x50048xf32, #tpu.memory_space<hbm>> -> memref<50048xf32, #tpu.memory_space<hbm>>
    %dma_start3A_146 = arith.constant 0 : i32
    %dma_start3A_147 = tpu.memref_slice %arg9[%dma_start3A_146] : memref<50064xf32, #tpu.memory_space<vmem>> -> memref<50048xf32, #tpu.memory_space<vmem>>
    %dma_start3A_148 = arith.constant 0 : i32
    %dma_start3A_149 = tpu.memref_slice %arg3[%dma_start3A_140, %add3A, %dma_start3A_148] : memref<26x32x100000xf32, #tpu.memory_space<hbm>> -> memref<1x1x50048xf32, #tpu.memory_space<hbm>>
    %dma_start3A_150 = tpu.memref_squeeze %dma_start3A_149 : memref<1x1x50048xf32, #tpu.memory_space<hbm>> -> memref<50048xf32, #tpu.memory_space<hbm>>
    tpu.enqueue_dma source(%dma_start3A_150 : memref<50048xf32, #tpu.memory_space<hbm>>) target(%dma_start3A_147 : memref<50048xf32, #tpu.memory_space<vmem>>) target_semaphore(%arg12 : memref<!tpu.dma_semaphore, #tpu.memory_space<semaphore_mem>>)
    %dma_wait3A_151 = arith.constant 0 : i32
    %dma_wait3A_152 = arith.constant 0 : i32
    %dma_wait3A_153 = tpu.memref_slice %arg10[%dma_wait3A_152] : memref<50048xf32, #tpu.memory_space<vmem>> -> memref<49920xf32, #tpu.memory_space<vmem>>
    %dma_wait3A_154 = arith.constant 50048 : i32
    %dma_wait3A_155 = tpu.memref_slice %arg3[%dma_wait3A_151, %add3A, %dma_wait3A_154] : memref<26x32x100000xf32, #tpu.memory_space<hbm>> -> memref<1x1x49920xf32, #tpu.memory_space<hbm>>
    %dma_wait3A_156 = tpu.memref_squeeze %dma_wait3A_155 : memref<1x1x49920xf32, #tpu.memory_space<hbm>> -> memref<49920xf32, #tpu.memory_space<hbm>>
    %dma_wait3A_157 = arith.constant 0 : i32
    %dma_wait3A_158 = tpu.memref_slice %arg10[%dma_wait3A_157] : memref<50048xf32, #tpu.memory_space<vmem>> -> memref<49920xf32, #tpu.memory_space<vmem>>
    %dma_wait3A_159 = arith.constant 50048 : i32
    %dma_wait3A_160 = tpu.memref_slice %arg3[%dma_wait3A_151, %add3A, %dma_wait3A_159] : memref<26x32x100000xf32, #tpu.memory_space<hbm>> -> memref<1x1x49920xf32, #tpu.memory_space<hbm>>
    %dma_wait3A_161 = tpu.memref_squeeze %dma_wait3A_160 : memref<1x1x49920xf32, #tpu.memory_space<hbm>> -> memref<49920xf32, #tpu.memory_space<hbm>>
    tpu.wait_dma2 semaphore(%arg13 : memref<!tpu.dma_semaphore, #tpu.memory_space<semaphore_mem>>) src(%dma_wait3A_161 : memref<49920xf32, #tpu.memory_space<hbm>>) dst(%dma_wait3A_158 : memref<49920xf32, #tpu.memory_space<vmem>>)
    %dma_wait3A_162 = arith.constant 0 : i32
    %dma_wait3A_163 = arith.constant 49920 : i32
    %dma_wait3A_164 = tpu.memref_slice %arg10[%dma_wait3A_163] : memref<50048xf32, #tpu.memory_space<vmem>> -> memref<128xf32, #tpu.memory_space<vmem>>
    %dma_wait3A_165 = arith.constant 0 : i32
    %dma_wait3A_166 = tpu.memref_slice %arg4[%dma_wait3A_162, %add3A, %dma_wait3A_165] : memref<26x32x128xf32, #tpu.memory_space<hbm>> -> memref<1x1x128xf32, #tpu.memory_space<hbm>>
    %dma_wait3A_167 = tpu.memref_squeeze %dma_wait3A_166 : memref<1x1x128xf32, #tpu.memory_space<hbm>> -> memref<128xf32, #tpu.memory_space<hbm>>
    %dma_wait3A_168 = arith.constant 49920 : i32
    %dma_wait3A_169 = tpu.memref_slice %arg10[%dma_wait3A_168] : memref<50048xf32, #tpu.memory_space<vmem>> -> memref<128xf32, #tpu.memory_space<vmem>>
    %dma_wait3A_170 = arith.constant 0 : i32
    %dma_wait3A_171 = tpu.memref_slice %arg4[%dma_wait3A_162, %add3A, %dma_wait3A_170] : memref<26x32x128xf32, #tpu.memory_space<hbm>> -> memref<1x1x128xf32, #tpu.memory_space<hbm>>
    %dma_wait3A_172 = tpu.memref_squeeze %dma_wait3A_171 : memref<1x1x128xf32, #tpu.memory_space<hbm>> -> memref<128xf32, #tpu.memory_space<hbm>>
    tpu.wait_dma2 semaphore(%arg13 : memref<!tpu.dma_semaphore, #tpu.memory_space<semaphore_mem>>) src(%dma_wait3A_172 : memref<128xf32, #tpu.memory_space<hbm>>) dst(%dma_wait3A_169 : memref<128xf32, #tpu.memory_space<vmem>>)
    %dma_wait3A_173 = arith.constant 0 : i32
    %dma_wait3A_174 = arith.constant 0 : i32
    %dma_wait3A_175 = tpu.memref_slice %arg2[%dma_wait3A_173, %dma_wait3A_174] : memref<26x16384xi32, #tpu.memory_space<hbm>> -> memref<1x4096xi32, #tpu.memory_space<hbm>>
    %dma_wait3A_176 = tpu.memref_squeeze %dma_wait3A_175 : memref<1x4096xi32, #tpu.memory_space<hbm>> -> memref<4096xi32, #tpu.memory_space<hbm>>
    %dma_wait3A_177 = arith.constant 0 : i32
    %dma_wait3A_178 = tpu.memref_slice %arg2[%dma_wait3A_173, %dma_wait3A_177] : memref<26x16384xi32, #tpu.memory_space<hbm>> -> memref<1x4096xi32, #tpu.memory_space<hbm>>
    %dma_wait3A_179 = tpu.memref_squeeze %dma_wait3A_178 : memref<1x4096xi32, #tpu.memory_space<hbm>> -> memref<4096xi32, #tpu.memory_space<hbm>>
    tpu.wait_dma2 semaphore(%arg15 : memref<!tpu.dma_semaphore, #tpu.memory_space<semaphore_mem>>) src(%dma_wait3A_179 : memref<4096xi32, #tpu.memory_space<hbm>>) dst(%arg7 : memref<4096xi32, #tpu.memory_space<vmem>>)
    %parallel_loop3A_180 = arith.constant 0 : i32
    %parallel_loop3A_181 = arith.constant 4096 : i32
    %parallel_loop3A_182 = arith.constant 16 : i32
    scf.for %parallel_loop3A_414 = %parallel_loop3A_180 to %parallel_loop3A_181 step %parallel_loop3A_182  : i32 {
      %parallel_loop3A_415 = arith.index_cast %parallel_loop3A_414 : i32 to index
      %parallel_loop3A_416 = tpu.vector_load %arg7[%parallel_loop3A_415] {strides = array<i32>} : memref<4096xi32, #tpu.memory_space<vmem>>, vector<16xi32>,
      %parallel_loop3A_417 = arith.constant 50048 : i32
      %parallel_loop3A_418 = vector.broadcast %parallel_loop3A_417 : i32 to vector<16xi32>
      %parallel_loop3A_419 = arith.subi %parallel_loop3A_416, %parallel_loop3A_418 : vector<16xi32>
      %parallel_loop3A_420 = vector.bitcast %parallel_loop3A_419 : vector<16xi32> to vector<16xi32>
      %parallel_loop3A_421 = arith.constant 49952 : i32
      %parallel_loop3A_422 = vector.broadcast %parallel_loop3A_421 : i32 to vector<16xi32>
      %parallel_loop3A_423 = arith.minui %parallel_loop3A_420, %parallel_loop3A_422 : vector<16xi32>
      %parallel_loop3A_424 = vector.bitcast %parallel_loop3A_423 : vector<16xi32> to vector<16xi32>
      %parallel_loop3A_425 = tpu.vector_load_idx %arg10[%parallel_loop3A_424] : memref<50048xf32, #tpu.memory_space<vmem>>[vector<16xi32>], vector<16xf32>,
      %parallel_loop3A_426 = arith.constant 0 : i32
      %parallel_loop3A_427 = arith.addi %parallel_loop3A_426, %parallel_loop3A_414 : i32
      %parallel_loop3A_428 = arith.index_cast %parallel_loop3A_427 : i32 to index
      %parallel_loop3A_429 = tpu.vector_load %arg11[%parallel_loop3A_428] {strides = array<i32>} : memref<16384xf32, #tpu.memory_space<vmem>>, vector<16xf32>,
      tpu.vector_store %arg11[%parallel_loop3A_428], %parallel_loop3A_425 {add = true, strides = array<i32>} : memref<16384xf32, #tpu.memory_space<vmem>>, vector<16xf32>,
    } {sc.loop_unroll_factor = 4 : i64, sc.parallel_access}
    %dma_start3A_183 = arith.constant 24 : i32
    %dma_start3A_184 = arith.constant 12288 : i32
    %dma_start3A_185 = tpu.memref_slice %arg2[%dma_start3A_183, %dma_start3A_184] : memref<26x16384xi32, #tpu.memory_space<hbm>> -> memref<1x4096xi32, #tpu.memory_space<hbm>>
    %dma_start3A_186 = tpu.memref_squeeze %dma_start3A_185 : memref<1x4096xi32, #tpu.memory_space<hbm>> -> memref<4096xi32, #tpu.memory_space<hbm>>
    %dma_start3A_187 = arith.constant 12288 : i32
    %dma_start3A_188 = tpu.memref_slice %arg2[%dma_start3A_183, %dma_start3A_187] : memref<26x16384xi32, #tpu.memory_space<hbm>> -> memref<1x4096xi32, #tpu.memory_space<hbm>>
    %dma_start3A_189 = tpu.memref_squeeze %dma_start3A_188 : memref<1x4096xi32, #tpu.memory_space<hbm>> -> memref<4096xi32, #tpu.memory_space<hbm>>
    tpu.enqueue_dma source(%dma_start3A_189 : memref<4096xi32, #tpu.memory_space<hbm>>) target(%arg7 : memref<4096xi32, #tpu.memory_space<vmem>>) target_semaphore(%arg15 : memref<!tpu.dma_semaphore, #tpu.memory_space<semaphore_mem>>)
    %dma_wait3A_190 = arith.constant 0 : i32
    %dma_wait3A_191 = arith.constant 0 : i32
    %dma_wait3A_192 = tpu.memref_slice %arg2[%dma_wait3A_190, %dma_wait3A_191] : memref<26x16384xi32, #tpu.memory_space<hbm>> -> memref<1x4096xi32, #tpu.memory_space<hbm>>
    %dma_wait3A_193 = tpu.memref_squeeze %dma_wait3A_192 : memref<1x4096xi32, #tpu.memory_space<hbm>> -> memref<4096xi32, #tpu.memory_space<hbm>>
    %dma_wait3A_194 = arith.constant 0 : i32
    %dma_wait3A_195 = tpu.memref_slice %arg2[%dma_wait3A_190, %dma_wait3A_194] : memref<26x16384xi32, #tpu.memory_space<hbm>> -> memref<1x4096xi32, #tpu.memory_space<hbm>>
    %dma_wait3A_196 = tpu.memref_squeeze %dma_wait3A_195 : memref<1x4096xi32, #tpu.memory_space<hbm>> -> memref<4096xi32, #tpu.memory_space<hbm>>
    tpu.wait_dma2 semaphore(%arg16 : memref<!tpu.dma_semaphore, #tpu.memory_space<semaphore_mem>>) src(%dma_wait3A_196 : memref<4096xi32, #tpu.memory_space<hbm>>) dst(%arg8 : memref<4096xi32, #tpu.memory_space<vmem>>)
    %parallel_loop3A_197 = arith.constant 0 : i32
    %parallel_loop3A_198 = arith.constant 4096 : i32
    %parallel_loop3A_199 = arith.constant 16 : i32
    scf.for %parallel_loop3A_414 = %parallel_loop3A_197 to %parallel_loop3A_198 step %parallel_loop3A_199  : i32 {
      %parallel_loop3A_415 = arith.index_cast %parallel_loop3A_414 : i32 to index
      %parallel_loop3A_416 = tpu.vector_load %arg8[%parallel_loop3A_415] {strides = array<i32>} : memref<4096xi32, #tpu.memory_space<vmem>>, vector<16xi32>,
      %parallel_loop3A_417 = arith.constant 50048 : i32
      %parallel_loop3A_418 = vector.broadcast %parallel_loop3A_417 : i32 to vector<16xi32>
      %parallel_loop3A_419 = arith.subi %parallel_loop3A_416, %parallel_loop3A_418 : vector<16xi32>
      %parallel_loop3A_420 = vector.bitcast %parallel_loop3A_419 : vector<16xi32> to vector<16xi32>
      %parallel_loop3A_421 = arith.constant 49952 : i32
      %parallel_loop3A_422 = vector.broadcast %parallel_loop3A_421 : i32 to vector<16xi32>
      %parallel_loop3A_423 = arith.minui %parallel_loop3A_420, %parallel_loop3A_422 : vector<16xi32>
      %parallel_loop3A_424 = vector.bitcast %parallel_loop3A_423 : vector<16xi32> to vector<16xi32>
      %parallel_loop3A_425 = tpu.vector_load_idx %arg10[%parallel_loop3A_424] : memref<50048xf32, #tpu.memory_space<vmem>>[vector<16xi32>], vector<16xf32>,
      %parallel_loop3A_426 = arith.constant 4096 : i32
      %parallel_loop3A_427 = arith.addi %parallel_loop3A_426, %parallel_loop3A_414 : i32
      %parallel_loop3A_428 = arith.index_cast %parallel_loop3A_427 : i32 to index
      %parallel_loop3A_429 = tpu.vector_load %arg11[%parallel_loop3A_428] {strides = array<i32>} : memref<16384xf32, #tpu.memory_space<vmem>>, vector<16xf32>,
      tpu.vector_store %arg11[%parallel_loop3A_428], %parallel_loop3A_425 {add = true, strides = array<i32>} : memref<16384xf32, #tpu.memory_space<vmem>>, vector<16xf32>,
    } {sc.loop_unroll_factor = 4 : i64, sc.parallel_access}
    %dma_start3A_200 = arith.constant 25 : i32
    %dma_start3A_201 = arith.constant 0 : i32
    %dma_start3A_202 = tpu.memref_slice %arg2[%dma_start3A_200, %dma_start3A_201] : memref<26x16384xi32, #tpu.memory_space<hbm>> -> memref<1x4096xi32, #tpu.memory_space<hbm>>
    %dma_start3A_203 = tpu.memref_squeeze %dma_start3A_202 : memref<1x4096xi32, #tpu.memory_space<hbm>> -> memref<4096xi32, #tpu.memory_space<hbm>>
    %dma_start3A_204 = arith.constant 0 : i32
    %dma_start3A_205 = tpu.memref_slice %arg2[%dma_start3A_200, %dma_start3A_204] : memref<26x16384xi32, #tpu.memory_space<hbm>> -> memref<1x4096xi32, #tpu.memory_space<hbm>>
    %dma_start3A_206 = tpu.memref_squeeze %dma_start3A_205 : memref<1x4096xi32, #tpu.memory_space<hbm>> -> memref<4096xi32, #tpu.memory_space<hbm>>
    tpu.enqueue_dma source(%dma_start3A_206 : memref<4096xi32, #tpu.memory_space<hbm>>) target(%arg8 : memref<4096xi32, #tpu.memory_space<vmem>>) target_semaphore(%arg16 : memref<!tpu.dma_semaphore, #tpu.memory_space<semaphore_mem>>)
    %dma_wait3A_207 = arith.constant 0 : i32
    %dma_wait3A_208 = arith.constant 0 : i32
    %dma_wait3A_209 = tpu.memref_slice %arg2[%dma_wait3A_207, %dma_wait3A_208] : memref<26x16384xi32, #tpu.memory_space<hbm>> -> memref<1x4096xi32, #tpu.memory_space<hbm>>
    %dma_wait3A_210 = tpu.memref_squeeze %dma_wait3A_209 : memref<1x4096xi32, #tpu.memory_space<hbm>> -> memref<4096xi32, #tpu.memory_space<hbm>>
    %dma_wait3A_211 = arith.constant 0 : i32
    %dma_wait3A_212 = tpu.memref_slice %arg2[%dma_wait3A_207, %dma_wait3A_211] : memref<26x16384xi32, #tpu.memory_space<hbm>> -> memref<1x4096xi32, #tpu.memory_space<hbm>>
    %dma_wait3A_213 = tpu.memref_squeeze %dma_wait3A_212 : memref<1x4096xi32, #tpu.memory_space<hbm>> -> memref<4096xi32, #tpu.memory_space<hbm>>
    tpu.wait_dma2 semaphore(%arg14 : memref<!tpu.dma_semaphore, #tpu.memory_space<semaphore_mem>>) src(%dma_wait3A_213 : memref<4096xi32, #tpu.memory_space<hbm>>) dst(%arg6 : memref<4096xi32, #tpu.memory_space<vmem>>)
    %parallel_loop3A_214 = arith.constant 0 : i32
    %parallel_loop3A_215 = arith.constant 4096 : i32
    %parallel_loop3A_216 = arith.constant 16 : i32
    scf.for %parallel_loop3A_414 = %parallel_loop3A_214 to %parallel_loop3A_215 step %parallel_loop3A_216  : i32 {
      %parallel_loop3A_415 = arith.index_cast %parallel_loop3A_414 : i32 to index
      %parallel_loop3A_416 = tpu.vector_load %arg6[%parallel_loop3A_415] {strides = array<i32>} : memref<4096xi32, #tpu.memory_space<vmem>>, vector<16xi32>,
      %parallel_loop3A_417 = arith.constant 50048 : i32
      %parallel_loop3A_418 = vector.broadcast %parallel_loop3A_417 : i32 to vector<16xi32>
      %parallel_loop3A_419 = arith.subi %parallel_loop3A_416, %parallel_loop3A_418 : vector<16xi32>
      %parallel_loop3A_420 = vector.bitcast %parallel_loop3A_419 : vector<16xi32> to vector<16xi32>
      %parallel_loop3A_421 = arith.constant 49952 : i32
      %parallel_loop3A_422 = vector.broadcast %parallel_loop3A_421 : i32 to vector<16xi32>
      %parallel_loop3A_423 = arith.minui %parallel_loop3A_420, %parallel_loop3A_422 : vector<16xi32>
      %parallel_loop3A_424 = vector.bitcast %parallel_loop3A_423 : vector<16xi32> to vector<16xi32>
      %parallel_loop3A_425 = tpu.vector_load_idx %arg10[%parallel_loop3A_424] : memref<50048xf32, #tpu.memory_space<vmem>>[vector<16xi32>], vector<16xf32>,
      %parallel_loop3A_426 = arith.constant 8192 : i32
      %parallel_loop3A_427 = arith.addi %parallel_loop3A_426, %parallel_loop3A_414 : i32
      %parallel_loop3A_428 = arith.index_cast %parallel_loop3A_427 : i32 to index
      %parallel_loop3A_429 = tpu.vector_load %arg11[%parallel_loop3A_428] {strides = array<i32>} : memref<16384xf32, #tpu.memory_space<vmem>>, vector<16xf32>,
      tpu.vector_store %arg11[%parallel_loop3A_428], %parallel_loop3A_425 {add = true, strides = array<i32>} : memref<16384xf32, #tpu.memory_space<vmem>>, vector<16xf32>,
    } {sc.loop_unroll_factor = 4 : i64, sc.parallel_access}
    %dma_start3A_217 = arith.constant 25 : i32
    %dma_start3A_218 = arith.constant 4096 : i32
    %dma_start3A_219 = tpu.memref_slice %arg2[%dma_start3A_217, %dma_start3A_218] : memref<26x16384xi32, #tpu.memory_space<hbm>> -> memref<1x4096xi32, #tpu.memory_space<hbm>>
    %dma_start3A_220 = tpu.memref_squeeze %dma_start3A_219 : memref<1x4096xi32, #tpu.memory_space<hbm>> -> memref<4096xi32, #tpu.memory_space<hbm>>
    %dma_start3A_221 = arith.constant 4096 : i32
    %dma_start3A_222 = tpu.memref_slice %arg2[%dma_start3A_217, %dma_start3A_221] : memref<26x16384xi32, #tpu.memory_space<hbm>> -> memref<1x4096xi32, #tpu.memory_space<hbm>>
    %dma_start3A_223 = tpu.memref_squeeze %dma_start3A_222 : memref<1x4096xi32, #tpu.memory_space<hbm>> -> memref<4096xi32, #tpu.memory_space<hbm>>
    tpu.enqueue_dma source(%dma_start3A_223 : memref<4096xi32, #tpu.memory_space<hbm>>) target(%arg6 : memref<4096xi32, #tpu.memory_space<vmem>>) target_semaphore(%arg14 : memref<!tpu.dma_semaphore, #tpu.memory_space<semaphore_mem>>)
    %dma_wait3A_224 = arith.constant 0 : i32
    %dma_wait3A_225 = arith.constant 0 : i32
    %dma_wait3A_226 = tpu.memref_slice %arg2[%dma_wait3A_224, %dma_wait3A_225] : memref<26x16384xi32, #tpu.memory_space<hbm>> -> memref<1x4096xi32, #tpu.memory_space<hbm>>
    %dma_wait3A_227 = tpu.memref_squeeze %dma_wait3A_226 : memref<1x4096xi32, #tpu.memory_space<hbm>> -> memref<4096xi32, #tpu.memory_space<hbm>>
    %dma_wait3A_228 = arith.constant 0 : i32
    %dma_wait3A_229 = tpu.memref_slice %arg2[%dma_wait3A_224, %dma_wait3A_228] : memref<26x16384xi32, #tpu.memory_space<hbm>> -> memref<1x4096xi32, #tpu.memory_space<hbm>>
    %dma_wait3A_230 = tpu.memref_squeeze %dma_wait3A_229 : memref<1x4096xi32, #tpu.memory_space<hbm>> -> memref<4096xi32, #tpu.memory_space<hbm>>
    tpu.wait_dma2 semaphore(%arg15 : memref<!tpu.dma_semaphore, #tpu.memory_space<semaphore_mem>>) src(%dma_wait3A_230 : memref<4096xi32, #tpu.memory_space<hbm>>) dst(%arg7 : memref<4096xi32, #tpu.memory_space<vmem>>)
    %parallel_loop3A_231 = arith.constant 0 : i32
    %parallel_loop3A_232 = arith.constant 4096 : i32
    %parallel_loop3A_233 = arith.constant 16 : i32
    scf.for %parallel_loop3A_414 = %parallel_loop3A_231 to %parallel_loop3A_232 step %parallel_loop3A_233  : i32 {
      %parallel_loop3A_415 = arith.index_cast %parallel_loop3A_414 : i32 to index
      %parallel_loop3A_416 = tpu.vector_load %arg7[%parallel_loop3A_415] {strides = array<i32>} : memref<4096xi32, #tpu.memory_space<vmem>>, vector<16xi32>,
      %parallel_loop3A_417 = arith.constant 50048 : i32
      %parallel_loop3A_418 = vector.broadcast %parallel_loop3A_417 : i32 to vector<16xi32>
      %parallel_loop3A_419 = arith.subi %parallel_loop3A_416, %parallel_loop3A_418 : vector<16xi32>
      %parallel_loop3A_420 = vector.bitcast %parallel_loop3A_419 : vector<16xi32> to vector<16xi32>
      %parallel_loop3A_421 = arith.constant 49952 : i32
      %parallel_loop3A_422 = vector.broadcast %parallel_loop3A_421 : i32 to vector<16xi32>
      %parallel_loop3A_423 = arith.minui %parallel_loop3A_420, %parallel_loop3A_422 : vector<16xi32>
      %parallel_loop3A_424 = vector.bitcast %parallel_loop3A_423 : vector<16xi32> to vector<16xi32>
      %parallel_loop3A_425 = tpu.vector_load_idx %arg10[%parallel_loop3A_424] : memref<50048xf32, #tpu.memory_space<vmem>>[vector<16xi32>], vector<16xf32>,
      %parallel_loop3A_426 = arith.constant 12288 : i32
      %parallel_loop3A_427 = arith.addi %parallel_loop3A_426, %parallel_loop3A_414 : i32
      %parallel_loop3A_428 = arith.index_cast %parallel_loop3A_427 : i32 to index
      %parallel_loop3A_429 = tpu.vector_load %arg11[%parallel_loop3A_428] {strides = array<i32>} : memref<16384xf32, #tpu.memory_space<vmem>>, vector<16xf32>,
      tpu.vector_store %arg11[%parallel_loop3A_428], %parallel_loop3A_425 {add = true, strides = array<i32>} : memref<16384xf32, #tpu.memory_space<vmem>>, vector<16xf32>,
    } {sc.loop_unroll_factor = 4 : i64, sc.parallel_access}
    %dma_start3A_234 = arith.constant 25 : i32
    %dma_start3A_235 = arith.constant 8192 : i32
    %dma_start3A_236 = tpu.memref_slice %arg2[%dma_start3A_234, %dma_start3A_235] : memref<26x16384xi32, #tpu.memory_space<hbm>> -> memref<1x4096xi32, #tpu.memory_space<hbm>>
    %dma_start3A_237 = tpu.memref_squeeze %dma_start3A_236 : memref<1x4096xi32, #tpu.memory_space<hbm>> -> memref<4096xi32, #tpu.memory_space<hbm>>
    %dma_start3A_238 = arith.constant 8192 : i32
    %dma_start3A_239 = tpu.memref_slice %arg2[%dma_start3A_234, %dma_start3A_238] : memref<26x16384xi32, #tpu.memory_space<hbm>> -> memref<1x4096xi32, #tpu.memory_space<hbm>>
    %dma_start3A_240 = tpu.memref_squeeze %dma_start3A_239 : memref<1x4096xi32, #tpu.memory_space<hbm>> -> memref<4096xi32, #tpu.memory_space<hbm>>
    tpu.enqueue_dma source(%dma_start3A_240 : memref<4096xi32, #tpu.memory_space<hbm>>) target(%arg7 : memref<4096xi32, #tpu.memory_space<vmem>>) target_semaphore(%arg15 : memref<!tpu.dma_semaphore, #tpu.memory_space<semaphore_mem>>)
    %dma_start3A_241 = arith.constant 25 : i32
    %dma_start3A_242 = arith.constant 0 : i32
    %dma_start3A_243 = tpu.memref_slice %arg10[%dma_start3A_242] : memref<50048xf32, #tpu.memory_space<vmem>> -> memref<49920xf32, #tpu.memory_space<vmem>>
    %dma_start3A_244 = arith.constant 50048 : i32
    %dma_start3A_245 = tpu.memref_slice %arg3[%dma_start3A_241, %add3A, %dma_start3A_244] : memref<26x32x100000xf32, #tpu.memory_space<hbm>> -> memref<1x1x49920xf32, #tpu.memory_space<hbm>>
    %dma_start3A_246 = tpu.memref_squeeze %dma_start3A_245 : memref<1x1x49920xf32, #tpu.memory_space<hbm>> -> memref<49920xf32, #tpu.memory_space<hbm>>
    %dma_start3A_247 = arith.constant 0 : i32
    %dma_start3A_248 = tpu.memref_slice %arg10[%dma_start3A_247] : memref<50048xf32, #tpu.memory_space<vmem>> -> memref<49920xf32, #tpu.memory_space<vmem>>
    %dma_start3A_249 = arith.constant 50048 : i32
    %dma_start3A_250 = tpu.memref_slice %arg3[%dma_start3A_241, %add3A, %dma_start3A_249] : memref<26x32x100000xf32, #tpu.memory_space<hbm>> -> memref<1x1x49920xf32, #tpu.memory_space<hbm>>
    %dma_start3A_251 = tpu.memref_squeeze %dma_start3A_250 : memref<1x1x49920xf32, #tpu.memory_space<hbm>> -> memref<49920xf32, #tpu.memory_space<hbm>>
    tpu.enqueue_dma source(%dma_start3A_251 : memref<49920xf32, #tpu.memory_space<hbm>>) target(%dma_start3A_248 : memref<49920xf32, #tpu.memory_space<vmem>>) target_semaphore(%arg13 : memref<!tpu.dma_semaphore, #tpu.memory_space<semaphore_mem>>)
    %dma_start3A_252 = arith.constant 25 : i32
    %dma_start3A_253 = arith.constant 49920 : i32
    %dma_start3A_254 = tpu.memref_slice %arg10[%dma_start3A_253] : memref<50048xf32, #tpu.memory_space<vmem>> -> memref<128xf32, #tpu.memory_space<vmem>>
    %dma_start3A_255 = arith.constant 0 : i32
    %dma_start3A_256 = tpu.memref_slice %arg4[%dma_start3A_252, %add3A, %dma_start3A_255] : memref<26x32x128xf32, #tpu.memory_space<hbm>> -> memref<1x1x128xf32, #tpu.memory_space<hbm>>
    %dma_start3A_257 = tpu.memref_squeeze %dma_start3A_256 : memref<1x1x128xf32, #tpu.memory_space<hbm>> -> memref<128xf32, #tpu.memory_space<hbm>>
    %dma_start3A_258 = arith.constant 49920 : i32
    %dma_start3A_259 = tpu.memref_slice %arg10[%dma_start3A_258] : memref<50048xf32, #tpu.memory_space<vmem>> -> memref<128xf32, #tpu.memory_space<vmem>>
    %dma_start3A_260 = arith.constant 0 : i32
    %dma_start3A_261 = tpu.memref_slice %arg4[%dma_start3A_252, %add3A, %dma_start3A_260] : memref<26x32x128xf32, #tpu.memory_space<hbm>> -> memref<1x1x128xf32, #tpu.memory_space<hbm>>
    %dma_start3A_262 = tpu.memref_squeeze %dma_start3A_261 : memref<1x1x128xf32, #tpu.memory_space<hbm>> -> memref<128xf32, #tpu.memory_space<hbm>>
    tpu.enqueue_dma source(%dma_start3A_262 : memref<128xf32, #tpu.memory_space<hbm>>) target(%dma_start3A_259 : memref<128xf32, #tpu.memory_space<vmem>>) target_semaphore(%arg13 : memref<!tpu.dma_semaphore, #tpu.memory_space<semaphore_mem>>)
    %dma_wait3A_263 = arith.constant 0 : i32
    %dma_wait3A_264 = arith.constant 0 : i32
    %dma_wait3A_265 = tpu.memref_slice %arg9[%dma_wait3A_264] : memref<50064xf32, #tpu.memory_space<vmem>> -> memref<50048xf32, #tpu.memory_space<vmem>>
    %dma_wait3A_266 = arith.constant 0 : i32
    %dma_wait3A_267 = tpu.memref_slice %arg3[%dma_wait3A_263, %add3A, %dma_wait3A_266] : memref<26x32x100000xf32, #tpu.memory_space<hbm>> -> memref<1x1x50048xf32, #tpu.memory_space<hbm>>
    %dma_wait3A_268 = tpu.memref_squeeze %dma_wait3A_267 : memref<1x1x50048xf32, #tpu.memory_space<hbm>> -> memref<50048xf32, #tpu.memory_space<hbm>>
    %dma_wait3A_269 = arith.constant 0 : i32
    %dma_wait3A_270 = tpu.memref_slice %arg9[%dma_wait3A_269] : memref<50064xf32, #tpu.memory_space<vmem>> -> memref<50048xf32, #tpu.memory_space<vmem>>
    %dma_wait3A_271 = arith.constant 0 : i32
    %dma_wait3A_272 = tpu.memref_slice %arg3[%dma_wait3A_263, %add3A, %dma_wait3A_271] : memref<26x32x100000xf32, #tpu.memory_space<hbm>> -> memref<1x1x50048xf32, #tpu.memory_space<hbm>>
    %dma_wait3A_273 = tpu.memref_squeeze %dma_wait3A_272 : memref<1x1x50048xf32, #tpu.memory_space<hbm>> -> memref<50048xf32, #tpu.memory_space<hbm>>
    tpu.wait_dma2 semaphore(%arg12 : memref<!tpu.dma_semaphore, #tpu.memory_space<semaphore_mem>>) src(%dma_wait3A_273 : memref<50048xf32, #tpu.memory_space<hbm>>) dst(%dma_wait3A_270 : memref<50048xf32, #tpu.memory_space<vmem>>)
    %dma_wait3A_274 = arith.constant 0 : i32
    %dma_wait3A_275 = arith.constant 0 : i32
    %dma_wait3A_276 = tpu.memref_slice %arg2[%dma_wait3A_274, %dma_wait3A_275] : memref<26x16384xi32, #tpu.memory_space<hbm>> -> memref<1x4096xi32, #tpu.memory_space<hbm>>
    %dma_wait3A_277 = tpu.memref_squeeze %dma_wait3A_276 : memref<1x4096xi32, #tpu.memory_space<hbm>> -> memref<4096xi32, #tpu.memory_space<hbm>>
    %dma_wait3A_278 = arith.constant 0 : i32
    %dma_wait3A_279 = tpu.memref_slice %arg2[%dma_wait3A_274, %dma_wait3A_278] : memref<26x16384xi32, #tpu.memory_space<hbm>> -> memref<1x4096xi32, #tpu.memory_space<hbm>>
    %dma_wait3A_280 = tpu.memref_squeeze %dma_wait3A_279 : memref<1x4096xi32, #tpu.memory_space<hbm>> -> memref<4096xi32, #tpu.memory_space<hbm>>
    tpu.wait_dma2 semaphore(%arg16 : memref<!tpu.dma_semaphore, #tpu.memory_space<semaphore_mem>>) src(%dma_wait3A_280 : memref<4096xi32, #tpu.memory_space<hbm>>) dst(%arg8 : memref<4096xi32, #tpu.memory_space<vmem>>)
    %parallel_loop3A_281 = arith.constant 0 : i32
    %parallel_loop3A_282 = arith.constant 4096 : i32
    %parallel_loop3A_283 = arith.constant 16 : i32
    scf.for %parallel_loop3A_414 = %parallel_loop3A_281 to %parallel_loop3A_282 step %parallel_loop3A_283  : i32 {
      %parallel_loop3A_415 = arith.index_cast %parallel_loop3A_414 : i32 to index
      %parallel_loop3A_416 = tpu.vector_load %arg8[%parallel_loop3A_415] {strides = array<i32>} : memref<4096xi32, #tpu.memory_space<vmem>>, vector<16xi32>,
      %parallel_loop3A_417 = vector.bitcast %parallel_loop3A_416 : vector<16xi32> to vector<16xi32>
      %parallel_loop3A_418 = arith.constant 50048 : i32
      %parallel_loop3A_419 = vector.broadcast %parallel_loop3A_418 : i32 to vector<16xi32>
      %parallel_loop3A_420 = arith.minui %parallel_loop3A_417, %parallel_loop3A_419 : vector<16xi32>
      %parallel_loop3A_421 = vector.bitcast %parallel_loop3A_420 : vector<16xi32> to vector<16xi32>
      %parallel_loop3A_422 = tpu.vector_load_idx %arg9[%parallel_loop3A_421] : memref<50064xf32, #tpu.memory_space<vmem>>[vector<16xi32>], vector<16xf32>,
      %parallel_loop3A_423 = arith.constant 0 : i32
      %parallel_loop3A_424 = arith.addi %parallel_loop3A_423, %parallel_loop3A_414 : i32
      %parallel_loop3A_425 = arith.index_cast %parallel_loop3A_424 : i32 to index
      %parallel_loop3A_426 = tpu.vector_load %arg11[%parallel_loop3A_425] {strides = array<i32>} : memref<16384xf32, #tpu.memory_space<vmem>>, vector<16xf32>,
      tpu.vector_store %arg11[%parallel_loop3A_425], %parallel_loop3A_422 {add = true, strides = array<i32>} : memref<16384xf32, #tpu.memory_space<vmem>>, vector<16xf32>,
    } {sc.loop_unroll_factor = 4 : i64, sc.parallel_access}
    %dma_start3A_284 = arith.constant 25 : i32
    %dma_start3A_285 = arith.constant 12288 : i32
    %dma_start3A_286 = tpu.memref_slice %arg2[%dma_start3A_284, %dma_start3A_285] : memref<26x16384xi32, #tpu.memory_space<hbm>> -> memref<1x4096xi32, #tpu.memory_space<hbm>>
    %dma_start3A_287 = tpu.memref_squeeze %dma_start3A_286 : memref<1x4096xi32, #tpu.memory_space<hbm>> -> memref<4096xi32, #tpu.memory_space<hbm>>
    %dma_start3A_288 = arith.constant 12288 : i32
    %dma_start3A_289 = tpu.memref_slice %arg2[%dma_start3A_284, %dma_start3A_288] : memref<26x16384xi32, #tpu.memory_space<hbm>> -> memref<1x4096xi32, #tpu.memory_space<hbm>>
    %dma_start3A_290 = tpu.memref_squeeze %dma_start3A_289 : memref<1x4096xi32, #tpu.memory_space<hbm>> -> memref<4096xi32, #tpu.memory_space<hbm>>
    tpu.enqueue_dma source(%dma_start3A_290 : memref<4096xi32, #tpu.memory_space<hbm>>) target(%arg8 : memref<4096xi32, #tpu.memory_space<vmem>>) target_semaphore(%arg16 : memref<!tpu.dma_semaphore, #tpu.memory_space<semaphore_mem>>)
    %dma_wait3A_291 = arith.constant 0 : i32
    %dma_wait3A_292 = arith.constant 0 : i32
    %dma_wait3A_293 = tpu.memref_slice %arg2[%dma_wait3A_291, %dma_wait3A_292] : memref<26x16384xi32, #tpu.memory_space<hbm>> -> memref<1x4096xi32, #tpu.memory_space<hbm>>
    %dma_wait3A_294 = tpu.memref_squeeze %dma_wait3A_293 : memref<1x4096xi32, #tpu.memory_space<hbm>> -> memref<4096xi32, #tpu.memory_space<hbm>>
    %dma_wait3A_295 = arith.constant 0 : i32
    %dma_wait3A_296 = tpu.memref_slice %arg2[%dma_wait3A_291, %dma_wait3A_295] : memref<26x16384xi32, #tpu.memory_space<hbm>> -> memref<1x4096xi32, #tpu.memory_space<hbm>>
    %dma_wait3A_297 = tpu.memref_squeeze %dma_wait3A_296 : memref<1x4096xi32, #tpu.memory_space<hbm>> -> memref<4096xi32, #tpu.memory_space<hbm>>
    tpu.wait_dma2 semaphore(%arg14 : memref<!tpu.dma_semaphore, #tpu.memory_space<semaphore_mem>>) src(%dma_wait3A_297 : memref<4096xi32, #tpu.memory_space<hbm>>) dst(%arg6 : memref<4096xi32, #tpu.memory_space<vmem>>)
    %parallel_loop3A_298 = arith.constant 0 : i32
    %parallel_loop3A_299 = arith.constant 4096 : i32
    %parallel_loop3A_300 = arith.constant 16 : i32
    scf.for %parallel_loop3A_414 = %parallel_loop3A_298 to %parallel_loop3A_299 step %parallel_loop3A_300  : i32 {
      %parallel_loop3A_415 = arith.index_cast %parallel_loop3A_414 : i32 to index
      %parallel_loop3A_416 = tpu.vector_load %arg6[%parallel_loop3A_415] {strides = array<i32>} : memref<4096xi32, #tpu.memory_space<vmem>>, vector<16xi32>,
      %parallel_loop3A_417 = vector.bitcast %parallel_loop3A_416 : vector<16xi32> to vector<16xi32>
      %parallel_loop3A_418 = arith.constant 50048 : i32
      %parallel_loop3A_419 = vector.broadcast %parallel_loop3A_418 : i32 to vector<16xi32>
      %parallel_loop3A_420 = arith.minui %parallel_loop3A_417, %parallel_loop3A_419 : vector<16xi32>
      %parallel_loop3A_421 = vector.bitcast %parallel_loop3A_420 : vector<16xi32> to vector<16xi32>
      %parallel_loop3A_422 = tpu.vector_load_idx %arg9[%parallel_loop3A_421] : memref<50064xf32, #tpu.memory_space<vmem>>[vector<16xi32>], vector<16xf32>,
      %parallel_loop3A_423 = arith.constant 4096 : i32
      %parallel_loop3A_424 = arith.addi %parallel_loop3A_423, %parallel_loop3A_414 : i32
      %parallel_loop3A_425 = arith.index_cast %parallel_loop3A_424 : i32 to index
      %parallel_loop3A_426 = tpu.vector_load %arg11[%parallel_loop3A_425] {strides = array<i32>} : memref<16384xf32, #tpu.memory_space<vmem>>, vector<16xf32>,
      tpu.vector_store %arg11[%parallel_loop3A_425], %parallel_loop3A_422 {add = true, strides = array<i32>} : memref<16384xf32, #tpu.memory_space<vmem>>, vector<16xf32>,
    } {sc.loop_unroll_factor = 4 : i64, sc.parallel_access}
    %dma_start3A_301 = arith.constant 25 : i32
    %dma_start3A_302 = arith.constant 0 : i32
    %dma_start3A_303 = tpu.memref_slice %arg2[%dma_start3A_301, %dma_start3A_302] : memref<26x16384xi32, #tpu.memory_space<hbm>> -> memref<1x4096xi32, #tpu.memory_space<hbm>>
    %dma_start3A_304 = tpu.memref_squeeze %dma_start3A_303 : memref<1x4096xi32, #tpu.memory_space<hbm>> -> memref<4096xi32, #tpu.memory_space<hbm>>
    %dma_start3A_305 = arith.constant 0 : i32
    %dma_start3A_306 = tpu.memref_slice %arg2[%dma_start3A_301, %dma_start3A_305] : memref<26x16384xi32, #tpu.memory_space<hbm>> -> memref<1x4096xi32, #tpu.memory_space<hbm>>
    %dma_start3A_307 = tpu.memref_squeeze %dma_start3A_306 : memref<1x4096xi32, #tpu.memory_space<hbm>> -> memref<4096xi32, #tpu.memory_space<hbm>>
    tpu.enqueue_dma source(%dma_start3A_307 : memref<4096xi32, #tpu.memory_space<hbm>>) target(%arg6 : memref<4096xi32, #tpu.memory_space<vmem>>) target_semaphore(%arg14 : memref<!tpu.dma_semaphore, #tpu.memory_space<semaphore_mem>>)
    %dma_wait3A_308 = arith.constant 0 : i32
    %dma_wait3A_309 = arith.constant 0 : i32
    %dma_wait3A_310 = tpu.memref_slice %arg2[%dma_wait3A_308, %dma_wait3A_309] : memref<26x16384xi32, #tpu.memory_space<hbm>> -> memref<1x4096xi32, #tpu.memory_space<hbm>>
    %dma_wait3A_311 = tpu.memref_squeeze %dma_wait3A_310 : memref<1x4096xi32, #tpu.memory_space<hbm>> -> memref<4096xi32, #tpu.memory_space<hbm>>
    %dma_wait3A_312 = arith.constant 0 : i32
    %dma_wait3A_313 = tpu.memref_slice %arg2[%dma_wait3A_308, %dma_wait3A_312] : memref<26x16384xi32, #tpu.memory_space<hbm>> -> memref<1x4096xi32, #tpu.memory_space<hbm>>
    %dma_wait3A_314 = tpu.memref_squeeze %dma_wait3A_313 : memref<1x4096xi32, #tpu.memory_space<hbm>> -> memref<4096xi32, #tpu.memory_space<hbm>>
    tpu.wait_dma2 semaphore(%arg15 : memref<!tpu.dma_semaphore, #tpu.memory_space<semaphore_mem>>) src(%dma_wait3A_314 : memref<4096xi32, #tpu.memory_space<hbm>>) dst(%arg7 : memref<4096xi32, #tpu.memory_space<vmem>>)
    %parallel_loop3A_315 = arith.constant 0 : i32
    %parallel_loop3A_316 = arith.constant 4096 : i32
    %parallel_loop3A_317 = arith.constant 16 : i32
    scf.for %parallel_loop3A_414 = %parallel_loop3A_315 to %parallel_loop3A_316 step %parallel_loop3A_317  : i32 {
      %parallel_loop3A_415 = arith.index_cast %parallel_loop3A_414 : i32 to index
      %parallel_loop3A_416 = tpu.vector_load %arg7[%parallel_loop3A_415] {strides = array<i32>} : memref<4096xi32, #tpu.memory_space<vmem>>, vector<16xi32>,
      %parallel_loop3A_417 = vector.bitcast %parallel_loop3A_416 : vector<16xi32> to vector<16xi32>
      %parallel_loop3A_418 = arith.constant 50048 : i32
      %parallel_loop3A_419 = vector.broadcast %parallel_loop3A_418 : i32 to vector<16xi32>
      %parallel_loop3A_420 = arith.minui %parallel_loop3A_417, %parallel_loop3A_419 : vector<16xi32>
      %parallel_loop3A_421 = vector.bitcast %parallel_loop3A_420 : vector<16xi32> to vector<16xi32>
      %parallel_loop3A_422 = tpu.vector_load_idx %arg9[%parallel_loop3A_421] : memref<50064xf32, #tpu.memory_space<vmem>>[vector<16xi32>], vector<16xf32>,
      %parallel_loop3A_423 = arith.constant 8192 : i32
      %parallel_loop3A_424 = arith.addi %parallel_loop3A_423, %parallel_loop3A_414 : i32
      %parallel_loop3A_425 = arith.index_cast %parallel_loop3A_424 : i32 to index
      %parallel_loop3A_426 = tpu.vector_load %arg11[%parallel_loop3A_425] {strides = array<i32>} : memref<16384xf32, #tpu.memory_space<vmem>>, vector<16xf32>,
      tpu.vector_store %arg11[%parallel_loop3A_425], %parallel_loop3A_422 {add = true, strides = array<i32>} : memref<16384xf32, #tpu.memory_space<vmem>>, vector<16xf32>,
    } {sc.loop_unroll_factor = 4 : i64, sc.parallel_access}
    %dma_start3A_318 = arith.constant 25 : i32
    %dma_start3A_319 = arith.constant 4096 : i32
    %dma_start3A_320 = tpu.memref_slice %arg2[%dma_start3A_318, %dma_start3A_319] : memref<26x16384xi32, #tpu.memory_space<hbm>> -> memref<1x4096xi32, #tpu.memory_space<hbm>>
    %dma_start3A_321 = tpu.memref_squeeze %dma_start3A_320 : memref<1x4096xi32, #tpu.memory_space<hbm>> -> memref<4096xi32, #tpu.memory_space<hbm>>
    %dma_start3A_322 = arith.constant 4096 : i32
    %dma_start3A_323 = tpu.memref_slice %arg2[%dma_start3A_318, %dma_start3A_322] : memref<26x16384xi32, #tpu.memory_space<hbm>> -> memref<1x4096xi32, #tpu.memory_space<hbm>>
    %dma_start3A_324 = tpu.memref_squeeze %dma_start3A_323 : memref<1x4096xi32, #tpu.memory_space<hbm>> -> memref<4096xi32, #tpu.memory_space<hbm>>
    tpu.enqueue_dma source(%dma_start3A_324 : memref<4096xi32, #tpu.memory_space<hbm>>) target(%arg7 : memref<4096xi32, #tpu.memory_space<vmem>>) target_semaphore(%arg15 : memref<!tpu.dma_semaphore, #tpu.memory_space<semaphore_mem>>)
    %dma_wait3A_325 = arith.constant 0 : i32
    %dma_wait3A_326 = arith.constant 0 : i32
    %dma_wait3A_327 = tpu.memref_slice %arg2[%dma_wait3A_325, %dma_wait3A_326] : memref<26x16384xi32, #tpu.memory_space<hbm>> -> memref<1x4096xi32, #tpu.memory_space<hbm>>
    %dma_wait3A_328 = tpu.memref_squeeze %dma_wait3A_327 : memref<1x4096xi32, #tpu.memory_space<hbm>> -> memref<4096xi32, #tpu.memory_space<hbm>>
    %dma_wait3A_329 = arith.constant 0 : i32
    %dma_wait3A_330 = tpu.memref_slice %arg2[%dma_wait3A_325, %dma_wait3A_329] : memref<26x16384xi32, #tpu.memory_space<hbm>> -> memref<1x4096xi32, #tpu.memory_space<hbm>>
    %dma_wait3A_331 = tpu.memref_squeeze %dma_wait3A_330 : memref<1x4096xi32, #tpu.memory_space<hbm>> -> memref<4096xi32, #tpu.memory_space<hbm>>
    tpu.wait_dma2 semaphore(%arg16 : memref<!tpu.dma_semaphore, #tpu.memory_space<semaphore_mem>>) src(%dma_wait3A_331 : memref<4096xi32, #tpu.memory_space<hbm>>) dst(%arg8 : memref<4096xi32, #tpu.memory_space<vmem>>)
    %parallel_loop3A_332 = arith.constant 0 : i32
    %parallel_loop3A_333 = arith.constant 4096 : i32
    %parallel_loop3A_334 = arith.constant 16 : i32
    scf.for %parallel_loop3A_414 = %parallel_loop3A_332 to %parallel_loop3A_333 step %parallel_loop3A_334  : i32 {
      %parallel_loop3A_415 = arith.index_cast %parallel_loop3A_414 : i32 to index
      %parallel_loop3A_416 = tpu.vector_load %arg8[%parallel_loop3A_415] {strides = array<i32>} : memref<4096xi32, #tpu.memory_space<vmem>>, vector<16xi32>,
      %parallel_loop3A_417 = vector.bitcast %parallel_loop3A_416 : vector<16xi32> to vector<16xi32>
      %parallel_loop3A_418 = arith.constant 50048 : i32
      %parallel_loop3A_419 = vector.broadcast %parallel_loop3A_418 : i32 to vector<16xi32>
      %parallel_loop3A_420 = arith.minui %parallel_loop3A_417, %parallel_loop3A_419 : vector<16xi32>
      %parallel_loop3A_421 = vector.bitcast %parallel_loop3A_420 : vector<16xi32> to vector<16xi32>
      %parallel_loop3A_422 = tpu.vector_load_idx %arg9[%parallel_loop3A_421] : memref<50064xf32, #tpu.memory_space<vmem>>[vector<16xi32>], vector<16xf32>,
      %parallel_loop3A_423 = arith.constant 12288 : i32
      %parallel_loop3A_424 = arith.addi %parallel_loop3A_423, %parallel_loop3A_414 : i32
      %parallel_loop3A_425 = arith.index_cast %parallel_loop3A_424 : i32 to index
      %parallel_loop3A_426 = tpu.vector_load %arg11[%parallel_loop3A_425] {strides = array<i32>} : memref<16384xf32, #tpu.memory_space<vmem>>, vector<16xf32>,
      tpu.vector_store %arg11[%parallel_loop3A_425], %parallel_loop3A_422 {add = true, strides = array<i32>} : memref<16384xf32, #tpu.memory_space<vmem>>, vector<16xf32>,
    } {sc.loop_unroll_factor = 4 : i64, sc.parallel_access}
    %dma_start3A_335 = arith.constant 25 : i32
    %dma_start3A_336 = arith.constant 8192 : i32
    %dma_start3A_337 = tpu.memref_slice %arg2[%dma_start3A_335, %dma_start3A_336] : memref<26x16384xi32, #tpu.memory_space<hbm>> -> memref<1x4096xi32, #tpu.memory_space<hbm>>
    %dma_start3A_338 = tpu.memref_squeeze %dma_start3A_337 : memref<1x4096xi32, #tpu.memory_space<hbm>> -> memref<4096xi32, #tpu.memory_space<hbm>>
    %dma_start3A_339 = arith.constant 8192 : i32
    %dma_start3A_340 = tpu.memref_slice %arg2[%dma_start3A_335, %dma_start3A_339] : memref<26x16384xi32, #tpu.memory_space<hbm>> -> memref<1x4096xi32, #tpu.memory_space<hbm>>
    %dma_start3A_341 = tpu.memref_squeeze %dma_start3A_340 : memref<1x4096xi32, #tpu.memory_space<hbm>> -> memref<4096xi32, #tpu.memory_space<hbm>>
    tpu.enqueue_dma source(%dma_start3A_341 : memref<4096xi32, #tpu.memory_space<hbm>>) target(%arg8 : memref<4096xi32, #tpu.memory_space<vmem>>) target_semaphore(%arg16 : memref<!tpu.dma_semaphore, #tpu.memory_space<semaphore_mem>>)
    %dma_wait3A_342 = arith.constant 0 : i32
    %dma_wait3A_343 = arith.constant 0 : i32
    %dma_wait3A_344 = tpu.memref_slice %arg10[%dma_wait3A_343] : memref<50048xf32, #tpu.memory_space<vmem>> -> memref<49920xf32, #tpu.memory_space<vmem>>
    %dma_wait3A_345 = arith.constant 50048 : i32
    %dma_wait3A_346 = tpu.memref_slice %arg3[%dma_wait3A_342, %add3A, %dma_wait3A_345] : memref<26x32x100000xf32, #tpu.memory_space<hbm>> -> memref<1x1x49920xf32, #tpu.memory_space<hbm>>
    %dma_wait3A_347 = tpu.memref_squeeze %dma_wait3A_346 : memref<1x1x49920xf32, #tpu.memory_space<hbm>> -> memref<49920xf32, #tpu.memory_space<hbm>>
    %dma_wait3A_348 = arith.constant 0 : i32
    %dma_wait3A_349 = tpu.memref_slice %arg10[%dma_wait3A_348] : memref<50048xf32, #tpu.memory_space<vmem>> -> memref<49920xf32, #tpu.memory_space<vmem>>
    %dma_wait3A_350 = arith.constant 50048 : i32
    %dma_wait3A_351 = tpu.memref_slice %arg3[%dma_wait3A_342, %add3A, %dma_wait3A_350] : memref<26x32x100000xf32, #tpu.memory_space<hbm>> -> memref<1x1x49920xf32, #tpu.memory_space<hbm>>
    %dma_wait3A_352 = tpu.memref_squeeze %dma_wait3A_351 : memref<1x1x49920xf32, #tpu.memory_space<hbm>> -> memref<49920xf32, #tpu.memory_space<hbm>>
    tpu.wait_dma2 semaphore(%arg13 : memref<!tpu.dma_semaphore, #tpu.memory_space<semaphore_mem>>) src(%dma_wait3A_352 : memref<49920xf32, #tpu.memory_space<hbm>>) dst(%dma_wait3A_349 : memref<49920xf32, #tpu.memory_space<vmem>>)
    %dma_wait3A_353 = arith.constant 0 : i32
    %dma_wait3A_354 = arith.constant 49920 : i32
    %dma_wait3A_355 = tpu.memref_slice %arg10[%dma_wait3A_354] : memref<50048xf32, #tpu.memory_space<vmem>> -> memref<128xf32, #tpu.memory_space<vmem>>
    %dma_wait3A_356 = arith.constant 0 : i32
    %dma_wait3A_357 = tpu.memref_slice %arg4[%dma_wait3A_353, %add3A, %dma_wait3A_356] : memref<26x32x128xf32, #tpu.memory_space<hbm>> -> memref<1x1x128xf32, #tpu.memory_space<hbm>>
    %dma_wait3A_358 = tpu.memref_squeeze %dma_wait3A_357 : memref<1x1x128xf32, #tpu.memory_space<hbm>> -> memref<128xf32, #tpu.memory_space<hbm>>
    %dma_wait3A_359 = arith.constant 49920 : i32
    %dma_wait3A_360 = tpu.memref_slice %arg10[%dma_wait3A_359] : memref<50048xf32, #tpu.memory_space<vmem>> -> memref<128xf32, #tpu.memory_space<vmem>>
    %dma_wait3A_361 = arith.constant 0 : i32
    %dma_wait3A_362 = tpu.memref_slice %arg4[%dma_wait3A_353, %add3A, %dma_wait3A_361] : memref<26x32x128xf32, #tpu.memory_space<hbm>> -> memref<1x1x128xf32, #tpu.memory_space<hbm>>
    %dma_wait3A_363 = tpu.memref_squeeze %dma_wait3A_362 : memref<1x1x128xf32, #tpu.memory_space<hbm>> -> memref<128xf32, #tpu.memory_space<hbm>>
    tpu.wait_dma2 semaphore(%arg13 : memref<!tpu.dma_semaphore, #tpu.memory_space<semaphore_mem>>) src(%dma_wait3A_363 : memref<128xf32, #tpu.memory_space<hbm>>) dst(%dma_wait3A_360 : memref<128xf32, #tpu.memory_space<vmem>>)
    %dma_wait3A_364 = arith.constant 0 : i32
    %dma_wait3A_365 = arith.constant 0 : i32
    %dma_wait3A_366 = tpu.memref_slice %arg2[%dma_wait3A_364, %dma_wait3A_365] : memref<26x16384xi32, #tpu.memory_space<hbm>> -> memref<1x4096xi32, #tpu.memory_space<hbm>>
    %dma_wait3A_367 = tpu.memref_squeeze %dma_wait3A_366 : memref<1x4096xi32, #tpu.memory_space<hbm>> -> memref<4096xi32, #tpu.memory_space<hbm>>
    %dma_wait3A_368 = arith.constant 0 : i32
    %dma_wait3A_369 = tpu.memref_slice %arg2[%dma_wait3A_364, %dma_wait3A_368] : memref<26x16384xi32, #tpu.memory_space<hbm>> -> memref<1x4096xi32, #tpu.memory_space<hbm>>
    %dma_wait3A_370 = tpu.memref_squeeze %dma_wait3A_369 : memref<1x4096xi32, #tpu.memory_space<hbm>> -> memref<4096xi32, #tpu.memory_space<hbm>>
    tpu.wait_dma2 semaphore(%arg14 : memref<!tpu.dma_semaphore, #tpu.memory_space<semaphore_mem>>) src(%dma_wait3A_370 : memref<4096xi32, #tpu.memory_space<hbm>>) dst(%arg6 : memref<4096xi32, #tpu.memory_space<vmem>>)
    %parallel_loop3A_371 = arith.constant 0 : i32
    %parallel_loop3A_372 = arith.constant 4096 : i32
    %parallel_loop3A_373 = arith.constant 16 : i32
    scf.for %parallel_loop3A_414 = %parallel_loop3A_371 to %parallel_loop3A_372 step %parallel_loop3A_373  : i32 {
      %parallel_loop3A_415 = arith.index_cast %parallel_loop3A_414 : i32 to index
      %parallel_loop3A_416 = tpu.vector_load %arg6[%parallel_loop3A_415] {strides = array<i32>} : memref<4096xi32, #tpu.memory_space<vmem>>, vector<16xi32>,
      %parallel_loop3A_417 = arith.constant 50048 : i32
      %parallel_loop3A_418 = vector.broadcast %parallel_loop3A_417 : i32 to vector<16xi32>
      %parallel_loop3A_419 = arith.subi %parallel_loop3A_416, %parallel_loop3A_418 : vector<16xi32>
      %parallel_loop3A_420 = vector.bitcast %parallel_loop3A_419 : vector<16xi32> to vector<16xi32>
      %parallel_loop3A_421 = arith.constant 49952 : i32
      %parallel_loop3A_422 = vector.broadcast %parallel_loop3A_421 : i32 to vector<16xi32>
      %parallel_loop3A_423 = arith.minui %parallel_loop3A_420, %parallel_loop3A_422 : vector<16xi32>
      %parallel_loop3A_424 = vector.bitcast %parallel_loop3A_423 : vector<16xi32> to vector<16xi32>
      %parallel_loop3A_425 = tpu.vector_load_idx %arg10[%parallel_loop3A_424] : memref<50048xf32, #tpu.memory_space<vmem>>[vector<16xi32>], vector<16xf32>,
      %parallel_loop3A_426 = arith.constant 0 : i32
      %parallel_loop3A_427 = arith.addi %parallel_loop3A_426, %parallel_loop3A_414 : i32
      %parallel_loop3A_428 = arith.index_cast %parallel_loop3A_427 : i32 to index
      %parallel_loop3A_429 = tpu.vector_load %arg11[%parallel_loop3A_428] {strides = array<i32>} : memref<16384xf32, #tpu.memory_space<vmem>>, vector<16xf32>,
      tpu.vector_store %arg11[%parallel_loop3A_428], %parallel_loop3A_425 {add = true, strides = array<i32>} : memref<16384xf32, #tpu.memory_space<vmem>>, vector<16xf32>,
    } {sc.loop_unroll_factor = 4 : i64, sc.parallel_access}
    %dma_start3A_374 = arith.constant 25 : i32
    %dma_start3A_375 = arith.constant 12288 : i32
    %dma_start3A_376 = tpu.memref_slice %arg2[%dma_start3A_374, %dma_start3A_375] : memref<26x16384xi32, #tpu.memory_space<hbm>> -> memref<1x4096xi32, #tpu.memory_space<hbm>>
    %dma_start3A_377 = tpu.memref_squeeze %dma_start3A_376 : memref<1x4096xi32, #tpu.memory_space<hbm>> -> memref<4096xi32, #tpu.memory_space<hbm>>
    %dma_start3A_378 = arith.constant 12288 : i32
    %dma_start3A_379 = tpu.memref_slice %arg2[%dma_start3A_374, %dma_start3A_378] : memref<26x16384xi32, #tpu.memory_space<hbm>> -> memref<1x4096xi32, #tpu.memory_space<hbm>>
    %dma_start3A_380 = tpu.memref_squeeze %dma_start3A_379 : memref<1x4096xi32, #tpu.memory_space<hbm>> -> memref<4096xi32, #tpu.memory_space<hbm>>
    tpu.enqueue_dma source(%dma_start3A_380 : memref<4096xi32, #tpu.memory_space<hbm>>) target(%arg6 : memref<4096xi32, #tpu.memory_space<vmem>>) target_semaphore(%arg14 : memref<!tpu.dma_semaphore, #tpu.memory_space<semaphore_mem>>)
    %dma_wait3A_381 = arith.constant 0 : i32
    %dma_wait3A_382 = arith.constant 0 : i32
    %dma_wait3A_383 = tpu.memref_slice %arg2[%dma_wait3A_381, %dma_wait3A_382] : memref<26x16384xi32, #tpu.memory_space<hbm>> -> memref<1x4096xi32, #tpu.memory_space<hbm>>
    %dma_wait3A_384 = tpu.memref_squeeze %dma_wait3A_383 : memref<1x4096xi32, #tpu.memory_space<hbm>> -> memref<4096xi32, #tpu.memory_space<hbm>>
    %dma_wait3A_385 = arith.constant 0 : i32
    %dma_wait3A_386 = tpu.memref_slice %arg2[%dma_wait3A_381, %dma_wait3A_385] : memref<26x16384xi32, #tpu.memory_space<hbm>> -> memref<1x4096xi32, #tpu.memory_space<hbm>>
    %dma_wait3A_387 = tpu.memref_squeeze %dma_wait3A_386 : memref<1x4096xi32, #tpu.memory_space<hbm>> -> memref<4096xi32, #tpu.memory_space<hbm>>
    tpu.wait_dma2 semaphore(%arg15 : memref<!tpu.dma_semaphore, #tpu.memory_space<semaphore_mem>>) src(%dma_wait3A_387 : memref<4096xi32, #tpu.memory_space<hbm>>) dst(%arg7 : memref<4096xi32, #tpu.memory_space<vmem>>)
    %parallel_loop3A_388 = arith.constant 0 : i32
    %parallel_loop3A_389 = arith.constant 4096 : i32
    %parallel_loop3A_390 = arith.constant 16 : i32
    scf.for %parallel_loop3A_414 = %parallel_loop3A_388 to %parallel_loop3A_389 step %parallel_loop3A_390  : i32 {
      %parallel_loop3A_415 = arith.index_cast %parallel_loop3A_414 : i32 to index
      %parallel_loop3A_416 = tpu.vector_load %arg7[%parallel_loop3A_415] {strides = array<i32>} : memref<4096xi32, #tpu.memory_space<vmem>>, vector<16xi32>,
      %parallel_loop3A_417 = arith.constant 50048 : i32
      %parallel_loop3A_418 = vector.broadcast %parallel_loop3A_417 : i32 to vector<16xi32>
      %parallel_loop3A_419 = arith.subi %parallel_loop3A_416, %parallel_loop3A_418 : vector<16xi32>
      %parallel_loop3A_420 = vector.bitcast %parallel_loop3A_419 : vector<16xi32> to vector<16xi32>
      %parallel_loop3A_421 = arith.constant 49952 : i32
      %parallel_loop3A_422 = vector.broadcast %parallel_loop3A_421 : i32 to vector<16xi32>
      %parallel_loop3A_423 = arith.minui %parallel_loop3A_420, %parallel_loop3A_422 : vector<16xi32>
      %parallel_loop3A_424 = vector.bitcast %parallel_loop3A_423 : vector<16xi32> to vector<16xi32>
      %parallel_loop3A_425 = tpu.vector_load_idx %arg10[%parallel_loop3A_424] : memref<50048xf32, #tpu.memory_space<vmem>>[vector<16xi32>], vector<16xf32>,
      %parallel_loop3A_426 = arith.constant 4096 : i32
      %parallel_loop3A_427 = arith.addi %parallel_loop3A_426, %parallel_loop3A_414 : i32
      %parallel_loop3A_428 = arith.index_cast %parallel_loop3A_427 : i32 to index
      %parallel_loop3A_429 = tpu.vector_load %arg11[%parallel_loop3A_428] {strides = array<i32>} : memref<16384xf32, #tpu.memory_space<vmem>>, vector<16xf32>,
      tpu.vector_store %arg11[%parallel_loop3A_428], %parallel_loop3A_425 {add = true, strides = array<i32>} : memref<16384xf32, #tpu.memory_space<vmem>>, vector<16xf32>,
    } {sc.loop_unroll_factor = 4 : i64, sc.parallel_access}
    %dma_wait3A_391 = arith.constant 0 : i32
    %dma_wait3A_392 = arith.constant 0 : i32
    %dma_wait3A_393 = tpu.memref_slice %arg2[%dma_wait3A_391, %dma_wait3A_392] : memref<26x16384xi32, #tpu.memory_space<hbm>> -> memref<1x4096xi32, #tpu.memory_space<hbm>>
    %dma_wait3A_394 = tpu.memref_squeeze %dma_wait3A_393 : memref<1x4096xi32, #tpu.memory_space<hbm>> -> memref<4096xi32, #tpu.memory_space<hbm>>
    %dma_wait3A_395 = arith.constant 0 : i32
    %dma_wait3A_396 = tpu.memref_slice %arg2[%dma_wait3A_391, %dma_wait3A_395] : memref<26x16384xi32, #tpu.memory_space<hbm>> -> memref<1x4096xi32, #tpu.memory_space<hbm>>
    %dma_wait3A_397 = tpu.memref_squeeze %dma_wait3A_396 : memref<1x4096xi32, #tpu.memory_space<hbm>> -> memref<4096xi32, #tpu.memory_space<hbm>>
    tpu.wait_dma2 semaphore(%arg16 : memref<!tpu.dma_semaphore, #tpu.memory_space<semaphore_mem>>) src(%dma_wait3A_397 : memref<4096xi32, #tpu.memory_space<hbm>>) dst(%arg8 : memref<4096xi32, #tpu.memory_space<vmem>>)
    %parallel_loop3A_398 = arith.constant 0 : i32
    %parallel_loop3A_399 = arith.constant 4096 : i32
    %parallel_loop3A_400 = arith.constant 16 : i32
    scf.for %parallel_loop3A_414 = %parallel_loop3A_398 to %parallel_loop3A_399 step %parallel_loop3A_400  : i32 {
      %parallel_loop3A_415 = arith.index_cast %parallel_loop3A_414 : i32 to index
      %parallel_loop3A_416 = tpu.vector_load %arg8[%parallel_loop3A_415] {strides = array<i32>} : memref<4096xi32, #tpu.memory_space<vmem>>, vector<16xi32>,
      %parallel_loop3A_417 = arith.constant 50048 : i32
      %parallel_loop3A_418 = vector.broadcast %parallel_loop3A_417 : i32 to vector<16xi32>
      %parallel_loop3A_419 = arith.subi %parallel_loop3A_416, %parallel_loop3A_418 : vector<16xi32>
      %parallel_loop3A_420 = vector.bitcast %parallel_loop3A_419 : vector<16xi32> to vector<16xi32>
      %parallel_loop3A_421 = arith.constant 49952 : i32
      %parallel_loop3A_422 = vector.broadcast %parallel_loop3A_421 : i32 to vector<16xi32>
      %parallel_loop3A_423 = arith.minui %parallel_loop3A_420, %parallel_loop3A_422 : vector<16xi32>
      %parallel_loop3A_424 = vector.bitcast %parallel_loop3A_423 : vector<16xi32> to vector<16xi32>
      %parallel_loop3A_425 = tpu.vector_load_idx %arg10[%parallel_loop3A_424] : memref<50048xf32, #tpu.memory_space<vmem>>[vector<16xi32>], vector<16xf32>,
      %parallel_loop3A_426 = arith.constant 8192 : i32
      %parallel_loop3A_427 = arith.addi %parallel_loop3A_426, %parallel_loop3A_414 : i32
      %parallel_loop3A_428 = arith.index_cast %parallel_loop3A_427 : i32 to index
      %parallel_loop3A_429 = tpu.vector_load %arg11[%parallel_loop3A_428] {strides = array<i32>} : memref<16384xf32, #tpu.memory_space<vmem>>, vector<16xf32>,
      tpu.vector_store %arg11[%parallel_loop3A_428], %parallel_loop3A_425 {add = true, strides = array<i32>} : memref<16384xf32, #tpu.memory_space<vmem>>, vector<16xf32>,
    } {sc.loop_unroll_factor = 4 : i64, sc.parallel_access}
    %dma_wait3A_401 = arith.constant 0 : i32
    %dma_wait3A_402 = arith.constant 0 : i32
    %dma_wait3A_403 = tpu.memref_slice %arg2[%dma_wait3A_401, %dma_wait3A_402] : memref<26x16384xi32, #tpu.memory_space<hbm>> -> memref<1x4096xi32, #tpu.memory_space<hbm>>
    %dma_wait3A_404 = tpu.memref_squeeze %dma_wait3A_403 : memref<1x4096xi32, #tpu.memory_space<hbm>> -> memref<4096xi32, #tpu.memory_space<hbm>>
    %dma_wait3A_405 = arith.constant 0 : i32
    %dma_wait3A_406 = tpu.memref_slice %arg2[%dma_wait3A_401, %dma_wait3A_405] : memref<26x16384xi32, #tpu.memory_space<hbm>> -> memref<1x4096xi32, #tpu.memory_space<hbm>>
    %dma_wait3A_407 = tpu.memref_squeeze %dma_wait3A_406 : memref<1x4096xi32, #tpu.memory_space<hbm>> -> memref<4096xi32, #tpu.memory_space<hbm>>
    tpu.wait_dma2 semaphore(%arg14 : memref<!tpu.dma_semaphore, #tpu.memory_space<semaphore_mem>>) src(%dma_wait3A_407 : memref<4096xi32, #tpu.memory_space<hbm>>) dst(%arg6 : memref<4096xi32, #tpu.memory_space<vmem>>)
    %parallel_loop3A_408 = arith.constant 0 : i32
    %parallel_loop3A_409 = arith.constant 4096 : i32
    %parallel_loop3A_410 = arith.constant 16 : i32
    scf.for %parallel_loop3A_414 = %parallel_loop3A_408 to %parallel_loop3A_409 step %parallel_loop3A_410  : i32 {
      %parallel_loop3A_415 = arith.index_cast %parallel_loop3A_414 : i32 to index
      %parallel_loop3A_416 = tpu.vector_load %arg6[%parallel_loop3A_415] {strides = array<i32>} : memref<4096xi32, #tpu.memory_space<vmem>>, vector<16xi32>,
      %parallel_loop3A_417 = arith.constant 50048 : i32
      %parallel_loop3A_418 = vector.broadcast %parallel_loop3A_417 : i32 to vector<16xi32>
      %parallel_loop3A_419 = arith.subi %parallel_loop3A_416, %parallel_loop3A_418 : vector<16xi32>
      %parallel_loop3A_420 = vector.bitcast %parallel_loop3A_419 : vector<16xi32> to vector<16xi32>
      %parallel_loop3A_421 = arith.constant 49952 : i32
      %parallel_loop3A_422 = vector.broadcast %parallel_loop3A_421 : i32 to vector<16xi32>
      %parallel_loop3A_423 = arith.minui %parallel_loop3A_420, %parallel_loop3A_422 : vector<16xi32>
      %parallel_loop3A_424 = vector.bitcast %parallel_loop3A_423 : vector<16xi32> to vector<16xi32>
      %parallel_loop3A_425 = tpu.vector_load_idx %arg10[%parallel_loop3A_424] : memref<50048xf32, #tpu.memory_space<vmem>>[vector<16xi32>], vector<16xf32>,
      %parallel_loop3A_426 = arith.constant 12288 : i32
      %parallel_loop3A_427 = arith.addi %parallel_loop3A_426, %parallel_loop3A_414 : i32
      %parallel_loop3A_428 = arith.index_cast %parallel_loop3A_427 : i32 to index
      %parallel_loop3A_429 = tpu.vector_load %arg11[%parallel_loop3A_428] {strides = array<i32>} : memref<16384xf32, #tpu.memory_space<vmem>>, vector<16xf32>,
      tpu.vector_store %arg11[%parallel_loop3A_428], %parallel_loop3A_425 {add = true, strides = array<i32>} : memref<16384xf32, #tpu.memory_space<vmem>>, vector<16xf32>,
    } {sc.loop_unroll_factor = 4 : i64, sc.parallel_access}
    %parallel_loop3A_411 = arith.constant 0 : i32
    %parallel_loop3A_412 = arith.constant 16384 : i32
    %parallel_loop3A_413 = arith.constant 16 : i32
    scf.for %parallel_loop3A_414 = %parallel_loop3A_411 to %parallel_loop3A_412 step %parallel_loop3A_413  : i32 {
      %parallel_loop3A_415 = arith.index_cast %parallel_loop3A_414 : i32 to index
      %parallel_loop3A_416 = tpu.vector_load %arg11[%parallel_loop3A_415] {strides = array<i32>} : memref<16384xf32, #tpu.memory_space<vmem>>, vector<16xf32>,
      %parallel_loop3A_417 = arith.constant 0.196116135 : f32
      %parallel_loop3A_418 = vector.broadcast %parallel_loop3A_417 : f32 to vector<16xf32>
      %parallel_loop3A_419 = arith.mulf %parallel_loop3A_416, %parallel_loop3A_418 : vector<16xf32>
      %parallel_loop3A_420 = arith.index_cast %parallel_loop3A_414 : i32 to index
      %parallel_loop3A_421 = tpu.vector_load %arg11[%parallel_loop3A_420] {strides = array<i32>} : memref<16384xf32, #tpu.memory_space<vmem>>, vector<16xf32>,
      tpu.vector_store %arg11[%parallel_loop3A_420], %parallel_loop3A_419 {strides = array<i32>} : memref<16384xf32, #tpu.memory_space<vmem>>, vector<16xf32>,
    } {sc.loop_unroll_factor = 2 : i64, sc.parallel_access}
    "tpu.region"() ({
      %run_scoped3A = tpu.sem_alloc : memref<!tpu.dma_semaphore, #tpu.memory_space<semaphore_mem>>
      %dma_start3A_414 = arith.constant 0 : i32
      %dma_start3A_415 = tpu.memref_slice %arg5[%add3A, %dma_start3A_414] : memref<32x16384xf32, #tpu.memory_space<hbm>> -> memref<1x16384xf32, #tpu.memory_space<hbm>>
      %dma_start3A_416 = tpu.memref_squeeze %dma_start3A_415 : memref<1x16384xf32, #tpu.memory_space<hbm>> -> memref<16384xf32, #tpu.memory_space<hbm>>
      %dma_start3A_417 = arith.constant 0 : i32
      %dma_start3A_418 = tpu.memref_slice %arg5[%add3A, %dma_start3A_417] : memref<32x16384xf32, #tpu.memory_space<hbm>> -> memref<1x16384xf32, #tpu.memory_space<hbm>>
      %dma_start3A_419 = tpu.memref_squeeze %dma_start3A_418 : memref<1x16384xf32, #tpu.memory_space<hbm>> -> memref<16384xf32, #tpu.memory_space<hbm>>
      tpu.enqueue_dma source(%arg11 : memref<16384xf32, #tpu.memory_space<vmem>>) target(%dma_start3A_419 : memref<16384xf32, #tpu.memory_space<hbm>>) target_semaphore(%run_scoped3A : memref<!tpu.dma_semaphore, #tpu.memory_space<semaphore_mem>>)
      %dma_wait3A_420 = arith.constant 0 : i32
      %dma_wait3A_421 = tpu.memref_slice %arg5[%add3A, %dma_wait3A_420] : memref<32x16384xf32, #tpu.memory_space<hbm>> -> memref<1x16384xf32, #tpu.memory_space<hbm>>
      %dma_wait3A_422 = tpu.memref_squeeze %dma_wait3A_421 : memref<1x16384xf32, #tpu.memory_space<hbm>> -> memref<16384xf32, #tpu.memory_space<hbm>>
      %dma_wait3A_423 = arith.constant 0 : i32
      %dma_wait3A_424 = tpu.memref_slice %arg5[%add3A, %dma_wait3A_423] : memref<32x16384xf32, #tpu.memory_space<hbm>> -> memref<1x16384xf32, #tpu.memory_space<hbm>>
      %dma_wait3A_425 = tpu.memref_squeeze %dma_wait3A_424 : memref<1x16384xf32, #tpu.memory_space<hbm>> -> memref<16384xf32, #tpu.memory_space<hbm>>
      tpu.wait_dma2 semaphore(%run_scoped3A : memref<!tpu.dma_semaphore, #tpu.memory_space<semaphore_mem>>) src(%arg11 : memref<16384xf32, #tpu.memory_space<vmem>>) dst(%dma_wait3A_425 : memref<16384xf32, #tpu.memory_space<hbm>>)
      tpu.yield
    }) : () -> ()
    return
  }
}

</mosaic_0001>

<sc_bundles>
// kernel: kernel.3.cloned.1.call-start
scs
__scs_entry_jumppad:
0x0: {  	(pc) =	sbr.rel $0x88, $3  }
0x1: {  	(tag) =	ssettag $0x0;
	lr =	simm.s32 $0x1  }
0x2: {  	[smem:$0x3F9F] =	sst lr;
	_ =	strace $0xD0000000  }
0x3: {  	_ = 	snop  }
0x4: {  	_ = 	snop  }
0x5: {  	_ = 	snop  }
0x6: {  	_ = 	snop  }
0x7: {  	_ = 	snop  }
__scs_overlays_trampoline_lowered:
0x8: {  	[smem:$0x3FAE] =	sst s0  }
0x9: {  	[smem:$0x3FAF] =	sst s1  }
0xa: {  	[smem:$0x3FB0] =	sst s2  }
0xb: {  	[smem:$0x3FB1] =	sst s3  }
0xc: {  	[smem:$0x3FB2] =	sst s4  }
0xd: {  	[smem:$0x3FB3] =	sst s5  }
0xe: {  	[smem:$0x3FB4] =	sst s6  }
0xf: {  	[smem:$0x3FB5] =	sst s7  }
0x10: {  	[smem:$0x3FB6] =	sst s8  }
0x11: {  	[smem:$0x3FB7] =	sst s9;
	s0 =	simm.s32 @!p0 $0x0  }
0x12: {  	s1 =	sld [smem:$0x3F9D];
	s0 =	simm.s32 @p0 $0x1  }
0x13: {  	[smem:$0x3FB8] =	sst s0;
	s0 =	simm.s32 @!p1 $0x0  }
0x14: {  	s2 =	sld [smem:$0x3F9C];
	s0 =	simm.s32 @p1 $0x1  }
0x15: {  	[smem:$0x3FB9] =	sst s0;
	s0 =	simm.s32 @!p2 $0x0  }
0x16: {  	s3 =	sld [smem:$0x3FDB];
	s0 =	simm.s32 @p2 $0x1  }
0x17: {  	s4 =	simm.s32 $0x1BF5;
	[smem:$0x3FBB] =	sst s0  }
0x18: {  	s0 =	sld [smem:$0x3F9E];
	_ =	swait.ge [sflag:s4], $0x0  }
0x19: {  	s7 =	sld [smem:$0x3F9F]  }
0x1a: {  	s8 =	sadd.s32 $0xFFFFE003, lr  }
0x1b: {  	s9 =	sadd.s32 $0xFFFFFEF7, lr;
	s5 =	simm.s32 $0xFFFFFFFF;
	p2 =	slt.u32 s8, $0xFFFFF086  }
0x1c: {  	p1 =	slt.u32 s9, $0xF7A;
	s5 =	simm.s32 @!p2 $0x0  }
0x1d: {  	s5 =	simm.s32 @p1 $0x1;
	p0 =	seq.s32 s7, s2  }
0x1e: {  	s7 =	smul.u32 @!p0 $0xF7A, s2;
	p2 =	seq.s32 @!p0 s5, $0x0  }
0x1f: {  	s9 =	smul.u32 $0xF7A, s1;
	s8 =	simm.s32 @!p0 $0x1BF5;
	p2 =	por !p2, p0  }
0x20: {  	[sflag:s8] =	ssyncset.s32 @!p0 $0xFFFFF086;
	s6 =	sadd.s32 @!p0 s3, s7;
	s7 =	simm.s32 @!p0 $0x108  }
0x21: {  	s3 =	sadd.s32 s3, s9;
	s6 =	sadd.s32 @!p0 $0x88, s6;
	s7 =	simm.s32 @p2 $0x1082  }
0x22: {  	[simem:s7], [sflag:s8] =	dma.local @!p0 [hbm:s6], $0xF7A  }
0x23: {  	s9 =	sor.u32 $0xD0000000, s2;
	s6 =	simm.s32 $0x108;
	_ =	swait.ge @!p0 [sflag:s8], $0x0  }
0x24: {  	s3 =	sadd.s32 $0x88, s3;
	s6 =	simm.s32 @!p1 $0x1082;
	[sflag:s4] =	ssyncset.s32 $0xFFFFF086  }
0x25: {  	[simem:s6], [sflag:s4] =	dma.local [hbm:s3], $0xF7A  }
0x26: {  	[smem:$0x3F9F] =	sst s1;
	(tag) =	ssettag s2;
	_ =	strace s9  }
0x27: {  	s1 =	sld [smem:$0x3FAF]  }
0x28: {  	s2 =	sld [smem:$0x3FB0]  }
0x29: {  	s4 =	sld [smem:$0x3FB2]  }
0x2a: {  	p0 =	seq.s32 s5, $0x0;
	s5 =	sld [smem:$0x3FB3]  }
0x2b: {  	s6 =	sld [smem:$0x3FB4]  }
0x2c: {  	s7 =	sld [smem:$0x3FB5]  }
0x2d: {  	s3 =	simm.s32 $0x108;
	s8 =	sld [smem:$0x3FB6]  }
0x2e: {  	s3 =	simm.s32 @!p0 $0x1082;
	s9 =	sld [smem:$0x3FB7]  }
0x2f: {  	lr =	sadd.s32 s0, s3;
	s0 =	sld [smem:$0x3FAE]  }
0x30: {  	s3 =	sld [smem:$0x3FB1]  }
0x31: {  	[smem:$0x3FBA] =	sst s10  }
0x32: {  	s10 =	sld [smem:$0x3FB8];
	_ =	sdelay $0x3  }
0x33: {  	p0 =	seq.s32 s10, $0x1;
	s10 =	sld [smem:$0x3FBA];
	_ =	sdelay $0x3  }
0x34: {  	[smem:$0x3FBA] =	sst s10  }
0x35: {  	s10 =	sld [smem:$0x3FB9];
	_ =	sdelay $0x3  }
0x36: {  	p1 =	seq.s32 s10, $0x1;
	s10 =	sld [smem:$0x3FBA];
	_ =	sdelay $0x3  }
0x37: {  	[smem:$0x3FBA] =	sst s10  }
0x38: {  	s10 =	sld [smem:$0x3FBB]  }
0x39: {  	_ = 	snop;
	(pc) =	sbr.ind lr, $3  }
0x3a: {  	_ = 	snop  }
0x3b: {  	_ = 	snop  }
0x3c: {  	p2 =	seq.s32 s10, $0x1;
	s10 =	sld [smem:$0x3FBA]  }
0x3d: {  	_ =	shalt  }
0x3e: {  	_ =	shalt  }
0x3f: {  	_ =	shalt  }
0x40: {  	_ =	shalt  }
0x41: {  	_ =	shalt  }
0x42: {  	_ =	shalt  }
0x43: {  	_ =	shalt  }
0x44: {  	_ =	shalt  }
0x45: {  	_ =	shalt  }
0x46: {  	_ =	shalt  }
0x47: {  	_ =	shalt  }
0x48: {  	_ =	shalt  }
0x49: {  	_ =	shalt  }
0x4a: {  	_ =	shalt  }
0x4b: {  	_ =	shalt  }
0x4c: {  	_ =	shalt  }
0x4d: {  	_ =	shalt  }
0x4e: {  	_ =	shalt  }
0x4f: {  	_ =	shalt  }
0x50: {  	_ =	shalt  }
0x51: {  	_ =	shalt  }
0x52: {  	_ =	shalt  }
0x53: {  	_ =	shalt  }
0x54: {  	_ =	shalt  }
0x55: {  	_ =	shalt  }
0x56: {  	_ =	shalt  }
0x57: {  	_ =	shalt  }
0x58: {  	_ =	shalt  }
0x59: {  	_ =	shalt  }
0x5a: {  	_ =	shalt  }
0x5b: {  	_ =	shalt  }
0x5c: {  	_ =	shalt  }
0x5d: {  	_ =	shalt  }
0x5e: {  	_ =	shalt  }
0x5f: {  	_ =	shalt  }
0x60: {  	_ =	shalt  }
0x61: {  	_ =	shalt  }
0x62: {  	_ =	shalt  }
0x63: {  	_ =	shalt  }
0x64: {  	_ =	shalt  }
0x65: {  	_ =	shalt  }
0x66: {  	_ =	shalt  }
0x67: {  	_ =	shalt  }
0x68: {  	_ =	shalt  }
0x69: {  	_ =	shalt  }
0x6a: {  	_ =	shalt  }
0x6b: {  	_ =	shalt  }
0x6c: {  	_ =	shalt  }
0x6d: {  	_ =	shalt  }
0x6e: {  	_ =	shalt  }
0x6f: {  	_ =	shalt  }
0x70: {  	_ =	shalt  }
0x71: {  	_ =	shalt  }
0x72: {  	_ =	shalt  }
0x73: {  	_ =	shalt  }
0x74: {  	_ =	shalt  }
0x75: {  	_ =	shalt  }
0x76: {  	_ =	shalt  }
0x77: {  	_ =	shalt  }
0x78: {  	_ =	shalt  }
0x79: {  	_ =	shalt  }
0x7a: {  	_ =	shalt  }
0x7b: {  	_ =	shalt  }
0x7c: {  	_ =	shalt  }
0x7d: {  	_ =	shalt  }
0x7e: {  	_ =	shalt  }
0x7f: {  	_ =	shalt  }
0x80: {  	_ =	shalt  }
0x81: {  	_ =	shalt  }
0x82: {  	_ =	shalt  }
0x83: {  	_ =	shalt  }
0x84: {  	_ =	shalt  }
0x85: {  	_ =	shalt  }
0x86: {  	_ =	shalt  }
0x87: {  	_ =	shalt  }
.Lfunc_end0:
.L_simem_size_0:
called_computation_lowered:
.L_overlay_start_0:
0x88: {  	s2 =	sld [smem:$0x3FD9]  }
0x89: {  	s3 =	sld [smem:$0x3FFE];
	_ =	sdelay $0x1  }
0x8a: {  	s1 =	srdreg.scid  }
0x8b: {  	s0 =	sand.u32 $0x1, s1  }
0x8c: {  	s17 =	sshll.u32 s0, $0xA;
	s2 =	sadd.s32 s3, s2  }
0x8d: {  	s2 =	sadd.s32 s2, s17  }
0x8e: {  	[smem:$0x3FC6] =	sst s2  }
0x8f: {  	_ = 	snop  }
0x90: {  	s2 =	sld [smem:$0x3FC9]  }
0x91: {  	s18 =	sld [smem:$0x3FC8]  }
0x92: {  	s4 =	sld [smem:$0x3FD0];
	(tm) =	ssettm $0x1  }
0x93: {  	s5 =	sld [smem:$0x3FFB];
	_ =	sdelay $0x3  }
0x94: {  	_ =	strace s5  }
0x95: {  	s5 =	sld [smem:$0x3FFC];
	_ =	sdelay $0x3  }
0x96: {  	_ =	strace s5  }
0x97: {  	s5 =	sld [smem:$0x3FFD];
	_ =	sdelay $0x3  }
0x98: {  	_ =	strace s5  }
0x99: {  	_ =	strace $0x8FFFFFFF  }
0x9a: {  	s19 =	sld [smem:$0x3FDB];
	_ =	sdelay $0x1  }
0x9b: {  	s6 =	simm.s32 $_scs_section_size  }
0x9c: {  	s7 =	simm.s32 $_size__tile_overlayer_lowered;
	s8 =	simm.s32 $_tile_overlayer_lowered  }
0x9d: {  	s22 =	simm.s32 $0x1BFF;
	s21 =	sshll.u32 s8, $0x1;
	s5 =	sadd.s32 s6, s19  }
0x9e: {  	s9 =	simm.s32 $0x0;
	s20 =	sshll.u32 s7, $0x1;
	s7 =	sadd.s32 s21, s5  }
0x9f: {  	[timem:s9], [sflag:s22] =	dma.local [hbm:s7], s20  }
0xa0: {  	_ =	swait.ge [sflag:s22], s20  }
0xa1: {  	s6 =	ssub.s32 $0x0, s20;
	[sflag:s22] =	ssyncset.done $0x0  }
0xa2: {  	[sflag:s22] =	ssyncadd.s32 s6;
	_ =	sdelay $0x1  }
0xa3: {  	s23 =	simm.s32 $0x1B8B  }
0xa4: {  	_ =	swait.ge [sflag:s23], $0x1  }
0xa5: {  	[sflag:s23] =	ssyncset.done $0x0  }
0xa6: {  	s25 =	simm.s32 $0x1B8E;
	s24 =	sld [smem:$0x3FFE];
	[sflag:s23] =	ssyncadd.s32 $0xFFFFFFFF  }
0xa7: {  	s26 =	simm.s32 $execute0_lowered;
	[smem:$0x3FD2] =	sst s25  }
0xa8: {  	s7 =	sshll.u32 s26, $0x1;
	_ =	strace $0x80000046;
	[dreg:$0x1] =	wrdreg $0xFFFFFFFF  }
0xa9: {  	s28 =	simm.s32 $_size_execute0_lowered;
	s5 =	sadd.s32 s5, s7;
	[dreg:$0x0] =	wrdreg $0x0  }
0xaa: {  	s7 =	sshll.u32 s28, $0x1;
	[dreg:$0x2] =	wrdreg s5  }
0xab: {  	[dreg:$0x3] =	wrdreg s7  }
0xac: {  	[dreg:$0x4] =	wrdreg $0xC0  }
0xad: {  	_ =	task [dreg:s9], $0x5FFFF  }
0xae: {  	[dreg:$0x1] =	wrdreg $0xFFFFFFFF  }
0xaf: {  	[dreg:$0x0] =	wrdreg $0x60  }
0xb0: {  	[dreg:$0x2] =	wrdreg s2  }
0xb1: {  	[dreg:$0x3] =	wrdreg s18  }
0xb2: {  	[dreg:$0x4] =	wrdreg s24  }
0xb3: {  	[dreg:$0x5] =	wrdreg s4  }
0xb4: {  	[dreg:$0x6] =	wrdreg $0x9  }
0xb5: {  	_ =	task.clear_ibuf [dreg:s9], $0x7FFFF;
	_ =	strace $0x90000046  }
0xb6: {  	s29 =	simm.s32 $0x9;
	_ =	strace $0x80000048  }
0xb7: {  	_ =	swait.ge [sflag:s29], $0x1  }
0xb8: {  	[sflag:s29] =	ssyncadd.s32 $0xFFFFFFFF  }
0xb9: {  	_ =	strace $0x90000048  }
0xba: {  	_ =	sfence  }
0xbb: {  	s30 =	sld [smem:$0x0];
	_ =	sdelay $0x2  }
0xbc: {  	s31 =	sshll.u32 s1, $0xD;
	s1 =	sshrl.u32 s1, $0x2  }
0xbd: {  	s3 =	sand.u32 $0x4000, s31;
	s1 =	sadd.s32 s1, s30  }
0xbe: {  	s0 =	sor.u32 s3, s0;
	s1 =	sshll.u32 s1, $0x11  }
0xbf: {  	s0 =	sor.u32 s1, s0  }
0xc0: {  	s0 =	sadd.s32 $0x8F2B, s0  }
0xc1: {  	[sflag:s0] =	ssyncadd.remote.s32 $0x1  }
0xc2: {  	_ =	sfence.sel $0xFFFF  }
0xc3: {  	[dreg:$0x0] =	wrdreg $0xFFFFFFFF;
	(pc) =	sbr.abs _section_cstart, $3  }
0xc4: {  	[dreg:$0x1] =	wrdreg $0xFFFFFFFF  }
0xc5: {  	_ =	task.clear_ibuf [dreg:s9], $0x2FFFF;
	_ =	strace $0x9FFFFFFF  }
0xc6: {  	(tm) =	ssettm $0x7FFFFFFF  }
0xc7: {  	_ =	shalt  }
tec
execute0_lowered:
.L_overlay_start_1:
0x0: {  	(tag) =	ssettag $0x1  }
0x1: {  	s7 =	rddreg [dreg:$0x0]  }
0x2: {  	s10 =	rddreg [dreg:$0x1]  }
0x3: {  	s0 =	rddreg [dreg:$0x2]  }
0x4: {  	s1 =	rddreg [dreg:$0x3];
	s4 =	simm.s32 $0x0  }
0x5: {  	s2 =	srdreg.scid;
	s5 =	stileid.u32;
	s30 =	simm.s32 $0x80  }
0x6: {  	s31 =	simm.s32 $0x400;
	[smem:$0x7FF] =	sst s4;
	s2 =	sand.u32 $0x1, s2  }
0x7: {  	s3 =	sshrl.u32 s5, $0x2;
	s5 =	sshll.u32 s5, $0x8;
	s11 =	sadd.s32 $0x400, s0  }
0x8: {  	s12 =	sadd.s32 $0x1000, s7;
	s13 =	sadd.s32 $0x2000, s7;
	s24 =	sadd.s32 $0x3000, s7  }
0x9: {  	s25 =	sadd.s32 $0xC000, s7;
	s26 =	sadd.s32 $0xD000, s7;
	s29 =	sadd.s32 $0xE000, s7  }
0xa: {  	_ =	strace $0x80000047;
	s8 =	smul.u32 $0xC3800, s3;
	[dreg:$0xb] =	wrdreg s24  }
0xb: {  	s6 =	sshll.u32 s2, $0x7;
	s5 =	sand.u32 $0x300, s5;
	[dreg:$0xd] =	wrdreg s25  }
0xc: {  	s17 =	ssub.s32 $0x2, s2;
	s18 =	sshll.u32 s3, $0xA;
	[dreg:$0xe] =	wrdreg s26  }
0xd: {  	s15 =	smov.u32 s11;
	[dreg:$0xf] =	wrdreg s29;
	s26 =	sadd.s32 $0xE010, s7  }
0xe: {  	s3 =	sshll.u32 s3, $0x11;
	s29 =	sadd.s32 $0xF010, s7;
	[dreg:$0x16] =	wrdreg s26  }
0xf: {  	s24 =	simm.s32 $0x2;
	s16 =	sor.u32 s6, s5;
	[dreg:$0x18] =	wrdreg s29  }
0x10: {  	s2 =	sshrl.u32 s17, $0x1;
	[dreg:$0x5] =	wrdreg s8;
	s5 =	sor.u32 s8, s16  }
0x11: {  	s0 =	ssub.s32 s17, s2;
	s20 =	sor.u32 s18, s16;
	s23 =	sor.u32 $0x61C00, s16  }
0x12: {  	s14 =	smov.u32 s16;
	s3 =	sor.u32 s3, s16;
	s8 =	smov.u32 s10  }
0x13: {  	s17 =	simm.s32 $0x2000;
	s18 =	simm.s32 $0x1;
	s19 =	sadd.s32 $0x61C00, s5  }
0x14: {  	s21 =	sshrl.u32 s5, $0x3;
	[dreg:$0x6] =	wrdreg s20;
	s9 =	sshrl.u32 s20, $0x3  }
0x15: {  	[dreg:$0xa] =	wrdreg s23;
	s28 =	sadd.s32 $0x4C5E000, s5;
	s0 =	smax.u32 s0, $0x1  }
0x16: {  	s3 =	sshrl.u32 s3, $0x3;
	s23 =	sadd.s32 $0xD010, s7;
	[dreg:$0x15] =	wrdreg s0  }
0x17: {  	s20 =	simm.s32 $0x4;
	s6 =	sadd.s32 s10, s21;
	[dreg:$0x13] =	wrdreg s23  }
0x18: {  	s2 =	sshrl.u32 s19, $0x3;
	s1 =	sadd.s32 s1, s3;
	[dreg:$0x7] =	wrdreg s6  }
0x19: {  	s22 =	sadd.s32 s11, s9;
	s21 =	sadd.s32 $0xF000, s7;
	[dreg:$0x12] =	wrdreg s1  }
0x1a: {  	s9 =	sadd.s32 $0x4CBFC00, s5;
	s11 =	sadd.s32 $0xC010, s7;
	[dreg:$0x9] =	wrdreg s22  }
0x1b: {  	s0 =	simm.s32 $0x3000;
	s2 =	sadd.s32 s10, s2;
	[dreg:$0xc] =	wrdreg s21  }
0x1c: {  	s3 =	simm.s32 $0xF400;
	[dreg:$0x8] =	wrdreg s2;
	s2 =	sshrl.u32 s28, $0x3  }
0x1d: {  	s19 =	simm.s32 $0x3;
	[dreg:$0x11] =	wrdreg s11;
	s2 =	sadd.s32 s10, s2  }
0x1e: {  	s28 =	sadd.s32 $0x3200, s22;
	[dreg:$0x10] =	wrdreg s2;
	s2 =	sshrl.u32 s9, $0x3  }
0x1f: {  	s5 =	simm.s32 $0x0;
	[dreg:$0x17] =	wrdreg s28;
	s25 =	sadd.s32 s10, s2  }
0x20: {  	v0 =	vimm.f32 $0.0e+00;
	s22 =	simm.s32 $0x5;
	s10 =	simm.s32 $0x1000;
	[dreg:$0x14] =	wrdreg s25  }
.LBB2_1:
0x21: {  	[dreg:$0x19] =	wrdreg s5;
	[tilespmem:$0xF380] =	vst v0;
	s1 =	simm.s32 $0x1B790  }
0x22: {  	s2 =	simm.s32 $0x0;
	[tilespmem:s1+$0xFFFFFFF0] =	vst v0  }
.LBB2_2:
0x23: {  	s2 =	sadd.s32 $0x20, s2  }
0x24: {  	p0 =	slt.u32 s2, $0x3FE0  }
.Ltmp0:
0x25: {  	_ = 	snop;
	(pc) =	sbr.rel @p0 .LBB2_2-.Ltmp0, $3  }
0x26: {  	_ =	sdelay $0x1  }
0x27: {  	[tilespmem:s1+$0x0] =	vst v0;
	s1 =	sadd.s32 $0x20, s1  }
0x28: {  	[tilespmem:s1+$0xFFFFFFF0] =	vst v0  }
0x29: {  	[tilespmem:s1+$0x0] =	vst v0  }
0x2a: {  	s1 =	rddreg [dreg:$0x7]  }
0x2b: {  	[tilespmem:s0], [sflag:$0x1] =	stream.strided.gather [hbm4b:s1+s30], $0xC380, s31, s30, $0x38;
	[tilespmem:$0x1F780] =	vst v63  }
0x2c: {  	s26 =	rddreg [dreg:$0x8]  }
0x2d: {  	[tilespmem:s3], [sflag:$0x2] =	stream.strided.gather [hbm4b:s26+s30], $0xC300, s31, s30, $0x38;
	[tilespmem:$0x1F780] =	vst v63  }
0x2e: {  	s11 =	simm.s32 $0x0;
	s2 =	simm.s32 $0x1B700;
	s28 =	rddreg [dreg:$0x9]  }
0x2f: {  	[tilespmem:s2], [sflag:$0x2] =	stream.linear.gather [hbm4b:s28+s11], $0x80, $0x38;
	[tilespmem:$0x1F780] =	vst v63  }
0x30: {  	s29 =	rddreg [dreg:$0x0]  }
0x31: {  	[tilespmem:s11], [sflag:$0x3] =	stream.strided.gather [hbm4b:s29+s30], $0x1000, s31, s30, $0x38;
	[tilespmem:$0x1F780] =	vst v63  }
0x32: {  	_ = 	snop  }
0x33: {  	[tilespmem:s10], [sflag:$0x4] =	stream.strided.gather [hbm4b:s12+s30], $0x1000, s31, s30, $0x38;
	[tilespmem:$0x1F780] =	vst v63  }
0x34: {  	_ = 	snop  }
0x35: {  	[tilespmem:s17], [sflag:$0x5] =	stream.strided.gather [hbm4b:s13+s30], $0x1000, s31, s30, $0x38;
	[tilespmem:$0x1F780] =	vst v63  }
.LBB2_4:
0x36: {  	_ =	swait.ge [sflag:s18], $0xC380  }
0x37: {  	[sflag:s18] =	ssyncset.done $0x0  }
0x38: {  	[sflag:s18] =	ssyncadd.s32 $0xFFFF3C80  }
0x39: {  	_ =	swait.ge [sflag:s19], $0x1000  }
0x3a: {  	[sflag:s19] =	ssyncset.done $0x0  }
0x3b: {  	s1 =	simm.s32 $0x20;
	[sflag:s19] =	ssyncadd.s32 $0xFFFFF000  }
0x3c: {  	v1 =	vld [tilespmem:s1+$0x10]  }
0x3d: {  	v2 =	vld [tilespmem:s1+$0xFFFFFFF0]  }
0x3e: {  	v3 =	vld [tilespmem:s1+$0xFFFFFFE0]  }
0x3f: {  	s2 =	simm.s32 $0x60;
	v4 =	vld [tilespmem:s1+$0x0]  }
0x40: {  	v5 =	vld [tilespmem:s2+$0x10]  }
0x41: {  	v6 =	vld [tilespmem:s2+$0xFFFFFFF0];
	v1 =	vmin.u32 v1, $0xC380  }
0x42: {  	v2 =	vmin.u32 v2, $0xC380  }
0x43: {  	v3 =	vmin.u32 v3, $0xC380  }
0x44: {  	v8 =	vld [tilespmem:s2+$0x0];
	v4 =	vmin.u32 v4, $0xC380  }
0x45: {  	v9 =	vld [tilespmem:s2+$0xFFFFFFE0];
	v5 =	vmin.u32 v5, $0xC380  }
0x46: {  	v10 =	vmin.u32 v6, $0xC380;
	v1 =	vld.idx.msk [tilespmem:v1+s0+$0x0], $0xffff  }
0x47: {  	v7 =	vld.idx.msk [tilespmem:v2+s0+$0x0], $0xffff  }
0x48: {  	v2 =	vld.idx.msk [tilespmem:v3+s0+$0x0], $0xffff  }
0x49: {  	v3 =	vld.idx.msk [tilespmem:v4+s0+$0x0], $0xffff  }
0x4a: {  	v6 =	vld.idx.msk [tilespmem:v5+s0+$0x0], $0xffff  }
0x4b: {  	s1 =	simm.s32 $0x1B7B0;
	v4 =	vld.idx.msk [tilespmem:v10+s0+$0x0], $0xffff  }
0x4c: {  	[tilespmem:s1+$0x0] =	vst.add.f32.msk $0xffff, v1  }
0x4d: {  	s5 =	simm.s32 $0x40;
	s6 =	simm.s32 $0xA0;
	s2 =	simm.s32 $0x1B7B0;
	v5 =	vmin.u32 v9, $0xC380;
	[tilespmem:s1+$0xFFFFFFE0] =	vst.add.f32.msk $0xffff, v7;
	v1 =	vmin.u32 v8, $0xC380  }
.LBB2_5:
0x4e: {  	v7 =	vld [tilespmem:s6+$0x10];
	s5 =	sadd.s32 $0x40, s5;
	v8 =	vmov v3  }
0x4f: {  	v3 =	vld [tilespmem:s6+$0xFFFFFFF0];
	p0 =	slt.u32 s5, $0xFC0  }
0x50: {  	v9 =	vld [tilespmem:s6+$0x0]  }
0x51: {  	s1 =	sadd.s32 $0x40, s1;
	v10 =	vld [tilespmem:s6+$0xFFFFFFE0]  }
0x52: {  	[tilespmem:s1+$0x0] =	vst.add.f32.msk $0xffff, v6  }
0x53: {  	v6 =	vmin.u32 v7, $0xC380;
	v7 =	vld.idx.msk [tilespmem:v5+s0+$0x0], $0xffff  }
0x54: {  	v11 =	vmin.u32 v3, $0xC380;
	v3 =	vld.idx.msk [tilespmem:v1+s0+$0x0], $0xffff  }
.Ltmp1:
0x55: {  	v1 =	vmin.u32 v9, $0xC380;
	[tilespmem:s2+$0xFFFFFFD0] =	vst.add.f32.msk $0xffff, v2;
	(pc) =	sbr.rel @p0 .LBB2_5-.Ltmp1, $4  }
0x56: {  	v5 =	vmin.u32 v10, $0xC380;
	[tilespmem:s1+$0xFFFFFFE0] =	vst.add.f32.msk $0xffff, v4  }
0x57: {  	[tilespmem:s2+$0xFFFFFFF0] =	vst.add.f32.msk $0xffff, v8;
	s2 =	smov.u32 s1  }
0x58: {  	v6 =	vld.idx.msk [tilespmem:v6+s0+$0x0], $0xffff  }
0x59: {  	s6 =	sadd.s32 $0x40, s6;
	v2 =	vmov v7;
	v4 =	vld.idx.msk [tilespmem:v11+s0+$0x0], $0xffff  }
0x5a: {  	_ =	sdelay $0x3  }
0x5b: {  	v5 =	vld.idx.msk [tilespmem:v5+s0+$0x0], $0xffff  }
0x5c: {  	v1 =	vld.idx.msk [tilespmem:v1+s0+$0x0], $0xffff  }
0x5d: {  	[tilespmem:s2+$0xFFFFFFD0] =	vst.add.f32.msk $0xffff, v2  }
0x5e: {  	s1 =	sadd.s32 $0x40, s1;
	s5 =	smul.u32 $0xC000, s11;
	[tilespmem:s2+$0xFFFFFFF0] =	vst.add.f32.msk $0xffff, v3  }
0x5f: {  	s6 =	smul.u32 $0x180, s11;
	[tilespmem:s1+$0x0] =	vst.add.f32.msk $0xffff, v6  }
0x60: {  	[tilespmem:s1+$0xFFFFFFE0] =	vst.add.f32.msk $0xffff, v4  }
0x61: {  	s5 =	sand.u32 $0x60000, s5;
	s6 =	sand.u32 $0x380, s6;
	[tilespmem:s1+$0xFFFFFFD0] =	vst.add.f32.msk $0xffff, v5  }
0x62: {  	s26 =	sor.u32 s6, s5;
	[tilespmem:s1+$0xFFFFFFF0] =	vst.add.f32.msk $0xffff, v1  }
0x63: {  	s21 =	sshrl.u32 s26, $0x3;
	s1 =	rddreg [dreg:$0xb]  }
0x64: {  	s23 =	sadd.s32 s21, s1  }
0x65: {  	[tilespmem:s4], [sflag:$0x3] =	stream.strided.gather [hbm4b:s23+s30], $0x1000, s31, s30, $0x38;
	[tilespmem:$0x1F780] =	vst v63  }
0x66: {  	_ =	swait.ge [sflag:s20], $0x1000  }
0x67: {  	[sflag:s20] =	ssyncset.done $0x0  }
0x68: {  	s28 =	simm.s32 $0x1020;
	[sflag:s20] =	ssyncadd.s32 $0xFFFFF000  }
0x69: {  	v1 =	vld [tilespmem:s28+$0x10]  }
0x6a: {  	v2 =	vld [tilespmem:s28+$0x0]  }
0x6b: {  	v3 =	vld [tilespmem:s28+$0xFFFFFFF0]  }
0x6c: {  	v4 =	vld [tilespmem:s28+$0xFFFFFFE0];
	_ =	sdelay $0x1  }
0x6d: {  	v1 =	vmin.u32 v1, $0xC380  }
0x6e: {  	v2 =	vmin.u32 v2, $0xC380  }
0x6f: {  	s9 =	simm.s32 $0x1060;
	v3 =	vmin.u32 v3, $0xC380  }
0x70: {  	v7 =	vld [tilespmem:s9+$0x10];
	v4 =	vmin.u32 v4, $0xC380  }
0x71: {  	v8 =	vld [tilespmem:s9+$0x0]  }
0x72: {  	v5 =	vld.idx.msk [tilespmem:v1+s0+$0x0], $0xffff  }
0x73: {  	v6 =	vld.idx.msk [tilespmem:v2+s0+$0x0], $0xffff  }
0x74: {  	v9 =	vld.idx.msk [tilespmem:v3+s0+$0x0], $0xffff  }
0x75: {  	v1 =	vld.idx.msk [tilespmem:v4+s0+$0x0], $0xffff  }
0x76: {  	v3 =	vld [tilespmem:s9+$0xFFFFFFF0]  }
0x77: {  	s1 =	simm.s32 $0x1C7B0;
	v2 =	vld [tilespmem:s9+$0xFFFFFFE0];
	v4 =	vmin.u32 v7, $0xC380  }
0x78: {  	[tilespmem:s1+$0x0] =	vst.add.f32.msk $0xffff, v5;
	v5 =	vmin.u32 v8, $0xC380  }
0x79: {  	s29 =	simm.s32 $0x0;
	[tilespmem:s1+$0xFFFFFFF0] =	vst.add.f32.msk $0xffff, v6  }
0x7a: {  	s2 =	simm.s32 $0x40;
	s5 =	simm.s32 $0x40;
	s6 =	sand.u32 $0xFC0, s29;
	[tilespmem:s1+$0xFFFFFFE0] =	vst.add.f32.msk $0xffff, v9  }
.LBB2_7:
0x7b: {  	s5 =	sadd.s32 $0x40, s5;
	v3 =	vmin.u32 v3, $0xC380;
	[tilespmem:s6+$0x1C780] =	vst.add.f32.msk $0xffff, v1;
	s1 =	sadd.s32 $0x40, s1  }
0x7c: {  	p0 =	slt.u32 s5, $0xFC0;
	v1 =	vmin.u32 v2, $0xC380;
	v6 =	vld.idx.msk [tilespmem:v4+s0+$0x0], $0xffff  }
0x7d: {  	s9 =	sadd.s32 $0x40, s9;
	v7 =	vld.idx.msk [tilespmem:v5+s0+$0x0], $0xffff  }
0x7e: {  	v4 =	vld [tilespmem:s9+$0x10]  }
0x7f: {  	v5 =	vld [tilespmem:s9+$0x0]  }
0x80: {  	v8 =	vld.idx.msk [tilespmem:v3+s0+$0x0], $0xffff  }
0x81: {  	v1 =	vld.idx.msk [tilespmem:v1+s0+$0x0], $0xffff  }
.Ltmp2:
0x82: {  	v3 =	vld [tilespmem:s9+$0xFFFFFFF0];
	(pc) =	sbr.rel @p0 .LBB2_7-.Ltmp2, $4  }
0x83: {  	v2 =	vld [tilespmem:s9+$0xFFFFFFE0];
	v4 =	vmin.u32 v4, $0xC380  }
0x84: {  	v5 =	vmin.u32 v5, $0xC380;
	[tilespmem:s1+$0xFFFFFFF0] =	vst.add.f32.msk $0xffff, v7  }
0x85: {  	[tilespmem:s1+$0x0] =	vst.add.f32.msk $0xffff, v6  }
0x86: {  	s6 =	sand.u32 $0xFC0, s2;
	s2 =	smov.u32 s5;
	[tilespmem:s1+$0xFFFFFFE0] =	vst.add.f32.msk $0xffff, v8  }
0x87: {  	_ = 	snop  }
0x88: {  	v3 =	vmin.u32 v3, $0xC380  }
0x89: {  	v2 =	vmin.u32 v2, $0xC380;
	_ =	sdelay $0x1  }
0x8a: {  	v5 =	vld.idx.msk [tilespmem:v5+s0+$0x0], $0xffff  }
0x8b: {  	v4 =	vld.idx.msk [tilespmem:v4+s0+$0x0], $0xffff  }
0x8c: {  	v3 =	vld.idx.msk [tilespmem:v3+s0+$0x0], $0xffff  }
0x8d: {  	v2 =	vld.idx.msk [tilespmem:v2+s0+$0x0], $0xffff  }
0x8e: {  	[tilespmem:s6+$0x1C780] =	vst.add.f32.msk $0xffff, v1;
	s1 =	sadd.s32 $0x40, s1  }
0x8f: {  	[tilespmem:s1+$0xFFFFFFF0] =	vst.add.f32.msk $0xffff, v5  }
0x90: {  	[tilespmem:s1+$0x0] =	vst.add.f32.msk $0xffff, v4  }
0x91: {  	s2 =	sand.u32 $0xFC0, s2;
	s26 =	rddreg [dreg:$0x0];
	[tilespmem:s1+$0xFFFFFFE0] =	vst.add.f32.msk $0xffff, v3  }
0x92: {  	s1 =	sadd.s32 s26, s21;
	[tilespmem:s2+$0x1C780] =	vst.add.f32.msk $0xffff, v2  }
0x93: {  	[tilespmem:s10], [sflag:$0x4] =	stream.strided.gather [hbm4b:s1+s30], $0x1000, s31, s30, $0x38;
	[tilespmem:$0x1F780] =	vst v63  }
0x94: {  	_ =	swait.ge [sflag:s22], $0x1000  }
0x95: {  	[sflag:s22] =	ssyncset.done $0x0  }
0x96: {  	s28 =	simm.s32 $0x2020;
	[sflag:s22] =	ssyncadd.s32 $0xFFFFF000  }
0x97: {  	v1 =	vld [tilespmem:s28+$0x10]  }
0x98: {  	v2 =	vld [tilespmem:s28+$0x0]  }
0x99: {  	v3 =	vld [tilespmem:s28+$0xFFFFFFF0]  }
0x9a: {  	v4 =	vld [tilespmem:s28+$0xFFFFFFE0];
	_ =	sdelay $0x1  }
0x9b: {  	v1 =	vmin.u32 v1, $0xC380  }
0x9c: {  	v2 =	vmin.u32 v2, $0xC380  }
0x9d: {  	s9 =	simm.s32 $0x2060;
	v3 =	vmin.u32 v3, $0xC380  }
0x9e: {  	v7 =	vld [tilespmem:s9+$0x10];
	v4 =	vmin.u32 v4, $0xC380  }
0x9f: {  	v8 =	vld [tilespmem:s9+$0x0]  }
0xa0: {  	v5 =	vld.idx.msk [tilespmem:v1+s0+$0x0], $0xffff  }
0xa1: {  	v6 =	vld.idx.msk [tilespmem:v2+s0+$0x0], $0xffff  }
0xa2: {  	v9 =	vld.idx.msk [tilespmem:v3+s0+$0x0], $0xffff  }
0xa3: {  	v1 =	vld.idx.msk [tilespmem:v4+s0+$0x0], $0xffff  }
0xa4: {  	v3 =	vld [tilespmem:s9+$0xFFFFFFF0]  }
0xa5: {  	s1 =	simm.s32 $0x1D7B0;
	v2 =	vld [tilespmem:s9+$0xFFFFFFE0];
	v4 =	vmin.u32 v7, $0xC380  }
0xa6: {  	[tilespmem:s1+$0x0] =	vst.add.f32.msk $0xffff, v5;
	v5 =	vmin.u32 v8, $0xC380  }
0xa7: {  	s29 =	simm.s32 $0x0;
	[tilespmem:s1+$0xFFFFFFF0] =	vst.add.f32.msk $0xffff, v6  }
0xa8: {  	s5 =	simm.s32 $0x40;
	s6 =	sand.u32 $0xFC0, s29;
	s2 =	simm.s32 $0x40;
	[tilespmem:s1+$0xFFFFFFE0] =	vst.add.f32.msk $0xffff, v9  }
.LBB2_9:
0xa9: {  	s5 =	sadd.s32 $0x40, s5;
	v3 =	vmin.u32 v3, $0xC380;
	[tilespmem:s6+$0x1D780] =	vst.add.f32.msk $0xffff, v1;
	s1 =	sadd.s32 $0x40, s1  }
0xaa: {  	p0 =	slt.u32 s5, $0xFC0;
	v1 =	vmin.u32 v2, $0xC380;
	v6 =	vld.idx.msk [tilespmem:v4+s0+$0x0], $0xffff  }
0xab: {  	s9 =	sadd.s32 $0x40, s9;
	v7 =	vld.idx.msk [tilespmem:v5+s0+$0x0], $0xffff  }
0xac: {  	v4 =	vld [tilespmem:s9+$0x10]  }
0xad: {  	v5 =	vld [tilespmem:s9+$0x0]  }
0xae: {  	v8 =	vld.idx.msk [tilespmem:v3+s0+$0x0], $0xffff  }
0xaf: {  	v1 =	vld.idx.msk [tilespmem:v1+s0+$0x0], $0xffff  }
.Ltmp3:
0xb0: {  	v3 =	vld [tilespmem:s9+$0xFFFFFFF0];
	(pc) =	sbr.rel @p0 .LBB2_9-.Ltmp3, $4  }
0xb1: {  	v2 =	vld [tilespmem:s9+$0xFFFFFFE0];
	v4 =	vmin.u32 v4, $0xC380  }
0xb2: {  	v5 =	vmin.u32 v5, $0xC380;
	[tilespmem:s1+$0xFFFFFFF0] =	vst.add.f32.msk $0xffff, v7  }
0xb3: {  	[tilespmem:s1+$0x0] =	vst.add.f32.msk $0xffff, v6  }
0xb4: {  	s6 =	sand.u32 $0xFC0, s2;
	s2 =	smov.u32 s5;
	[tilespmem:s1+$0xFFFFFFE0] =	vst.add.f32.msk $0xffff, v8  }
0xb5: {  	_ = 	snop  }
0xb6: {  	v3 =	vmin.u32 v3, $0xC380  }
0xb7: {  	v2 =	vmin.u32 v2, $0xC380;
	_ =	sdelay $0x1  }
0xb8: {  	v5 =	vld.idx.msk [tilespmem:v5+s0+$0x0], $0xffff  }
0xb9: {  	v4 =	vld.idx.msk [tilespmem:v4+s0+$0x0], $0xffff  }
0xba: {  	v3 =	vld.idx.msk [tilespmem:v3+s0+$0x0], $0xffff  }
0xbb: {  	v2 =	vld.idx.msk [tilespmem:v2+s0+$0x0], $0xffff  }
0xbc: {  	[tilespmem:s6+$0x1D780] =	vst.add.f32.msk $0xffff, v1;
	s1 =	sadd.s32 $0x40, s1  }
0xbd: {  	[tilespmem:s1+$0xFFFFFFF0] =	vst.add.f32.msk $0xffff, v5  }
0xbe: {  	[tilespmem:s1+$0x0] =	vst.add.f32.msk $0xffff, v4  }
0xbf: {  	s2 =	sand.u32 $0xFC0, s2;
	[tilespmem:s1+$0xFFFFFFE0] =	vst.add.f32.msk $0xffff, v3  }
0xc0: {  	s26 =	sadd.s32 s21, s12;
	[tilespmem:s2+$0x1D780] =	vst.add.f32.msk $0xffff, v2  }
0xc1: {  	[tilespmem:s17], [sflag:$0x5] =	stream.strided.gather [hbm4b:s26+s30], $0x1000, s31, s30, $0x38;
	[tilespmem:$0x1F780] =	vst v63  }
0xc2: {  	_ =	swait.ge [sflag:s19], $0x1000  }
0xc3: {  	[sflag:s19] =	ssyncset.done $0x0  }
0xc4: {  	s28 =	simm.s32 $0x20;
	[sflag:s19] =	ssyncadd.s32 $0xFFFFF000  }
0xc5: {  	v1 =	vld [tilespmem:s28+$0x10]  }
0xc6: {  	v2 =	vld [tilespmem:s28+$0x0]  }
0xc7: {  	v3 =	vld [tilespmem:s28+$0xFFFFFFF0]  }
0xc8: {  	v4 =	vld [tilespmem:s28+$0xFFFFFFE0];
	_ =	sdelay $0x1  }
0xc9: {  	v1 =	vmin.u32 v1, $0xC380  }
0xca: {  	v2 =	vmin.u32 v2, $0xC380  }
0xcb: {  	s9 =	simm.s32 $0x60;
	v3 =	vmin.u32 v3, $0xC380  }
0xcc: {  	v7 =	vld [tilespmem:s9+$0x10];
	v4 =	vmin.u32 v4, $0xC380  }
0xcd: {  	v8 =	vld [tilespmem:s9+$0x0]  }
0xce: {  	v5 =	vld.idx.msk [tilespmem:v1+s0+$0x0], $0xffff  }
0xcf: {  	v6 =	vld.idx.msk [tilespmem:v2+s0+$0x0], $0xffff  }
0xd0: {  	v9 =	vld.idx.msk [tilespmem:v3+s0+$0x0], $0xffff  }
0xd1: {  	v1 =	vld.idx.msk [tilespmem:v4+s0+$0x0], $0xffff  }
0xd2: {  	v3 =	vld [tilespmem:s9+$0xFFFFFFF0]  }
0xd3: {  	s1 =	simm.s32 $0x1E7B0;
	v2 =	vld [tilespmem:s9+$0xFFFFFFE0];
	v4 =	vmin.u32 v7, $0xC380  }
0xd4: {  	[tilespmem:s1+$0x0] =	vst.add.f32.msk $0xffff, v5;
	v5 =	vmin.u32 v8, $0xC380  }
0xd5: {  	s29 =	simm.s32 $0x0;
	[tilespmem:s1+$0xFFFFFFF0] =	vst.add.f32.msk $0xffff, v6  }
0xd6: {  	s5 =	simm.s32 $0x40;
	s6 =	sand.u32 $0xFC0, s29;
	s2 =	simm.s32 $0x40;
	[tilespmem:s1+$0xFFFFFFE0] =	vst.add.f32.msk $0xffff, v9  }
.LBB2_11:
0xd7: {  	s5 =	sadd.s32 $0x40, s5;
	v3 =	vmin.u32 v3, $0xC380;
	[tilespmem:s6+$0x1E780] =	vst.add.f32.msk $0xffff, v1;
	s1 =	sadd.s32 $0x40, s1  }
0xd8: {  	p0 =	slt.u32 s5, $0xFC0;
	v1 =	vmin.u32 v2, $0xC380;
	v6 =	vld.idx.msk [tilespmem:v4+s0+$0x0], $0xffff  }
0xd9: {  	s9 =	sadd.s32 $0x40, s9;
	v7 =	vld.idx.msk [tilespmem:v5+s0+$0x0], $0xffff  }
0xda: {  	v4 =	vld [tilespmem:s9+$0x10]  }
0xdb: {  	v5 =	vld [tilespmem:s9+$0x0]  }
0xdc: {  	v8 =	vld.idx.msk [tilespmem:v3+s0+$0x0], $0xffff  }
0xdd: {  	v1 =	vld.idx.msk [tilespmem:v1+s0+$0x0], $0xffff  }
.Ltmp4:
0xde: {  	v3 =	vld [tilespmem:s9+$0xFFFFFFF0];
	(pc) =	sbr.rel @p0 .LBB2_11-.Ltmp4, $4  }
0xdf: {  	v2 =	vld [tilespmem:s9+$0xFFFFFFE0];
	v4 =	vmin.u32 v4, $0xC380  }
0xe0: {  	v5 =	vmin.u32 v5, $0xC380;
	[tilespmem:s1+$0xFFFFFFF0] =	vst.add.f32.msk $0xffff, v7  }
0xe1: {  	[tilespmem:s1+$0x0] =	vst.add.f32.msk $0xffff, v6  }
0xe2: {  	s6 =	sand.u32 $0xFC0, s2;
	s2 =	smov.u32 s5;
	[tilespmem:s1+$0xFFFFFFE0] =	vst.add.f32.msk $0xffff, v8  }
0xe3: {  	_ = 	snop  }
0xe4: {  	v3 =	vmin.u32 v3, $0xC380  }
0xe5: {  	v2 =	vmin.u32 v2, $0xC380;
	_ =	sdelay $0x1  }
0xe6: {  	v5 =	vld.idx.msk [tilespmem:v5+s0+$0x0], $0xffff  }
0xe7: {  	v4 =	vld.idx.msk [tilespmem:v4+s0+$0x0], $0xffff  }
0xe8: {  	v3 =	vld.idx.msk [tilespmem:v3+s0+$0x0], $0xffff  }
0xe9: {  	v2 =	vld.idx.msk [tilespmem:v2+s0+$0x0], $0xffff  }
0xea: {  	[tilespmem:s6+$0x1E780] =	vst.add.f32.msk $0xffff, v1;
	s1 =	sadd.s32 $0x40, s1  }
0xeb: {  	s25 =	smul.u32 $0x3, s11;
	[tilespmem:s1+$0xFFFFFFF0] =	vst.add.f32.msk $0xffff, v5  }
0xec: {  	[tilespmem:s1+$0x0] =	vst.add.f32.msk $0xffff, v4  }
0xed: {  	s2 =	sand.u32 $0xFC0, s2;
	s16 =	sadd.s32 $0x1, s25;
	[tilespmem:s1+$0xFFFFFFE0] =	vst.add.f32.msk $0xffff, v3  }
0xee: {  	s9 =	sadd.s32 s21, s13;
	s21 =	smul.u32 $0x30E000, s16;
	[tilespmem:s2+$0x1E780] =	vst.add.f32.msk $0xffff, v2  }
0xef: {  	[tilespmem:s4], [sflag:$0x3] =	stream.strided.gather [hbm4b:s9+s30], $0x1000, s31, s30, $0x38;
	[tilespmem:$0x1F780] =	vst v63  }
0xf0: {  	s26 =	rddreg [dreg:$0x5]  }
0xf1: {  	s21 =	sadd.s32 s26, s21  }
0xf2: {  	s1 =	sor.u32 s14, s21  }
0xf3: {  	s1 =	sshrl.u32 s1, $0x3  }
0xf4: {  	s1 =	sadd.s32 s8, s1  }
0xf5: {  	[tilespmem:s0], [sflag:$0x1] =	stream.strided.gather [hbm4b:s1+s30], $0xC380, s31, s30, $0x38;
	[tilespmem:$0x1F780] =	vst v63  }
0xf6: {  	_ =	swait.ge [sflag:s24], $0xC300  }
0xf7: {  	[sflag:s24] =	ssyncset.done $0x0  }
0xf8: {  	[sflag:s24] =	ssyncadd.s32 $0xFFFF3D00  }
0xf9: {  	_ =	swait.ge [sflag:s24], $0x80  }
0xfa: {  	[sflag:s24] =	ssyncset.done $0x0  }
0xfb: {  	[sflag:s24] =	ssyncadd.s32 $0xFFFFFF80  }
0xfc: {  	_ =	swait.ge [sflag:s20], $0x1000  }
0xfd: {  	[sflag:s20] =	ssyncset.done $0x0  }
0xfe: {  	s28 =	simm.s32 $0x1020;
	[sflag:s20] =	ssyncadd.s32 $0xFFFFF000  }
0xff: {  	v1 =	vld [tilespmem:s28+$0x10]  }
0x100: {  	v2 =	vld [tilespmem:s28+$0xFFFFFFE0];
	_ =	sdelay $0x1  }
0x101: {  	v3 =	vld [tilespmem:s28+$0xFFFFFFF0]  }
0x102: {  	v4 =	vld [tilespmem:s28+$0x0]  }
0x103: {  	v1 =	vadd.s32 $0xFFFF3C80, v1  }
0x104: {  	s29 =	simm.s32 $0x1060;
	v2 =	vadd.s32 $0xFFFF3C80, v2;
	v1 =	vmin.u32 v1, $0xC320  }
0x105: {  	v5 =	vld [tilespmem:s29+$0x10];
	v2 =	vmin.u32 v2, $0xC320  }
0x106: {  	v6 =	vld [tilespmem:s29+$0xFFFFFFF0];
	v3 =	vadd.s32 $0xFFFF3C80, v3  }
0x107: {  	v7 =	vld [tilespmem:s29+$0x0];
	v4 =	vadd.s32 $0xFFFF3C80, v4;
	v3 =	vmin.u32 v3, $0xC320  }
0x108: {  	v8 =	vld [tilespmem:s29+$0xFFFFFFE0];
	v4 =	vmin.u32 v4, $0xC320  }
0x109: {  	v1 =	vld.idx.msk [tilespmem:v1+s3+$0x0], $0xffff  }
0x10a: {  	v5 =	vadd.s32 $0xFFFF3C80, v5;
	v2 =	vld.idx.msk [tilespmem:v2+s3+$0x0], $0xffff  }
0x10b: {  	v9 =	vmin.u32 v5, $0xC320  }
0x10c: {  	v3 =	vld.idx.msk [tilespmem:v3+s3+$0x0], $0xffff  }
0x10d: {  	s1 =	simm.s32 $0x1B7B0;
	v4 =	vld.idx.msk [tilespmem:v4+s3+$0x0], $0xffff  }
0x10e: {  	[tilespmem:s1+$0x0] =	vst.add.f32.msk $0xffff, v1  }
0x10f: {  	v5 =	vadd.s32 $0xFFFF3C80, v7;
	v1 =	vadd.s32 $0xFFFF3C80, v6;
	v6 =	vadd.s32 $0xFFFF3C80, v8;
	[tilespmem:s1+$0xFFFFFFD0] =	vst.add.f32.msk $0xffff, v2  }
0x110: {  	s5 =	simm.s32 $0x40;
	s6 =	simm.s32 $0x10A0;
	s2 =	simm.s32 $0x1B7B0;
	v2 =	vmin.u32 v5, $0xC320;
	v1 =	vmin.u32 v1, $0xC320;
	v5 =	vmin.u32 v6, $0xC320;
	v6 =	vld.idx.msk [tilespmem:v9+s3+$0x0], $0xffff  }
.LBB2_13:
0x111: {  	v7 =	vld [tilespmem:s6+$0x10];
	s5 =	sadd.s32 $0x40, s5;
	v8 =	vmov v3  }
0x112: {  	v9 =	vmov v4;
	v3 =	vld [tilespmem:s6+$0xFFFFFFF0];
	p0 =	slt.u32 s5, $0xFC0  }
0x113: {  	v4 =	vld [tilespmem:s6+$0x0]  }
0x114: {  	v10 =	vld [tilespmem:s6+$0xFFFFFFE0]  }
0x115: {  	s1 =	sadd.s32 $0x40, s1;
	v11 =	vld.idx.msk [tilespmem:v5+s3+$0x0], $0xffff  }
0x116: {  	v5 =	vadd.s32 $0xFFFF3C80, v7;
	[tilespmem:s1+$0x0] =	vst.add.f32.msk $0xffff, v6  }
0x117: {  	v6 =	vadd.s32 $0xFFFF3C80, v3;
	v7 =	vmin.u32 v5, $0xC320;
	v3 =	vld.idx.msk [tilespmem:v1+s3+$0x0], $0xffff  }
.Ltmp5:
0x118: {  	v1 =	vmin.u32 v6, $0xC320;
	v5 =	vadd.s32 $0xFFFF3C80, v4;
	v4 =	vld.idx.msk [tilespmem:v2+s3+$0x0], $0xffff;
	(pc) =	sbr.rel @p0 .LBB2_13-.Ltmp5, $4  }
0x119: {  	v6 =	vadd.s32 $0xFFFF3C80, v10;
	v2 =	vmin.u32 v5, $0xC320;
	[tilespmem:s2+$0xFFFFFFE0] =	vst.add.f32.msk $0xffff, v8  }
0x11a: {  	v5 =	vmin.u32 v6, $0xC320;
	[tilespmem:s2+$0xFFFFFFF0] =	vst.add.f32.msk $0xffff, v9;
	s2 =	smov.u32 s1  }
0x11b: {  	[tilespmem:s1+$0xFFFFFFD0] =	vst.add.f32.msk $0xffff, v11  }
0x11c: {  	s6 =	sadd.s32 $0x40, s6;
	v6 =	vld.idx.msk [tilespmem:v7+s3+$0x0], $0xffff  }
0x11d: {  	_ =	sdelay $0x3  }
0x11e: {  	v5 =	vld.idx.msk [tilespmem:v5+s3+$0x0], $0xffff  }
0x11f: {  	v1 =	vld.idx.msk [tilespmem:v1+s3+$0x0], $0xffff  }
0x120: {  	v2 =	vld.idx.msk [tilespmem:v2+s3+$0x0], $0xffff  }
0x121: {  	[tilespmem:s2+$0xFFFFFFE0] =	vst.add.f32.msk $0xffff, v3  }
0x122: {  	s1 =	sadd.s32 $0x40, s1;
	[tilespmem:s2+$0xFFFFFFF0] =	vst.add.f32.msk $0xffff, v4  }
0x123: {  	[tilespmem:s1+$0x0] =	vst.add.f32.msk $0xffff, v6  }
0x124: {  	[tilespmem:s1+$0xFFFFFFD0] =	vst.add.f32.msk $0xffff, v5  }
0x125: {  	[tilespmem:s1+$0xFFFFFFE0] =	vst.add.f32.msk $0xffff, v1  }
0x126: {  	[tilespmem:s1+$0xFFFFFFF0] =	vst.add.f32.msk $0xffff, v2  }
0x127: {  	[tilespmem:s10], [sflag:$0x4] =	stream.strided.gather [hbm4b:s23+s30], $0x1000, s31, s30, $0x38;
	[tilespmem:$0x1F780] =	vst v63  }
0x128: {  	_ =	swait.ge [sflag:s22], $0x1000  }
0x129: {  	[sflag:s22] =	ssyncset.done $0x0  }
0x12a: {  	s26 =	simm.s32 $0x2020;
	[sflag:s22] =	ssyncadd.s32 $0xFFFFF000  }
0x12b: {  	v1 =	vld [tilespmem:s26+$0x0]  }
0x12c: {  	v2 =	vld [tilespmem:s26+$0xFFFFFFF0]  }
0x12d: {  	v3 =	vld [tilespmem:s26+$0xFFFFFFE0]  }
0x12e: {  	v4 =	vld [tilespmem:s26+$0x10];
	_ =	sdelay $0x1  }
0x12f: {  	v1 =	vadd.s32 $0xFFFF3C80, v1  }
0x130: {  	s29 =	simm.s32 $0x2060;
	v2 =	vadd.s32 $0xFFFF3C80, v2;
	v1 =	vmin.u32 v1, $0xC320  }
0x131: {  	v7 =	vld [tilespmem:s29+$0x0];
	v3 =	vadd.s32 $0xFFFF3C80, v3;
	v5 =	vmin.u32 v2, $0xC320  }
0x132: {  	v8 =	vld [tilespmem:s29+$0xFFFFFFF0];
	v9 =	vmin.u32 v3, $0xC320;
	v3 =	vadd.s32 $0xFFFF3C80, v4  }
0x133: {  	v2 =	vld [tilespmem:s29+$0xFFFFFFE0];
	v10 =	vmin.u32 v3, $0xC320  }
0x134: {  	v3 =	vld [tilespmem:s29+$0x10]  }
0x135: {  	v6 =	vld.idx.msk [tilespmem:v1+s3+$0x0], $0xffff  }
0x136: {  	v5 =	vld.idx.msk [tilespmem:v5+s3+$0x0], $0xffff  }
0x137: {  	s28 =	simm.s32 $0x0;
	s2 =	simm.s32 $0x40;
	s5 =	simm.s32 $0x20A0;
	v4 =	vadd.s32 $0xFFFF3C80, v7;
	v1 =	vld.idx.msk [tilespmem:v9+s3+$0x0], $0xffff  }
0x138: {  	s1 =	simm.s32 $0x1C7B0;
	s23 =	simm.s32 $0x1C7B0;
	s26 =	simm.s32 $0x40;
	v8 =	vadd.s32 $0xFFFF3C80, v8;
	v4 =	vmin.u32 v4, $0xC320;
	v7 =	vld.idx.msk [tilespmem:v10+s3+$0x0], $0xffff  }
.LBB2_15:
0x139: {  	s2 =	sadd.s32 $0x40, s2;
	v9 =	vld [tilespmem:s5+$0x0];
	v2 =	vadd.s32 $0xFFFF3C80, v2;
	v8 =	vmin.u32 v8, $0xC320;
	s23 =	sadd.s32 $0x40, s23  }
0x13a: {  	v10 =	vld [tilespmem:s5+$0xFFFFFFF0];
	p0 =	slt.u32 s2, $0xFC0;
	v11 =	vmin.u32 v2, $0xC320  }
0x13b: {  	v2 =	vld [tilespmem:s5+$0xFFFFFFE0]  }
0x13c: {  	[tilespmem:s1+$0xFFFFFFF0] =	vst.add.f32.msk $0xffff, v6  }
0x13d: {  	s6 =	sand.u32 $0xFC0, s28;
	s28 =	smov.u32 s26;
	s26 =	smov.u32 s2;
	[tilespmem:s1+$0xFFFFFFE0] =	vst.add.f32.msk $0xffff, v5  }
0x13e: {  	v3 =	vadd.s32 $0xFFFF3C80, v3;
	[tilespmem:s1+$0x0] =	vst.add.f32.msk $0xffff, v7;
	s1 =	smov.u32 s23  }
0x13f: {  	v7 =	vmin.u32 v3, $0xC320;
	[tilespmem:s6+$0x1C780] =	vst.add.f32.msk $0xffff, v1  }
.Ltmp6:
0x140: {  	v3 =	vld [tilespmem:s5+$0x10];
	(pc) =	sbr.rel @p0 .LBB2_15-.Ltmp6, $4  }
0x141: {  	v6 =	vld.idx.msk [tilespmem:v4+s3+$0x0], $0xffff  }
0x142: {  	v5 =	vld.idx.msk [tilespmem:v8+s3+$0x0], $0xffff  }
0x143: {  	v4 =	vadd.s32 $0xFFFF3C80, v9;
	v1 =	vld.idx.msk [tilespmem:v11+s3+$0x0], $0xffff  }
0x144: {  	s5 =	sadd.s32 $0x40, s5;
	v8 =	vadd.s32 $0xFFFF3C80, v10;
	v4 =	vmin.u32 v4, $0xC320;
	v7 =	vld.idx.msk [tilespmem:v7+s3+$0x0], $0xffff  }
0x145: {  	_ =	sdelay $0x2  }
0x146: {  	v8 =	vmin.u32 v8, $0xC320;
	v3 =	vadd.s32 $0xFFFF3C80, v3  }
0x147: {  	v2 =	vadd.s32 $0xFFFF3C80, v2;
	v4 =	vld.idx.msk [tilespmem:v4+s3+$0x0], $0xffff;
	v3 =	vmin.u32 v3, $0xC320  }
0x148: {  	[tilespmem:s1+$0xFFFFFFF0] =	vst.add.f32.msk $0xffff, v6;
	v2 =	vmin.u32 v2, $0xC320  }
0x149: {  	s5 =	sand.u32 $0xFC0, s28;
	[tilespmem:s1+$0xFFFFFFE0] =	vst.add.f32.msk $0xffff, v5  }
0x14a: {  	[tilespmem:s5+$0x1C780] =	vst.add.f32.msk $0xffff, v1  }
0x14b: {  	v5 =	vld.idx.msk [tilespmem:v8+s3+$0x0], $0xffff  }
0x14c: {  	v3 =	vld.idx.msk [tilespmem:v3+s3+$0x0], $0xffff  }
0x14d: {  	v2 =	vld.idx.msk [tilespmem:v2+s3+$0x0], $0xffff  }
0x14e: {  	s2 =	sadd.s32 $0x40, s23;
	[tilespmem:s1+$0x0] =	vst.add.f32.msk $0xffff, v7  }
0x14f: {  	s6 =	sshll.u32 s16, $0xB;
	s5 =	sshll.u32 s16, $0x4;
	[tilespmem:s2+$0xFFFFFFF0] =	vst.add.f32.msk $0xffff, v4  }
0x150: {  	s1 =	sand.u32 $0x1C000, s6;
	s5 =	sand.u32 $0x70, s5;
	[tilespmem:s2+$0xFFFFFFE0] =	vst.add.f32.msk $0xffff, v5  }
0x151: {  	s7 =	rddreg [dreg:$0x0];
	s6 =	sand.u32 $0xFC0, s26;
	s29 =	sor.u32 s5, s1;
	[tilespmem:s2+$0x0] =	vst.add.f32.msk $0xffff, v3  }
0x152: {  	s23 =	sadd.s32 s7, s29;
	[tilespmem:s6+$0x1C780] =	vst.add.f32.msk $0xffff, v2  }
0x153: {  	[tilespmem:s17], [sflag:$0x5] =	stream.strided.gather [hbm4b:s23+s30], $0x1000, s31, s30, $0x38;
	[tilespmem:$0x1F780] =	vst v63  }
0x154: {  	_ =	swait.ge [sflag:s19], $0x1000  }
0x155: {  	[sflag:s19] =	ssyncset.done $0x0  }
0x156: {  	s9 =	simm.s32 $0x20;
	[sflag:s19] =	ssyncadd.s32 $0xFFFFF000  }
0x157: {  	v1 =	vld [tilespmem:s9+$0x0]  }
0x158: {  	v2 =	vld [tilespmem:s9+$0xFFFFFFF0]  }
0x159: {  	v3 =	vld [tilespmem:s9+$0xFFFFFFE0]  }
0x15a: {  	v4 =	vld [tilespmem:s9+$0x10];
	_ =	sdelay $0x1  }
0x15b: {  	v1 =	vadd.s32 $0xFFFF3C80, v1  }
0x15c: {  	s26 =	simm.s32 $0x60;
	v2 =	vadd.s32 $0xFFFF3C80, v2;
	v1 =	vmin.u32 v1, $0xC320  }
0x15d: {  	v7 =	vld [tilespmem:s26+$0x0];
	v3 =	vadd.s32 $0xFFFF3C80, v3;
	v5 =	vmin.u32 v2, $0xC320  }
0x15e: {  	v8 =	vld [tilespmem:s26+$0xFFFFFFF0];
	v9 =	vmin.u32 v3, $0xC320;
	v3 =	vadd.s32 $0xFFFF3C80, v4  }
0x15f: {  	v2 =	vld [tilespmem:s26+$0xFFFFFFE0];
	v10 =	vmin.u32 v3, $0xC320  }
0x160: {  	v3 =	vld [tilespmem:s26+$0x10]  }
0x161: {  	v6 =	vld.idx.msk [tilespmem:v1+s3+$0x0], $0xffff  }
0x162: {  	v5 =	vld.idx.msk [tilespmem:v5+s3+$0x0], $0xffff  }
0x163: {  	s28 =	simm.s32 $0x0;
	s5 =	simm.s32 $0xA0;
	s1 =	simm.s32 $0x1D7B0;
	v4 =	vadd.s32 $0xFFFF3C80, v7;
	v1 =	vld.idx.msk [tilespmem:v9+s3+$0x0], $0xffff  }
0x164: {  	s2 =	simm.s32 $0x40;
	s9 =	simm.s32 $0x40;
	v8 =	vadd.s32 $0xFFFF3C80, v8;
	s26 =	simm.s32 $0x1D7B0;
	v4 =	vmin.u32 v4, $0xC320;
	v7 =	vld.idx.msk [tilespmem:v10+s3+$0x0], $0xffff  }
.LBB2_17:
0x165: {  	s2 =	sadd.s32 $0x40, s2;
	v9 =	vld [tilespmem:s5+$0x0];
	v2 =	vadd.s32 $0xFFFF3C80, v2;
	v8 =	vmin.u32 v8, $0xC320;
	s26 =	sadd.s32 $0x40, s26  }
0x166: {  	v10 =	vld [tilespmem:s5+$0xFFFFFFF0];
	p0 =	slt.u32 s2, $0xFC0;
	v11 =	vmin.u32 v2, $0xC320  }
0x167: {  	v2 =	vld [tilespmem:s5+$0xFFFFFFE0]  }
0x168: {  	[tilespmem:s1+$0xFFFFFFF0] =	vst.add.f32.msk $0xffff, v6  }
0x169: {  	s6 =	sand.u32 $0xFC0, s28;
	s28 =	smov.u32 s9;
	s9 =	smov.u32 s2;
	[tilespmem:s1+$0xFFFFFFE0] =	vst.add.f32.msk $0xffff, v5  }
0x16a: {  	v3 =	vadd.s32 $0xFFFF3C80, v3;
	[tilespmem:s1+$0x0] =	vst.add.f32.msk $0xffff, v7;
	s1 =	smov.u32 s26  }
0x16b: {  	v7 =	vmin.u32 v3, $0xC320;
	[tilespmem:s6+$0x1D780] =	vst.add.f32.msk $0xffff, v1  }
.Ltmp7:
0x16c: {  	v3 =	vld [tilespmem:s5+$0x10];
	(pc) =	sbr.rel @p0 .LBB2_17-.Ltmp7, $4  }
0x16d: {  	v6 =	vld.idx.msk [tilespmem:v4+s3+$0x0], $0xffff  }
0x16e: {  	v5 =	vld.idx.msk [tilespmem:v8+s3+$0x0], $0xffff  }
0x16f: {  	v4 =	vadd.s32 $0xFFFF3C80, v9;
	v1 =	vld.idx.msk [tilespmem:v11+s3+$0x0], $0xffff  }
0x170: {  	s5 =	sadd.s32 $0x40, s5;
	v8 =	vadd.s32 $0xFFFF3C80, v10;
	v4 =	vmin.u32 v4, $0xC320;
	v7 =	vld.idx.msk [tilespmem:v7+s3+$0x0], $0xffff  }
0x171: {  	_ =	sdelay $0x2  }
0x172: {  	v8 =	vmin.u32 v8, $0xC320;
	v3 =	vadd.s32 $0xFFFF3C80, v3  }
0x173: {  	v2 =	vadd.s32 $0xFFFF3C80, v2;
	v4 =	vld.idx.msk [tilespmem:v4+s3+$0x0], $0xffff;
	v3 =	vmin.u32 v3, $0xC320  }
0x174: {  	[tilespmem:s1+$0xFFFFFFF0] =	vst.add.f32.msk $0xffff, v6;
	v2 =	vmin.u32 v2, $0xC320  }
0x175: {  	s5 =	sand.u32 $0xFC0, s28;
	[tilespmem:s1+$0xFFFFFFE0] =	vst.add.f32.msk $0xffff, v5  }
0x176: {  	[tilespmem:s5+$0x1D780] =	vst.add.f32.msk $0xffff, v1  }
0x177: {  	v5 =	vld.idx.msk [tilespmem:v8+s3+$0x0], $0xffff  }
0x178: {  	v3 =	vld.idx.msk [tilespmem:v3+s3+$0x0], $0xffff  }
0x179: {  	v2 =	vld.idx.msk [tilespmem:v2+s3+$0x0], $0xffff  }
0x17a: {  	s2 =	sadd.s32 $0x40, s26;
	[tilespmem:s1+$0x0] =	vst.add.f32.msk $0xffff, v7  }
0x17b: {  	[tilespmem:s2+$0xFFFFFFF0] =	vst.add.f32.msk $0xffff, v4  }
0x17c: {  	[tilespmem:s2+$0xFFFFFFE0] =	vst.add.f32.msk $0xffff, v5  }
0x17d: {  	s6 =	sand.u32 $0xFC0, s9;
	[tilespmem:s2+$0x0] =	vst.add.f32.msk $0xffff, v3  }
0x17e: {  	s26 =	sadd.s32 s29, s12;
	[tilespmem:s6+$0x1D780] =	vst.add.f32.msk $0xffff, v2  }
0x17f: {  	[tilespmem:s4], [sflag:$0x3] =	stream.strided.gather [hbm4b:s26+s30], $0x1000, s31, s30, $0x38;
	[tilespmem:$0x1F780] =	vst v63  }
0x180: {  	_ =	swait.ge [sflag:s20], $0x1000  }
0x181: {  	[sflag:s20] =	ssyncset.done $0x0  }
0x182: {  	s7 =	simm.s32 $0x1020;
	[sflag:s20] =	ssyncadd.s32 $0xFFFFF000  }
0x183: {  	v1 =	vld [tilespmem:s7+$0x0]  }
0x184: {  	v2 =	vld [tilespmem:s7+$0xFFFFFFF0]  }
0x185: {  	v3 =	vld [tilespmem:s7+$0xFFFFFFE0]  }
0x186: {  	v4 =	vld [tilespmem:s7+$0x10];
	_ =	sdelay $0x1  }
0x187: {  	v1 =	vadd.s32 $0xFFFF3C80, v1  }
0x188: {  	s9 =	simm.s32 $0x1060;
	v2 =	vadd.s32 $0xFFFF3C80, v2;
	v1 =	vmin.u32 v1, $0xC320  }
0x189: {  	v7 =	vld [tilespmem:s9+$0x0];
	v3 =	vadd.s32 $0xFFFF3C80, v3;
	v5 =	vmin.u32 v2, $0xC320  }
0x18a: {  	v8 =	vld [tilespmem:s9+$0xFFFFFFF0];
	v9 =	vmin.u32 v3, $0xC320;
	v3 =	vadd.s32 $0xFFFF3C80, v4  }
0x18b: {  	v2 =	vld [tilespmem:s9+$0xFFFFFFE0];
	v10 =	vmin.u32 v3, $0xC320  }
0x18c: {  	v3 =	vld [tilespmem:s9+$0x10]  }
0x18d: {  	v6 =	vld.idx.msk [tilespmem:v1+s3+$0x0], $0xffff  }
0x18e: {  	v5 =	vld.idx.msk [tilespmem:v5+s3+$0x0], $0xffff  }
0x18f: {  	s28 =	simm.s32 $0x1E7B0;
	s5 =	simm.s32 $0x40;
	s1 =	simm.s32 $0x40;
	v4 =	vadd.s32 $0xFFFF3C80, v7;
	v1 =	vld.idx.msk [tilespmem:v9+s3+$0x0], $0xffff  }
0x190: {  	s6 =	simm.s32 $0x10A0;
	s2 =	simm.s32 $0x1E7B0;
	v8 =	vadd.s32 $0xFFFF3C80, v8;
	s9 =	simm.s32 $0x0;
	v4 =	vmin.u32 v4, $0xC320;
	v7 =	vld.idx.msk [tilespmem:v10+s3+$0x0], $0xffff  }
.LBB2_19:
0x191: {  	s5 =	sadd.s32 $0x40, s5;
	v9 =	vld [tilespmem:s6+$0x0];
	v2 =	vadd.s32 $0xFFFF3C80, v2;
	v8 =	vmin.u32 v8, $0xC320;
	s28 =	sadd.s32 $0x40, s28  }
0x192: {  	v10 =	vld [tilespmem:s6+$0xFFFFFFF0];
	p0 =	slt.u32 s5, $0xFC0;
	v11 =	vmin.u32 v2, $0xC320  }
0x193: {  	v2 =	vld [tilespmem:s6+$0xFFFFFFE0]  }
0x194: {  	[tilespmem:s2+$0xFFFFFFF0] =	vst.add.f32.msk $0xffff, v6  }
0x195: {  	s7 =	sand.u32 $0xFC0, s9;
	s9 =	smov.u32 s1;
	s1 =	smov.u32 s5;
	[tilespmem:s2+$0xFFFFFFE0] =	vst.add.f32.msk $0xffff, v5  }
0x196: {  	v3 =	vadd.s32 $0xFFFF3C80, v3;
	[tilespmem:s2+$0x0] =	vst.add.f32.msk $0xffff, v7;
	s2 =	smov.u32 s28  }
0x197: {  	v7 =	vmin.u32 v3, $0xC320;
	[tilespmem:s7+$0x1E780] =	vst.add.f32.msk $0xffff, v1  }
.Ltmp8:
0x198: {  	v3 =	vld [tilespmem:s6+$0x10];
	(pc) =	sbr.rel @p0 .LBB2_19-.Ltmp8, $4  }
0x199: {  	v6 =	vld.idx.msk [tilespmem:v4+s3+$0x0], $0xffff  }
0x19a: {  	v5 =	vld.idx.msk [tilespmem:v8+s3+$0x0], $0xffff  }
0x19b: {  	v4 =	vadd.s32 $0xFFFF3C80, v9;
	v1 =	vld.idx.msk [tilespmem:v11+s3+$0x0], $0xffff  }
0x19c: {  	s6 =	sadd.s32 $0x40, s6;
	v8 =	vadd.s32 $0xFFFF3C80, v10;
	v4 =	vmin.u32 v4, $0xC320;
	v7 =	vld.idx.msk [tilespmem:v7+s3+$0x0], $0xffff  }
0x19d: {  	_ =	sdelay $0x2  }
0x19e: {  	v8 =	vmin.u32 v8, $0xC320;
	v3 =	vadd.s32 $0xFFFF3C80, v3  }
0x19f: {  	v2 =	vadd.s32 $0xFFFF3C80, v2;
	v4 =	vld.idx.msk [tilespmem:v4+s3+$0x0], $0xffff;
	v3 =	vmin.u32 v3, $0xC320  }
0x1a0: {  	[tilespmem:s2+$0xFFFFFFF0] =	vst.add.f32.msk $0xffff, v6;
	v2 =	vmin.u32 v2, $0xC320  }
0x1a1: {  	s6 =	sand.u32 $0xFC0, s9;
	[tilespmem:s2+$0xFFFFFFE0] =	vst.add.f32.msk $0xffff, v5  }
0x1a2: {  	[tilespmem:s6+$0x1E780] =	vst.add.f32.msk $0xffff, v1  }
0x1a3: {  	v5 =	vld.idx.msk [tilespmem:v8+s3+$0x0], $0xffff  }
0x1a4: {  	v3 =	vld.idx.msk [tilespmem:v3+s3+$0x0], $0xffff  }
0x1a5: {  	v2 =	vld.idx.msk [tilespmem:v2+s3+$0x0], $0xffff  }
0x1a6: {  	s5 =	sadd.s32 $0x40, s28;
	[tilespmem:s2+$0x0] =	vst.add.f32.msk $0xffff, v7  }
0x1a7: {  	[tilespmem:s5+$0xFFFFFFF0] =	vst.add.f32.msk $0xffff, v4  }
0x1a8: {  	[tilespmem:s5+$0xFFFFFFE0] =	vst.add.f32.msk $0xffff, v5  }
0x1a9: {  	s1 =	sand.u32 $0xFC0, s1;
	[tilespmem:s5+$0x0] =	vst.add.f32.msk $0xffff, v3  }
0x1aa: {  	s28 =	sadd.s32 s29, s13;
	[tilespmem:s1+$0x1E780] =	vst.add.f32.msk $0xffff, v2  }
0x1ab: {  	[tilespmem:s10], [sflag:$0x4] =	stream.strided.gather [hbm4b:s28+s30], $0x1000, s31, s30, $0x38;
	[tilespmem:$0x1F780] =	vst v63  }
0x1ac: {  	s1 =	rddreg [dreg:$0xa]  }
0x1ad: {  	s1 =	sadd.s32 s1, s21  }
0x1ae: {  	s1 =	sshrl.u32 s1, $0x3  }
0x1af: {  	s7 =	sshll.u32 s16, $0xC;
	s2 =	rddreg [dreg:$0x6];
	s1 =	sadd.s32 s8, s1  }
0x1b0: {  	[tilespmem:s3], [sflag:$0x2] =	stream.strided.gather [hbm4b:s1+s30], $0xC300, s31, s30, $0x38;
	[tilespmem:$0x1F780] =	vst v63  }
0x1b1: {  	s1 =	sor.u32 s2, s7  }
0x1b2: {  	s1 =	sshrl.u32 s1, $0x3  }
0x1b3: {  	s9 =	simm.s32 $0x1B700;
	s1 =	sadd.s32 s15, s1  }
0x1b4: {  	[tilespmem:s9], [sflag:$0x2] =	stream.linear.gather [hbm4b:s1+s4], $0x80, $0x38;
	[tilespmem:$0x1F780] =	vst v63  }
0x1b5: {  	_ =	swait.ge [sflag:s18], $0xC380  }
0x1b6: {  	[sflag:s18] =	ssyncset.done $0x0  }
0x1b7: {  	[sflag:s18] =	ssyncadd.s32 $0xFFFF3C80  }
0x1b8: {  	_ =	swait.ge [sflag:s22], $0x1000  }
0x1b9: {  	[sflag:s22] =	ssyncset.done $0x0  }
0x1ba: {  	s16 =	simm.s32 $0x2020;
	[sflag:s22] =	ssyncadd.s32 $0xFFFFF000  }
0x1bb: {  	v1 =	vld [tilespmem:s16+$0x10]  }
0x1bc: {  	v2 =	vld [tilespmem:s16+$0xFFFFFFF0]  }
0x1bd: {  	v3 =	vld [tilespmem:s16+$0xFFFFFFE0]  }
0x1be: {  	s21 =	simm.s32 $0x2060;
	v4 =	vld [tilespmem:s16+$0x0]  }
0x1bf: {  	v5 =	vld [tilespmem:s21+$0x10]  }
0x1c0: {  	v6 =	vld [tilespmem:s21+$0xFFFFFFF0];
	v1 =	vmin.u32 v1, $0xC380  }
0x1c1: {  	v2 =	vmin.u32 v2, $0xC380  }
0x1c2: {  	v3 =	vmin.u32 v3, $0xC380  }
0x1c3: {  	v8 =	vld [tilespmem:s21+$0x0];
	v4 =	vmin.u32 v4, $0xC380  }
0x1c4: {  	v9 =	vld [tilespmem:s21+$0xFFFFFFE0];
	v5 =	vmin.u32 v5, $0xC380  }
0x1c5: {  	v10 =	vmin.u32 v6, $0xC380;
	v1 =	vld.idx.msk [tilespmem:v1+s0+$0x0], $0xffff  }
0x1c6: {  	v7 =	vld.idx.msk [tilespmem:v2+s0+$0x0], $0xffff  }
0x1c7: {  	v2 =	vld.idx.msk [tilespmem:v3+s0+$0x0], $0xffff  }
0x1c8: {  	v4 =	vld.idx.msk [tilespmem:v4+s0+$0x0], $0xffff  }
0x1c9: {  	v6 =	vld.idx.msk [tilespmem:v5+s0+$0x0], $0xffff  }
0x1ca: {  	s1 =	simm.s32 $0x1B7B0;
	v3 =	vld.idx.msk [tilespmem:v10+s0+$0x0], $0xffff  }
0x1cb: {  	[tilespmem:s1+$0x0] =	vst.add.f32.msk $0xffff, v1  }
0x1cc: {  	s6 =	simm.s32 $0x20A0;
	s5 =	simm.s32 $0x40;
	s2 =	simm.s32 $0x1B7B0;
	v5 =	vmin.u32 v9, $0xC380;
	[tilespmem:s1+$0xFFFFFFE0] =	vst.add.f32.msk $0xffff, v7;
	v1 =	vmin.u32 v8, $0xC380  }
.LBB2_21:
0x1cd: {  	v7 =	vld [tilespmem:s6+$0x10];
	s5 =	sadd.s32 $0x40, s5;
	v8 =	vmov v4  }
0x1ce: {  	v4 =	vld [tilespmem:s6+$0xFFFFFFF0];
	p0 =	slt.u32 s5, $0xFC0  }
0x1cf: {  	v9 =	vld [tilespmem:s6+$0x0]  }
0x1d0: {  	s1 =	sadd.s32 $0x40, s1;
	v10 =	vld [tilespmem:s6+$0xFFFFFFE0]  }
0x1d1: {  	[tilespmem:s1+$0x0] =	vst.add.f32.msk $0xffff, v6  }
0x1d2: {  	v6 =	vmin.u32 v7, $0xC380;
	v7 =	vld.idx.msk [tilespmem:v5+s0+$0x0], $0xffff  }
0x1d3: {  	v11 =	vmin.u32 v4, $0xC380;
	v4 =	vld.idx.msk [tilespmem:v1+s0+$0x0], $0xffff  }
.Ltmp9:
0x1d4: {  	v1 =	vmin.u32 v9, $0xC380;
	[tilespmem:s2+$0xFFFFFFD0] =	vst.add.f32.msk $0xffff, v2;
	(pc) =	sbr.rel @p0 .LBB2_21-.Ltmp9, $4  }
0x1d5: {  	v5 =	vmin.u32 v10, $0xC380;
	[tilespmem:s1+$0xFFFFFFE0] =	vst.add.f32.msk $0xffff, v3  }
0x1d6: {  	[tilespmem:s2+$0xFFFFFFF0] =	vst.add.f32.msk $0xffff, v8;
	s2 =	smov.u32 s1  }
0x1d7: {  	v6 =	vld.idx.msk [tilespmem:v6+s0+$0x0], $0xffff  }
0x1d8: {  	s6 =	sadd.s32 $0x40, s6;
	v2 =	vmov v7;
	v3 =	vld.idx.msk [tilespmem:v11+s0+$0x0], $0xffff  }
0x1d9: {  	_ =	sdelay $0x3  }
0x1da: {  	v5 =	vld.idx.msk [tilespmem:v5+s0+$0x0], $0xffff  }
0x1db: {  	v1 =	vld.idx.msk [tilespmem:v1+s0+$0x0], $0xffff  }
0x1dc: {  	[tilespmem:s2+$0xFFFFFFD0] =	vst.add.f32.msk $0xffff, v2  }
0x1dd: {  	s1 =	sadd.s32 $0x40, s1;
	[tilespmem:s2+$0xFFFFFFF0] =	vst.add.f32.msk $0xffff, v4  }
0x1de: {  	[tilespmem:s1+$0x0] =	vst.add.f32.msk $0xffff, v6  }
0x1df: {  	[tilespmem:s1+$0xFFFFFFE0] =	vst.add.f32.msk $0xffff, v3  }
0x1e0: {  	[tilespmem:s1+$0xFFFFFFD0] =	vst.add.f32.msk $0xffff, v5  }
0x1e1: {  	[tilespmem:s1+$0xFFFFFFF0] =	vst.add.f32.msk $0xffff, v1  }
0x1e2: {  	s1 =	rddreg [dreg:$0xb]  }
0x1e3: {  	s29 =	sadd.s32 s29, s1  }
0x1e4: {  	[tilespmem:s17], [sflag:$0x5] =	stream.strided.gather [hbm4b:s29+s30], $0x1000, s31, s30, $0x38;
	[tilespmem:$0x1F780] =	vst v63  }
0x1e5: {  	_ =	swait.ge [sflag:s19], $0x1000  }
0x1e6: {  	[sflag:s19] =	ssyncset.done $0x0  }
0x1e7: {  	s16 =	simm.s32 $0x20;
	[sflag:s19] =	ssyncadd.s32 $0xFFFFF000  }
0x1e8: {  	v1 =	vld [tilespmem:s16+$0x10]  }
0x1e9: {  	v2 =	vld [tilespmem:s16+$0x0]  }
0x1ea: {  	v3 =	vld [tilespmem:s16+$0xFFFFFFF0]  }
0x1eb: {  	v4 =	vld [tilespmem:s16+$0xFFFFFFE0];
	_ =	sdelay $0x1  }
0x1ec: {  	v1 =	vmin.u32 v1, $0xC380  }
0x1ed: {  	v2 =	vmin.u32 v2, $0xC380  }
0x1ee: {  	s9 =	simm.s32 $0x60;
	v3 =	vmin.u32 v3, $0xC380  }
0x1ef: {  	v7 =	vld [tilespmem:s9+$0x10];
	v4 =	vmin.u32 v4, $0xC380  }
0x1f0: {  	v8 =	vld [tilespmem:s9+$0x0]  }
0x1f1: {  	v5 =	vld.idx.msk [tilespmem:v1+s0+$0x0], $0xffff  }
0x1f2: {  	v6 =	vld.idx.msk [tilespmem:v2+s0+$0x0], $0xffff  }
0x1f3: {  	v9 =	vld.idx.msk [tilespmem:v3+s0+$0x0], $0xffff  }
0x1f4: {  	v1 =	vld.idx.msk [tilespmem:v4+s0+$0x0], $0xffff  }
0x1f5: {  	v3 =	vld [tilespmem:s9+$0xFFFFFFF0]  }
0x1f6: {  	s1 =	simm.s32 $0x1C7B0;
	v2 =	vld [tilespmem:s9+$0xFFFFFFE0];
	v4 =	vmin.u32 v7, $0xC380  }
0x1f7: {  	[tilespmem:s1+$0x0] =	vst.add.f32.msk $0xffff, v5;
	v5 =	vmin.u32 v8, $0xC380  }
0x1f8: {  	s21 =	simm.s32 $0x0;
	[tilespmem:s1+$0xFFFFFFF0] =	vst.add.f32.msk $0xffff, v6  }
0x1f9: {  	s5 =	simm.s32 $0x40;
	s2 =	simm.s32 $0x40;
	s6 =	sand.u32 $0xFC0, s21;
	[tilespmem:s1+$0xFFFFFFE0] =	vst.add.f32.msk $0xffff, v9  }
.LBB2_23:
0x1fa: {  	s5 =	sadd.s32 $0x40, s5;
	v3 =	vmin.u32 v3, $0xC380;
	[tilespmem:s6+$0x1C780] =	vst.add.f32.msk $0xffff, v1;
	s1 =	sadd.s32 $0x40, s1  }
0x1fb: {  	p0 =	slt.u32 s5, $0xFC0;
	v1 =	vmin.u32 v2, $0xC380;
	v6 =	vld.idx.msk [tilespmem:v4+s0+$0x0], $0xffff  }
0x1fc: {  	s9 =	sadd.s32 $0x40, s9;
	v7 =	vld.idx.msk [tilespmem:v5+s0+$0x0], $0xffff  }
0x1fd: {  	v4 =	vld [tilespmem:s9+$0x10]  }
0x1fe: {  	v5 =	vld [tilespmem:s9+$0x0]  }
0x1ff: {  	v8 =	vld.idx.msk [tilespmem:v3+s0+$0x0], $0xffff  }
0x200: {  	v1 =	vld.idx.msk [tilespmem:v1+s0+$0x0], $0xffff  }
.Ltmp10:
0x201: {  	v3 =	vld [tilespmem:s9+$0xFFFFFFF0];
	(pc) =	sbr.rel @p0 .LBB2_23-.Ltmp10, $4  }
0x202: {  	v2 =	vld [tilespmem:s9+$0xFFFFFFE0];
	v4 =	vmin.u32 v4, $0xC380  }
0x203: {  	v5 =	vmin.u32 v5, $0xC380;
	[tilespmem:s1+$0xFFFFFFF0] =	vst.add.f32.msk $0xffff, v7  }
0x204: {  	[tilespmem:s1+$0x0] =	vst.add.f32.msk $0xffff, v6  }
0x205: {  	s6 =	sand.u32 $0xFC0, s2;
	s2 =	smov.u32 s5;
	[tilespmem:s1+$0xFFFFFFE0] =	vst.add.f32.msk $0xffff, v8  }
0x206: {  	_ = 	snop  }
0x207: {  	v3 =	vmin.u32 v3, $0xC380  }
0x208: {  	v2 =	vmin.u32 v2, $0xC380;
	_ =	sdelay $0x1  }
0x209: {  	v5 =	vld.idx.msk [tilespmem:v5+s0+$0x0], $0xffff  }
0x20a: {  	v4 =	vld.idx.msk [tilespmem:v4+s0+$0x0], $0xffff  }
0x20b: {  	v3 =	vld.idx.msk [tilespmem:v3+s0+$0x0], $0xffff  }
0x20c: {  	v2 =	vld.idx.msk [tilespmem:v2+s0+$0x0], $0xffff  }
0x20d: {  	[tilespmem:s6+$0x1C780] =	vst.add.f32.msk $0xffff, v1;
	s1 =	sadd.s32 $0x40, s1  }
0x20e: {  	[tilespmem:s1+$0xFFFFFFF0] =	vst.add.f32.msk $0xffff, v5  }
0x20f: {  	[tilespmem:s1+$0x0] =	vst.add.f32.msk $0xffff, v4  }
0x210: {  	s2 =	sand.u32 $0xFC0, s2;
	[tilespmem:s1+$0xFFFFFFE0] =	vst.add.f32.msk $0xffff, v3  }
0x211: {  	[tilespmem:s2+$0x1C780] =	vst.add.f32.msk $0xffff, v2  }
0x212: {  	[tilespmem:s4], [sflag:$0x3] =	stream.strided.gather [hbm4b:s23+s30], $0x1000, s31, s30, $0x38;
	[tilespmem:$0x1F780] =	vst v63  }
0x213: {  	_ =	swait.ge [sflag:s20], $0x1000  }
0x214: {  	[sflag:s20] =	ssyncset.done $0x0  }
0x215: {  	s21 =	simm.s32 $0x1020;
	[sflag:s20] =	ssyncadd.s32 $0xFFFFF000  }
0x216: {  	v1 =	vld [tilespmem:s21+$0x10]  }
0x217: {  	v2 =	vld [tilespmem:s21+$0x0]  }
0x218: {  	v3 =	vld [tilespmem:s21+$0xFFFFFFF0]  }
0x219: {  	v4 =	vld [tilespmem:s21+$0xFFFFFFE0];
	_ =	sdelay $0x1  }
0x21a: {  	v1 =	vmin.u32 v1, $0xC380  }
0x21b: {  	v2 =	vmin.u32 v2, $0xC380  }
0x21c: {  	s9 =	simm.s32 $0x1060;
	v3 =	vmin.u32 v3, $0xC380  }
0x21d: {  	v7 =	vld [tilespmem:s9+$0x10];
	v4 =	vmin.u32 v4, $0xC380  }
0x21e: {  	v8 =	vld [tilespmem:s9+$0x0]  }
0x21f: {  	v5 =	vld.idx.msk [tilespmem:v1+s0+$0x0], $0xffff  }
0x220: {  	v6 =	vld.idx.msk [tilespmem:v2+s0+$0x0], $0xffff  }
0x221: {  	v9 =	vld.idx.msk [tilespmem:v3+s0+$0x0], $0xffff  }
0x222: {  	v1 =	vld.idx.msk [tilespmem:v4+s0+$0x0], $0xffff  }
0x223: {  	v3 =	vld [tilespmem:s9+$0xFFFFFFF0]  }
0x224: {  	s1 =	simm.s32 $0x1D7B0;
	v2 =	vld [tilespmem:s9+$0xFFFFFFE0];
	v4 =	vmin.u32 v7, $0xC380  }
0x225: {  	[tilespmem:s1+$0x0] =	vst.add.f32.msk $0xffff, v5;
	v5 =	vmin.u32 v8, $0xC380  }
0x226: {  	s23 =	simm.s32 $0x0;
	[tilespmem:s1+$0xFFFFFFF0] =	vst.add.f32.msk $0xffff, v6  }
0x227: {  	s5 =	simm.s32 $0x40;
	s2 =	simm.s32 $0x40;
	s6 =	sand.u32 $0xFC0, s23;
	[tilespmem:s1+$0xFFFFFFE0] =	vst.add.f32.msk $0xffff, v9  }
.LBB2_25:
0x228: {  	s5 =	sadd.s32 $0x40, s5;
	v3 =	vmin.u32 v3, $0xC380;
	[tilespmem:s6+$0x1D780] =	vst.add.f32.msk $0xffff, v1;
	s1 =	sadd.s32 $0x40, s1  }
0x229: {  	p0 =	slt.u32 s5, $0xFC0;
	v1 =	vmin.u32 v2, $0xC380;
	v6 =	vld.idx.msk [tilespmem:v4+s0+$0x0], $0xffff  }
0x22a: {  	s9 =	sadd.s32 $0x40, s9;
	v7 =	vld.idx.msk [tilespmem:v5+s0+$0x0], $0xffff  }
0x22b: {  	v4 =	vld [tilespmem:s9+$0x10]  }
0x22c: {  	v5 =	vld [tilespmem:s9+$0x0]  }
0x22d: {  	v8 =	vld.idx.msk [tilespmem:v3+s0+$0x0], $0xffff  }
0x22e: {  	v1 =	vld.idx.msk [tilespmem:v1+s0+$0x0], $0xffff  }
.Ltmp11:
0x22f: {  	v3 =	vld [tilespmem:s9+$0xFFFFFFF0];
	(pc) =	sbr.rel @p0 .LBB2_25-.Ltmp11, $4  }
0x230: {  	v2 =	vld [tilespmem:s9+$0xFFFFFFE0];
	v4 =	vmin.u32 v4, $0xC380  }
0x231: {  	v5 =	vmin.u32 v5, $0xC380;
	[tilespmem:s1+$0xFFFFFFF0] =	vst.add.f32.msk $0xffff, v7  }
0x232: {  	[tilespmem:s1+$0x0] =	vst.add.f32.msk $0xffff, v6  }
0x233: {  	s6 =	sand.u32 $0xFC0, s2;
	s2 =	smov.u32 s5;
	[tilespmem:s1+$0xFFFFFFE0] =	vst.add.f32.msk $0xffff, v8  }
0x234: {  	_ = 	snop  }
0x235: {  	v3 =	vmin.u32 v3, $0xC380  }
0x236: {  	v2 =	vmin.u32 v2, $0xC380;
	_ =	sdelay $0x1  }
0x237: {  	v5 =	vld.idx.msk [tilespmem:v5+s0+$0x0], $0xffff  }
0x238: {  	v4 =	vld.idx.msk [tilespmem:v4+s0+$0x0], $0xffff  }
0x239: {  	v3 =	vld.idx.msk [tilespmem:v3+s0+$0x0], $0xffff  }
0x23a: {  	v2 =	vld.idx.msk [tilespmem:v2+s0+$0x0], $0xffff  }
0x23b: {  	[tilespmem:s6+$0x1D780] =	vst.add.f32.msk $0xffff, v1;
	s1 =	sadd.s32 $0x40, s1  }
0x23c: {  	[tilespmem:s1+$0xFFFFFFF0] =	vst.add.f32.msk $0xffff, v5  }
0x23d: {  	[tilespmem:s1+$0x0] =	vst.add.f32.msk $0xffff, v4  }
0x23e: {  	s2 =	sand.u32 $0xFC0, s2;
	[tilespmem:s1+$0xFFFFFFE0] =	vst.add.f32.msk $0xffff, v3  }
0x23f: {  	[tilespmem:s2+$0x1D780] =	vst.add.f32.msk $0xffff, v2  }
0x240: {  	[tilespmem:s10], [sflag:$0x4] =	stream.strided.gather [hbm4b:s26+s30], $0x1000, s31, s30, $0x38;
	[tilespmem:$0x1F780] =	vst v63  }
0x241: {  	_ =	swait.ge [sflag:s22], $0x1000  }
0x242: {  	[sflag:s22] =	ssyncset.done $0x0  }
0x243: {  	s23 =	simm.s32 $0x2020;
	[sflag:s22] =	ssyncadd.s32 $0xFFFFF000  }
0x244: {  	v1 =	vld [tilespmem:s23+$0x10]  }
0x245: {  	v2 =	vld [tilespmem:s23+$0x0]  }
0x246: {  	v3 =	vld [tilespmem:s23+$0xFFFFFFF0]  }
0x247: {  	v4 =	vld [tilespmem:s23+$0xFFFFFFE0];
	_ =	sdelay $0x1  }
0x248: {  	v1 =	vmin.u32 v1, $0xC380  }
0x249: {  	v2 =	vmin.u32 v2, $0xC380  }
0x24a: {  	s9 =	simm.s32 $0x2060;
	v3 =	vmin.u32 v3, $0xC380  }
0x24b: {  	v7 =	vld [tilespmem:s9+$0x10];
	v4 =	vmin.u32 v4, $0xC380  }
0x24c: {  	v8 =	vld [tilespmem:s9+$0x0]  }
0x24d: {  	v5 =	vld.idx.msk [tilespmem:v1+s0+$0x0], $0xffff  }
0x24e: {  	v6 =	vld.idx.msk [tilespmem:v2+s0+$0x0], $0xffff  }
0x24f: {  	v9 =	vld.idx.msk [tilespmem:v3+s0+$0x0], $0xffff  }
0x250: {  	v1 =	vld.idx.msk [tilespmem:v4+s0+$0x0], $0xffff  }
0x251: {  	v3 =	vld [tilespmem:s9+$0xFFFFFFF0]  }
0x252: {  	s1 =	simm.s32 $0x1E7B0;
	v2 =	vld [tilespmem:s9+$0xFFFFFFE0];
	v4 =	vmin.u32 v7, $0xC380  }
0x253: {  	[tilespmem:s1+$0x0] =	vst.add.f32.msk $0xffff, v5;
	v5 =	vmin.u32 v8, $0xC380  }
0x254: {  	s26 =	simm.s32 $0x0;
	[tilespmem:s1+$0xFFFFFFF0] =	vst.add.f32.msk $0xffff, v6  }
0x255: {  	s5 =	simm.s32 $0x40;
	s2 =	simm.s32 $0x40;
	s6 =	sand.u32 $0xFC0, s26;
	[tilespmem:s1+$0xFFFFFFE0] =	vst.add.f32.msk $0xffff, v9  }
.LBB2_27:
0x256: {  	s5 =	sadd.s32 $0x40, s5;
	v3 =	vmin.u32 v3, $0xC380;
	[tilespmem:s6+$0x1E780] =	vst.add.f32.msk $0xffff, v1;
	s1 =	sadd.s32 $0x40, s1  }
0x257: {  	p0 =	slt.u32 s5, $0xFC0;
	v1 =	vmin.u32 v2, $0xC380;
	v6 =	vld.idx.msk [tilespmem:v4+s0+$0x0], $0xffff  }
0x258: {  	s9 =	sadd.s32 $0x40, s9;
	v7 =	vld.idx.msk [tilespmem:v5+s0+$0x0], $0xffff  }
0x259: {  	v4 =	vld [tilespmem:s9+$0x10]  }
0x25a: {  	v5 =	vld [tilespmem:s9+$0x0]  }
0x25b: {  	v8 =	vld.idx.msk [tilespmem:v3+s0+$0x0], $0xffff  }
0x25c: {  	v1 =	vld.idx.msk [tilespmem:v1+s0+$0x0], $0xffff  }
.Ltmp12:
0x25d: {  	v3 =	vld [tilespmem:s9+$0xFFFFFFF0];
	(pc) =	sbr.rel @p0 .LBB2_27-.Ltmp12, $4  }
0x25e: {  	v2 =	vld [tilespmem:s9+$0xFFFFFFE0];
	v4 =	vmin.u32 v4, $0xC380  }
0x25f: {  	v5 =	vmin.u32 v5, $0xC380;
	[tilespmem:s1+$0xFFFFFFF0] =	vst.add.f32.msk $0xffff, v7  }
0x260: {  	[tilespmem:s1+$0x0] =	vst.add.f32.msk $0xffff, v6  }
0x261: {  	s6 =	sand.u32 $0xFC0, s2;
	s2 =	smov.u32 s5;
	[tilespmem:s1+$0xFFFFFFE0] =	vst.add.f32.msk $0xffff, v8  }
0x262: {  	_ = 	snop  }
0x263: {  	v3 =	vmin.u32 v3, $0xC380  }
0x264: {  	v2 =	vmin.u32 v2, $0xC380;
	_ =	sdelay $0x1  }
0x265: {  	v5 =	vld.idx.msk [tilespmem:v5+s0+$0x0], $0xffff  }
0x266: {  	v4 =	vld.idx.msk [tilespmem:v4+s0+$0x0], $0xffff  }
0x267: {  	v3 =	vld.idx.msk [tilespmem:v3+s0+$0x0], $0xffff  }
0x268: {  	v2 =	vld.idx.msk [tilespmem:v2+s0+$0x0], $0xffff  }
0x269: {  	[tilespmem:s6+$0x1E780] =	vst.add.f32.msk $0xffff, v1;
	s1 =	sadd.s32 $0x40, s1  }
0x26a: {  	[tilespmem:s1+$0xFFFFFFF0] =	vst.add.f32.msk $0xffff, v5  }
0x26b: {  	[tilespmem:s1+$0x0] =	vst.add.f32.msk $0xffff, v4  }
0x26c: {  	s2 =	sand.u32 $0xFC0, s2;
	s16 =	sadd.s32 $0x2, s25;
	[tilespmem:s1+$0xFFFFFFE0] =	vst.add.f32.msk $0xffff, v3  }
0x26d: {  	s23 =	smul.u32 $0x30E000, s16;
	[tilespmem:s2+$0x1E780] =	vst.add.f32.msk $0xffff, v2  }
0x26e: {  	[tilespmem:s17], [sflag:$0x5] =	stream.strided.gather [hbm4b:s28+s30], $0x1000, s31, s30, $0x38;
	[tilespmem:$0x1F780] =	vst v63  }
0x26f: {  	s2 =	rddreg [dreg:$0x5]  }
0x270: {  	s21 =	sadd.s32 s2, s23  }
0x271: {  	s1 =	sor.u32 s14, s21  }
0x272: {  	s1 =	sshrl.u32 s1, $0x3  }
0x273: {  	s1 =	sadd.s32 s8, s1  }
0x274: {  	[tilespmem:s0], [sflag:$0x1] =	stream.strided.gather [hbm4b:s1+s30], $0xC380, s31, s30, $0x38;
	[tilespmem:$0x1F780] =	vst v63  }
0x275: {  	_ =	swait.ge [sflag:s24], $0xC300  }
0x276: {  	[sflag:s24] =	ssyncset.done $0x0  }
0x277: {  	[sflag:s24] =	ssyncadd.s32 $0xFFFF3D00  }
0x278: {  	_ =	swait.ge [sflag:s24], $0x80  }
0x279: {  	[sflag:s24] =	ssyncset.done $0x0  }
0x27a: {  	[sflag:s24] =	ssyncadd.s32 $0xFFFFFF80  }
0x27b: {  	_ =	swait.ge [sflag:s19], $0x1000  }
0x27c: {  	[sflag:s19] =	ssyncset.done $0x0  }
0x27d: {  	s26 =	simm.s32 $0x20;
	[sflag:s19] =	ssyncadd.s32 $0xFFFFF000  }
0x27e: {  	v1 =	vld [tilespmem:s26+$0x10]  }
0x27f: {  	v2 =	vld [tilespmem:s26+$0xFFFFFFE0];
	_ =	sdelay $0x1  }
0x280: {  	v3 =	vld [tilespmem:s26+$0xFFFFFFF0]  }
0x281: {  	v4 =	vld [tilespmem:s26+$0x0]  }
0x282: {  	v1 =	vadd.s32 $0xFFFF3C80, v1  }
0x283: {  	s28 =	simm.s32 $0x60;
	v2 =	vadd.s32 $0xFFFF3C80, v2;
	v1 =	vmin.u32 v1, $0xC320  }
0x284: {  	v5 =	vld [tilespmem:s28+$0x10];
	v2 =	vmin.u32 v2, $0xC320  }
0x285: {  	v6 =	vld [tilespmem:s28+$0xFFFFFFF0];
	v3 =	vadd.s32 $0xFFFF3C80, v3  }
0x286: {  	v7 =	vld [tilespmem:s28+$0x0];
	v4 =	vadd.s32 $0xFFFF3C80, v4;
	v3 =	vmin.u32 v3, $0xC320  }
0x287: {  	v8 =	vld [tilespmem:s28+$0xFFFFFFE0];
	v4 =	vmin.u32 v4, $0xC320  }
0x288: {  	v1 =	vld.idx.msk [tilespmem:v1+s3+$0x0], $0xffff  }
0x289: {  	v5 =	vadd.s32 $0xFFFF3C80, v5;
	v2 =	vld.idx.msk [tilespmem:v2+s3+$0x0], $0xffff  }
0x28a: {  	v9 =	vmin.u32 v5, $0xC320  }
0x28b: {  	v3 =	vld.idx.msk [tilespmem:v3+s3+$0x0], $0xffff  }
0x28c: {  	s1 =	simm.s32 $0x1B7B0;
	v4 =	vld.idx.msk [tilespmem:v4+s3+$0x0], $0xffff  }
0x28d: {  	[tilespmem:s1+$0x0] =	vst.add.f32.msk $0xffff, v1  }
0x28e: {  	v5 =	vadd.s32 $0xFFFF3C80, v7;
	v1 =	vadd.s32 $0xFFFF3C80, v6;
	v6 =	vadd.s32 $0xFFFF3C80, v8;
	[tilespmem:s1+$0xFFFFFFD0] =	vst.add.f32.msk $0xffff, v2  }
0x28f: {  	s5 =	simm.s32 $0x40;
	s6 =	simm.s32 $0xA0;
	s2 =	simm.s32 $0x1B7B0;
	v2 =	vmin.u32 v5, $0xC320;
	v1 =	vmin.u32 v1, $0xC320;
	v5 =	vmin.u32 v6, $0xC320;
	v6 =	vld.idx.msk [tilespmem:v9+s3+$0x0], $0xffff  }
.LBB2_29:
0x290: {  	v7 =	vld [tilespmem:s6+$0x10];
	s5 =	sadd.s32 $0x40, s5;
	v8 =	vmov v3  }
0x291: {  	v9 =	vmov v4;
	v3 =	vld [tilespmem:s6+$0xFFFFFFF0];
	p0 =	slt.u32 s5, $0xFC0  }
0x292: {  	v4 =	vld [tilespmem:s6+$0x0]  }
0x293: {  	v10 =	vld [tilespmem:s6+$0xFFFFFFE0]  }
0x294: {  	s1 =	sadd.s32 $0x40, s1;
	v11 =	vld.idx.msk [tilespmem:v5+s3+$0x0], $0xffff  }
0x295: {  	v5 =	vadd.s32 $0xFFFF3C80, v7;
	[tilespmem:s1+$0x0] =	vst.add.f32.msk $0xffff, v6  }
0x296: {  	v6 =	vadd.s32 $0xFFFF3C80, v3;
	v7 =	vmin.u32 v5, $0xC320;
	v3 =	vld.idx.msk [tilespmem:v1+s3+$0x0], $0xffff  }
.Ltmp13:
0x297: {  	v1 =	vmin.u32 v6, $0xC320;
	v5 =	vadd.s32 $0xFFFF3C80, v4;
	v4 =	vld.idx.msk [tilespmem:v2+s3+$0x0], $0xffff;
	(pc) =	sbr.rel @p0 .LBB2_29-.Ltmp13, $4  }
0x298: {  	v6 =	vadd.s32 $0xFFFF3C80, v10;
	v2 =	vmin.u32 v5, $0xC320;
	[tilespmem:s2+$0xFFFFFFE0] =	vst.add.f32.msk $0xffff, v8  }
0x299: {  	v5 =	vmin.u32 v6, $0xC320;
	[tilespmem:s2+$0xFFFFFFF0] =	vst.add.f32.msk $0xffff, v9;
	s2 =	smov.u32 s1  }
0x29a: {  	[tilespmem:s1+$0xFFFFFFD0] =	vst.add.f32.msk $0xffff, v11  }
0x29b: {  	s6 =	sadd.s32 $0x40, s6;
	v6 =	vld.idx.msk [tilespmem:v7+s3+$0x0], $0xffff  }
0x29c: {  	_ =	sdelay $0x3  }
0x29d: {  	v5 =	vld.idx.msk [tilespmem:v5+s3+$0x0], $0xffff  }
0x29e: {  	v1 =	vld.idx.msk [tilespmem:v1+s3+$0x0], $0xffff  }
0x29f: {  	v2 =	vld.idx.msk [tilespmem:v2+s3+$0x0], $0xffff  }
0x2a0: {  	[tilespmem:s2+$0xFFFFFFE0] =	vst.add.f32.msk $0xffff, v3  }
0x2a1: {  	s1 =	sadd.s32 $0x40, s1;
	[tilespmem:s2+$0xFFFFFFF0] =	vst.add.f32.msk $0xffff, v4  }
0x2a2: {  	[tilespmem:s1+$0x0] =	vst.add.f32.msk $0xffff, v6  }
0x2a3: {  	[tilespmem:s1+$0xFFFFFFD0] =	vst.add.f32.msk $0xffff, v5  }
0x2a4: {  	[tilespmem:s1+$0xFFFFFFE0] =	vst.add.f32.msk $0xffff, v1  }
0x2a5: {  	[tilespmem:s1+$0xFFFFFFF0] =	vst.add.f32.msk $0xffff, v2  }
0x2a6: {  	[tilespmem:s4], [sflag:$0x3] =	stream.strided.gather [hbm4b:s29+s30], $0x1000, s31, s30, $0x38;
	[tilespmem:$0x1F780] =	vst v63  }
0x2a7: {  	_ =	swait.ge [sflag:s20], $0x1000  }
0x2a8: {  	[sflag:s20] =	ssyncset.done $0x0  }
0x2a9: {  	s28 =	simm.s32 $0x1020;
	[sflag:s20] =	ssyncadd.s32 $0xFFFFF000  }
0x2aa: {  	v1 =	vld [tilespmem:s28+$0x0]  }
0x2ab: {  	v2 =	vld [tilespmem:s28+$0xFFFFFFF0]  }
0x2ac: {  	v3 =	vld [tilespmem:s28+$0xFFFFFFE0]  }
0x2ad: {  	v4 =	vld [tilespmem:s28+$0x10];
	_ =	sdelay $0x1  }
0x2ae: {  	v1 =	vadd.s32 $0xFFFF3C80, v1  }
0x2af: {  	s29 =	simm.s32 $0x1060;
	v2 =	vadd.s32 $0xFFFF3C80, v2;
	v1 =	vmin.u32 v1, $0xC320  }
0x2b0: {  	v7 =	vld [tilespmem:s29+$0x0];
	v3 =	vadd.s32 $0xFFFF3C80, v3;
	v5 =	vmin.u32 v2, $0xC320  }
0x2b1: {  	v8 =	vld [tilespmem:s29+$0xFFFFFFF0];
	v9 =	vmin.u32 v3, $0xC320;
	v3 =	vadd.s32 $0xFFFF3C80, v4  }
0x2b2: {  	v2 =	vld [tilespmem:s29+$0xFFFFFFE0];
	v10 =	vmin.u32 v3, $0xC320  }
0x2b3: {  	v3 =	vld [tilespmem:s29+$0x10]  }
0x2b4: {  	v6 =	vld.idx.msk [tilespmem:v1+s3+$0x0], $0xffff  }
0x2b5: {  	v5 =	vld.idx.msk [tilespmem:v5+s3+$0x0], $0xffff  }
0x2b6: {  	s23 =	simm.s32 $0x1C7B0;
	s9 =	simm.s32 $0x0;
	s2 =	simm.s32 $0x40;
	v4 =	vadd.s32 $0xFFFF3C80, v7;
	v1 =	vld.idx.msk [tilespmem:v9+s3+$0x0], $0xffff  }
0x2b7: {  	s5 =	simm.s32 $0x10A0;
	s26 =	simm.s32 $0x40;
	s1 =	simm.s32 $0x1C7B0;
	v8 =	vadd.s32 $0xFFFF3C80, v8;
	v4 =	vmin.u32 v4, $0xC320;
	v7 =	vld.idx.msk [tilespmem:v10+s3+$0x0], $0xffff  }
.LBB2_31:
0x2b8: {  	s2 =	sadd.s32 $0x40, s2;
	v9 =	vld [tilespmem:s5+$0x0];
	v2 =	vadd.s32 $0xFFFF3C80, v2;
	v8 =	vmin.u32 v8, $0xC320;
	s23 =	sadd.s32 $0x40, s23  }
0x2b9: {  	v10 =	vld [tilespmem:s5+$0xFFFFFFF0];
	p0 =	slt.u32 s2, $0xFC0;
	v11 =	vmin.u32 v2, $0xC320  }
0x2ba: {  	v2 =	vld [tilespmem:s5+$0xFFFFFFE0]  }
0x2bb: {  	[tilespmem:s1+$0xFFFFFFF0] =	vst.add.f32.msk $0xffff, v6  }
0x2bc: {  	s6 =	sand.u32 $0xFC0, s9;
	s9 =	smov.u32 s26;
	s26 =	smov.u32 s2;
	[tilespmem:s1+$0xFFFFFFE0] =	vst.add.f32.msk $0xffff, v5  }
0x2bd: {  	v3 =	vadd.s32 $0xFFFF3C80, v3;
	[tilespmem:s1+$0x0] =	vst.add.f32.msk $0xffff, v7;
	s1 =	smov.u32 s23  }
0x2be: {  	v7 =	vmin.u32 v3, $0xC320;
	[tilespmem:s6+$0x1C780] =	vst.add.f32.msk $0xffff, v1  }
.Ltmp14:
0x2bf: {  	v3 =	vld [tilespmem:s5+$0x10];
	(pc) =	sbr.rel @p0 .LBB2_31-.Ltmp14, $4  }
0x2c0: {  	v6 =	vld.idx.msk [tilespmem:v4+s3+$0x0], $0xffff  }
0x2c1: {  	v5 =	vld.idx.msk [tilespmem:v8+s3+$0x0], $0xffff  }
0x2c2: {  	v4 =	vadd.s32 $0xFFFF3C80, v9;
	v1 =	vld.idx.msk [tilespmem:v11+s3+$0x0], $0xffff  }
0x2c3: {  	s5 =	sadd.s32 $0x40, s5;
	v8 =	vadd.s32 $0xFFFF3C80, v10;
	v4 =	vmin.u32 v4, $0xC320;
	v7 =	vld.idx.msk [tilespmem:v7+s3+$0x0], $0xffff  }
0x2c4: {  	_ =	sdelay $0x2  }
0x2c5: {  	v8 =	vmin.u32 v8, $0xC320;
	v3 =	vadd.s32 $0xFFFF3C80, v3  }
0x2c6: {  	v2 =	vadd.s32 $0xFFFF3C80, v2;
	v4 =	vld.idx.msk [tilespmem:v4+s3+$0x0], $0xffff;
	v3 =	vmin.u32 v3, $0xC320  }
0x2c7: {  	[tilespmem:s1+$0xFFFFFFF0] =	vst.add.f32.msk $0xffff, v6;
	v2 =	vmin.u32 v2, $0xC320  }
0x2c8: {  	s7 =	sand.u32 $0xFC0, s9;
	[tilespmem:s1+$0xFFFFFFE0] =	vst.add.f32.msk $0xffff, v5  }
0x2c9: {  	[tilespmem:s7+$0x1C780] =	vst.add.f32.msk $0xffff, v1  }
0x2ca: {  	v5 =	vld.idx.msk [tilespmem:v8+s3+$0x0], $0xffff  }
0x2cb: {  	v3 =	vld.idx.msk [tilespmem:v3+s3+$0x0], $0xffff  }
0x2cc: {  	v2 =	vld.idx.msk [tilespmem:v2+s3+$0x0], $0xffff  }
0x2cd: {  	s2 =	sadd.s32 $0x40, s23;
	[tilespmem:s1+$0x0] =	vst.add.f32.msk $0xffff, v7  }
0x2ce: {  	s9 =	sshll.u32 s16, $0xB;
	s5 =	sshll.u32 s16, $0x4;
	[tilespmem:s2+$0xFFFFFFF0] =	vst.add.f32.msk $0xffff, v4  }
0x2cf: {  	s5 =	sand.u32 $0x70, s5;
	s1 =	sand.u32 $0x1C000, s9;
	[tilespmem:s2+$0xFFFFFFE0] =	vst.add.f32.msk $0xffff, v5  }
0x2d0: {  	s6 =	sand.u32 $0xFC0, s26;
	s23 =	rddreg [dreg:$0x0];
	s29 =	sor.u32 s5, s1;
	[tilespmem:s2+$0x0] =	vst.add.f32.msk $0xffff, v3  }
0x2d1: {  	s23 =	sadd.s32 s23, s29;
	[tilespmem:s6+$0x1C780] =	vst.add.f32.msk $0xffff, v2  }
0x2d2: {  	[tilespmem:s10], [sflag:$0x4] =	stream.strided.gather [hbm4b:s23+s30], $0x1000, s31, s30, $0x38;
	[tilespmem:$0x1F780] =	vst v63  }
0x2d3: {  	_ =	swait.ge [sflag:s22], $0x1000  }
0x2d4: {  	[sflag:s22] =	ssyncset.done $0x0  }
0x2d5: {  	s26 =	simm.s32 $0x2020;
	[sflag:s22] =	ssyncadd.s32 $0xFFFFF000  }
0x2d6: {  	v1 =	vld [tilespmem:s26+$0x0]  }
0x2d7: {  	v2 =	vld [tilespmem:s26+$0xFFFFFFF0]  }
0x2d8: {  	v3 =	vld [tilespmem:s26+$0xFFFFFFE0]  }
0x2d9: {  	v4 =	vld [tilespmem:s26+$0x10];
	_ =	sdelay $0x1  }
0x2da: {  	v1 =	vadd.s32 $0xFFFF3C80, v1  }
0x2db: {  	s28 =	simm.s32 $0x2060;
	v2 =	vadd.s32 $0xFFFF3C80, v2;
	v1 =	vmin.u32 v1, $0xC320  }
0x2dc: {  	v7 =	vld [tilespmem:s28+$0x0];
	v3 =	vadd.s32 $0xFFFF3C80, v3;
	v5 =	vmin.u32 v2, $0xC320  }
0x2dd: {  	v8 =	vld [tilespmem:s28+$0xFFFFFFF0];
	v9 =	vmin.u32 v3, $0xC320;
	v3 =	vadd.s32 $0xFFFF3C80, v4  }
0x2de: {  	v2 =	vld [tilespmem:s28+$0xFFFFFFE0];
	v10 =	vmin.u32 v3, $0xC320  }
0x2df: {  	v3 =	vld [tilespmem:s28+$0x10]  }
0x2e0: {  	v6 =	vld.idx.msk [tilespmem:v1+s3+$0x0], $0xffff  }
0x2e1: {  	v5 =	vld.idx.msk [tilespmem:v5+s3+$0x0], $0xffff  }
0x2e2: {  	s9 =	simm.s32 $0x0;
	s5 =	simm.s32 $0x40;
	s1 =	simm.s32 $0x40;
	v4 =	vadd.s32 $0xFFFF3C80, v7;
	v1 =	vld.idx.msk [tilespmem:v9+s3+$0x0], $0xffff  }
0x2e3: {  	s6 =	simm.s32 $0x20A0;
	s2 =	simm.s32 $0x1D7B0;
	s26 =	simm.s32 $0x1D7B0;
	v8 =	vadd.s32 $0xFFFF3C80, v8;
	v4 =	vmin.u32 v4, $0xC320;
	v7 =	vld.idx.msk [tilespmem:v10+s3+$0x0], $0xffff  }
.LBB2_33:
0x2e4: {  	s5 =	sadd.s32 $0x40, s5;
	v9 =	vld [tilespmem:s6+$0x0];
	v2 =	vadd.s32 $0xFFFF3C80, v2;
	v8 =	vmin.u32 v8, $0xC320;
	s26 =	sadd.s32 $0x40, s26  }
0x2e5: {  	v10 =	vld [tilespmem:s6+$0xFFFFFFF0];
	p0 =	slt.u32 s5, $0xFC0;
	v11 =	vmin.u32 v2, $0xC320  }
0x2e6: {  	v2 =	vld [tilespmem:s6+$0xFFFFFFE0]  }
0x2e7: {  	[tilespmem:s2+$0xFFFFFFF0] =	vst.add.f32.msk $0xffff, v6  }
0x2e8: {  	s7 =	sand.u32 $0xFC0, s9;
	s9 =	smov.u32 s1;
	s1 =	smov.u32 s5;
	[tilespmem:s2+$0xFFFFFFE0] =	vst.add.f32.msk $0xffff, v5  }
0x2e9: {  	v3 =	vadd.s32 $0xFFFF3C80, v3;
	[tilespmem:s2+$0x0] =	vst.add.f32.msk $0xffff, v7;
	s2 =	smov.u32 s26  }
0x2ea: {  	v7 =	vmin.u32 v3, $0xC320;
	[tilespmem:s7+$0x1D780] =	vst.add.f32.msk $0xffff, v1  }
.Ltmp15:
0x2eb: {  	v3 =	vld [tilespmem:s6+$0x10];
	(pc) =	sbr.rel @p0 .LBB2_33-.Ltmp15, $4  }
0x2ec: {  	v6 =	vld.idx.msk [tilespmem:v4+s3+$0x0], $0xffff  }
0x2ed: {  	v5 =	vld.idx.msk [tilespmem:v8+s3+$0x0], $0xffff  }
0x2ee: {  	v4 =	vadd.s32 $0xFFFF3C80, v9;
	v1 =	vld.idx.msk [tilespmem:v11+s3+$0x0], $0xffff  }
0x2ef: {  	s6 =	sadd.s32 $0x40, s6;
	v8 =	vadd.s32 $0xFFFF3C80, v10;
	v4 =	vmin.u32 v4, $0xC320;
	v7 =	vld.idx.msk [tilespmem:v7+s3+$0x0], $0xffff  }
0x2f0: {  	_ =	sdelay $0x2  }
0x2f1: {  	v8 =	vmin.u32 v8, $0xC320;
	v3 =	vadd.s32 $0xFFFF3C80, v3  }
0x2f2: {  	v2 =	vadd.s32 $0xFFFF3C80, v2;
	v4 =	vld.idx.msk [tilespmem:v4+s3+$0x0], $0xffff;
	v3 =	vmin.u32 v3, $0xC320  }
0x2f3: {  	[tilespmem:s2+$0xFFFFFFF0] =	vst.add.f32.msk $0xffff, v6;
	v2 =	vmin.u32 v2, $0xC320  }
0x2f4: {  	s6 =	sand.u32 $0xFC0, s9;
	[tilespmem:s2+$0xFFFFFFE0] =	vst.add.f32.msk $0xffff, v5  }
0x2f5: {  	[tilespmem:s6+$0x1D780] =	vst.add.f32.msk $0xffff, v1  }
0x2f6: {  	v5 =	vld.idx.msk [tilespmem:v8+s3+$0x0], $0xffff  }
0x2f7: {  	v3 =	vld.idx.msk [tilespmem:v3+s3+$0x0], $0xffff  }
0x2f8: {  	v2 =	vld.idx.msk [tilespmem:v2+s3+$0x0], $0xffff  }
0x2f9: {  	s5 =	sadd.s32 $0x40, s26;
	[tilespmem:s2+$0x0] =	vst.add.f32.msk $0xffff, v7  }
0x2fa: {  	[tilespmem:s5+$0xFFFFFFF0] =	vst.add.f32.msk $0xffff, v4  }
0x2fb: {  	[tilespmem:s5+$0xFFFFFFE0] =	vst.add.f32.msk $0xffff, v5  }
0x2fc: {  	s1 =	sand.u32 $0xFC0, s1;
	[tilespmem:s5+$0x0] =	vst.add.f32.msk $0xffff, v3  }
0x2fd: {  	s26 =	sadd.s32 s29, s12;
	[tilespmem:s1+$0x1D780] =	vst.add.f32.msk $0xffff, v2  }
0x2fe: {  	[tilespmem:s17], [sflag:$0x5] =	stream.strided.gather [hbm4b:s26+s30], $0x1000, s31, s30, $0x38;
	[tilespmem:$0x1F780] =	vst v63  }
0x2ff: {  	_ =	swait.ge [sflag:s19], $0x1000  }
0x300: {  	[sflag:s19] =	ssyncset.done $0x0  }
0x301: {  	s7 =	simm.s32 $0x20;
	[sflag:s19] =	ssyncadd.s32 $0xFFFFF000  }
0x302: {  	v1 =	vld [tilespmem:s7+$0x0]  }
0x303: {  	v2 =	vld [tilespmem:s7+$0xFFFFFFF0]  }
0x304: {  	v3 =	vld [tilespmem:s7+$0xFFFFFFE0]  }
0x305: {  	v4 =	vld [tilespmem:s7+$0x10];
	_ =	sdelay $0x1  }
0x306: {  	v1 =	vadd.s32 $0xFFFF3C80, v1  }
0x307: {  	s9 =	simm.s32 $0x60;
	v2 =	vadd.s32 $0xFFFF3C80, v2;
	v1 =	vmin.u32 v1, $0xC320  }
0x308: {  	v7 =	vld [tilespmem:s9+$0x0];
	v3 =	vadd.s32 $0xFFFF3C80, v3;
	v5 =	vmin.u32 v2, $0xC320  }
0x309: {  	v8 =	vld [tilespmem:s9+$0xFFFFFFF0];
	v9 =	vmin.u32 v3, $0xC320;
	v3 =	vadd.s32 $0xFFFF3C80, v4  }
0x30a: {  	v2 =	vld [tilespmem:s9+$0xFFFFFFE0];
	v10 =	vmin.u32 v3, $0xC320  }
0x30b: {  	v3 =	vld [tilespmem:s9+$0x10]  }
0x30c: {  	v6 =	vld.idx.msk [tilespmem:v1+s3+$0x0], $0xffff  }
0x30d: {  	v5 =	vld.idx.msk [tilespmem:v5+s3+$0x0], $0xffff  }
0x30e: {  	s28 =	simm.s32 $0x1E7B0;
	s6 =	simm.s32 $0xA0;
	s2 =	simm.s32 $0x1E7B0;
	v4 =	vadd.s32 $0xFFFF3C80, v7;
	v1 =	vld.idx.msk [tilespmem:v9+s3+$0x0], $0xffff  }
0x30f: {  	s5 =	simm.s32 $0x40;
	s1 =	simm.s32 $0x40;
	v8 =	vadd.s32 $0xFFFF3C80, v8;
	s9 =	simm.s32 $0x0;
	v4 =	vmin.u32 v4, $0xC320;
	v7 =	vld.idx.msk [tilespmem:v10+s3+$0x0], $0xffff  }
.LBB2_35:
0x310: {  	s5 =	sadd.s32 $0x40, s5;
	v9 =	vld [tilespmem:s6+$0x0];
	v2 =	vadd.s32 $0xFFFF3C80, v2;
	v8 =	vmin.u32 v8, $0xC320;
	s28 =	sadd.s32 $0x40, s28  }
0x311: {  	v10 =	vld [tilespmem:s6+$0xFFFFFFF0];
	p0 =	slt.u32 s5, $0xFC0;
	v11 =	vmin.u32 v2, $0xC320  }
0x312: {  	v2 =	vld [tilespmem:s6+$0xFFFFFFE0]  }
0x313: {  	[tilespmem:s2+$0xFFFFFFF0] =	vst.add.f32.msk $0xffff, v6  }
0x314: {  	s7 =	sand.u32 $0xFC0, s9;
	s9 =	smov.u32 s1;
	s1 =	smov.u32 s5;
	[tilespmem:s2+$0xFFFFFFE0] =	vst.add.f32.msk $0xffff, v5  }
0x315: {  	v3 =	vadd.s32 $0xFFFF3C80, v3;
	[tilespmem:s2+$0x0] =	vst.add.f32.msk $0xffff, v7;
	s2 =	smov.u32 s28  }
0x316: {  	v7 =	vmin.u32 v3, $0xC320;
	[tilespmem:s7+$0x1E780] =	vst.add.f32.msk $0xffff, v1  }
.Ltmp16:
0x317: {  	v3 =	vld [tilespmem:s6+$0x10];
	(pc) =	sbr.rel @p0 .LBB2_35-.Ltmp16, $4  }
0x318: {  	v6 =	vld.idx.msk [tilespmem:v4+s3+$0x0], $0xffff  }
0x319: {  	v5 =	vld.idx.msk [tilespmem:v8+s3+$0x0], $0xffff  }
0x31a: {  	v4 =	vadd.s32 $0xFFFF3C80, v9;
	v1 =	vld.idx.msk [tilespmem:v11+s3+$0x0], $0xffff  }
0x31b: {  	s6 =	sadd.s32 $0x40, s6;
	v8 =	vadd.s32 $0xFFFF3C80, v10;
	v4 =	vmin.u32 v4, $0xC320;
	v7 =	vld.idx.msk [tilespmem:v7+s3+$0x0], $0xffff  }
0x31c: {  	_ =	sdelay $0x2  }
0x31d: {  	v8 =	vmin.u32 v8, $0xC320;
	v3 =	vadd.s32 $0xFFFF3C80, v3  }
0x31e: {  	v2 =	vadd.s32 $0xFFFF3C80, v2;
	v4 =	vld.idx.msk [tilespmem:v4+s3+$0x0], $0xffff;
	v3 =	vmin.u32 v3, $0xC320  }
0x31f: {  	[tilespmem:s2+$0xFFFFFFF0] =	vst.add.f32.msk $0xffff, v6;
	v2 =	vmin.u32 v2, $0xC320  }
0x320: {  	s6 =	sand.u32 $0xFC0, s9;
	[tilespmem:s2+$0xFFFFFFE0] =	vst.add.f32.msk $0xffff, v5  }
0x321: {  	[tilespmem:s6+$0x1E780] =	vst.add.f32.msk $0xffff, v1  }
0x322: {  	v5 =	vld.idx.msk [tilespmem:v8+s3+$0x0], $0xffff  }
0x323: {  	v3 =	vld.idx.msk [tilespmem:v3+s3+$0x0], $0xffff  }
0x324: {  	v2 =	vld.idx.msk [tilespmem:v2+s3+$0x0], $0xffff  }
0x325: {  	s5 =	sadd.s32 $0x40, s28;
	[tilespmem:s2+$0x0] =	vst.add.f32.msk $0xffff, v7  }
0x326: {  	[tilespmem:s5+$0xFFFFFFF0] =	vst.add.f32.msk $0xffff, v4  }
0x327: {  	[tilespmem:s5+$0xFFFFFFE0] =	vst.add.f32.msk $0xffff, v5  }
0x328: {  	s1 =	sand.u32 $0xFC0, s1;
	[tilespmem:s5+$0x0] =	vst.add.f32.msk $0xffff, v3  }
0x329: {  	s28 =	sadd.s32 s29, s13;
	[tilespmem:s1+$0x1E780] =	vst.add.f32.msk $0xffff, v2  }
0x32a: {  	[tilespmem:s4], [sflag:$0x3] =	stream.strided.gather [hbm4b:s28+s30], $0x1000, s31, s30, $0x38;
	[tilespmem:$0x1F780] =	vst v63  }
0x32b: {  	s1 =	rddreg [dreg:$0xa]  }
0x32c: {  	s1 =	sadd.s32 s1, s21  }
0x32d: {  	s1 =	sshrl.u32 s1, $0x3  }
0x32e: {  	s7 =	sshll.u32 s16, $0xC;
	s2 =	rddreg [dreg:$0x6];
	s1 =	sadd.s32 s8, s1  }
0x32f: {  	[tilespmem:s3], [sflag:$0x2] =	stream.strided.gather [hbm4b:s1+s30], $0xC300, s31, s30, $0x38;
	[tilespmem:$0x1F780] =	vst v63  }
0x330: {  	s1 =	sor.u32 s2, s7  }
0x331: {  	s1 =	sshrl.u32 s1, $0x3  }
0x332: {  	s9 =	simm.s32 $0x1B700;
	s1 =	sadd.s32 s15, s1  }
0x333: {  	[tilespmem:s9], [sflag:$0x2] =	stream.linear.gather [hbm4b:s1+s4], $0x80, $0x38;
	[tilespmem:$0x1F780] =	vst v63  }
0x334: {  	_ =	swait.ge [sflag:s18], $0xC380  }
0x335: {  	[sflag:s18] =	ssyncset.done $0x0  }
0x336: {  	[sflag:s18] =	ssyncadd.s32 $0xFFFF3C80  }
0x337: {  	_ =	swait.ge [sflag:s20], $0x1000  }
0x338: {  	[sflag:s20] =	ssyncset.done $0x0  }
0x339: {  	s16 =	simm.s32 $0x1020;
	[sflag:s20] =	ssyncadd.s32 $0xFFFFF000  }
0x33a: {  	v1 =	vld [tilespmem:s16+$0x10]  }
0x33b: {  	v2 =	vld [tilespmem:s16+$0xFFFFFFF0]  }
0x33c: {  	v3 =	vld [tilespmem:s16+$0xFFFFFFE0]  }
0x33d: {  	s21 =	simm.s32 $0x1060;
	v4 =	vld [tilespmem:s16+$0x0]  }
0x33e: {  	v5 =	vld [tilespmem:s21+$0x10]  }
0x33f: {  	v6 =	vld [tilespmem:s21+$0xFFFFFFF0];
	v1 =	vmin.u32 v1, $0xC380  }
0x340: {  	v2 =	vmin.u32 v2, $0xC380  }
0x341: {  	v3 =	vmin.u32 v3, $0xC380  }
0x342: {  	v8 =	vld [tilespmem:s21+$0x0];
	v4 =	vmin.u32 v4, $0xC380  }
0x343: {  	v9 =	vld [tilespmem:s21+$0xFFFFFFE0];
	v5 =	vmin.u32 v5, $0xC380  }
0x344: {  	v10 =	vmin.u32 v6, $0xC380;
	v1 =	vld.idx.msk [tilespmem:v1+s0+$0x0], $0xffff  }
0x345: {  	v7 =	vld.idx.msk [tilespmem:v2+s0+$0x0], $0xffff  }
0x346: {  	v2 =	vld.idx.msk [tilespmem:v3+s0+$0x0], $0xffff  }
0x347: {  	v4 =	vld.idx.msk [tilespmem:v4+s0+$0x0], $0xffff  }
0x348: {  	v6 =	vld.idx.msk [tilespmem:v5+s0+$0x0], $0xffff  }
0x349: {  	s1 =	simm.s32 $0x1B7B0;
	v3 =	vld.idx.msk [tilespmem:v10+s0+$0x0], $0xffff  }
0x34a: {  	[tilespmem:s1+$0x0] =	vst.add.f32.msk $0xffff, v1  }
0x34b: {  	s6 =	simm.s32 $0x10A0;
	s5 =	simm.s32 $0x40;
	s2 =	simm.s32 $0x1B7B0;
	v5 =	vmin.u32 v9, $0xC380;
	[tilespmem:s1+$0xFFFFFFE0] =	vst.add.f32.msk $0xffff, v7;
	v1 =	vmin.u32 v8, $0xC380  }
.LBB2_37:
0x34c: {  	v7 =	vld [tilespmem:s6+$0x10];
	s5 =	sadd.s32 $0x40, s5;
	v8 =	vmov v4  }
0x34d: {  	v4 =	vld [tilespmem:s6+$0xFFFFFFF0];
	p0 =	slt.u32 s5, $0xFC0  }
0x34e: {  	v9 =	vld [tilespmem:s6+$0x0]  }
0x34f: {  	s1 =	sadd.s32 $0x40, s1;
	v10 =	vld [tilespmem:s6+$0xFFFFFFE0]  }
0x350: {  	[tilespmem:s1+$0x0] =	vst.add.f32.msk $0xffff, v6  }
0x351: {  	v6 =	vmin.u32 v7, $0xC380;
	v7 =	vld.idx.msk [tilespmem:v5+s0+$0x0], $0xffff  }
0x352: {  	v11 =	vmin.u32 v4, $0xC380;
	v4 =	vld.idx.msk [tilespmem:v1+s0+$0x0], $0xffff  }
.Ltmp17:
0x353: {  	v1 =	vmin.u32 v9, $0xC380;
	[tilespmem:s2+$0xFFFFFFD0] =	vst.add.f32.msk $0xffff, v2;
	(pc) =	sbr.rel @p0 .LBB2_37-.Ltmp17, $4  }
0x354: {  	v5 =	vmin.u32 v10, $0xC380;
	[tilespmem:s1+$0xFFFFFFE0] =	vst.add.f32.msk $0xffff, v3  }
0x355: {  	[tilespmem:s2+$0xFFFFFFF0] =	vst.add.f32.msk $0xffff, v8;
	s2 =	smov.u32 s1  }
0x356: {  	v6 =	vld.idx.msk [tilespmem:v6+s0+$0x0], $0xffff  }
0x357: {  	s6 =	sadd.s32 $0x40, s6;
	v2 =	vmov v7;
	v3 =	vld.idx.msk [tilespmem:v11+s0+$0x0], $0xffff  }
0x358: {  	_ =	sdelay $0x3  }
0x359: {  	v5 =	vld.idx.msk [tilespmem:v5+s0+$0x0], $0xffff  }
0x35a: {  	v1 =	vld.idx.msk [tilespmem:v1+s0+$0x0], $0xffff  }
0x35b: {  	[tilespmem:s2+$0xFFFFFFD0] =	vst.add.f32.msk $0xffff, v2  }
0x35c: {  	s1 =	sadd.s32 $0x40, s1;
	[tilespmem:s2+$0xFFFFFFF0] =	vst.add.f32.msk $0xffff, v4  }
0x35d: {  	[tilespmem:s1+$0x0] =	vst.add.f32.msk $0xffff, v6  }
0x35e: {  	[tilespmem:s1+$0xFFFFFFE0] =	vst.add.f32.msk $0xffff, v3  }
0x35f: {  	[tilespmem:s1+$0xFFFFFFD0] =	vst.add.f32.msk $0xffff, v5  }
0x360: {  	[tilespmem:s1+$0xFFFFFFF0] =	vst.add.f32.msk $0xffff, v1  }
0x361: {  	s1 =	rddreg [dreg:$0xb]  }
0x362: {  	s29 =	sadd.s32 s29, s1  }
0x363: {  	[tilespmem:s10], [sflag:$0x4] =	stream.strided.gather [hbm4b:s29+s30], $0x1000, s31, s30, $0x38;
	[tilespmem:$0x1F780] =	vst v63  }
0x364: {  	_ =	swait.ge [sflag:s22], $0x1000  }
0x365: {  	[sflag:s22] =	ssyncset.done $0x0  }
0x366: {  	s16 =	simm.s32 $0x2020;
	[sflag:s22] =	ssyncadd.s32 $0xFFFFF000  }
0x367: {  	v1 =	vld [tilespmem:s16+$0x10]  }
0x368: {  	v2 =	vld [tilespmem:s16+$0x0]  }
0x369: {  	v3 =	vld [tilespmem:s16+$0xFFFFFFF0]  }
0x36a: {  	v4 =	vld [tilespmem:s16+$0xFFFFFFE0];
	_ =	sdelay $0x1  }
0x36b: {  	v1 =	vmin.u32 v1, $0xC380  }
0x36c: {  	v2 =	vmin.u32 v2, $0xC380  }
0x36d: {  	s9 =	simm.s32 $0x2060;
	v3 =	vmin.u32 v3, $0xC380  }
0x36e: {  	v7 =	vld [tilespmem:s9+$0x10];
	v4 =	vmin.u32 v4, $0xC380  }
0x36f: {  	v8 =	vld [tilespmem:s9+$0x0]  }
0x370: {  	v5 =	vld.idx.msk [tilespmem:v1+s0+$0x0], $0xffff  }
0x371: {  	v6 =	vld.idx.msk [tilespmem:v2+s0+$0x0], $0xffff  }
0x372: {  	v9 =	vld.idx.msk [tilespmem:v3+s0+$0x0], $0xffff  }
0x373: {  	v1 =	vld.idx.msk [tilespmem:v4+s0+$0x0], $0xffff  }
0x374: {  	v3 =	vld [tilespmem:s9+$0xFFFFFFF0]  }
0x375: {  	s1 =	simm.s32 $0x1C7B0;
	v2 =	vld [tilespmem:s9+$0xFFFFFFE0];
	v4 =	vmin.u32 v7, $0xC380  }
0x376: {  	[tilespmem:s1+$0x0] =	vst.add.f32.msk $0xffff, v5;
	v5 =	vmin.u32 v8, $0xC380  }
0x377: {  	s21 =	simm.s32 $0x0;
	[tilespmem:s1+$0xFFFFFFF0] =	vst.add.f32.msk $0xffff, v6  }
0x378: {  	s5 =	simm.s32 $0x40;
	s2 =	simm.s32 $0x40;
	s6 =	sand.u32 $0xFC0, s21;
	[tilespmem:s1+$0xFFFFFFE0] =	vst.add.f32.msk $0xffff, v9  }
.LBB2_39:
0x379: {  	s5 =	sadd.s32 $0x40, s5;
	v3 =	vmin.u32 v3, $0xC380;
	[tilespmem:s6+$0x1C780] =	vst.add.f32.msk $0xffff, v1;
	s1 =	sadd.s32 $0x40, s1  }
0x37a: {  	p0 =	slt.u32 s5, $0xFC0;
	v1 =	vmin.u32 v2, $0xC380;
	v6 =	vld.idx.msk [tilespmem:v4+s0+$0x0], $0xffff  }
0x37b: {  	s9 =	sadd.s32 $0x40, s9;
	v7 =	vld.idx.msk [tilespmem:v5+s0+$0x0], $0xffff  }
0x37c: {  	v4 =	vld [tilespmem:s9+$0x10]  }
0x37d: {  	v5 =	vld [tilespmem:s9+$0x0]  }
0x37e: {  	v8 =	vld.idx.msk [tilespmem:v3+s0+$0x0], $0xffff  }
0x37f: {  	v1 =	vld.idx.msk [tilespmem:v1+s0+$0x0], $0xffff  }
.Ltmp18:
0x380: {  	v3 =	vld [tilespmem:s9+$0xFFFFFFF0];
	(pc) =	sbr.rel @p0 .LBB2_39-.Ltmp18, $4  }
0x381: {  	v2 =	vld [tilespmem:s9+$0xFFFFFFE0];
	v4 =	vmin.u32 v4, $0xC380  }
0x382: {  	v5 =	vmin.u32 v5, $0xC380;
	[tilespmem:s1+$0xFFFFFFF0] =	vst.add.f32.msk $0xffff, v7  }
0x383: {  	[tilespmem:s1+$0x0] =	vst.add.f32.msk $0xffff, v6  }
0x384: {  	s6 =	sand.u32 $0xFC0, s2;
	s2 =	smov.u32 s5;
	[tilespmem:s1+$0xFFFFFFE0] =	vst.add.f32.msk $0xffff, v8  }
0x385: {  	_ = 	snop  }
0x386: {  	v3 =	vmin.u32 v3, $0xC380  }
0x387: {  	v2 =	vmin.u32 v2, $0xC380;
	_ =	sdelay $0x1  }
0x388: {  	v5 =	vld.idx.msk [tilespmem:v5+s0+$0x0], $0xffff  }
0x389: {  	v4 =	vld.idx.msk [tilespmem:v4+s0+$0x0], $0xffff  }
0x38a: {  	v3 =	vld.idx.msk [tilespmem:v3+s0+$0x0], $0xffff  }
0x38b: {  	v2 =	vld.idx.msk [tilespmem:v2+s0+$0x0], $0xffff  }
0x38c: {  	[tilespmem:s6+$0x1C780] =	vst.add.f32.msk $0xffff, v1;
	s1 =	sadd.s32 $0x40, s1  }
0x38d: {  	[tilespmem:s1+$0xFFFFFFF0] =	vst.add.f32.msk $0xffff, v5  }
0x38e: {  	[tilespmem:s1+$0x0] =	vst.add.f32.msk $0xffff, v4  }
0x38f: {  	s2 =	sand.u32 $0xFC0, s2;
	[tilespmem:s1+$0xFFFFFFE0] =	vst.add.f32.msk $0xffff, v3  }
0x390: {  	[tilespmem:s2+$0x1C780] =	vst.add.f32.msk $0xffff, v2  }
0x391: {  	[tilespmem:s17], [sflag:$0x5] =	stream.strided.gather [hbm4b:s23+s30], $0x1000, s31, s30, $0x38;
	[tilespmem:$0x1F780] =	vst v63  }
0x392: {  	_ =	swait.ge [sflag:s19], $0x1000  }
0x393: {  	[sflag:s19] =	ssyncset.done $0x0  }
0x394: {  	s21 =	simm.s32 $0x20;
	[sflag:s19] =	ssyncadd.s32 $0xFFFFF000  }
0x395: {  	v1 =	vld [tilespmem:s21+$0x10]  }
0x396: {  	v2 =	vld [tilespmem:s21+$0x0]  }
0x397: {  	v3 =	vld [tilespmem:s21+$0xFFFFFFF0]  }
0x398: {  	v4 =	vld [tilespmem:s21+$0xFFFFFFE0];
	_ =	sdelay $0x1  }
0x399: {  	v1 =	vmin.u32 v1, $0xC380  }
0x39a: {  	v2 =	vmin.u32 v2, $0xC380  }
0x39b: {  	s9 =	simm.s32 $0x60;
	v3 =	vmin.u32 v3, $0xC380  }
0x39c: {  	v7 =	vld [tilespmem:s9+$0x10];
	v4 =	vmin.u32 v4, $0xC380  }
0x39d: {  	v8 =	vld [tilespmem:s9+$0x0]  }
0x39e: {  	v5 =	vld.idx.msk [tilespmem:v1+s0+$0x0], $0xffff  }
0x39f: {  	v6 =	vld.idx.msk [tilespmem:v2+s0+$0x0], $0xffff  }
0x3a0: {  	v9 =	vld.idx.msk [tilespmem:v3+s0+$0x0], $0xffff  }
0x3a1: {  	v1 =	vld.idx.msk [tilespmem:v4+s0+$0x0], $0xffff  }
0x3a2: {  	v3 =	vld [tilespmem:s9+$0xFFFFFFF0]  }
0x3a3: {  	s1 =	simm.s32 $0x1D7B0;
	v2 =	vld [tilespmem:s9+$0xFFFFFFE0];
	v4 =	vmin.u32 v7, $0xC380  }
0x3a4: {  	[tilespmem:s1+$0x0] =	vst.add.f32.msk $0xffff, v5;
	v5 =	vmin.u32 v8, $0xC380  }
0x3a5: {  	s23 =	simm.s32 $0x0;
	[tilespmem:s1+$0xFFFFFFF0] =	vst.add.f32.msk $0xffff, v6  }
0x3a6: {  	s5 =	simm.s32 $0x40;
	s2 =	simm.s32 $0x40;
	s6 =	sand.u32 $0xFC0, s23;
	[tilespmem:s1+$0xFFFFFFE0] =	vst.add.f32.msk $0xffff, v9  }
.LBB2_41:
0x3a7: {  	s5 =	sadd.s32 $0x40, s5;
	v3 =	vmin.u32 v3, $0xC380;
	[tilespmem:s6+$0x1D780] =	vst.add.f32.msk $0xffff, v1;
	s1 =	sadd.s32 $0x40, s1  }
0x3a8: {  	p0 =	slt.u32 s5, $0xFC0;
	v1 =	vmin.u32 v2, $0xC380;
	v6 =	vld.idx.msk [tilespmem:v4+s0+$0x0], $0xffff  }
0x3a9: {  	s9 =	sadd.s32 $0x40, s9;
	v7 =	vld.idx.msk [tilespmem:v5+s0+$0x0], $0xffff  }
0x3aa: {  	v4 =	vld [tilespmem:s9+$0x10]  }
0x3ab: {  	v5 =	vld [tilespmem:s9+$0x0]  }
0x3ac: {  	v8 =	vld.idx.msk [tilespmem:v3+s0+$0x0], $0xffff  }
0x3ad: {  	v1 =	vld.idx.msk [tilespmem:v1+s0+$0x0], $0xffff  }
.Ltmp19:
0x3ae: {  	v3 =	vld [tilespmem:s9+$0xFFFFFFF0];
	(pc) =	sbr.rel @p0 .LBB2_41-.Ltmp19, $4  }
0x3af: {  	v2 =	vld [tilespmem:s9+$0xFFFFFFE0];
	v4 =	vmin.u32 v4, $0xC380  }
0x3b0: {  	v5 =	vmin.u32 v5, $0xC380;
	[tilespmem:s1+$0xFFFFFFF0] =	vst.add.f32.msk $0xffff, v7  }
0x3b1: {  	[tilespmem:s1+$0x0] =	vst.add.f32.msk $0xffff, v6  }
0x3b2: {  	s6 =	sand.u32 $0xFC0, s2;
	s2 =	smov.u32 s5;
	[tilespmem:s1+$0xFFFFFFE0] =	vst.add.f32.msk $0xffff, v8  }
0x3b3: {  	_ = 	snop  }
0x3b4: {  	v3 =	vmin.u32 v3, $0xC380  }
0x3b5: {  	v2 =	vmin.u32 v2, $0xC380;
	_ =	sdelay $0x1  }
0x3b6: {  	v5 =	vld.idx.msk [tilespmem:v5+s0+$0x0], $0xffff  }
0x3b7: {  	v4 =	vld.idx.msk [tilespmem:v4+s0+$0x0], $0xffff  }
0x3b8: {  	v3 =	vld.idx.msk [tilespmem:v3+s0+$0x0], $0xffff  }
0x3b9: {  	v2 =	vld.idx.msk [tilespmem:v2+s0+$0x0], $0xffff  }
0x3ba: {  	[tilespmem:s6+$0x1D780] =	vst.add.f32.msk $0xffff, v1;
	s1 =	sadd.s32 $0x40, s1  }
0x3bb: {  	[tilespmem:s1+$0xFFFFFFF0] =	vst.add.f32.msk $0xffff, v5  }
0x3bc: {  	[tilespmem:s1+$0x0] =	vst.add.f32.msk $0xffff, v4  }
0x3bd: {  	s2 =	sand.u32 $0xFC0, s2;
	[tilespmem:s1+$0xFFFFFFE0] =	vst.add.f32.msk $0xffff, v3  }
0x3be: {  	[tilespmem:s2+$0x1D780] =	vst.add.f32.msk $0xffff, v2  }
0x3bf: {  	[tilespmem:s4], [sflag:$0x3] =	stream.strided.gather [hbm4b:s26+s30], $0x1000, s31, s30, $0x38;
	[tilespmem:$0x1F780] =	vst v63  }
0x3c0: {  	_ =	swait.ge [sflag:s20], $0x1000  }
0x3c1: {  	[sflag:s20] =	ssyncset.done $0x0  }
0x3c2: {  	s23 =	simm.s32 $0x1020;
	[sflag:s20] =	ssyncadd.s32 $0xFFFFF000  }
0x3c3: {  	v1 =	vld [tilespmem:s23+$0x10]  }
0x3c4: {  	v2 =	vld [tilespmem:s23+$0x0]  }
0x3c5: {  	v3 =	vld [tilespmem:s23+$0xFFFFFFF0]  }
0x3c6: {  	v4 =	vld [tilespmem:s23+$0xFFFFFFE0];
	_ =	sdelay $0x1  }
0x3c7: {  	v1 =	vmin.u32 v1, $0xC380  }
0x3c8: {  	v2 =	vmin.u32 v2, $0xC380  }
0x3c9: {  	s9 =	simm.s32 $0x1060;
	v3 =	vmin.u32 v3, $0xC380  }
0x3ca: {  	v7 =	vld [tilespmem:s9+$0x10];
	v4 =	vmin.u32 v4, $0xC380  }
0x3cb: {  	v8 =	vld [tilespmem:s9+$0x0]  }
0x3cc: {  	v5 =	vld.idx.msk [tilespmem:v1+s0+$0x0], $0xffff  }
0x3cd: {  	v6 =	vld.idx.msk [tilespmem:v2+s0+$0x0], $0xffff  }
0x3ce: {  	v9 =	vld.idx.msk [tilespmem:v3+s0+$0x0], $0xffff  }
0x3cf: {  	v1 =	vld.idx.msk [tilespmem:v4+s0+$0x0], $0xffff  }
0x3d0: {  	v3 =	vld [tilespmem:s9+$0xFFFFFFF0]  }
0x3d1: {  	s1 =	simm.s32 $0x1E7B0;
	v2 =	vld [tilespmem:s9+$0xFFFFFFE0];
	v4 =	vmin.u32 v7, $0xC380  }
0x3d2: {  	[tilespmem:s1+$0x0] =	vst.add.f32.msk $0xffff, v5;
	v5 =	vmin.u32 v8, $0xC380  }
0x3d3: {  	s26 =	simm.s32 $0x0;
	[tilespmem:s1+$0xFFFFFFF0] =	vst.add.f32.msk $0xffff, v6  }
0x3d4: {  	s5 =	simm.s32 $0x40;
	s2 =	simm.s32 $0x40;
	s6 =	sand.u32 $0xFC0, s26;
	[tilespmem:s1+$0xFFFFFFE0] =	vst.add.f32.msk $0xffff, v9  }
.LBB2_43:
0x3d5: {  	s5 =	sadd.s32 $0x40, s5;
	v3 =	vmin.u32 v3, $0xC380;
	[tilespmem:s6+$0x1E780] =	vst.add.f32.msk $0xffff, v1;
	s1 =	sadd.s32 $0x40, s1  }
0x3d6: {  	p0 =	slt.u32 s5, $0xFC0;
	v1 =	vmin.u32 v2, $0xC380;
	v6 =	vld.idx.msk [tilespmem:v4+s0+$0x0], $0xffff  }
0x3d7: {  	s9 =	sadd.s32 $0x40, s9;
	v7 =	vld.idx.msk [tilespmem:v5+s0+$0x0], $0xffff  }
0x3d8: {  	v4 =	vld [tilespmem:s9+$0x10]  }
0x3d9: {  	v5 =	vld [tilespmem:s9+$0x0]  }
0x3da: {  	v8 =	vld.idx.msk [tilespmem:v3+s0+$0x0], $0xffff  }
0x3db: {  	v1 =	vld.idx.msk [tilespmem:v1+s0+$0x0], $0xffff  }
.Ltmp20:
0x3dc: {  	v3 =	vld [tilespmem:s9+$0xFFFFFFF0];
	(pc) =	sbr.rel @p0 .LBB2_43-.Ltmp20, $4  }
0x3dd: {  	v2 =	vld [tilespmem:s9+$0xFFFFFFE0];
	v4 =	vmin.u32 v4, $0xC380  }
0x3de: {  	v5 =	vmin.u32 v5, $0xC380;
	[tilespmem:s1+$0xFFFFFFF0] =	vst.add.f32.msk $0xffff, v7  }
0x3df: {  	[tilespmem:s1+$0x0] =	vst.add.f32.msk $0xffff, v6  }
0x3e0: {  	s6 =	sand.u32 $0xFC0, s2;
	s2 =	smov.u32 s5;
	[tilespmem:s1+$0xFFFFFFE0] =	vst.add.f32.msk $0xffff, v8  }
0x3e1: {  	_ = 	snop  }
0x3e2: {  	v3 =	vmin.u32 v3, $0xC380  }
0x3e3: {  	v2 =	vmin.u32 v2, $0xC380;
	_ =	sdelay $0x1  }
0x3e4: {  	v5 =	vld.idx.msk [tilespmem:v5+s0+$0x0], $0xffff  }
0x3e5: {  	v4 =	vld.idx.msk [tilespmem:v4+s0+$0x0], $0xffff  }
0x3e6: {  	v3 =	vld.idx.msk [tilespmem:v3+s0+$0x0], $0xffff  }
0x3e7: {  	v2 =	vld.idx.msk [tilespmem:v2+s0+$0x0], $0xffff  }
0x3e8: {  	[tilespmem:s6+$0x1E780] =	vst.add.f32.msk $0xffff, v1;
	s1 =	sadd.s32 $0x40, s1  }
0x3e9: {  	[tilespmem:s1+$0xFFFFFFF0] =	vst.add.f32.msk $0xffff, v5  }
0x3ea: {  	[tilespmem:s1+$0x0] =	vst.add.f32.msk $0xffff, v4  }
0x3eb: {  	s2 =	sand.u32 $0xFC0, s2;
	s16 =	sadd.s32 $0x3, s25;
	[tilespmem:s1+$0xFFFFFFE0] =	vst.add.f32.msk $0xffff, v3  }
0x3ec: {  	s25 =	smul.u32 $0x30E000, s16;
	[tilespmem:s2+$0x1E780] =	vst.add.f32.msk $0xffff, v2  }
0x3ed: {  	[tilespmem:s10], [sflag:$0x4] =	stream.strided.gather [hbm4b:s28+s30], $0x1000, s31, s30, $0x38;
	[tilespmem:$0x1F780] =	vst v63  }
0x3ee: {  	s2 =	rddreg [dreg:$0x5]  }
0x3ef: {  	s21 =	sadd.s32 s2, s25  }
0x3f0: {  	s1 =	sor.u32 s14, s21  }
0x3f1: {  	s1 =	sshrl.u32 s1, $0x3  }
0x3f2: {  	s1 =	sadd.s32 s8, s1  }
0x3f3: {  	[tilespmem:s0], [sflag:$0x1] =	stream.strided.gather [hbm4b:s1+s30], $0xC380, s31, s30, $0x38;
	[tilespmem:$0x1F780] =	vst v63  }
0x3f4: {  	_ =	swait.ge [sflag:s24], $0xC300  }
0x3f5: {  	[sflag:s24] =	ssyncset.done $0x0  }
0x3f6: {  	[sflag:s24] =	ssyncadd.s32 $0xFFFF3D00  }
0x3f7: {  	_ =	swait.ge [sflag:s24], $0x80  }
0x3f8: {  	[sflag:s24] =	ssyncset.done $0x0  }
0x3f9: {  	[sflag:s24] =	ssyncadd.s32 $0xFFFFFF80  }
0x3fa: {  	_ =	swait.ge [sflag:s22], $0x1000  }
0x3fb: {  	[sflag:s22] =	ssyncset.done $0x0  }
0x3fc: {  	s26 =	simm.s32 $0x2020;
	[sflag:s22] =	ssyncadd.s32 $0xFFFFF000  }
0x3fd: {  	v1 =	vld [tilespmem:s26+$0x10]  }
0x3fe: {  	v2 =	vld [tilespmem:s26+$0xFFFFFFE0];
	_ =	sdelay $0x1  }
0x3ff: {  	v3 =	vld [tilespmem:s26+$0xFFFFFFF0]  }
0x400: {  	v4 =	vld [tilespmem:s26+$0x0]  }
0x401: {  	v1 =	vadd.s32 $0xFFFF3C80, v1  }
0x402: {  	s28 =	simm.s32 $0x2060;
	v2 =	vadd.s32 $0xFFFF3C80, v2;
	v1 =	vmin.u32 v1, $0xC320  }
0x403: {  	v5 =	vld [tilespmem:s28+$0x10];
	v2 =	vmin.u32 v2, $0xC320  }
0x404: {  	v6 =	vld [tilespmem:s28+$0xFFFFFFF0];
	v3 =	vadd.s32 $0xFFFF3C80, v3  }
0x405: {  	v7 =	vld [tilespmem:s28+$0x0];
	v4 =	vadd.s32 $0xFFFF3C80, v4;
	v3 =	vmin.u32 v3, $0xC320  }
0x406: {  	v8 =	vld [tilespmem:s28+$0xFFFFFFE0];
	v4 =	vmin.u32 v4, $0xC320  }
0x407: {  	v1 =	vld.idx.msk [tilespmem:v1+s3+$0x0], $0xffff  }
0x408: {  	v5 =	vadd.s32 $0xFFFF3C80, v5;
	v2 =	vld.idx.msk [tilespmem:v2+s3+$0x0], $0xffff  }
0x409: {  	v9 =	vmin.u32 v5, $0xC320  }
0x40a: {  	v3 =	vld.idx.msk [tilespmem:v3+s3+$0x0], $0xffff  }
0x40b: {  	s1 =	simm.s32 $0x1B7B0;
	v4 =	vld.idx.msk [tilespmem:v4+s3+$0x0], $0xffff  }
0x40c: {  	[tilespmem:s1+$0x0] =	vst.add.f32.msk $0xffff, v1  }
0x40d: {  	v5 =	vadd.s32 $0xFFFF3C80, v7;
	v1 =	vadd.s32 $0xFFFF3C80, v6;
	v6 =	vadd.s32 $0xFFFF3C80, v8;
	[tilespmem:s1+$0xFFFFFFD0] =	vst.add.f32.msk $0xffff, v2  }
0x40e: {  	s5 =	simm.s32 $0x40;
	s6 =	simm.s32 $0x20A0;
	s2 =	simm.s32 $0x1B7B0;
	v2 =	vmin.u32 v5, $0xC320;
	v1 =	vmin.u32 v1, $0xC320;
	v5 =	vmin.u32 v6, $0xC320;
	v6 =	vld.idx.msk [tilespmem:v9+s3+$0x0], $0xffff  }
.LBB2_45:
0x40f: {  	v7 =	vld [tilespmem:s6+$0x10];
	s5 =	sadd.s32 $0x40, s5;
	v8 =	vmov v3  }
0x410: {  	v9 =	vmov v4;
	v3 =	vld [tilespmem:s6+$0xFFFFFFF0];
	p0 =	slt.u32 s5, $0xFC0  }
0x411: {  	v4 =	vld [tilespmem:s6+$0x0]  }
0x412: {  	v10 =	vld [tilespmem:s6+$0xFFFFFFE0]  }
0x413: {  	s1 =	sadd.s32 $0x40, s1;
	v11 =	vld.idx.msk [tilespmem:v5+s3+$0x0], $0xffff  }
0x414: {  	v5 =	vadd.s32 $0xFFFF3C80, v7;
	[tilespmem:s1+$0x0] =	vst.add.f32.msk $0xffff, v6  }
0x415: {  	v6 =	vadd.s32 $0xFFFF3C80, v3;
	v7 =	vmin.u32 v5, $0xC320;
	v3 =	vld.idx.msk [tilespmem:v1+s3+$0x0], $0xffff  }
.Ltmp21:
0x416: {  	v1 =	vmin.u32 v6, $0xC320;
	v5 =	vadd.s32 $0xFFFF3C80, v4;
	v4 =	vld.idx.msk [tilespmem:v2+s3+$0x0], $0xffff;
	(pc) =	sbr.rel @p0 .LBB2_45-.Ltmp21, $4  }
0x417: {  	v6 =	vadd.s32 $0xFFFF3C80, v10;
	v2 =	vmin.u32 v5, $0xC320;
	[tilespmem:s2+$0xFFFFFFE0] =	vst.add.f32.msk $0xffff, v8  }
0x418: {  	v5 =	vmin.u32 v6, $0xC320;
	[tilespmem:s2+$0xFFFFFFF0] =	vst.add.f32.msk $0xffff, v9;
	s2 =	smov.u32 s1  }
0x419: {  	[tilespmem:s1+$0xFFFFFFD0] =	vst.add.f32.msk $0xffff, v11  }
0x41a: {  	s6 =	sadd.s32 $0x40, s6;
	v6 =	vld.idx.msk [tilespmem:v7+s3+$0x0], $0xffff  }
0x41b: {  	_ =	sdelay $0x3  }
0x41c: {  	v5 =	vld.idx.msk [tilespmem:v5+s3+$0x0], $0xffff  }
0x41d: {  	v1 =	vld.idx.msk [tilespmem:v1+s3+$0x0], $0xffff  }
0x41e: {  	v2 =	vld.idx.msk [tilespmem:v2+s3+$0x0], $0xffff  }
0x41f: {  	[tilespmem:s2+$0xFFFFFFE0] =	vst.add.f32.msk $0xffff, v3  }
0x420: {  	s1 =	sadd.s32 $0x40, s1;
	[tilespmem:s2+$0xFFFFFFF0] =	vst.add.f32.msk $0xffff, v4  }
0x421: {  	[tilespmem:s1+$0x0] =	vst.add.f32.msk $0xffff, v6  }
0x422: {  	[tilespmem:s1+$0xFFFFFFD0] =	vst.add.f32.msk $0xffff, v5  }
0x423: {  	[tilespmem:s1+$0xFFFFFFE0] =	vst.add.f32.msk $0xffff, v1  }
0x424: {  	[tilespmem:s1+$0xFFFFFFF0] =	vst.add.f32.msk $0xffff, v2  }
0x425: {  	[tilespmem:s17], [sflag:$0x5] =	stream.strided.gather [hbm4b:s29+s30], $0x1000, s31, s30, $0x38;
	[tilespmem:$0x1F780] =	vst v63  }
0x426: {  	_ =	swait.ge [sflag:s19], $0x1000  }
0x427: {  	[sflag:s19] =	ssyncset.done $0x0  }
0x428: {  	s28 =	simm.s32 $0x20;
	[sflag:s19] =	ssyncadd.s32 $0xFFFFF000  }
0x429: {  	v1 =	vld [tilespmem:s28+$0x0]  }
0x42a: {  	v2 =	vld [tilespmem:s28+$0xFFFFFFF0]  }
0x42b: {  	v3 =	vld [tilespmem:s28+$0xFFFFFFE0]  }
0x42c: {  	v4 =	vld [tilespmem:s28+$0x10];
	_ =	sdelay $0x1  }
0x42d: {  	v1 =	vadd.s32 $0xFFFF3C80, v1  }
0x42e: {  	s29 =	simm.s32 $0x60;
	v2 =	vadd.s32 $0xFFFF3C80, v2;
	v1 =	vmin.u32 v1, $0xC320  }
0x42f: {  	v7 =	vld [tilespmem:s29+$0x0];
	v3 =	vadd.s32 $0xFFFF3C80, v3;
	v5 =	vmin.u32 v2, $0xC320  }
0x430: {  	v8 =	vld [tilespmem:s29+$0xFFFFFFF0];
	v9 =	vmin.u32 v3, $0xC320;
	v3 =	vadd.s32 $0xFFFF3C80, v4  }
0x431: {  	v2 =	vld [tilespmem:s29+$0xFFFFFFE0];
	v10 =	vmin.u32 v3, $0xC320  }
0x432: {  	v3 =	vld [tilespmem:s29+$0x10]  }
0x433: {  	v6 =	vld.idx.msk [tilespmem:v1+s3+$0x0], $0xffff  }
0x434: {  	v5 =	vld.idx.msk [tilespmem:v5+s3+$0x0], $0xffff  }
0x435: {  	s23 =	simm.s32 $0x1C7B0;
	s9 =	simm.s32 $0x0;
	s2 =	simm.s32 $0x40;
	v4 =	vadd.s32 $0xFFFF3C80, v7;
	v1 =	vld.idx.msk [tilespmem:v9+s3+$0x0], $0xffff  }
0x436: {  	s5 =	simm.s32 $0xA0;
	s25 =	simm.s32 $0x40;
	s1 =	simm.s32 $0x1C7B0;
	v8 =	vadd.s32 $0xFFFF3C80, v8;
	v4 =	vmin.u32 v4, $0xC320;
	v7 =	vld.idx.msk [tilespmem:v10+s3+$0x0], $0xffff  }
.LBB2_47:
0x437: {  	s2 =	sadd.s32 $0x40, s2;
	v9 =	vld [tilespmem:s5+$0x0];
	v2 =	vadd.s32 $0xFFFF3C80, v2;
	v8 =	vmin.u32 v8, $0xC320;
	s23 =	sadd.s32 $0x40, s23  }
0x438: {  	v10 =	vld [tilespmem:s5+$0xFFFFFFF0];
	p0 =	slt.u32 s2, $0xFC0;
	v11 =	vmin.u32 v2, $0xC320  }
0x439: {  	v2 =	vld [tilespmem:s5+$0xFFFFFFE0]  }
0x43a: {  	[tilespmem:s1+$0xFFFFFFF0] =	vst.add.f32.msk $0xffff, v6  }
0x43b: {  	s6 =	sand.u32 $0xFC0, s9;
	s9 =	smov.u32 s25;
	s25 =	smov.u32 s2;
	[tilespmem:s1+$0xFFFFFFE0] =	vst.add.f32.msk $0xffff, v5  }
0x43c: {  	v3 =	vadd.s32 $0xFFFF3C80, v3;
	[tilespmem:s1+$0x0] =	vst.add.f32.msk $0xffff, v7;
	s1 =	smov.u32 s23  }
0x43d: {  	v7 =	vmin.u32 v3, $0xC320;
	[tilespmem:s6+$0x1C780] =	vst.add.f32.msk $0xffff, v1  }
.Ltmp22:
0x43e: {  	v3 =	vld [tilespmem:s5+$0x10];
	(pc) =	sbr.rel @p0 .LBB2_47-.Ltmp22, $4  }
0x43f: {  	v6 =	vld.idx.msk [tilespmem:v4+s3+$0x0], $0xffff  }
0x440: {  	v5 =	vld.idx.msk [tilespmem:v8+s3+$0x0], $0xffff  }
0x441: {  	v4 =	vadd.s32 $0xFFFF3C80, v9;
	v1 =	vld.idx.msk [tilespmem:v11+s3+$0x0], $0xffff  }
0x442: {  	s5 =	sadd.s32 $0x40, s5;
	v8 =	vadd.s32 $0xFFFF3C80, v10;
	v4 =	vmin.u32 v4, $0xC320;
	v7 =	vld.idx.msk [tilespmem:v7+s3+$0x0], $0xffff  }
0x443: {  	_ =	sdelay $0x2  }
0x444: {  	v8 =	vmin.u32 v8, $0xC320;
	v3 =	vadd.s32 $0xFFFF3C80, v3  }
0x445: {  	v2 =	vadd.s32 $0xFFFF3C80, v2;
	v4 =	vld.idx.msk [tilespmem:v4+s3+$0x0], $0xffff;
	v3 =	vmin.u32 v3, $0xC320  }
0x446: {  	[tilespmem:s1+$0xFFFFFFF0] =	vst.add.f32.msk $0xffff, v6;
	v2 =	vmin.u32 v2, $0xC320  }
0x447: {  	s9 =	sand.u32 $0xFC0, s9;
	[tilespmem:s1+$0xFFFFFFE0] =	vst.add.f32.msk $0xffff, v5  }
0x448: {  	[tilespmem:s9+$0x1C780] =	vst.add.f32.msk $0xffff, v1  }
0x449: {  	v5 =	vld.idx.msk [tilespmem:v8+s3+$0x0], $0xffff  }
0x44a: {  	v3 =	vld.idx.msk [tilespmem:v3+s3+$0x0], $0xffff  }
0x44b: {  	v2 =	vld.idx.msk [tilespmem:v2+s3+$0x0], $0xffff  }
0x44c: {  	s2 =	sadd.s32 $0x40, s23;
	[tilespmem:s1+$0x0] =	vst.add.f32.msk $0xffff, v7  }
0x44d: {  	s23 =	sshll.u32 s16, $0xB;
	s5 =	sshll.u32 s16, $0x4;
	[tilespmem:s2+$0xFFFFFFF0] =	vst.add.f32.msk $0xffff, v4  }
0x44e: {  	s5 =	sand.u32 $0x70, s5;
	s1 =	sand.u32 $0x1C000, s23;
	[tilespmem:s2+$0xFFFFFFE0] =	vst.add.f32.msk $0xffff, v5  }
0x44f: {  	s6 =	sand.u32 $0xFC0, s25;
	s26 =	rddreg [dreg:$0x0];
	s23 =	sor.u32 s5, s1;
	[tilespmem:s2+$0x0] =	vst.add.f32.msk $0xffff, v3  }
0x450: {  	s1 =	sadd.s32 s26, s23;
	[tilespmem:s6+$0x1C780] =	vst.add.f32.msk $0xffff, v2  }
0x451: {  	[tilespmem:s4], [sflag:$0x3] =	stream.strided.gather [hbm4b:s1+s30], $0x1000, s31, s30, $0x38;
	[tilespmem:$0x1F780] =	vst v63  }
0x452: {  	_ =	swait.ge [sflag:s20], $0x1000  }
0x453: {  	[sflag:s20] =	ssyncset.done $0x0  }
0x454: {  	s28 =	simm.s32 $0x1020;
	[sflag:s20] =	ssyncadd.s32 $0xFFFFF000  }
0x455: {  	v1 =	vld [tilespmem:s28+$0x0]  }
0x456: {  	v2 =	vld [tilespmem:s28+$0xFFFFFFF0]  }
0x457: {  	v3 =	vld [tilespmem:s28+$0xFFFFFFE0]  }
0x458: {  	v4 =	vld [tilespmem:s28+$0x10];
	_ =	sdelay $0x1  }
0x459: {  	v1 =	vadd.s32 $0xFFFF3C80, v1  }
0x45a: {  	s29 =	simm.s32 $0x1060;
	v2 =	vadd.s32 $0xFFFF3C80, v2;
	v1 =	vmin.u32 v1, $0xC320  }
0x45b: {  	v7 =	vld [tilespmem:s29+$0x0];
	v3 =	vadd.s32 $0xFFFF3C80, v3;
	v5 =	vmin.u32 v2, $0xC320  }
0x45c: {  	v8 =	vld [tilespmem:s29+$0xFFFFFFF0];
	v9 =	vmin.u32 v3, $0xC320;
	v3 =	vadd.s32 $0xFFFF3C80, v4  }
0x45d: {  	v2 =	vld [tilespmem:s29+$0xFFFFFFE0];
	v10 =	vmin.u32 v3, $0xC320  }
0x45e: {  	v3 =	vld [tilespmem:s29+$0x10]  }
0x45f: {  	v6 =	vld.idx.msk [tilespmem:v1+s3+$0x0], $0xffff  }
0x460: {  	v5 =	vld.idx.msk [tilespmem:v5+s3+$0x0], $0xffff  }
0x461: {  	s25 =	simm.s32 $0x1D7B0;
	s9 =	simm.s32 $0x0;
	s5 =	simm.s32 $0x40;
	v4 =	vadd.s32 $0xFFFF3C80, v7;
	v1 =	vld.idx.msk [tilespmem:v9+s3+$0x0], $0xffff  }
0x462: {  	s6 =	simm.s32 $0x10A0;
	s2 =	simm.s32 $0x1D7B0;
	s1 =	simm.s32 $0x40;
	v8 =	vadd.s32 $0xFFFF3C80, v8;
	v4 =	vmin.u32 v4, $0xC320;
	v7 =	vld.idx.msk [tilespmem:v10+s3+$0x0], $0xffff  }
.LBB2_49:
0x463: {  	s5 =	sadd.s32 $0x40, s5;
	v9 =	vld [tilespmem:s6+$0x0];
	v2 =	vadd.s32 $0xFFFF3C80, v2;
	v8 =	vmin.u32 v8, $0xC320;
	s25 =	sadd.s32 $0x40, s25  }
0x464: {  	v10 =	vld [tilespmem:s6+$0xFFFFFFF0];
	p0 =	slt.u32 s5, $0xFC0;
	v11 =	vmin.u32 v2, $0xC320  }
0x465: {  	v2 =	vld [tilespmem:s6+$0xFFFFFFE0]  }
0x466: {  	[tilespmem:s2+$0xFFFFFFF0] =	vst.add.f32.msk $0xffff, v6  }
0x467: {  	s7 =	sand.u32 $0xFC0, s9;
	s9 =	smov.u32 s1;
	s1 =	smov.u32 s5;
	[tilespmem:s2+$0xFFFFFFE0] =	vst.add.f32.msk $0xffff, v5  }
0x468: {  	v3 =	vadd.s32 $0xFFFF3C80, v3;
	[tilespmem:s2+$0x0] =	vst.add.f32.msk $0xffff, v7;
	s2 =	smov.u32 s25  }
0x469: {  	v7 =	vmin.u32 v3, $0xC320;
	[tilespmem:s7+$0x1D780] =	vst.add.f32.msk $0xffff, v1  }
.Ltmp23:
0x46a: {  	v3 =	vld [tilespmem:s6+$0x10];
	(pc) =	sbr.rel @p0 .LBB2_49-.Ltmp23, $4  }
0x46b: {  	v6 =	vld.idx.msk [tilespmem:v4+s3+$0x0], $0xffff  }
0x46c: {  	v5 =	vld.idx.msk [tilespmem:v8+s3+$0x0], $0xffff  }
0x46d: {  	v4 =	vadd.s32 $0xFFFF3C80, v9;
	v1 =	vld.idx.msk [tilespmem:v11+s3+$0x0], $0xffff  }
0x46e: {  	s6 =	sadd.s32 $0x40, s6;
	v8 =	vadd.s32 $0xFFFF3C80, v10;
	v4 =	vmin.u32 v4, $0xC320;
	v7 =	vld.idx.msk [tilespmem:v7+s3+$0x0], $0xffff  }
0x46f: {  	_ =	sdelay $0x2  }
0x470: {  	v8 =	vmin.u32 v8, $0xC320;
	v3 =	vadd.s32 $0xFFFF3C80, v3  }
0x471: {  	v2 =	vadd.s32 $0xFFFF3C80, v2;
	v4 =	vld.idx.msk [tilespmem:v4+s3+$0x0], $0xffff;
	v3 =	vmin.u32 v3, $0xC320  }
0x472: {  	[tilespmem:s2+$0xFFFFFFF0] =	vst.add.f32.msk $0xffff, v6;
	v2 =	vmin.u32 v2, $0xC320  }
0x473: {  	s9 =	sand.u32 $0xFC0, s9;
	[tilespmem:s2+$0xFFFFFFE0] =	vst.add.f32.msk $0xffff, v5  }
0x474: {  	[tilespmem:s9+$0x1D780] =	vst.add.f32.msk $0xffff, v1  }
0x475: {  	v5 =	vld.idx.msk [tilespmem:v8+s3+$0x0], $0xffff  }
0x476: {  	v3 =	vld.idx.msk [tilespmem:v3+s3+$0x0], $0xffff  }
0x477: {  	v2 =	vld.idx.msk [tilespmem:v2+s3+$0x0], $0xffff  }
0x478: {  	s5 =	sadd.s32 $0x40, s25;
	[tilespmem:s2+$0x0] =	vst.add.f32.msk $0xffff, v7  }
0x479: {  	[tilespmem:s5+$0xFFFFFFF0] =	vst.add.f32.msk $0xffff, v4  }
0x47a: {  	[tilespmem:s5+$0xFFFFFFE0] =	vst.add.f32.msk $0xffff, v5  }
0x47b: {  	s1 =	sand.u32 $0xFC0, s1;
	[tilespmem:s5+$0x0] =	vst.add.f32.msk $0xffff, v3  }
0x47c: {  	s26 =	sadd.s32 s23, s12;
	[tilespmem:s1+$0x1D780] =	vst.add.f32.msk $0xffff, v2  }
0x47d: {  	[tilespmem:s10], [sflag:$0x4] =	stream.strided.gather [hbm4b:s26+s30], $0x1000, s31, s30, $0x38;
	[tilespmem:$0x1F780] =	vst v63  }
0x47e: {  	_ =	swait.ge [sflag:s22], $0x1000  }
0x47f: {  	[sflag:s22] =	ssyncset.done $0x0  }
0x480: {  	s28 =	simm.s32 $0x2020;
	[sflag:s22] =	ssyncadd.s32 $0xFFFFF000  }
0x481: {  	v1 =	vld [tilespmem:s28+$0x0]  }
0x482: {  	v2 =	vld [tilespmem:s28+$0xFFFFFFF0]  }
0x483: {  	v3 =	vld [tilespmem:s28+$0xFFFFFFE0]  }
0x484: {  	v4 =	vld [tilespmem:s28+$0x10];
	_ =	sdelay $0x1  }
0x485: {  	v1 =	vadd.s32 $0xFFFF3C80, v1  }
0x486: {  	s29 =	simm.s32 $0x2060;
	v2 =	vadd.s32 $0xFFFF3C80, v2;
	v1 =	vmin.u32 v1, $0xC320  }
0x487: {  	v7 =	vld [tilespmem:s29+$0x0];
	v3 =	vadd.s32 $0xFFFF3C80, v3;
	v5 =	vmin.u32 v2, $0xC320  }
0x488: {  	v8 =	vld [tilespmem:s29+$0xFFFFFFF0];
	v9 =	vmin.u32 v3, $0xC320;
	v3 =	vadd.s32 $0xFFFF3C80, v4  }
0x489: {  	v2 =	vld [tilespmem:s29+$0xFFFFFFE0];
	v10 =	vmin.u32 v3, $0xC320  }
0x48a: {  	v3 =	vld [tilespmem:s29+$0x10]  }
0x48b: {  	v6 =	vld.idx.msk [tilespmem:v1+s3+$0x0], $0xffff  }
0x48c: {  	v5 =	vld.idx.msk [tilespmem:v5+s3+$0x0], $0xffff  }
0x48d: {  	s25 =	simm.s32 $0x1E7B0;
	s6 =	simm.s32 $0x20A0;
	s9 =	simm.s32 $0x0;
	v4 =	vadd.s32 $0xFFFF3C80, v7;
	v1 =	vld.idx.msk [tilespmem:v9+s3+$0x0], $0xffff  }
0x48e: {  	s2 =	simm.s32 $0x1E7B0;
	s5 =	simm.s32 $0x40;
	s1 =	simm.s32 $0x40;
	v8 =	vadd.s32 $0xFFFF3C80, v8;
	v4 =	vmin.u32 v4, $0xC320;
	v7 =	vld.idx.msk [tilespmem:v10+s3+$0x0], $0xffff  }
.LBB2_51:
0x48f: {  	s5 =	sadd.s32 $0x40, s5;
	v9 =	vld [tilespmem:s6+$0x0];
	v2 =	vadd.s32 $0xFFFF3C80, v2;
	v8 =	vmin.u32 v8, $0xC320;
	s25 =	sadd.s32 $0x40, s25  }
0x490: {  	v10 =	vld [tilespmem:s6+$0xFFFFFFF0];
	p0 =	slt.u32 s5, $0xFC0;
	v11 =	vmin.u32 v2, $0xC320  }
0x491: {  	v2 =	vld [tilespmem:s6+$0xFFFFFFE0]  }
0x492: {  	[tilespmem:s2+$0xFFFFFFF0] =	vst.add.f32.msk $0xffff, v6  }
0x493: {  	s7 =	sand.u32 $0xFC0, s9;
	s9 =	smov.u32 s1;
	s1 =	smov.u32 s5;
	[tilespmem:s2+$0xFFFFFFE0] =	vst.add.f32.msk $0xffff, v5  }
0x494: {  	v3 =	vadd.s32 $0xFFFF3C80, v3;
	[tilespmem:s2+$0x0] =	vst.add.f32.msk $0xffff, v7;
	s2 =	smov.u32 s25  }
0x495: {  	v7 =	vmin.u32 v3, $0xC320;
	[tilespmem:s7+$0x1E780] =	vst.add.f32.msk $0xffff, v1  }
.Ltmp24:
0x496: {  	v3 =	vld [tilespmem:s6+$0x10];
	(pc) =	sbr.rel @p0 .LBB2_51-.Ltmp24, $4  }
0x497: {  	v6 =	vld.idx.msk [tilespmem:v4+s3+$0x0], $0xffff  }
0x498: {  	v5 =	vld.idx.msk [tilespmem:v8+s3+$0x0], $0xffff  }
0x499: {  	v4 =	vadd.s32 $0xFFFF3C80, v9;
	v1 =	vld.idx.msk [tilespmem:v11+s3+$0x0], $0xffff  }
0x49a: {  	s6 =	sadd.s32 $0x40, s6;
	v8 =	vadd.s32 $0xFFFF3C80, v10;
	v4 =	vmin.u32 v4, $0xC320;
	v7 =	vld.idx.msk [tilespmem:v7+s3+$0x0], $0xffff  }
0x49b: {  	_ =	sdelay $0x2  }
0x49c: {  	v8 =	vmin.u32 v8, $0xC320;
	v3 =	vadd.s32 $0xFFFF3C80, v3  }
0x49d: {  	v2 =	vadd.s32 $0xFFFF3C80, v2;
	v4 =	vld.idx.msk [tilespmem:v4+s3+$0x0], $0xffff;
	v3 =	vmin.u32 v3, $0xC320  }
0x49e: {  	[tilespmem:s2+$0xFFFFFFF0] =	vst.add.f32.msk $0xffff, v6;
	v2 =	vmin.u32 v2, $0xC320  }
0x49f: {  	s9 =	sand.u32 $0xFC0, s9;
	[tilespmem:s2+$0xFFFFFFE0] =	vst.add.f32.msk $0xffff, v5  }
0x4a0: {  	[tilespmem:s9+$0x1E780] =	vst.add.f32.msk $0xffff, v1  }
0x4a1: {  	v63 =	vld.idx.msk [tilespmem:v8+s3+$0x0], $0xffff  }
0x4a2: {  	v3 =	vld.idx.msk [tilespmem:v3+s3+$0x0], $0xffff  }
0x4a3: {  	v2 =	vld.idx.msk [tilespmem:v2+s3+$0x0], $0xffff  }
0x4a4: {  	s5 =	sadd.s32 $0x40, s25;
	[tilespmem:s2+$0x0] =	vst.add.f32.msk $0xffff, v7  }
0x4a5: {  	[tilespmem:s5+$0xFFFFFFF0] =	vst.add.f32.msk $0xffff, v4  }
0x4a6: {  	[tilespmem:s5+$0xFFFFFFE0] =	vst.add.f32.msk $0xffff, v63  }
0x4a7: {  	s1 =	sand.u32 $0xFC0, s1;
	[tilespmem:s5+$0x0] =	vst.add.f32.msk $0xffff, v3  }
0x4a8: {  	s25 =	sadd.s32 s23, s13;
	[tilespmem:s1+$0x1E780] =	vst.add.f32.msk $0xffff, v2  }
0x4a9: {  	[tilespmem:s17], [sflag:$0x5] =	stream.strided.gather [hbm4b:s25+s30], $0x1000, s31, s30, $0x38;
	[tilespmem:$0x1F780] =	vst v63  }
0x4aa: {  	s26 =	rddreg [dreg:$0xa]  }
0x4ab: {  	s1 =	sadd.s32 s26, s21  }
0x4ac: {  	s11 =	sadd.s32 $0x1, s11;
	s1 =	sshrl.u32 s1, $0x3  }
0x4ad: {  	p0 =	sne.s32 s11, $0x8;
	s1 =	sadd.s32 s8, s1  }
0x4ae: {  	[tilespmem:s3], [sflag:$0x2] =	stream.strided.gather [hbm4b:s1+s30], $0xC300, s31, s30, $0x38;
	[tilespmem:$0x1F780] =	vst v63  }
.Ltmp25:
0x4af: {  	s28 =	sshll.u32 s16, $0xC;
	s2 =	rddreg [dreg:$0x6];
	(pc) =	sbr.rel @p0 .LBB2_4-.Ltmp25, $4  }
0x4b0: {  	s1 =	sor.u32 s2, s28  }
0x4b1: {  	s1 =	sshrl.u32 s1, $0x3  }
0x4b2: {  	s29 =	simm.s32 $0x1B700;
	s1 =	sadd.s32 s15, s1  }
0x4b3: {  	[tilespmem:s29], [sflag:$0x2] =	stream.linear.gather [hbm4b:s1+s4], $0x80, $0x38;
	[tilespmem:$0x1F780] =	vst v63  }
0x4b4: {  	_ =	swait.ge [sflag:s18], $0xC380  }
0x4b5: {  	[sflag:s18] =	ssyncset.done $0x0  }
0x4b6: {  	[sflag:s18] =	ssyncadd.s32 $0xFFFF3C80  }
0x4b7: {  	_ =	swait.ge [sflag:s19], $0x1000  }
0x4b8: {  	[sflag:s19] =	ssyncset.done $0x0  }
0x4b9: {  	s1 =	simm.s32 $0x20;
	[sflag:s19] =	ssyncadd.s32 $0xFFFFF000  }
0x4ba: {  	v1 =	vld [tilespmem:s1+$0x10]  }
0x4bb: {  	v2 =	vld [tilespmem:s1+$0xFFFFFFF0]  }
0x4bc: {  	v3 =	vld [tilespmem:s1+$0xFFFFFFE0]  }
0x4bd: {  	s2 =	simm.s32 $0x60;
	v4 =	vld [tilespmem:s1+$0x0]  }
0x4be: {  	v5 =	vld [tilespmem:s2+$0x10]  }
0x4bf: {  	v6 =	vld [tilespmem:s2+$0xFFFFFFF0];
	v1 =	vmin.u32 v1, $0xC380  }
0x4c0: {  	v2 =	vmin.u32 v2, $0xC380  }
0x4c1: {  	v3 =	vmin.u32 v3, $0xC380  }
0x4c2: {  	v8 =	vld [tilespmem:s2+$0x0];
	v4 =	vmin.u32 v4, $0xC380  }
0x4c3: {  	v9 =	vld [tilespmem:s2+$0xFFFFFFE0];
	v5 =	vmin.u32 v5, $0xC380  }
0x4c4: {  	v10 =	vmin.u32 v6, $0xC380;
	v1 =	vld.idx.msk [tilespmem:v1+s0+$0x0], $0xffff  }
0x4c5: {  	v7 =	vld.idx.msk [tilespmem:v2+s0+$0x0], $0xffff  }
0x4c6: {  	v2 =	vld.idx.msk [tilespmem:v3+s0+$0x0], $0xffff  }
0x4c7: {  	v4 =	vld.idx.msk [tilespmem:v4+s0+$0x0], $0xffff  }
0x4c8: {  	v6 =	vld.idx.msk [tilespmem:v5+s0+$0x0], $0xffff  }
0x4c9: {  	s1 =	simm.s32 $0x1B7B0;
	v3 =	vld.idx.msk [tilespmem:v10+s0+$0x0], $0xffff  }
0x4ca: {  	[tilespmem:s1+$0x0] =	vst.add.f32.msk $0xffff, v1  }
0x4cb: {  	s5 =	simm.s32 $0x40;
	s6 =	simm.s32 $0xA0;
	s2 =	simm.s32 $0x1B7B0;
	v5 =	vmin.u32 v9, $0xC380;
	[tilespmem:s1+$0xFFFFFFE0] =	vst.add.f32.msk $0xffff, v7;
	v1 =	vmin.u32 v8, $0xC380  }
.LBB2_54:
0x4cc: {  	v7 =	vld [tilespmem:s6+$0x10];
	s5 =	sadd.s32 $0x40, s5;
	v8 =	vmov v4  }
0x4cd: {  	v4 =	vld [tilespmem:s6+$0xFFFFFFF0];
	p0 =	slt.u32 s5, $0xFC0  }
0x4ce: {  	v9 =	vld [tilespmem:s6+$0x0]  }
0x4cf: {  	s1 =	sadd.s32 $0x40, s1;
	v10 =	vld [tilespmem:s6+$0xFFFFFFE0]  }
0x4d0: {  	[tilespmem:s1+$0x0] =	vst.add.f32.msk $0xffff, v6  }
0x4d1: {  	v6 =	vmin.u32 v7, $0xC380;
	v7 =	vld.idx.msk [tilespmem:v5+s0+$0x0], $0xffff  }
0x4d2: {  	v11 =	vmin.u32 v4, $0xC380;
	v4 =	vld.idx.msk [tilespmem:v1+s0+$0x0], $0xffff  }
.Ltmp26:
0x4d3: {  	v1 =	vmin.u32 v9, $0xC380;
	[tilespmem:s2+$0xFFFFFFD0] =	vst.add.f32.msk $0xffff, v2;
	(pc) =	sbr.rel @p0 .LBB2_54-.Ltmp26, $4  }
0x4d4: {  	v5 =	vmin.u32 v10, $0xC380;
	[tilespmem:s1+$0xFFFFFFE0] =	vst.add.f32.msk $0xffff, v3  }
0x4d5: {  	[tilespmem:s2+$0xFFFFFFF0] =	vst.add.f32.msk $0xffff, v8;
	s2 =	smov.u32 s1  }
0x4d6: {  	v6 =	vld.idx.msk [tilespmem:v6+s0+$0x0], $0xffff  }
0x4d7: {  	s6 =	sadd.s32 $0x40, s6;
	v2 =	vmov v7;
	v3 =	vld.idx.msk [tilespmem:v11+s0+$0x0], $0xffff  }
0x4d8: {  	_ =	sdelay $0x3  }
0x4d9: {  	v5 =	vld.idx.msk [tilespmem:v5+s0+$0x0], $0xffff  }
0x4da: {  	v1 =	vld.idx.msk [tilespmem:v1+s0+$0x0], $0xffff  }
0x4db: {  	[tilespmem:s2+$0xFFFFFFD0] =	vst.add.f32.msk $0xffff, v2  }
0x4dc: {  	s1 =	sadd.s32 $0x40, s1;
	[tilespmem:s2+$0xFFFFFFF0] =	vst.add.f32.msk $0xffff, v4  }
0x4dd: {  	[tilespmem:s1+$0x0] =	vst.add.f32.msk $0xffff, v6  }
0x4de: {  	[tilespmem:s1+$0xFFFFFFE0] =	vst.add.f32.msk $0xffff, v3  }
0x4df: {  	[tilespmem:s1+$0xFFFFFFD0] =	vst.add.f32.msk $0xffff, v5  }
0x4e0: {  	[tilespmem:s1+$0xFFFFFFF0] =	vst.add.f32.msk $0xffff, v1  }
0x4e1: {  	s21 =	rddreg [dreg:$0xc]  }
0x4e2: {  	[tilespmem:s4], [sflag:$0x3] =	stream.strided.gather [hbm4b:s21+s30], $0x1000, s31, s30, $0x38;
	[tilespmem:$0x1F780] =	vst v63  }
0x4e3: {  	_ =	swait.ge [sflag:s20], $0x1000  }
0x4e4: {  	[sflag:s20] =	ssyncset.done $0x0  }
0x4e5: {  	s28 =	simm.s32 $0x1020;
	[sflag:s20] =	ssyncadd.s32 $0xFFFFF000  }
0x4e6: {  	v1 =	vld [tilespmem:s28+$0x10]  }
0x4e7: {  	v2 =	vld [tilespmem:s28+$0x0]  }
0x4e8: {  	v3 =	vld [tilespmem:s28+$0xFFFFFFF0]  }
0x4e9: {  	v4 =	vld [tilespmem:s28+$0xFFFFFFE0];
	_ =	sdelay $0x1  }
0x4ea: {  	v1 =	vmin.u32 v1, $0xC380  }
0x4eb: {  	v2 =	vmin.u32 v2, $0xC380  }
0x4ec: {  	s9 =	simm.s32 $0x1060;
	v3 =	vmin.u32 v3, $0xC380  }
0x4ed: {  	v7 =	vld [tilespmem:s9+$0x10];
	v4 =	vmin.u32 v4, $0xC380  }
0x4ee: {  	v8 =	vld [tilespmem:s9+$0x0]  }
0x4ef: {  	v5 =	vld.idx.msk [tilespmem:v1+s0+$0x0], $0xffff  }
0x4f0: {  	v6 =	vld.idx.msk [tilespmem:v2+s0+$0x0], $0xffff  }
0x4f1: {  	v9 =	vld.idx.msk [tilespmem:v3+s0+$0x0], $0xffff  }
0x4f2: {  	v1 =	vld.idx.msk [tilespmem:v4+s0+$0x0], $0xffff  }
0x4f3: {  	v3 =	vld [tilespmem:s9+$0xFFFFFFF0]  }
0x4f4: {  	s1 =	simm.s32 $0x1C7B0;
	v2 =	vld [tilespmem:s9+$0xFFFFFFE0]  }
0x4f5: {  	v4 =	vmin.u32 v7, $0xC380;
	[tilespmem:s1+$0xFFFFFFF0] =	vst.add.f32.msk $0xffff, v6  }
0x4f6: {  	[tilespmem:s1+$0x0] =	vst.add.f32.msk $0xffff, v5;
	v5 =	vmin.u32 v8, $0xC380  }
0x4f7: {  	s29 =	simm.s32 $0x0;
	s5 =	simm.s32 $0x40;
	[tilespmem:s1+$0xFFFFFFE0] =	vst.add.f32.msk $0xffff, v9  }
0x4f8: {  	s2 =	simm.s32 $0x40;
	s6 =	sand.u32 $0xFC0, s29;
	s23 =	rddreg [dreg:$0x13]  }
.LBB2_56:
0x4f9: {  	s5 =	sadd.s32 $0x40, s5;
	v3 =	vmin.u32 v3, $0xC380;
	[tilespmem:s6+$0x1C780] =	vst.add.f32.msk $0xffff, v1;
	s1 =	sadd.s32 $0x40, s1  }
0x4fa: {  	p0 =	slt.u32 s5, $0xFC0;
	v1 =	vmin.u32 v2, $0xC380;
	v6 =	vld.idx.msk [tilespmem:v4+s0+$0x0], $0xffff  }
0x4fb: {  	s9 =	sadd.s32 $0x40, s9;
	v7 =	vld.idx.msk [tilespmem:v5+s0+$0x0], $0xffff  }
0x4fc: {  	v4 =	vld [tilespmem:s9+$0x10]  }
0x4fd: {  	v5 =	vld [tilespmem:s9+$0x0]  }
0x4fe: {  	v8 =	vld.idx.msk [tilespmem:v3+s0+$0x0], $0xffff  }
0x4ff: {  	v1 =	vld.idx.msk [tilespmem:v1+s0+$0x0], $0xffff  }
.Ltmp27:
0x500: {  	v3 =	vld [tilespmem:s9+$0xFFFFFFF0];
	(pc) =	sbr.rel @p0 .LBB2_56-.Ltmp27, $4  }
0x501: {  	v2 =	vld [tilespmem:s9+$0xFFFFFFE0];
	v4 =	vmin.u32 v4, $0xC380  }
0x502: {  	v5 =	vmin.u32 v5, $0xC380;
	[tilespmem:s1+$0xFFFFFFF0] =	vst.add.f32.msk $0xffff, v7  }
0x503: {  	[tilespmem:s1+$0x0] =	vst.add.f32.msk $0xffff, v6  }
0x504: {  	s6 =	sand.u32 $0xFC0, s2;
	s2 =	smov.u32 s5;
	[tilespmem:s1+$0xFFFFFFE0] =	vst.add.f32.msk $0xffff, v8  }
0x505: {  	_ = 	snop  }
0x506: {  	v3 =	vmin.u32 v3, $0xC380  }
0x507: {  	v2 =	vmin.u32 v2, $0xC380;
	_ =	sdelay $0x1  }
0x508: {  	v5 =	vld.idx.msk [tilespmem:v5+s0+$0x0], $0xffff  }
0x509: {  	v4 =	vld.idx.msk [tilespmem:v4+s0+$0x0], $0xffff  }
0x50a: {  	v3 =	vld.idx.msk [tilespmem:v3+s0+$0x0], $0xffff  }
0x50b: {  	v2 =	vld.idx.msk [tilespmem:v2+s0+$0x0], $0xffff  }
0x50c: {  	[tilespmem:s6+$0x1C780] =	vst.add.f32.msk $0xffff, v1;
	s1 =	sadd.s32 $0x40, s1  }
0x50d: {  	[tilespmem:s1+$0xFFFFFFF0] =	vst.add.f32.msk $0xffff, v5  }
0x50e: {  	[tilespmem:s1+$0x0] =	vst.add.f32.msk $0xffff, v4  }
0x50f: {  	s2 =	sand.u32 $0xFC0, s2;
	[tilespmem:s1+$0xFFFFFFE0] =	vst.add.f32.msk $0xffff, v3  }
0x510: {  	[tilespmem:s2+$0x1C780] =	vst.add.f32.msk $0xffff, v2  }
0x511: {  	s1 =	rddreg [dreg:$0xd]  }
0x512: {  	[tilespmem:s10], [sflag:$0x4] =	stream.strided.gather [hbm4b:s1+s30], $0x1000, s31, s30, $0x38;
	[tilespmem:$0x1F780] =	vst v63  }
0x513: {  	_ =	swait.ge [sflag:s22], $0x1000  }
0x514: {  	[sflag:s22] =	ssyncset.done $0x0  }
0x515: {  	s28 =	simm.s32 $0x2020;
	[sflag:s22] =	ssyncadd.s32 $0xFFFFF000  }
0x516: {  	v1 =	vld [tilespmem:s28+$0x10]  }
0x517: {  	v2 =	vld [tilespmem:s28+$0x0]  }
0x518: {  	v3 =	vld [tilespmem:s28+$0xFFFFFFF0]  }
0x519: {  	v4 =	vld [tilespmem:s28+$0xFFFFFFE0];
	_ =	sdelay $0x1  }
0x51a: {  	v1 =	vmin.u32 v1, $0xC380  }
0x51b: {  	v2 =	vmin.u32 v2, $0xC380  }
0x51c: {  	s9 =	simm.s32 $0x2060;
	v3 =	vmin.u32 v3, $0xC380  }
0x51d: {  	v7 =	vld [tilespmem:s9+$0x10];
	v4 =	vmin.u32 v4, $0xC380  }
0x51e: {  	v8 =	vld [tilespmem:s9+$0x0]  }
0x51f: {  	v5 =	vld.idx.msk [tilespmem:v1+s0+$0x0], $0xffff  }
0x520: {  	v6 =	vld.idx.msk [tilespmem:v2+s0+$0x0], $0xffff  }
0x521: {  	v9 =	vld.idx.msk [tilespmem:v3+s0+$0x0], $0xffff  }
0x522: {  	v1 =	vld.idx.msk [tilespmem:v4+s0+$0x0], $0xffff  }
0x523: {  	v3 =	vld [tilespmem:s9+$0xFFFFFFF0]  }
0x524: {  	s1 =	simm.s32 $0x1D7B0;
	v2 =	vld [tilespmem:s9+$0xFFFFFFE0]  }
0x525: {  	v4 =	vmin.u32 v7, $0xC380;
	[tilespmem:s1+$0xFFFFFFF0] =	vst.add.f32.msk $0xffff, v6  }
0x526: {  	[tilespmem:s1+$0x0] =	vst.add.f32.msk $0xffff, v5;
	v5 =	vmin.u32 v8, $0xC380  }
0x527: {  	s29 =	simm.s32 $0x0;
	s5 =	simm.s32 $0x40;
	[tilespmem:s1+$0xFFFFFFE0] =	vst.add.f32.msk $0xffff, v9  }
0x528: {  	s6 =	sand.u32 $0xFC0, s29;
	s2 =	simm.s32 $0x40;
	s16 =	rddreg [dreg:$0x11]  }
.LBB2_58:
0x529: {  	s5 =	sadd.s32 $0x40, s5;
	v3 =	vmin.u32 v3, $0xC380;
	[tilespmem:s6+$0x1D780] =	vst.add.f32.msk $0xffff, v1;
	s1 =	sadd.s32 $0x40, s1  }
0x52a: {  	p0 =	slt.u32 s5, $0xFC0;
	v1 =	vmin.u32 v2, $0xC380;
	v6 =	vld.idx.msk [tilespmem:v4+s0+$0x0], $0xffff  }
0x52b: {  	s9 =	sadd.s32 $0x40, s9;
	v7 =	vld.idx.msk [tilespmem:v5+s0+$0x0], $0xffff  }
0x52c: {  	v4 =	vld [tilespmem:s9+$0x10]  }
0x52d: {  	v5 =	vld [tilespmem:s9+$0x0]  }
0x52e: {  	v8 =	vld.idx.msk [tilespmem:v3+s0+$0x0], $0xffff  }
0x52f: {  	v1 =	vld.idx.msk [tilespmem:v1+s0+$0x0], $0xffff  }
.Ltmp28:
0x530: {  	v3 =	vld [tilespmem:s9+$0xFFFFFFF0];
	(pc) =	sbr.rel @p0 .LBB2_58-.Ltmp28, $4  }
0x531: {  	v2 =	vld [tilespmem:s9+$0xFFFFFFE0];
	v4 =	vmin.u32 v4, $0xC380  }
0x532: {  	v5 =	vmin.u32 v5, $0xC380;
	[tilespmem:s1+$0xFFFFFFF0] =	vst.add.f32.msk $0xffff, v7  }
0x533: {  	[tilespmem:s1+$0x0] =	vst.add.f32.msk $0xffff, v6  }
0x534: {  	s6 =	sand.u32 $0xFC0, s2;
	s2 =	smov.u32 s5;
	[tilespmem:s1+$0xFFFFFFE0] =	vst.add.f32.msk $0xffff, v8  }
0x535: {  	_ = 	snop  }
0x536: {  	v3 =	vmin.u32 v3, $0xC380  }
0x537: {  	v2 =	vmin.u32 v2, $0xC380;
	_ =	sdelay $0x1  }
0x538: {  	v5 =	vld.idx.msk [tilespmem:v5+s0+$0x0], $0xffff  }
0x539: {  	v4 =	vld.idx.msk [tilespmem:v4+s0+$0x0], $0xffff  }
0x53a: {  	v3 =	vld.idx.msk [tilespmem:v3+s0+$0x0], $0xffff  }
0x53b: {  	v2 =	vld.idx.msk [tilespmem:v2+s0+$0x0], $0xffff  }
0x53c: {  	[tilespmem:s6+$0x1D780] =	vst.add.f32.msk $0xffff, v1;
	s1 =	sadd.s32 $0x40, s1  }
0x53d: {  	[tilespmem:s1+$0xFFFFFFF0] =	vst.add.f32.msk $0xffff, v5  }
0x53e: {  	[tilespmem:s1+$0x0] =	vst.add.f32.msk $0xffff, v4  }
0x53f: {  	s2 =	sand.u32 $0xFC0, s2;
	[tilespmem:s1+$0xFFFFFFE0] =	vst.add.f32.msk $0xffff, v3  }
0x540: {  	[tilespmem:s2+$0x1D780] =	vst.add.f32.msk $0xffff, v2  }
0x541: {  	s1 =	rddreg [dreg:$0xe]  }
0x542: {  	[tilespmem:s17], [sflag:$0x5] =	stream.strided.gather [hbm4b:s1+s30], $0x1000, s31, s30, $0x38;
	[tilespmem:$0x1F780] =	vst v63  }
0x543: {  	_ =	swait.ge [sflag:s19], $0x1000  }
0x544: {  	[sflag:s19] =	ssyncset.done $0x0  }
0x545: {  	s28 =	simm.s32 $0x20;
	[sflag:s19] =	ssyncadd.s32 $0xFFFFF000  }
0x546: {  	v1 =	vld [tilespmem:s28+$0x10]  }
0x547: {  	v2 =	vld [tilespmem:s28+$0x0]  }
0x548: {  	v3 =	vld [tilespmem:s28+$0xFFFFFFF0]  }
0x549: {  	v4 =	vld [tilespmem:s28+$0xFFFFFFE0];
	_ =	sdelay $0x1  }
0x54a: {  	v1 =	vmin.u32 v1, $0xC380  }
0x54b: {  	v2 =	vmin.u32 v2, $0xC380  }
0x54c: {  	s9 =	simm.s32 $0x60;
	v3 =	vmin.u32 v3, $0xC380  }
0x54d: {  	v7 =	vld [tilespmem:s9+$0x10];
	v4 =	vmin.u32 v4, $0xC380  }
0x54e: {  	v8 =	vld [tilespmem:s9+$0x0]  }
0x54f: {  	v5 =	vld.idx.msk [tilespmem:v1+s0+$0x0], $0xffff  }
0x550: {  	v6 =	vld.idx.msk [tilespmem:v2+s0+$0x0], $0xffff  }
0x551: {  	v9 =	vld.idx.msk [tilespmem:v3+s0+$0x0], $0xffff  }
0x552: {  	v1 =	vld.idx.msk [tilespmem:v4+s0+$0x0], $0xffff  }
0x553: {  	v3 =	vld [tilespmem:s9+$0xFFFFFFF0]  }
0x554: {  	s1 =	simm.s32 $0x1E7B0;
	v2 =	vld [tilespmem:s9+$0xFFFFFFE0];
	v4 =	vmin.u32 v7, $0xC380  }
0x555: {  	[tilespmem:s1+$0x0] =	vst.add.f32.msk $0xffff, v5;
	v5 =	vmin.u32 v8, $0xC380  }
0x556: {  	s29 =	simm.s32 $0x0;
	[tilespmem:s1+$0xFFFFFFF0] =	vst.add.f32.msk $0xffff, v6  }
0x557: {  	s5 =	simm.s32 $0x40;
	s6 =	sand.u32 $0xFC0, s29;
	s2 =	simm.s32 $0x40;
	[tilespmem:s1+$0xFFFFFFE0] =	vst.add.f32.msk $0xffff, v9  }
.LBB2_60:
0x558: {  	s5 =	sadd.s32 $0x40, s5;
	v3 =	vmin.u32 v3, $0xC380;
	[tilespmem:s6+$0x1E780] =	vst.add.f32.msk $0xffff, v1;
	s1 =	sadd.s32 $0x40, s1  }
0x559: {  	p0 =	slt.u32 s5, $0xFC0;
	v1 =	vmin.u32 v2, $0xC380;
	v6 =	vld.idx.msk [tilespmem:v4+s0+$0x0], $0xffff  }
0x55a: {  	s9 =	sadd.s32 $0x40, s9;
	v7 =	vld.idx.msk [tilespmem:v5+s0+$0x0], $0xffff  }
0x55b: {  	v4 =	vld [tilespmem:s9+$0x10]  }
0x55c: {  	v5 =	vld [tilespmem:s9+$0x0]  }
0x55d: {  	v8 =	vld.idx.msk [tilespmem:v3+s0+$0x0], $0xffff  }
0x55e: {  	v1 =	vld.idx.msk [tilespmem:v1+s0+$0x0], $0xffff  }
.Ltmp29:
0x55f: {  	v3 =	vld [tilespmem:s9+$0xFFFFFFF0];
	(pc) =	sbr.rel @p0 .LBB2_60-.Ltmp29, $4  }
0x560: {  	v2 =	vld [tilespmem:s9+$0xFFFFFFE0];
	v4 =	vmin.u32 v4, $0xC380  }
0x561: {  	v5 =	vmin.u32 v5, $0xC380;
	[tilespmem:s1+$0xFFFFFFF0] =	vst.add.f32.msk $0xffff, v7  }
0x562: {  	[tilespmem:s1+$0x0] =	vst.add.f32.msk $0xffff, v6  }
0x563: {  	s6 =	sand.u32 $0xFC0, s2;
	s2 =	smov.u32 s5;
	[tilespmem:s1+$0xFFFFFFE0] =	vst.add.f32.msk $0xffff, v8  }
0x564: {  	_ = 	snop  }
0x565: {  	v3 =	vmin.u32 v3, $0xC380  }
0x566: {  	v2 =	vmin.u32 v2, $0xC380;
	_ =	sdelay $0x1  }
0x567: {  	v5 =	vld.idx.msk [tilespmem:v5+s0+$0x0], $0xffff  }
0x568: {  	v4 =	vld.idx.msk [tilespmem:v4+s0+$0x0], $0xffff  }
0x569: {  	v3 =	vld.idx.msk [tilespmem:v3+s0+$0x0], $0xffff  }
0x56a: {  	v2 =	vld.idx.msk [tilespmem:v2+s0+$0x0], $0xffff  }
0x56b: {  	[tilespmem:s6+$0x1E780] =	vst.add.f32.msk $0xffff, v1;
	s1 =	sadd.s32 $0x40, s1  }
0x56c: {  	[tilespmem:s1+$0xFFFFFFF0] =	vst.add.f32.msk $0xffff, v5  }
0x56d: {  	[tilespmem:s1+$0x0] =	vst.add.f32.msk $0xffff, v4  }
0x56e: {  	s2 =	sand.u32 $0xFC0, s2;
	[tilespmem:s1+$0xFFFFFFE0] =	vst.add.f32.msk $0xffff, v3  }
0x56f: {  	[tilespmem:s2+$0x1E780] =	vst.add.f32.msk $0xffff, v2  }
0x570: {  	s1 =	rddreg [dreg:$0xf]  }
0x571: {  	[tilespmem:s4], [sflag:$0x3] =	stream.strided.gather [hbm4b:s1+s30], $0x1000, s31, s30, $0x38;
	[tilespmem:$0x1F780] =	vst v63  }
0x572: {  	s26 =	rddreg [dreg:$0x10]  }
0x573: {  	[tilespmem:s0], [sflag:$0x1] =	stream.strided.gather [hbm4b:s26+s30], $0xC380, s31, s30, $0x38;
	[tilespmem:$0x1F780] =	vst v63  }
0x574: {  	_ =	swait.ge [sflag:s24], $0xC300  }
0x575: {  	[sflag:s24] =	ssyncset.done $0x0  }
0x576: {  	[sflag:s24] =	ssyncadd.s32 $0xFFFF3D00  }
0x577: {  	_ =	swait.ge [sflag:s24], $0x80  }
0x578: {  	[sflag:s24] =	ssyncset.done $0x0  }
0x579: {  	[sflag:s24] =	ssyncadd.s32 $0xFFFFFF80  }
0x57a: {  	_ =	swait.ge [sflag:s20], $0x1000  }
0x57b: {  	[sflag:s20] =	ssyncset.done $0x0  }
0x57c: {  	s28 =	simm.s32 $0x1020;
	[sflag:s20] =	ssyncadd.s32 $0xFFFFF000  }
0x57d: {  	v1 =	vld [tilespmem:s28+$0x10]  }
0x57e: {  	v2 =	vld [tilespmem:s28+$0xFFFFFFE0];
	_ =	sdelay $0x1  }
0x57f: {  	v3 =	vld [tilespmem:s28+$0xFFFFFFF0]  }
0x580: {  	v4 =	vld [tilespmem:s28+$0x0]  }
0x581: {  	v1 =	vadd.s32 $0xFFFF3C80, v1  }
0x582: {  	s29 =	simm.s32 $0x1060;
	v2 =	vadd.s32 $0xFFFF3C80, v2;
	v1 =	vmin.u32 v1, $0xC320  }
0x583: {  	v5 =	vld [tilespmem:s29+$0x10];
	v2 =	vmin.u32 v2, $0xC320  }
0x584: {  	v6 =	vld [tilespmem:s29+$0xFFFFFFF0];
	v3 =	vadd.s32 $0xFFFF3C80, v3  }
0x585: {  	v7 =	vld [tilespmem:s29+$0x0];
	v4 =	vadd.s32 $0xFFFF3C80, v4;
	v3 =	vmin.u32 v3, $0xC320  }
0x586: {  	v8 =	vld [tilespmem:s29+$0xFFFFFFE0];
	v4 =	vmin.u32 v4, $0xC320  }
0x587: {  	v1 =	vld.idx.msk [tilespmem:v1+s3+$0x0], $0xffff  }
0x588: {  	v5 =	vadd.s32 $0xFFFF3C80, v5;
	v2 =	vld.idx.msk [tilespmem:v2+s3+$0x0], $0xffff  }
0x589: {  	v9 =	vmin.u32 v5, $0xC320  }
0x58a: {  	v3 =	vld.idx.msk [tilespmem:v3+s3+$0x0], $0xffff  }
0x58b: {  	s1 =	simm.s32 $0x1B7B0;
	v4 =	vld.idx.msk [tilespmem:v4+s3+$0x0], $0xffff  }
0x58c: {  	[tilespmem:s1+$0x0] =	vst.add.f32.msk $0xffff, v1  }
0x58d: {  	v5 =	vadd.s32 $0xFFFF3C80, v7;
	v1 =	vadd.s32 $0xFFFF3C80, v6;
	v6 =	vadd.s32 $0xFFFF3C80, v8;
	[tilespmem:s1+$0xFFFFFFD0] =	vst.add.f32.msk $0xffff, v2  }
0x58e: {  	s5 =	simm.s32 $0x40;
	s6 =	simm.s32 $0x10A0;
	s2 =	simm.s32 $0x1B7B0;
	v2 =	vmin.u32 v5, $0xC320;
	v1 =	vmin.u32 v1, $0xC320;
	v5 =	vmin.u32 v6, $0xC320;
	v6 =	vld.idx.msk [tilespmem:v9+s3+$0x0], $0xffff  }
.LBB2_62:
0x58f: {  	v7 =	vld [tilespmem:s6+$0x10];
	s5 =	sadd.s32 $0x40, s5;
	v8 =	vmov v3  }
0x590: {  	v9 =	vmov v4;
	v3 =	vld [tilespmem:s6+$0xFFFFFFF0];
	p0 =	slt.u32 s5, $0xFC0  }
0x591: {  	v4 =	vld [tilespmem:s6+$0x0]  }
0x592: {  	v10 =	vld [tilespmem:s6+$0xFFFFFFE0]  }
0x593: {  	s1 =	sadd.s32 $0x40, s1;
	v11 =	vld.idx.msk [tilespmem:v5+s3+$0x0], $0xffff  }
0x594: {  	v5 =	vadd.s32 $0xFFFF3C80, v7;
	[tilespmem:s1+$0x0] =	vst.add.f32.msk $0xffff, v6  }
0x595: {  	v6 =	vadd.s32 $0xFFFF3C80, v3;
	v7 =	vmin.u32 v5, $0xC320;
	v3 =	vld.idx.msk [tilespmem:v1+s3+$0x0], $0xffff  }
.Ltmp30:
0x596: {  	v1 =	vmin.u32 v6, $0xC320;
	v5 =	vadd.s32 $0xFFFF3C80, v4;
	v4 =	vld.idx.msk [tilespmem:v2+s3+$0x0], $0xffff;
	(pc) =	sbr.rel @p0 .LBB2_62-.Ltmp30, $4  }
0x597: {  	v6 =	vadd.s32 $0xFFFF3C80, v10;
	v2 =	vmin.u32 v5, $0xC320;
	[tilespmem:s2+$0xFFFFFFE0] =	vst.add.f32.msk $0xffff, v8  }
0x598: {  	v5 =	vmin.u32 v6, $0xC320;
	[tilespmem:s2+$0xFFFFFFF0] =	vst.add.f32.msk $0xffff, v9;
	s2 =	smov.u32 s1  }
0x599: {  	[tilespmem:s1+$0xFFFFFFD0] =	vst.add.f32.msk $0xffff, v11  }
0x59a: {  	s6 =	sadd.s32 $0x40, s6;
	v6 =	vld.idx.msk [tilespmem:v7+s3+$0x0], $0xffff  }
0x59b: {  	_ =	sdelay $0x3  }
0x59c: {  	v5 =	vld.idx.msk [tilespmem:v5+s3+$0x0], $0xffff  }
0x59d: {  	v1 =	vld.idx.msk [tilespmem:v1+s3+$0x0], $0xffff  }
0x59e: {  	v2 =	vld.idx.msk [tilespmem:v2+s3+$0x0], $0xffff  }
0x59f: {  	[tilespmem:s2+$0xFFFFFFE0] =	vst.add.f32.msk $0xffff, v3  }
0x5a0: {  	s1 =	sadd.s32 $0x40, s1;
	[tilespmem:s2+$0xFFFFFFF0] =	vst.add.f32.msk $0xffff, v4  }
0x5a1: {  	[tilespmem:s1+$0x0] =	vst.add.f32.msk $0xffff, v6  }
0x5a2: {  	[tilespmem:s1+$0xFFFFFFD0] =	vst.add.f32.msk $0xffff, v5  }
0x5a3: {  	[tilespmem:s1+$0xFFFFFFE0] =	vst.add.f32.msk $0xffff, v1  }
0x5a4: {  	[tilespmem:s1+$0xFFFFFFF0] =	vst.add.f32.msk $0xffff, v2  }
0x5a5: {  	[tilespmem:s10], [sflag:$0x4] =	stream.strided.gather [hbm4b:s21+s30], $0x1000, s31, s30, $0x38;
	[tilespmem:$0x1F780] =	vst v63  }
0x5a6: {  	_ =	swait.ge [sflag:s22], $0x1000  }
0x5a7: {  	[sflag:s22] =	ssyncset.done $0x0  }
0x5a8: {  	s28 =	simm.s32 $0x2020;
	[sflag:s22] =	ssyncadd.s32 $0xFFFFF000  }
0x5a9: {  	v1 =	vld [tilespmem:s28+$0x0]  }
0x5aa: {  	v2 =	vld [tilespmem:s28+$0xFFFFFFF0]  }
0x5ab: {  	v3 =	vld [tilespmem:s28+$0xFFFFFFE0]  }
0x5ac: {  	v4 =	vld [tilespmem:s28+$0x10];
	_ =	sdelay $0x1  }
0x5ad: {  	v1 =	vadd.s32 $0xFFFF3C80, v1  }
0x5ae: {  	s29 =	simm.s32 $0x2060;
	v2 =	vadd.s32 $0xFFFF3C80, v2;
	v1 =	vmin.u32 v1, $0xC320  }
0x5af: {  	v7 =	vld [tilespmem:s29+$0x0];
	v3 =	vadd.s32 $0xFFFF3C80, v3;
	v5 =	vmin.u32 v2, $0xC320  }
0x5b0: {  	v8 =	vld [tilespmem:s29+$0xFFFFFFF0];
	v9 =	vmin.u32 v3, $0xC320;
	v3 =	vadd.s32 $0xFFFF3C80, v4  }
0x5b1: {  	v2 =	vld [tilespmem:s29+$0xFFFFFFE0];
	v10 =	vmin.u32 v3, $0xC320  }
0x5b2: {  	v3 =	vld [tilespmem:s29+$0x10]  }
0x5b3: {  	v6 =	vld.idx.msk [tilespmem:v1+s3+$0x0], $0xffff  }
0x5b4: {  	v5 =	vld.idx.msk [tilespmem:v5+s3+$0x0], $0xffff  }
0x5b5: {  	s11 =	simm.s32 $0x1C7B0;
	s9 =	simm.s32 $0x0;
	s5 =	simm.s32 $0x40;
	v4 =	vadd.s32 $0xFFFF3C80, v7;
	v1 =	vld.idx.msk [tilespmem:v9+s3+$0x0], $0xffff  }
0x5b6: {  	s6 =	simm.s32 $0x20A0;
	s2 =	simm.s32 $0x1C7B0;
	s1 =	simm.s32 $0x40;
	v8 =	vadd.s32 $0xFFFF3C80, v8;
	v4 =	vmin.u32 v4, $0xC320;
	v7 =	vld.idx.msk [tilespmem:v10+s3+$0x0], $0xffff  }
.LBB2_64:
0x5b7: {  	s5 =	sadd.s32 $0x40, s5;
	v9 =	vld [tilespmem:s6+$0x0];
	v2 =	vadd.s32 $0xFFFF3C80, v2;
	v8 =	vmin.u32 v8, $0xC320;
	s11 =	sadd.s32 $0x40, s11  }
0x5b8: {  	v10 =	vld [tilespmem:s6+$0xFFFFFFF0];
	p0 =	slt.u32 s5, $0xFC0;
	v11 =	vmin.u32 v2, $0xC320  }
0x5b9: {  	v2 =	vld [tilespmem:s6+$0xFFFFFFE0]  }
0x5ba: {  	[tilespmem:s2+$0xFFFFFFF0] =	vst.add.f32.msk $0xffff, v6  }
0x5bb: {  	s7 =	sand.u32 $0xFC0, s9;
	s9 =	smov.u32 s1;
	s1 =	smov.u32 s5;
	[tilespmem:s2+$0xFFFFFFE0] =	vst.add.f32.msk $0xffff, v5  }
0x5bc: {  	v3 =	vadd.s32 $0xFFFF3C80, v3;
	[tilespmem:s2+$0x0] =	vst.add.f32.msk $0xffff, v7;
	s2 =	smov.u32 s11  }
0x5bd: {  	v7 =	vmin.u32 v3, $0xC320;
	[tilespmem:s7+$0x1C780] =	vst.add.f32.msk $0xffff, v1  }
.Ltmp31:
0x5be: {  	v3 =	vld [tilespmem:s6+$0x10];
	(pc) =	sbr.rel @p0 .LBB2_64-.Ltmp31, $4  }
0x5bf: {  	v6 =	vld.idx.msk [tilespmem:v4+s3+$0x0], $0xffff  }
0x5c0: {  	v5 =	vld.idx.msk [tilespmem:v8+s3+$0x0], $0xffff  }
0x5c1: {  	v4 =	vadd.s32 $0xFFFF3C80, v9;
	v1 =	vld.idx.msk [tilespmem:v11+s3+$0x0], $0xffff  }
0x5c2: {  	s6 =	sadd.s32 $0x40, s6;
	v8 =	vadd.s32 $0xFFFF3C80, v10;
	v4 =	vmin.u32 v4, $0xC320;
	v7 =	vld.idx.msk [tilespmem:v7+s3+$0x0], $0xffff  }
0x5c3: {  	_ =	sdelay $0x2  }
0x5c4: {  	v8 =	vmin.u32 v8, $0xC320;
	v3 =	vadd.s32 $0xFFFF3C80, v3  }
0x5c5: {  	v2 =	vadd.s32 $0xFFFF3C80, v2;
	v4 =	vld.idx.msk [tilespmem:v4+s3+$0x0], $0xffff;
	v3 =	vmin.u32 v3, $0xC320  }
0x5c6: {  	[tilespmem:s2+$0xFFFFFFF0] =	vst.add.f32.msk $0xffff, v6;
	v2 =	vmin.u32 v2, $0xC320  }
0x5c7: {  	s26 =	sand.u32 $0xFC0, s9;
	[tilespmem:s2+$0xFFFFFFE0] =	vst.add.f32.msk $0xffff, v5  }
0x5c8: {  	[tilespmem:s26+$0x1C780] =	vst.add.f32.msk $0xffff, v1  }
0x5c9: {  	v5 =	vld.idx.msk [tilespmem:v8+s3+$0x0], $0xffff  }
0x5ca: {  	v3 =	vld.idx.msk [tilespmem:v3+s3+$0x0], $0xffff  }
0x5cb: {  	v2 =	vld.idx.msk [tilespmem:v2+s3+$0x0], $0xffff  }
0x5cc: {  	s5 =	sadd.s32 $0x40, s11;
	[tilespmem:s2+$0x0] =	vst.add.f32.msk $0xffff, v7  }
0x5cd: {  	[tilespmem:s5+$0xFFFFFFF0] =	vst.add.f32.msk $0xffff, v4  }
0x5ce: {  	[tilespmem:s5+$0xFFFFFFE0] =	vst.add.f32.msk $0xffff, v5  }
0x5cf: {  	s1 =	sand.u32 $0xFC0, s1;
	[tilespmem:s5+$0x0] =	vst.add.f32.msk $0xffff, v3  }
0x5d0: {  	[tilespmem:s1+$0x1C780] =	vst.add.f32.msk $0xffff, v2  }
0x5d1: {  	[tilespmem:s17], [sflag:$0x5] =	stream.strided.gather [hbm4b:s16+s30], $0x1000, s31, s30, $0x38;
	[tilespmem:$0x1F780] =	vst v63  }
0x5d2: {  	_ =	swait.ge [sflag:s19], $0x1000  }
0x5d3: {  	[sflag:s19] =	ssyncset.done $0x0  }
0x5d4: {  	s28 =	simm.s32 $0x20;
	[sflag:s19] =	ssyncadd.s32 $0xFFFFF000  }
0x5d5: {  	v1 =	vld [tilespmem:s28+$0x0]  }
0x5d6: {  	v2 =	vld [tilespmem:s28+$0xFFFFFFF0]  }
0x5d7: {  	v3 =	vld [tilespmem:s28+$0xFFFFFFE0]  }
0x5d8: {  	v4 =	vld [tilespmem:s28+$0x10];
	_ =	sdelay $0x1  }
0x5d9: {  	v1 =	vadd.s32 $0xFFFF3C80, v1  }
0x5da: {  	s29 =	simm.s32 $0x60;
	v2 =	vadd.s32 $0xFFFF3C80, v2;
	v1 =	vmin.u32 v1, $0xC320  }
0x5db: {  	v7 =	vld [tilespmem:s29+$0x0];
	v3 =	vadd.s32 $0xFFFF3C80, v3;
	v5 =	vmin.u32 v2, $0xC320  }
0x5dc: {  	v8 =	vld [tilespmem:s29+$0xFFFFFFF0];
	v9 =	vmin.u32 v3, $0xC320;
	v3 =	vadd.s32 $0xFFFF3C80, v4  }
0x5dd: {  	v2 =	vld [tilespmem:s29+$0xFFFFFFE0];
	v10 =	vmin.u32 v3, $0xC320  }
0x5de: {  	v3 =	vld [tilespmem:s29+$0x10]  }
0x5df: {  	v6 =	vld.idx.msk [tilespmem:v1+s3+$0x0], $0xffff  }
0x5e0: {  	v5 =	vld.idx.msk [tilespmem:v5+s3+$0x0], $0xffff  }
0x5e1: {  	s11 =	simm.s32 $0x1D7B0;
	s9 =	simm.s32 $0x0;
	s6 =	simm.s32 $0xA0;
	v4 =	vadd.s32 $0xFFFF3C80, v7;
	v1 =	vld.idx.msk [tilespmem:v9+s3+$0x0], $0xffff  }
0x5e2: {  	s2 =	simm.s32 $0x1D7B0;
	s5 =	simm.s32 $0x40;
	s1 =	simm.s32 $0x40;
	v8 =	vadd.s32 $0xFFFF3C80, v8;
	v4 =	vmin.u32 v4, $0xC320;
	v7 =	vld.idx.msk [tilespmem:v10+s3+$0x0], $0xffff  }
.LBB2_66:
0x5e3: {  	s5 =	sadd.s32 $0x40, s5;
	v9 =	vld [tilespmem:s6+$0x0];
	v2 =	vadd.s32 $0xFFFF3C80, v2;
	v8 =	vmin.u32 v8, $0xC320;
	s11 =	sadd.s32 $0x40, s11  }
0x5e4: {  	v10 =	vld [tilespmem:s6+$0xFFFFFFF0];
	p0 =	slt.u32 s5, $0xFC0;
	v11 =	vmin.u32 v2, $0xC320  }
0x5e5: {  	v2 =	vld [tilespmem:s6+$0xFFFFFFE0]  }
0x5e6: {  	[tilespmem:s2+$0xFFFFFFF0] =	vst.add.f32.msk $0xffff, v6  }
0x5e7: {  	s7 =	sand.u32 $0xFC0, s9;
	s9 =	smov.u32 s1;
	s1 =	smov.u32 s5;
	[tilespmem:s2+$0xFFFFFFE0] =	vst.add.f32.msk $0xffff, v5  }
0x5e8: {  	v3 =	vadd.s32 $0xFFFF3C80, v3;
	[tilespmem:s2+$0x0] =	vst.add.f32.msk $0xffff, v7;
	s2 =	smov.u32 s11  }
0x5e9: {  	v7 =	vmin.u32 v3, $0xC320;
	[tilespmem:s7+$0x1D780] =	vst.add.f32.msk $0xffff, v1  }
.Ltmp32:
0x5ea: {  	v3 =	vld [tilespmem:s6+$0x10];
	(pc) =	sbr.rel @p0 .LBB2_66-.Ltmp32, $4  }
0x5eb: {  	v6 =	vld.idx.msk [tilespmem:v4+s3+$0x0], $0xffff  }
0x5ec: {  	v5 =	vld.idx.msk [tilespmem:v8+s3+$0x0], $0xffff  }
0x5ed: {  	v4 =	vadd.s32 $0xFFFF3C80, v9;
	v1 =	vld.idx.msk [tilespmem:v11+s3+$0x0], $0xffff  }
0x5ee: {  	s6 =	sadd.s32 $0x40, s6;
	v8 =	vadd.s32 $0xFFFF3C80, v10;
	v4 =	vmin.u32 v4, $0xC320;
	v7 =	vld.idx.msk [tilespmem:v7+s3+$0x0], $0xffff  }
0x5ef: {  	_ =	sdelay $0x2  }
0x5f0: {  	v8 =	vmin.u32 v8, $0xC320;
	v3 =	vadd.s32 $0xFFFF3C80, v3  }
0x5f1: {  	v2 =	vadd.s32 $0xFFFF3C80, v2;
	v4 =	vld.idx.msk [tilespmem:v4+s3+$0x0], $0xffff;
	v3 =	vmin.u32 v3, $0xC320  }
0x5f2: {  	[tilespmem:s2+$0xFFFFFFF0] =	vst.add.f32.msk $0xffff, v6;
	v2 =	vmin.u32 v2, $0xC320  }
0x5f3: {  	s26 =	sand.u32 $0xFC0, s9;
	[tilespmem:s2+$0xFFFFFFE0] =	vst.add.f32.msk $0xffff, v5  }
0x5f4: {  	[tilespmem:s26+$0x1D780] =	vst.add.f32.msk $0xffff, v1  }
0x5f5: {  	v5 =	vld.idx.msk [tilespmem:v8+s3+$0x0], $0xffff  }
0x5f6: {  	v3 =	vld.idx.msk [tilespmem:v3+s3+$0x0], $0xffff  }
0x5f7: {  	v2 =	vld.idx.msk [tilespmem:v2+s3+$0x0], $0xffff  }
0x5f8: {  	s5 =	sadd.s32 $0x40, s11;
	[tilespmem:s2+$0x0] =	vst.add.f32.msk $0xffff, v7  }
0x5f9: {  	[tilespmem:s5+$0xFFFFFFF0] =	vst.add.f32.msk $0xffff, v4  }
0x5fa: {  	[tilespmem:s5+$0xFFFFFFE0] =	vst.add.f32.msk $0xffff, v5  }
0x5fb: {  	s1 =	sand.u32 $0xFC0, s1;
	[tilespmem:s5+$0x0] =	vst.add.f32.msk $0xffff, v3  }
0x5fc: {  	[tilespmem:s1+$0x1D780] =	vst.add.f32.msk $0xffff, v2  }
0x5fd: {  	[tilespmem:s4], [sflag:$0x3] =	stream.strided.gather [hbm4b:s23+s30], $0x1000, s31, s30, $0x38;
	[tilespmem:$0x1F780] =	vst v63  }
0x5fe: {  	_ =	swait.ge [sflag:s20], $0x1000  }
0x5ff: {  	[sflag:s20] =	ssyncset.done $0x0  }
0x600: {  	s28 =	simm.s32 $0x1020;
	[sflag:s20] =	ssyncadd.s32 $0xFFFFF000  }
0x601: {  	v1 =	vld [tilespmem:s28+$0x0]  }
0x602: {  	v2 =	vld [tilespmem:s28+$0xFFFFFFF0]  }
0x603: {  	v3 =	vld [tilespmem:s28+$0xFFFFFFE0]  }
0x604: {  	v4 =	vld [tilespmem:s28+$0x10];
	_ =	sdelay $0x1  }
0x605: {  	v1 =	vadd.s32 $0xFFFF3C80, v1  }
0x606: {  	s29 =	simm.s32 $0x1060;
	v2 =	vadd.s32 $0xFFFF3C80, v2;
	v1 =	vmin.u32 v1, $0xC320  }
0x607: {  	v7 =	vld [tilespmem:s29+$0x0];
	v3 =	vadd.s32 $0xFFFF3C80, v3;
	v5 =	vmin.u32 v2, $0xC320  }
0x608: {  	v8 =	vld [tilespmem:s29+$0xFFFFFFF0];
	v9 =	vmin.u32 v3, $0xC320;
	v3 =	vadd.s32 $0xFFFF3C80, v4  }
0x609: {  	v2 =	vld [tilespmem:s29+$0xFFFFFFE0];
	v10 =	vmin.u32 v3, $0xC320  }
0x60a: {  	v3 =	vld [tilespmem:s29+$0x10]  }
0x60b: {  	v6 =	vld.idx.msk [tilespmem:v1+s3+$0x0], $0xffff  }
0x60c: {  	v5 =	vld.idx.msk [tilespmem:v5+s3+$0x0], $0xffff  }
0x60d: {  	s11 =	simm.s32 $0x1E7B0;
	s9 =	simm.s32 $0x0;
	s6 =	simm.s32 $0x10A0;
	v4 =	vadd.s32 $0xFFFF3C80, v7;
	v1 =	vld.idx.msk [tilespmem:v9+s3+$0x0], $0xffff  }
0x60e: {  	s2 =	simm.s32 $0x1E7B0;
	s5 =	simm.s32 $0x40;
	s1 =	simm.s32 $0x40;
	v8 =	vadd.s32 $0xFFFF3C80, v8;
	v4 =	vmin.u32 v4, $0xC320;
	v7 =	vld.idx.msk [tilespmem:v10+s3+$0x0], $0xffff  }
.LBB2_68:
0x60f: {  	s5 =	sadd.s32 $0x40, s5;
	v9 =	vld [tilespmem:s6+$0x0];
	v2 =	vadd.s32 $0xFFFF3C80, v2;
	v8 =	vmin.u32 v8, $0xC320;
	s11 =	sadd.s32 $0x40, s11  }
0x610: {  	v10 =	vld [tilespmem:s6+$0xFFFFFFF0];
	p0 =	slt.u32 s5, $0xFC0;
	v11 =	vmin.u32 v2, $0xC320  }
0x611: {  	v2 =	vld [tilespmem:s6+$0xFFFFFFE0]  }
0x612: {  	[tilespmem:s2+$0xFFFFFFF0] =	vst.add.f32.msk $0xffff, v6  }
0x613: {  	s7 =	sand.u32 $0xFC0, s9;
	s9 =	smov.u32 s1;
	s1 =	smov.u32 s5;
	[tilespmem:s2+$0xFFFFFFE0] =	vst.add.f32.msk $0xffff, v5  }
0x614: {  	v3 =	vadd.s32 $0xFFFF3C80, v3;
	[tilespmem:s2+$0x0] =	vst.add.f32.msk $0xffff, v7;
	s2 =	smov.u32 s11  }
0x615: {  	v7 =	vmin.u32 v3, $0xC320;
	[tilespmem:s7+$0x1E780] =	vst.add.f32.msk $0xffff, v1  }
.Ltmp33:
0x616: {  	v3 =	vld [tilespmem:s6+$0x10];
	(pc) =	sbr.rel @p0 .LBB2_68-.Ltmp33, $4  }
0x617: {  	v6 =	vld.idx.msk [tilespmem:v4+s3+$0x0], $0xffff  }
0x618: {  	v5 =	vld.idx.msk [tilespmem:v8+s3+$0x0], $0xffff  }
0x619: {  	v4 =	vadd.s32 $0xFFFF3C80, v9;
	v1 =	vld.idx.msk [tilespmem:v11+s3+$0x0], $0xffff  }
0x61a: {  	s6 =	sadd.s32 $0x40, s6;
	v8 =	vadd.s32 $0xFFFF3C80, v10;
	v4 =	vmin.u32 v4, $0xC320;
	v7 =	vld.idx.msk [tilespmem:v7+s3+$0x0], $0xffff  }
0x61b: {  	_ =	sdelay $0x2  }
0x61c: {  	v8 =	vmin.u32 v8, $0xC320;
	v3 =	vadd.s32 $0xFFFF3C80, v3  }
0x61d: {  	v2 =	vadd.s32 $0xFFFF3C80, v2;
	v4 =	vld.idx.msk [tilespmem:v4+s3+$0x0], $0xffff;
	v3 =	vmin.u32 v3, $0xC320  }
0x61e: {  	[tilespmem:s2+$0xFFFFFFF0] =	vst.add.f32.msk $0xffff, v6;
	v2 =	vmin.u32 v2, $0xC320  }
0x61f: {  	s9 =	sand.u32 $0xFC0, s9;
	[tilespmem:s2+$0xFFFFFFE0] =	vst.add.f32.msk $0xffff, v5  }
0x620: {  	[tilespmem:s9+$0x1E780] =	vst.add.f32.msk $0xffff, v1  }
0x621: {  	v5 =	vld.idx.msk [tilespmem:v8+s3+$0x0], $0xffff  }
0x622: {  	v3 =	vld.idx.msk [tilespmem:v3+s3+$0x0], $0xffff  }
0x623: {  	v2 =	vld.idx.msk [tilespmem:v2+s3+$0x0], $0xffff  }
0x624: {  	s5 =	sadd.s32 $0x40, s11;
	[tilespmem:s2+$0x0] =	vst.add.f32.msk $0xffff, v7  }
0x625: {  	[tilespmem:s5+$0xFFFFFFF0] =	vst.add.f32.msk $0xffff, v4  }
0x626: {  	[tilespmem:s5+$0xFFFFFFE0] =	vst.add.f32.msk $0xffff, v5  }
0x627: {  	s1 =	sand.u32 $0xFC0, s1;
	[tilespmem:s5+$0x0] =	vst.add.f32.msk $0xffff, v3  }
0x628: {  	[tilespmem:s1+$0x1E780] =	vst.add.f32.msk $0xffff, v2  }
0x629: {  	s1 =	rddreg [dreg:$0x16]  }
0x62a: {  	[tilespmem:s10], [sflag:$0x4] =	stream.strided.gather [hbm4b:s1+s30], $0x1000, s31, s30, $0x38;
	[tilespmem:$0x1F780] =	vst v63  }
0x62b: {  	s21 =	rddreg [dreg:$0x14]  }
0x62c: {  	[tilespmem:s3], [sflag:$0x2] =	stream.strided.gather [hbm4b:s21+s30], $0xC300, s31, s30, $0x38;
	[tilespmem:$0x1F780] =	vst v63  }
0x62d: {  	s26 =	simm.s32 $0x1B700;
	s25 =	rddreg [dreg:$0x17]  }
0x62e: {  	[tilespmem:s26], [sflag:$0x2] =	stream.linear.gather [hbm4b:s25+s4], $0x80, $0x38;
	[tilespmem:$0x1F780] =	vst v63  }
0x62f: {  	_ =	swait.ge [sflag:s18], $0xC380  }
0x630: {  	[sflag:s18] =	ssyncset.done $0x0  }
0x631: {  	[sflag:s18] =	ssyncadd.s32 $0xFFFF3C80  }
0x632: {  	_ =	swait.ge [sflag:s22], $0x1000  }
0x633: {  	[sflag:s22] =	ssyncset.done $0x0  }
0x634: {  	s28 =	simm.s32 $0x2020;
	[sflag:s22] =	ssyncadd.s32 $0xFFFFF000  }
0x635: {  	v1 =	vld [tilespmem:s28+$0x10]  }
0x636: {  	v2 =	vld [tilespmem:s28+$0xFFFFFFF0]  }
0x637: {  	v3 =	vld [tilespmem:s28+$0xFFFFFFE0]  }
0x638: {  	s29 =	simm.s32 $0x2060;
	v4 =	vld [tilespmem:s28+$0x0]  }
0x639: {  	v5 =	vld [tilespmem:s29+$0x10]  }
0x63a: {  	v6 =	vld [tilespmem:s29+$0xFFFFFFF0];
	v1 =	vmin.u32 v1, $0xC380  }
0x63b: {  	v2 =	vmin.u32 v2, $0xC380  }
0x63c: {  	v3 =	vmin.u32 v3, $0xC380  }
0x63d: {  	v8 =	vld [tilespmem:s29+$0x0];
	v4 =	vmin.u32 v4, $0xC380  }
0x63e: {  	v9 =	vld [tilespmem:s29+$0xFFFFFFE0];
	v5 =	vmin.u32 v5, $0xC380  }
0x63f: {  	v10 =	vmin.u32 v6, $0xC380;
	v1 =	vld.idx.msk [tilespmem:v1+s0+$0x0], $0xffff  }
0x640: {  	v7 =	vld.idx.msk [tilespmem:v2+s0+$0x0], $0xffff  }
0x641: {  	v2 =	vld.idx.msk [tilespmem:v3+s0+$0x0], $0xffff  }
0x642: {  	v4 =	vld.idx.msk [tilespmem:v4+s0+$0x0], $0xffff  }
0x643: {  	v6 =	vld.idx.msk [tilespmem:v5+s0+$0x0], $0xffff  }
0x644: {  	s1 =	simm.s32 $0x1B7B0;
	v3 =	vld.idx.msk [tilespmem:v10+s0+$0x0], $0xffff  }
0x645: {  	[tilespmem:s1+$0x0] =	vst.add.f32.msk $0xffff, v1  }
0x646: {  	s6 =	simm.s32 $0x20A0;
	s2 =	simm.s32 $0x1B7B0;
	s5 =	simm.s32 $0x40;
	v5 =	vmin.u32 v9, $0xC380;
	[tilespmem:s1+$0xFFFFFFE0] =	vst.add.f32.msk $0xffff, v7;
	v1 =	vmin.u32 v8, $0xC380  }
.LBB2_70:
0x647: {  	v7 =	vld [tilespmem:s6+$0x10];
	s5 =	sadd.s32 $0x40, s5;
	v8 =	vmov v4  }
0x648: {  	v4 =	vld [tilespmem:s6+$0xFFFFFFF0];
	p0 =	slt.u32 s5, $0xFC0  }
0x649: {  	v9 =	vld [tilespmem:s6+$0x0]  }
0x64a: {  	s1 =	sadd.s32 $0x40, s1;
	v10 =	vld [tilespmem:s6+$0xFFFFFFE0]  }
0x64b: {  	[tilespmem:s1+$0x0] =	vst.add.f32.msk $0xffff, v6  }
0x64c: {  	v6 =	vmin.u32 v7, $0xC380;
	v7 =	vld.idx.msk [tilespmem:v5+s0+$0x0], $0xffff  }
0x64d: {  	v11 =	vmin.u32 v4, $0xC380;
	v4 =	vld.idx.msk [tilespmem:v1+s0+$0x0], $0xffff  }
.Ltmp34:
0x64e: {  	v1 =	vmin.u32 v9, $0xC380;
	[tilespmem:s2+$0xFFFFFFD0] =	vst.add.f32.msk $0xffff, v2;
	(pc) =	sbr.rel @p0 .LBB2_70-.Ltmp34, $4  }
0x64f: {  	v5 =	vmin.u32 v10, $0xC380;
	[tilespmem:s1+$0xFFFFFFE0] =	vst.add.f32.msk $0xffff, v3  }
0x650: {  	[tilespmem:s2+$0xFFFFFFF0] =	vst.add.f32.msk $0xffff, v8;
	s2 =	smov.u32 s1  }
0x651: {  	v6 =	vld.idx.msk [tilespmem:v6+s0+$0x0], $0xffff  }
0x652: {  	s6 =	sadd.s32 $0x40, s6;
	v2 =	vmov v7;
	v3 =	vld.idx.msk [tilespmem:v11+s0+$0x0], $0xffff  }
0x653: {  	_ =	sdelay $0x3  }
0x654: {  	v5 =	vld.idx.msk [tilespmem:v5+s0+$0x0], $0xffff  }
0x655: {  	v1 =	vld.idx.msk [tilespmem:v1+s0+$0x0], $0xffff  }
0x656: {  	[tilespmem:s2+$0xFFFFFFD0] =	vst.add.f32.msk $0xffff, v2  }
0x657: {  	s1 =	sadd.s32 $0x40, s1;
	[tilespmem:s2+$0xFFFFFFF0] =	vst.add.f32.msk $0xffff, v4  }
0x658: {  	[tilespmem:s1+$0x0] =	vst.add.f32.msk $0xffff, v6  }
0x659: {  	[tilespmem:s1+$0xFFFFFFE0] =	vst.add.f32.msk $0xffff, v3  }
0x65a: {  	[tilespmem:s1+$0xFFFFFFD0] =	vst.add.f32.msk $0xffff, v5  }
0x65b: {  	[tilespmem:s1+$0xFFFFFFF0] =	vst.add.f32.msk $0xffff, v1  }
0x65c: {  	s1 =	rddreg [dreg:$0x18]  }
0x65d: {  	[tilespmem:s17], [sflag:$0x5] =	stream.strided.gather [hbm4b:s1+s30], $0x1000, s31, s30, $0x38;
	[tilespmem:$0x1F780] =	vst v63  }
0x65e: {  	_ =	swait.ge [sflag:s19], $0x1000  }
0x65f: {  	[sflag:s19] =	ssyncset.done $0x0  }
0x660: {  	s28 =	simm.s32 $0x20;
	[sflag:s19] =	ssyncadd.s32 $0xFFFFF000  }
0x661: {  	v1 =	vld [tilespmem:s28+$0x10]  }
0x662: {  	v2 =	vld [tilespmem:s28+$0x0]  }
0x663: {  	v3 =	vld [tilespmem:s28+$0xFFFFFFF0]  }
0x664: {  	v4 =	vld [tilespmem:s28+$0xFFFFFFE0];
	_ =	sdelay $0x1  }
0x665: {  	v1 =	vmin.u32 v1, $0xC380  }
0x666: {  	v2 =	vmin.u32 v2, $0xC380  }
0x667: {  	s9 =	simm.s32 $0x60;
	v3 =	vmin.u32 v3, $0xC380  }
0x668: {  	v7 =	vld [tilespmem:s9+$0x10];
	v4 =	vmin.u32 v4, $0xC380  }
0x669: {  	v8 =	vld [tilespmem:s9+$0x0]  }
0x66a: {  	v5 =	vld.idx.msk [tilespmem:v1+s0+$0x0], $0xffff  }
0x66b: {  	v6 =	vld.idx.msk [tilespmem:v2+s0+$0x0], $0xffff  }
0x66c: {  	v9 =	vld.idx.msk [tilespmem:v3+s0+$0x0], $0xffff  }
0x66d: {  	v1 =	vld.idx.msk [tilespmem:v4+s0+$0x0], $0xffff  }
0x66e: {  	v3 =	vld [tilespmem:s9+$0xFFFFFFF0]  }
0x66f: {  	s1 =	simm.s32 $0x1C7B0;
	v2 =	vld [tilespmem:s9+$0xFFFFFFE0];
	v4 =	vmin.u32 v7, $0xC380  }
0x670: {  	[tilespmem:s1+$0x0] =	vst.add.f32.msk $0xffff, v5;
	v5 =	vmin.u32 v8, $0xC380  }
0x671: {  	s29 =	simm.s32 $0x0;
	[tilespmem:s1+$0xFFFFFFF0] =	vst.add.f32.msk $0xffff, v6  }
0x672: {  	s5 =	simm.s32 $0x40;
	s2 =	simm.s32 $0x40;
	s6 =	sand.u32 $0xFC0, s29;
	[tilespmem:s1+$0xFFFFFFE0] =	vst.add.f32.msk $0xffff, v9  }
.LBB2_72:
0x673: {  	s5 =	sadd.s32 $0x40, s5;
	v3 =	vmin.u32 v3, $0xC380;
	[tilespmem:s6+$0x1C780] =	vst.add.f32.msk $0xffff, v1;
	s1 =	sadd.s32 $0x40, s1  }
0x674: {  	p0 =	slt.u32 s5, $0xFC0;
	v1 =	vmin.u32 v2, $0xC380;
	v6 =	vld.idx.msk [tilespmem:v4+s0+$0x0], $0xffff  }
0x675: {  	s9 =	sadd.s32 $0x40, s9;
	v7 =	vld.idx.msk [tilespmem:v5+s0+$0x0], $0xffff  }
0x676: {  	v4 =	vld [tilespmem:s9+$0x10]  }
0x677: {  	v5 =	vld [tilespmem:s9+$0x0]  }
0x678: {  	v8 =	vld.idx.msk [tilespmem:v3+s0+$0x0], $0xffff  }
0x679: {  	v1 =	vld.idx.msk [tilespmem:v1+s0+$0x0], $0xffff  }
.Ltmp35:
0x67a: {  	v3 =	vld [tilespmem:s9+$0xFFFFFFF0];
	(pc) =	sbr.rel @p0 .LBB2_72-.Ltmp35, $4  }
0x67b: {  	v2 =	vld [tilespmem:s9+$0xFFFFFFE0];
	v4 =	vmin.u32 v4, $0xC380  }
0x67c: {  	v5 =	vmin.u32 v5, $0xC380;
	[tilespmem:s1+$0xFFFFFFF0] =	vst.add.f32.msk $0xffff, v7  }
0x67d: {  	[tilespmem:s1+$0x0] =	vst.add.f32.msk $0xffff, v6  }
0x67e: {  	s6 =	sand.u32 $0xFC0, s2;
	s2 =	smov.u32 s5;
	[tilespmem:s1+$0xFFFFFFE0] =	vst.add.f32.msk $0xffff, v8  }
0x67f: {  	_ = 	snop  }
0x680: {  	v3 =	vmin.u32 v3, $0xC380  }
0x681: {  	v2 =	vmin.u32 v2, $0xC380;
	_ =	sdelay $0x1  }
0x682: {  	v5 =	vld.idx.msk [tilespmem:v5+s0+$0x0], $0xffff  }
0x683: {  	v4 =	vld.idx.msk [tilespmem:v4+s0+$0x0], $0xffff  }
0x684: {  	v3 =	vld.idx.msk [tilespmem:v3+s0+$0x0], $0xffff  }
0x685: {  	v2 =	vld.idx.msk [tilespmem:v2+s0+$0x0], $0xffff  }
0x686: {  	[tilespmem:s6+$0x1C780] =	vst.add.f32.msk $0xffff, v1;
	s1 =	sadd.s32 $0x40, s1  }
0x687: {  	[tilespmem:s1+$0xFFFFFFF0] =	vst.add.f32.msk $0xffff, v5  }
0x688: {  	[tilespmem:s1+$0x0] =	vst.add.f32.msk $0xffff, v4  }
0x689: {  	s2 =	sand.u32 $0xFC0, s2;
	[tilespmem:s1+$0xFFFFFFE0] =	vst.add.f32.msk $0xffff, v3  }
0x68a: {  	[tilespmem:s2+$0x1C780] =	vst.add.f32.msk $0xffff, v2  }
0x68b: {  	[tilespmem:s4], [sflag:$0x3] =	stream.strided.gather [hbm4b:s16+s30], $0x1000, s31, s30, $0x38;
	[tilespmem:$0x1F780] =	vst v63  }
0x68c: {  	_ =	swait.ge [sflag:s20], $0x1000  }
0x68d: {  	[sflag:s20] =	ssyncset.done $0x0  }
0x68e: {  	s28 =	simm.s32 $0x1020;
	[sflag:s20] =	ssyncadd.s32 $0xFFFFF000  }
0x68f: {  	v1 =	vld [tilespmem:s28+$0x10]  }
0x690: {  	v2 =	vld [tilespmem:s28+$0x0]  }
0x691: {  	v3 =	vld [tilespmem:s28+$0xFFFFFFF0]  }
0x692: {  	v4 =	vld [tilespmem:s28+$0xFFFFFFE0];
	_ =	sdelay $0x1  }
0x693: {  	v1 =	vmin.u32 v1, $0xC380  }
0x694: {  	v2 =	vmin.u32 v2, $0xC380  }
0x695: {  	s9 =	simm.s32 $0x1060;
	v3 =	vmin.u32 v3, $0xC380  }
0x696: {  	v7 =	vld [tilespmem:s9+$0x10];
	v4 =	vmin.u32 v4, $0xC380  }
0x697: {  	v8 =	vld [tilespmem:s9+$0x0]  }
0x698: {  	v5 =	vld.idx.msk [tilespmem:v1+s0+$0x0], $0xffff  }
0x699: {  	v6 =	vld.idx.msk [tilespmem:v2+s0+$0x0], $0xffff  }
0x69a: {  	v9 =	vld.idx.msk [tilespmem:v3+s0+$0x0], $0xffff  }
0x69b: {  	v1 =	vld.idx.msk [tilespmem:v4+s0+$0x0], $0xffff  }
0x69c: {  	v3 =	vld [tilespmem:s9+$0xFFFFFFF0]  }
0x69d: {  	s1 =	simm.s32 $0x1D7B0;
	v2 =	vld [tilespmem:s9+$0xFFFFFFE0];
	v4 =	vmin.u32 v7, $0xC380  }
0x69e: {  	[tilespmem:s1+$0x0] =	vst.add.f32.msk $0xffff, v5;
	v5 =	vmin.u32 v8, $0xC380  }
0x69f: {  	s29 =	simm.s32 $0x0;
	[tilespmem:s1+$0xFFFFFFF0] =	vst.add.f32.msk $0xffff, v6  }
0x6a0: {  	s5 =	simm.s32 $0x40;
	s6 =	sand.u32 $0xFC0, s29;
	s2 =	simm.s32 $0x40;
	[tilespmem:s1+$0xFFFFFFE0] =	vst.add.f32.msk $0xffff, v9  }
.LBB2_74:
0x6a1: {  	s5 =	sadd.s32 $0x40, s5;
	v3 =	vmin.u32 v3, $0xC380;
	[tilespmem:s6+$0x1D780] =	vst.add.f32.msk $0xffff, v1;
	s1 =	sadd.s32 $0x40, s1  }
0x6a2: {  	p0 =	slt.u32 s5, $0xFC0;
	v1 =	vmin.u32 v2, $0xC380;
	v6 =	vld.idx.msk [tilespmem:v4+s0+$0x0], $0xffff  }
0x6a3: {  	s9 =	sadd.s32 $0x40, s9;
	v7 =	vld.idx.msk [tilespmem:v5+s0+$0x0], $0xffff  }
0x6a4: {  	v4 =	vld [tilespmem:s9+$0x10]  }
0x6a5: {  	v5 =	vld [tilespmem:s9+$0x0]  }
0x6a6: {  	v8 =	vld.idx.msk [tilespmem:v3+s0+$0x0], $0xffff  }
0x6a7: {  	v1 =	vld.idx.msk [tilespmem:v1+s0+$0x0], $0xffff  }
.Ltmp36:
0x6a8: {  	v3 =	vld [tilespmem:s9+$0xFFFFFFF0];
	(pc) =	sbr.rel @p0 .LBB2_74-.Ltmp36, $4  }
0x6a9: {  	v2 =	vld [tilespmem:s9+$0xFFFFFFE0];
	v4 =	vmin.u32 v4, $0xC380  }
0x6aa: {  	v5 =	vmin.u32 v5, $0xC380;
	[tilespmem:s1+$0xFFFFFFF0] =	vst.add.f32.msk $0xffff, v7  }
0x6ab: {  	[tilespmem:s1+$0x0] =	vst.add.f32.msk $0xffff, v6  }
0x6ac: {  	s6 =	sand.u32 $0xFC0, s2;
	s2 =	smov.u32 s5;
	[tilespmem:s1+$0xFFFFFFE0] =	vst.add.f32.msk $0xffff, v8  }
0x6ad: {  	_ = 	snop  }
0x6ae: {  	v3 =	vmin.u32 v3, $0xC380  }
0x6af: {  	v2 =	vmin.u32 v2, $0xC380;
	_ =	sdelay $0x1  }
0x6b0: {  	v5 =	vld.idx.msk [tilespmem:v5+s0+$0x0], $0xffff  }
0x6b1: {  	v4 =	vld.idx.msk [tilespmem:v4+s0+$0x0], $0xffff  }
0x6b2: {  	v3 =	vld.idx.msk [tilespmem:v3+s0+$0x0], $0xffff  }
0x6b3: {  	v2 =	vld.idx.msk [tilespmem:v2+s0+$0x0], $0xffff  }
0x6b4: {  	[tilespmem:s6+$0x1D780] =	vst.add.f32.msk $0xffff, v1;
	s1 =	sadd.s32 $0x40, s1  }
0x6b5: {  	[tilespmem:s1+$0xFFFFFFF0] =	vst.add.f32.msk $0xffff, v5  }
0x6b6: {  	[tilespmem:s1+$0x0] =	vst.add.f32.msk $0xffff, v4  }
0x6b7: {  	s2 =	sand.u32 $0xFC0, s2;
	[tilespmem:s1+$0xFFFFFFE0] =	vst.add.f32.msk $0xffff, v3  }
0x6b8: {  	[tilespmem:s2+$0x1D780] =	vst.add.f32.msk $0xffff, v2  }
0x6b9: {  	[tilespmem:s10], [sflag:$0x4] =	stream.strided.gather [hbm4b:s23+s30], $0x1000, s31, s30, $0x38;
	[tilespmem:$0x1F780] =	vst v63  }
0x6ba: {  	_ =	swait.ge [sflag:s22], $0x1000  }
0x6bb: {  	[sflag:s22] =	ssyncset.done $0x0  }
0x6bc: {  	s28 =	simm.s32 $0x2020;
	[sflag:s22] =	ssyncadd.s32 $0xFFFFF000  }
0x6bd: {  	v1 =	vld [tilespmem:s28+$0x10]  }
0x6be: {  	v2 =	vld [tilespmem:s28+$0x0]  }
0x6bf: {  	v3 =	vld [tilespmem:s28+$0xFFFFFFF0]  }
0x6c0: {  	v4 =	vld [tilespmem:s28+$0xFFFFFFE0];
	_ =	sdelay $0x1  }
0x6c1: {  	v1 =	vmin.u32 v1, $0xC380  }
0x6c2: {  	v2 =	vmin.u32 v2, $0xC380  }
0x6c3: {  	s9 =	simm.s32 $0x2060;
	v3 =	vmin.u32 v3, $0xC380  }
0x6c4: {  	v7 =	vld [tilespmem:s9+$0x10];
	v4 =	vmin.u32 v4, $0xC380  }
0x6c5: {  	v8 =	vld [tilespmem:s9+$0x0]  }
0x6c6: {  	v5 =	vld.idx.msk [tilespmem:v1+s0+$0x0], $0xffff  }
0x6c7: {  	v6 =	vld.idx.msk [tilespmem:v2+s0+$0x0], $0xffff  }
0x6c8: {  	v9 =	vld.idx.msk [tilespmem:v3+s0+$0x0], $0xffff  }
0x6c9: {  	v1 =	vld.idx.msk [tilespmem:v4+s0+$0x0], $0xffff  }
0x6ca: {  	v3 =	vld [tilespmem:s9+$0xFFFFFFF0]  }
0x6cb: {  	s1 =	simm.s32 $0x1E7B0;
	v2 =	vld [tilespmem:s9+$0xFFFFFFE0];
	v4 =	vmin.u32 v7, $0xC380  }
0x6cc: {  	[tilespmem:s1+$0x0] =	vst.add.f32.msk $0xffff, v5;
	v5 =	vmin.u32 v8, $0xC380  }
0x6cd: {  	s29 =	simm.s32 $0x0;
	[tilespmem:s1+$0xFFFFFFF0] =	vst.add.f32.msk $0xffff, v6  }
0x6ce: {  	s5 =	simm.s32 $0x40;
	s6 =	sand.u32 $0xFC0, s29;
	s2 =	simm.s32 $0x40;
	[tilespmem:s1+$0xFFFFFFE0] =	vst.add.f32.msk $0xffff, v9  }
.LBB2_76:
0x6cf: {  	s5 =	sadd.s32 $0x40, s5;
	v3 =	vmin.u32 v3, $0xC380;
	[tilespmem:s6+$0x1E780] =	vst.add.f32.msk $0xffff, v1;
	s1 =	sadd.s32 $0x40, s1  }
0x6d0: {  	p0 =	slt.u32 s5, $0xFC0;
	v1 =	vmin.u32 v2, $0xC380;
	v6 =	vld.idx.msk [tilespmem:v4+s0+$0x0], $0xffff  }
0x6d1: {  	s9 =	sadd.s32 $0x40, s9;
	v7 =	vld.idx.msk [tilespmem:v5+s0+$0x0], $0xffff  }
0x6d2: {  	v4 =	vld [tilespmem:s9+$0x10]  }
0x6d3: {  	v5 =	vld [tilespmem:s9+$0x0]  }
0x6d4: {  	v8 =	vld.idx.msk [tilespmem:v3+s0+$0x0], $0xffff  }
0x6d5: {  	v1 =	vld.idx.msk [tilespmem:v1+s0+$0x0], $0xffff  }
.Ltmp37:
0x6d6: {  	v3 =	vld [tilespmem:s9+$0xFFFFFFF0];
	(pc) =	sbr.rel @p0 .LBB2_76-.Ltmp37, $4  }
0x6d7: {  	v2 =	vld [tilespmem:s9+$0xFFFFFFE0];
	v4 =	vmin.u32 v4, $0xC380  }
0x6d8: {  	v5 =	vmin.u32 v5, $0xC380;
	[tilespmem:s1+$0xFFFFFFF0] =	vst.add.f32.msk $0xffff, v7  }
0x6d9: {  	[tilespmem:s1+$0x0] =	vst.add.f32.msk $0xffff, v6  }
0x6da: {  	s6 =	sand.u32 $0xFC0, s2;
	s2 =	smov.u32 s5;
	[tilespmem:s1+$0xFFFFFFE0] =	vst.add.f32.msk $0xffff, v8  }
0x6db: {  	_ = 	snop  }
0x6dc: {  	v3 =	vmin.u32 v3, $0xC380  }
0x6dd: {  	v2 =	vmin.u32 v2, $0xC380;
	_ =	sdelay $0x1  }
0x6de: {  	v5 =	vld.idx.msk [tilespmem:v5+s0+$0x0], $0xffff  }
0x6df: {  	v4 =	vld.idx.msk [tilespmem:v4+s0+$0x0], $0xffff  }
0x6e0: {  	v3 =	vld.idx.msk [tilespmem:v3+s0+$0x0], $0xffff  }
0x6e1: {  	v2 =	vld.idx.msk [tilespmem:v2+s0+$0x0], $0xffff  }
0x6e2: {  	[tilespmem:s6+$0x1E780] =	vst.add.f32.msk $0xffff, v1;
	s1 =	sadd.s32 $0x40, s1  }
0x6e3: {  	[tilespmem:s1+$0xFFFFFFF0] =	vst.add.f32.msk $0xffff, v5  }
0x6e4: {  	[tilespmem:s1+$0x0] =	vst.add.f32.msk $0xffff, v4  }
0x6e5: {  	s2 =	sand.u32 $0xFC0, s2;
	[tilespmem:s1+$0xFFFFFFE0] =	vst.add.f32.msk $0xffff, v3  }
0x6e6: {  	[tilespmem:s2+$0x1E780] =	vst.add.f32.msk $0xffff, v2  }
0x6e7: {  	s1 =	rddreg [dreg:$0x16]  }
0x6e8: {  	[tilespmem:s17], [sflag:$0x5] =	stream.strided.gather [hbm4b:s1+s30], $0x1000, s31, s30, $0x38;
	[tilespmem:$0x1F780] =	vst v63  }
0x6e9: {  	_ =	swait.ge [sflag:s24], $0xC300  }
0x6ea: {  	[sflag:s24] =	ssyncset.done $0x0  }
0x6eb: {  	[sflag:s24] =	ssyncadd.s32 $0xFFFF3D00  }
0x6ec: {  	_ =	swait.ge [sflag:s24], $0x80  }
0x6ed: {  	[sflag:s24] =	ssyncset.done $0x0  }
0x6ee: {  	[sflag:s24] =	ssyncadd.s32 $0xFFFFFF80  }
0x6ef: {  	_ =	swait.ge [sflag:s19], $0x1000  }
0x6f0: {  	[sflag:s19] =	ssyncset.done $0x0  }
0x6f1: {  	s28 =	simm.s32 $0x20;
	[sflag:s19] =	ssyncadd.s32 $0xFFFFF000  }
0x6f2: {  	v1 =	vld [tilespmem:s28+$0x10]  }
0x6f3: {  	v2 =	vld [tilespmem:s28+$0xFFFFFFE0];
	_ =	sdelay $0x1  }
0x6f4: {  	v3 =	vld [tilespmem:s28+$0xFFFFFFF0]  }
0x6f5: {  	v4 =	vld [tilespmem:s28+$0x0]  }
0x6f6: {  	v1 =	vadd.s32 $0xFFFF3C80, v1  }
0x6f7: {  	s29 =	simm.s32 $0x60;
	v2 =	vadd.s32 $0xFFFF3C80, v2;
	v1 =	vmin.u32 v1, $0xC320  }
0x6f8: {  	v5 =	vld [tilespmem:s29+$0x10];
	v2 =	vmin.u32 v2, $0xC320  }
0x6f9: {  	v6 =	vld [tilespmem:s29+$0xFFFFFFF0];
	v3 =	vadd.s32 $0xFFFF3C80, v3  }
0x6fa: {  	v7 =	vld [tilespmem:s29+$0x0];
	v4 =	vadd.s32 $0xFFFF3C80, v4;
	v3 =	vmin.u32 v3, $0xC320  }
0x6fb: {  	v8 =	vld [tilespmem:s29+$0xFFFFFFE0];
	v4 =	vmin.u32 v4, $0xC320  }
0x6fc: {  	v1 =	vld.idx.msk [tilespmem:v1+s3+$0x0], $0xffff  }
0x6fd: {  	v5 =	vadd.s32 $0xFFFF3C80, v5;
	v2 =	vld.idx.msk [tilespmem:v2+s3+$0x0], $0xffff  }
0x6fe: {  	v9 =	vmin.u32 v5, $0xC320  }
0x6ff: {  	v3 =	vld.idx.msk [tilespmem:v3+s3+$0x0], $0xffff  }
0x700: {  	s1 =	simm.s32 $0x1B7B0;
	v4 =	vld.idx.msk [tilespmem:v4+s3+$0x0], $0xffff  }
0x701: {  	[tilespmem:s1+$0x0] =	vst.add.f32.msk $0xffff, v1  }
0x702: {  	v5 =	vadd.s32 $0xFFFF3C80, v7;
	v1 =	vadd.s32 $0xFFFF3C80, v6;
	v6 =	vadd.s32 $0xFFFF3C80, v8;
	[tilespmem:s1+$0xFFFFFFD0] =	vst.add.f32.msk $0xffff, v2  }
0x703: {  	s5 =	simm.s32 $0x40;
	s6 =	simm.s32 $0xA0;
	s2 =	simm.s32 $0x1B7B0;
	v2 =	vmin.u32 v5, $0xC320;
	v1 =	vmin.u32 v1, $0xC320;
	v5 =	vmin.u32 v6, $0xC320;
	v6 =	vld.idx.msk [tilespmem:v9+s3+$0x0], $0xffff  }
.LBB2_78:
0x704: {  	v7 =	vld [tilespmem:s6+$0x10];
	s5 =	sadd.s32 $0x40, s5;
	v8 =	vmov v3  }
0x705: {  	v9 =	vmov v4;
	v3 =	vld [tilespmem:s6+$0xFFFFFFF0];
	p0 =	slt.u32 s5, $0xFC0  }
0x706: {  	v4 =	vld [tilespmem:s6+$0x0]  }
0x707: {  	v10 =	vld [tilespmem:s6+$0xFFFFFFE0]  }
0x708: {  	s1 =	sadd.s32 $0x40, s1;
	v11 =	vld.idx.msk [tilespmem:v5+s3+$0x0], $0xffff  }
0x709: {  	v5 =	vadd.s32 $0xFFFF3C80, v7;
	[tilespmem:s1+$0x0] =	vst.add.f32.msk $0xffff, v6  }
0x70a: {  	v6 =	vadd.s32 $0xFFFF3C80, v3;
	v7 =	vmin.u32 v5, $0xC320;
	v3 =	vld.idx.msk [tilespmem:v1+s3+$0x0], $0xffff  }
.Ltmp38:
0x70b: {  	v1 =	vmin.u32 v6, $0xC320;
	v5 =	vadd.s32 $0xFFFF3C80, v4;
	v4 =	vld.idx.msk [tilespmem:v2+s3+$0x0], $0xffff;
	(pc) =	sbr.rel @p0 .LBB2_78-.Ltmp38, $4  }
0x70c: {  	v6 =	vadd.s32 $0xFFFF3C80, v10;
	v2 =	vmin.u32 v5, $0xC320;
	[tilespmem:s2+$0xFFFFFFE0] =	vst.add.f32.msk $0xffff, v8  }
0x70d: {  	v5 =	vmin.u32 v6, $0xC320;
	[tilespmem:s2+$0xFFFFFFF0] =	vst.add.f32.msk $0xffff, v9;
	s2 =	smov.u32 s1  }
0x70e: {  	[tilespmem:s1+$0xFFFFFFD0] =	vst.add.f32.msk $0xffff, v11  }
0x70f: {  	s6 =	sadd.s32 $0x40, s6;
	v6 =	vld.idx.msk [tilespmem:v7+s3+$0x0], $0xffff  }
0x710: {  	_ =	sdelay $0x3  }
0x711: {  	v5 =	vld.idx.msk [tilespmem:v5+s3+$0x0], $0xffff  }
0x712: {  	v1 =	vld.idx.msk [tilespmem:v1+s3+$0x0], $0xffff  }
0x713: {  	v2 =	vld.idx.msk [tilespmem:v2+s3+$0x0], $0xffff  }
0x714: {  	[tilespmem:s2+$0xFFFFFFE0] =	vst.add.f32.msk $0xffff, v3  }
0x715: {  	s1 =	sadd.s32 $0x40, s1;
	[tilespmem:s2+$0xFFFFFFF0] =	vst.add.f32.msk $0xffff, v4  }
0x716: {  	[tilespmem:s1+$0x0] =	vst.add.f32.msk $0xffff, v6  }
0x717: {  	[tilespmem:s1+$0xFFFFFFD0] =	vst.add.f32.msk $0xffff, v5  }
0x718: {  	[tilespmem:s1+$0xFFFFFFE0] =	vst.add.f32.msk $0xffff, v1  }
0x719: {  	[tilespmem:s1+$0xFFFFFFF0] =	vst.add.f32.msk $0xffff, v2  }
0x71a: {  	s1 =	rddreg [dreg:$0x18]  }
0x71b: {  	[tilespmem:s4], [sflag:$0x3] =	stream.strided.gather [hbm4b:s1+s30], $0x1000, s31, s30, $0x38;
	[tilespmem:$0x1F780] =	vst v63  }
0x71c: {  	_ =	swait.ge [sflag:s20], $0x1000  }
0x71d: {  	[sflag:s20] =	ssyncset.done $0x0  }
0x71e: {  	s28 =	simm.s32 $0x1020;
	[sflag:s20] =	ssyncadd.s32 $0xFFFFF000  }
0x71f: {  	v1 =	vld [tilespmem:s28+$0x0]  }
0x720: {  	v2 =	vld [tilespmem:s28+$0xFFFFFFF0]  }
0x721: {  	v3 =	vld [tilespmem:s28+$0xFFFFFFE0]  }
0x722: {  	v4 =	vld [tilespmem:s28+$0x10];
	_ =	sdelay $0x1  }
0x723: {  	v1 =	vadd.s32 $0xFFFF3C80, v1  }
0x724: {  	s29 =	simm.s32 $0x1060;
	v2 =	vadd.s32 $0xFFFF3C80, v2;
	v1 =	vmin.u32 v1, $0xC320  }
0x725: {  	v7 =	vld [tilespmem:s29+$0x0];
	v3 =	vadd.s32 $0xFFFF3C80, v3;
	v5 =	vmin.u32 v2, $0xC320  }
0x726: {  	v8 =	vld [tilespmem:s29+$0xFFFFFFF0];
	v9 =	vmin.u32 v3, $0xC320;
	v3 =	vadd.s32 $0xFFFF3C80, v4  }
0x727: {  	v2 =	vld [tilespmem:s29+$0xFFFFFFE0];
	v10 =	vmin.u32 v3, $0xC320  }
0x728: {  	v3 =	vld [tilespmem:s29+$0x10]  }
0x729: {  	v6 =	vld.idx.msk [tilespmem:v1+s3+$0x0], $0xffff  }
0x72a: {  	v5 =	vld.idx.msk [tilespmem:v5+s3+$0x0], $0xffff  }
0x72b: {  	s11 =	simm.s32 $0x1C7B0;
	s9 =	simm.s32 $0x0;
	s5 =	simm.s32 $0x40;
	v4 =	vadd.s32 $0xFFFF3C80, v7;
	v1 =	vld.idx.msk [tilespmem:v9+s3+$0x0], $0xffff  }
0x72c: {  	s6 =	simm.s32 $0x10A0;
	s2 =	simm.s32 $0x1C7B0;
	s1 =	simm.s32 $0x40;
	v8 =	vadd.s32 $0xFFFF3C80, v8;
	v4 =	vmin.u32 v4, $0xC320;
	v7 =	vld.idx.msk [tilespmem:v10+s3+$0x0], $0xffff  }
.LBB2_80:
0x72d: {  	s5 =	sadd.s32 $0x40, s5;
	v9 =	vld [tilespmem:s6+$0x0];
	v2 =	vadd.s32 $0xFFFF3C80, v2;
	v8 =	vmin.u32 v8, $0xC320;
	s11 =	sadd.s32 $0x40, s11  }
0x72e: {  	v10 =	vld [tilespmem:s6+$0xFFFFFFF0];
	p0 =	slt.u32 s5, $0xFC0;
	v11 =	vmin.u32 v2, $0xC320  }
0x72f: {  	v2 =	vld [tilespmem:s6+$0xFFFFFFE0]  }
0x730: {  	[tilespmem:s2+$0xFFFFFFF0] =	vst.add.f32.msk $0xffff, v6  }
0x731: {  	s7 =	sand.u32 $0xFC0, s9;
	s9 =	smov.u32 s1;
	s1 =	smov.u32 s5;
	[tilespmem:s2+$0xFFFFFFE0] =	vst.add.f32.msk $0xffff, v5  }
0x732: {  	v3 =	vadd.s32 $0xFFFF3C80, v3;
	[tilespmem:s2+$0x0] =	vst.add.f32.msk $0xffff, v7;
	s2 =	smov.u32 s11  }
0x733: {  	v7 =	vmin.u32 v3, $0xC320;
	[tilespmem:s7+$0x1C780] =	vst.add.f32.msk $0xffff, v1  }
.Ltmp39:
0x734: {  	v3 =	vld [tilespmem:s6+$0x10];
	(pc) =	sbr.rel @p0 .LBB2_80-.Ltmp39, $4  }
0x735: {  	v6 =	vld.idx.msk [tilespmem:v4+s3+$0x0], $0xffff  }
0x736: {  	v5 =	vld.idx.msk [tilespmem:v8+s3+$0x0], $0xffff  }
0x737: {  	v4 =	vadd.s32 $0xFFFF3C80, v9;
	v1 =	vld.idx.msk [tilespmem:v11+s3+$0x0], $0xffff  }
0x738: {  	s6 =	sadd.s32 $0x40, s6;
	v8 =	vadd.s32 $0xFFFF3C80, v10;
	v4 =	vmin.u32 v4, $0xC320;
	v7 =	vld.idx.msk [tilespmem:v7+s3+$0x0], $0xffff  }
0x739: {  	_ =	sdelay $0x2  }
0x73a: {  	v8 =	vmin.u32 v8, $0xC320;
	v3 =	vadd.s32 $0xFFFF3C80, v3  }
0x73b: {  	v2 =	vadd.s32 $0xFFFF3C80, v2;
	v4 =	vld.idx.msk [tilespmem:v4+s3+$0x0], $0xffff;
	v3 =	vmin.u32 v3, $0xC320  }
0x73c: {  	[tilespmem:s2+$0xFFFFFFF0] =	vst.add.f32.msk $0xffff, v6;
	v2 =	vmin.u32 v2, $0xC320  }
0x73d: {  	s26 =	sand.u32 $0xFC0, s9;
	[tilespmem:s2+$0xFFFFFFE0] =	vst.add.f32.msk $0xffff, v5  }
0x73e: {  	[tilespmem:s26+$0x1C780] =	vst.add.f32.msk $0xffff, v1  }
0x73f: {  	v5 =	vld.idx.msk [tilespmem:v8+s3+$0x0], $0xffff  }
0x740: {  	v3 =	vld.idx.msk [tilespmem:v3+s3+$0x0], $0xffff  }
0x741: {  	v2 =	vld.idx.msk [tilespmem:v2+s3+$0x0], $0xffff  }
0x742: {  	s5 =	sadd.s32 $0x40, s11;
	[tilespmem:s2+$0x0] =	vst.add.f32.msk $0xffff, v7  }
0x743: {  	[tilespmem:s5+$0xFFFFFFF0] =	vst.add.f32.msk $0xffff, v4  }
0x744: {  	[tilespmem:s5+$0xFFFFFFE0] =	vst.add.f32.msk $0xffff, v5  }
0x745: {  	s1 =	sand.u32 $0xFC0, s1;
	[tilespmem:s5+$0x0] =	vst.add.f32.msk $0xffff, v3  }
0x746: {  	[tilespmem:s1+$0x1C780] =	vst.add.f32.msk $0xffff, v2  }
0x747: {  	_ =	swait.ge [sflag:s22], $0x1000  }
0x748: {  	[sflag:s22] =	ssyncset.done $0x0  }
0x749: {  	s28 =	simm.s32 $0x2020;
	[sflag:s22] =	ssyncadd.s32 $0xFFFFF000  }
0x74a: {  	v1 =	vld [tilespmem:s28+$0x0]  }
0x74b: {  	v2 =	vld [tilespmem:s28+$0xFFFFFFF0]  }
0x74c: {  	v3 =	vld [tilespmem:s28+$0xFFFFFFE0]  }
0x74d: {  	v4 =	vld [tilespmem:s28+$0x10];
	_ =	sdelay $0x1  }
0x74e: {  	v1 =	vadd.s32 $0xFFFF3C80, v1  }
0x74f: {  	s29 =	simm.s32 $0x2060;
	v2 =	vadd.s32 $0xFFFF3C80, v2;
	v1 =	vmin.u32 v1, $0xC320  }
0x750: {  	v7 =	vld [tilespmem:s29+$0x0];
	v3 =	vadd.s32 $0xFFFF3C80, v3;
	v5 =	vmin.u32 v2, $0xC320  }
0x751: {  	v8 =	vld [tilespmem:s29+$0xFFFFFFF0];
	v9 =	vmin.u32 v3, $0xC320;
	v3 =	vadd.s32 $0xFFFF3C80, v4  }
0x752: {  	v2 =	vld [tilespmem:s29+$0xFFFFFFE0];
	v10 =	vmin.u32 v3, $0xC320  }
0x753: {  	v3 =	vld [tilespmem:s29+$0x10]  }
0x754: {  	v6 =	vld.idx.msk [tilespmem:v1+s3+$0x0], $0xffff  }
0x755: {  	v5 =	vld.idx.msk [tilespmem:v5+s3+$0x0], $0xffff  }
0x756: {  	s11 =	simm.s32 $0x1D7B0;
	s9 =	simm.s32 $0x0;
	s6 =	simm.s32 $0x20A0;
	v4 =	vadd.s32 $0xFFFF3C80, v7;
	v1 =	vld.idx.msk [tilespmem:v9+s3+$0x0], $0xffff  }
0x757: {  	s2 =	simm.s32 $0x1D7B0;
	s5 =	simm.s32 $0x40;
	s1 =	simm.s32 $0x40;
	v8 =	vadd.s32 $0xFFFF3C80, v8;
	v4 =	vmin.u32 v4, $0xC320;
	v7 =	vld.idx.msk [tilespmem:v10+s3+$0x0], $0xffff  }
.LBB2_82:
0x758: {  	s5 =	sadd.s32 $0x40, s5;
	v9 =	vld [tilespmem:s6+$0x0];
	v2 =	vadd.s32 $0xFFFF3C80, v2;
	v8 =	vmin.u32 v8, $0xC320;
	s11 =	sadd.s32 $0x40, s11  }
0x759: {  	v10 =	vld [tilespmem:s6+$0xFFFFFFF0];
	p0 =	slt.u32 s5, $0xFC0;
	v11 =	vmin.u32 v2, $0xC320  }
0x75a: {  	v2 =	vld [tilespmem:s6+$0xFFFFFFE0]  }
0x75b: {  	[tilespmem:s2+$0xFFFFFFF0] =	vst.add.f32.msk $0xffff, v6  }
0x75c: {  	s7 =	sand.u32 $0xFC0, s9;
	s9 =	smov.u32 s1;
	s1 =	smov.u32 s5;
	[tilespmem:s2+$0xFFFFFFE0] =	vst.add.f32.msk $0xffff, v5  }
0x75d: {  	v3 =	vadd.s32 $0xFFFF3C80, v3;
	[tilespmem:s2+$0x0] =	vst.add.f32.msk $0xffff, v7;
	s2 =	smov.u32 s11  }
0x75e: {  	v7 =	vmin.u32 v3, $0xC320;
	[tilespmem:s7+$0x1D780] =	vst.add.f32.msk $0xffff, v1  }
.Ltmp40:
0x75f: {  	v3 =	vld [tilespmem:s6+$0x10];
	(pc) =	sbr.rel @p0 .LBB2_82-.Ltmp40, $4  }
0x760: {  	v6 =	vld.idx.msk [tilespmem:v4+s3+$0x0], $0xffff  }
0x761: {  	v5 =	vld.idx.msk [tilespmem:v8+s3+$0x0], $0xffff  }
0x762: {  	v4 =	vadd.s32 $0xFFFF3C80, v9;
	v1 =	vld.idx.msk [tilespmem:v11+s3+$0x0], $0xffff  }
0x763: {  	s6 =	sadd.s32 $0x40, s6;
	v8 =	vadd.s32 $0xFFFF3C80, v10;
	v4 =	vmin.u32 v4, $0xC320;
	v7 =	vld.idx.msk [tilespmem:v7+s3+$0x0], $0xffff  }
0x764: {  	_ =	sdelay $0x2  }
0x765: {  	v8 =	vmin.u32 v8, $0xC320;
	v3 =	vadd.s32 $0xFFFF3C80, v3  }
0x766: {  	v2 =	vadd.s32 $0xFFFF3C80, v2;
	v4 =	vld.idx.msk [tilespmem:v4+s3+$0x0], $0xffff;
	v3 =	vmin.u32 v3, $0xC320  }
0x767: {  	[tilespmem:s2+$0xFFFFFFF0] =	vst.add.f32.msk $0xffff, v6;
	v2 =	vmin.u32 v2, $0xC320  }
0x768: {  	s26 =	sand.u32 $0xFC0, s9;
	[tilespmem:s2+$0xFFFFFFE0] =	vst.add.f32.msk $0xffff, v5  }
0x769: {  	[tilespmem:s26+$0x1D780] =	vst.add.f32.msk $0xffff, v1  }
0x76a: {  	v5 =	vld.idx.msk [tilespmem:v8+s3+$0x0], $0xffff  }
0x76b: {  	v3 =	vld.idx.msk [tilespmem:v3+s3+$0x0], $0xffff  }
0x76c: {  	v2 =	vld.idx.msk [tilespmem:v2+s3+$0x0], $0xffff  }
0x76d: {  	s5 =	sadd.s32 $0x40, s11;
	[tilespmem:s2+$0x0] =	vst.add.f32.msk $0xffff, v7  }
0x76e: {  	[tilespmem:s5+$0xFFFFFFF0] =	vst.add.f32.msk $0xffff, v4  }
0x76f: {  	[tilespmem:s5+$0xFFFFFFE0] =	vst.add.f32.msk $0xffff, v5  }
0x770: {  	s1 =	sand.u32 $0xFC0, s1;
	[tilespmem:s5+$0x0] =	vst.add.f32.msk $0xffff, v3  }
0x771: {  	[tilespmem:s1+$0x1D780] =	vst.add.f32.msk $0xffff, v2  }
0x772: {  	_ =	swait.ge [sflag:s19], $0x1000  }
0x773: {  	[sflag:s19] =	ssyncset.done $0x0  }
0x774: {  	s28 =	simm.s32 $0x20;
	[sflag:s19] =	ssyncadd.s32 $0xFFFFF000  }
0x775: {  	v1 =	vld [tilespmem:s28+$0x0]  }
0x776: {  	v2 =	vld [tilespmem:s28+$0xFFFFFFF0]  }
0x777: {  	v3 =	vld [tilespmem:s28+$0xFFFFFFE0]  }
0x778: {  	v4 =	vld [tilespmem:s28+$0x10];
	_ =	sdelay $0x1  }
0x779: {  	v1 =	vadd.s32 $0xFFFF3C80, v1  }
0x77a: {  	s29 =	simm.s32 $0x60;
	v2 =	vadd.s32 $0xFFFF3C80, v2;
	v1 =	vmin.u32 v1, $0xC320  }
0x77b: {  	v7 =	vld [tilespmem:s29+$0x0];
	v3 =	vadd.s32 $0xFFFF3C80, v3;
	v5 =	vmin.u32 v2, $0xC320  }
0x77c: {  	v8 =	vld [tilespmem:s29+$0xFFFFFFF0];
	v9 =	vmin.u32 v3, $0xC320;
	v3 =	vadd.s32 $0xFFFF3C80, v4  }
0x77d: {  	v2 =	vld [tilespmem:s29+$0xFFFFFFE0];
	v10 =	vmin.u32 v3, $0xC320  }
0x77e: {  	v3 =	vld [tilespmem:s29+$0x10]  }
0x77f: {  	v6 =	vld.idx.msk [tilespmem:v1+s3+$0x0], $0xffff  }
0x780: {  	v5 =	vld.idx.msk [tilespmem:v5+s3+$0x0], $0xffff  }
0x781: {  	s11 =	simm.s32 $0x1E7B0;
	s9 =	simm.s32 $0x0;
	s6 =	simm.s32 $0xA0;
	v4 =	vadd.s32 $0xFFFF3C80, v7;
	v1 =	vld.idx.msk [tilespmem:v9+s3+$0x0], $0xffff  }
0x782: {  	s2 =	simm.s32 $0x1E7B0;
	s5 =	simm.s32 $0x40;
	s1 =	simm.s32 $0x40;
	v8 =	vadd.s32 $0xFFFF3C80, v8;
	v4 =	vmin.u32 v4, $0xC320;
	v7 =	vld.idx.msk [tilespmem:v10+s3+$0x0], $0xffff  }
.LBB2_84:
0x783: {  	s5 =	sadd.s32 $0x40, s5;
	v9 =	vld [tilespmem:s6+$0x0];
	v2 =	vadd.s32 $0xFFFF3C80, v2;
	v8 =	vmin.u32 v8, $0xC320;
	s11 =	sadd.s32 $0x40, s11  }
0x784: {  	v10 =	vld [tilespmem:s6+$0xFFFFFFF0];
	p0 =	slt.u32 s5, $0xFC0;
	v11 =	vmin.u32 v2, $0xC320  }
0x785: {  	v2 =	vld [tilespmem:s6+$0xFFFFFFE0]  }
0x786: {  	[tilespmem:s2+$0xFFFFFFF0] =	vst.add.f32.msk $0xffff, v6  }
0x787: {  	s7 =	sand.u32 $0xFC0, s9;
	s9 =	smov.u32 s1;
	s1 =	smov.u32 s5;
	[tilespmem:s2+$0xFFFFFFE0] =	vst.add.f32.msk $0xffff, v5  }
0x788: {  	v3 =	vadd.s32 $0xFFFF3C80, v3;
	[tilespmem:s2+$0x0] =	vst.add.f32.msk $0xffff, v7;
	s2 =	smov.u32 s11  }
0x789: {  	v7 =	vmin.u32 v3, $0xC320;
	[tilespmem:s7+$0x1E780] =	vst.add.f32.msk $0xffff, v1  }
.Ltmp41:
0x78a: {  	v3 =	vld [tilespmem:s6+$0x10];
	(pc) =	sbr.rel @p0 .LBB2_84-.Ltmp41, $4  }
0x78b: {  	v6 =	vld.idx.msk [tilespmem:v4+s3+$0x0], $0xffff  }
0x78c: {  	v5 =	vld.idx.msk [tilespmem:v8+s3+$0x0], $0xffff  }
0x78d: {  	v4 =	vadd.s32 $0xFFFF3C80, v9;
	v1 =	vld.idx.msk [tilespmem:v11+s3+$0x0], $0xffff  }
0x78e: {  	s6 =	sadd.s32 $0x40, s6;
	v8 =	vadd.s32 $0xFFFF3C80, v10;
	v4 =	vmin.u32 v4, $0xC320;
	v7 =	vld.idx.msk [tilespmem:v7+s3+$0x0], $0xffff  }
0x78f: {  	_ =	sdelay $0x2  }
0x790: {  	v8 =	vmin.u32 v8, $0xC320;
	v3 =	vadd.s32 $0xFFFF3C80, v3  }
0x791: {  	v2 =	vadd.s32 $0xFFFF3C80, v2;
	v4 =	vld.idx.msk [tilespmem:v4+s3+$0x0], $0xffff;
	v3 =	vmin.u32 v3, $0xC320  }
0x792: {  	[tilespmem:s2+$0xFFFFFFF0] =	vst.add.f32.msk $0xffff, v6;
	v2 =	vmin.u32 v2, $0xC320  }
0x793: {  	s28 =	sand.u32 $0xFC0, s9;
	[tilespmem:s2+$0xFFFFFFE0] =	vst.add.f32.msk $0xffff, v5  }
0x794: {  	[tilespmem:s28+$0x1E780] =	vst.add.f32.msk $0xffff, v1  }
0x795: {  	v5 =	vld.idx.msk [tilespmem:v8+s3+$0x0], $0xffff  }
0x796: {  	v3 =	vld.idx.msk [tilespmem:v3+s3+$0x0], $0xffff  }
0x797: {  	v2 =	vld.idx.msk [tilespmem:v2+s3+$0x0], $0xffff  }
0x798: {  	s5 =	sadd.s32 $0x40, s11;
	[tilespmem:s2+$0x0] =	vst.add.f32.msk $0xffff, v7  }
0x799: {  	[tilespmem:s5+$0xFFFFFFF0] =	vst.add.f32.msk $0xffff, v4  }
0x79a: {  	[tilespmem:s5+$0xFFFFFFE0] =	vst.add.f32.msk $0xffff, v5  }
0x79b: {  	s29 =	sand.u32 $0xFC0, s1;
	[tilespmem:s5+$0x0] =	vst.add.f32.msk $0xffff, v3  }
0x79c: {  	s1 =	simm.s32 $0x1B790;
	[tilespmem:s29+$0x1E780] =	vst.add.f32.msk $0xffff, v2  }
0x79d: {  	v1 =	vld [tilespmem:s1+$0xFFFFFFF0];
	_ =	sdelay $0x1  }
0x79e: {  	v2 =	vld [tilespmem:s1+$0x0];
	_ =	sdelay $0x2  }
0x79f: {  	s2 =	simm.s32 $0x1B7B0;
	v4 =	vmul.f32 $1.961161350e-01, v1  }
0x7a0: {  	v1 =	vld [tilespmem:s2+$0xFFFFFFF0]  }
0x7a1: {  	s5 =	simm.s32 $0x20;
	v3 =	vmul.f32 $1.961161350e-01, v2;
	v2 =	vld [tilespmem:s2+$0x0];
	[tilespmem:s1+$0xFFFFFFF0] =	vst v4  }
.LBB2_86:
0x7a2: {  	s5 =	sadd.s32 $0x20, s5  }
0x7a3: {  	[tilespmem:s1+$0x0] =	vst v3;
	s1 =	smov.u32 s2;
	p0 =	slt.u32 s5, $0x3FE0  }
.Ltmp42:
0x7a4: {  	(pc) =	sbr.rel @p0 .LBB2_86-.Ltmp42, $4  }
0x7a5: {  	_ = 	snop  }
0x7a6: {  	s2 =	sadd.s32 $0x20, s2;
	v4 =	vmul.f32 $1.961161350e-01, v1  }
0x7a7: {  	v1 =	vld [tilespmem:s2+$0xFFFFFFF0];
	v3 =	vmul.f32 $1.961161350e-01, v2  }
0x7a8: {  	v2 =	vld [tilespmem:s2+$0x0];
	[tilespmem:s1+$0xFFFFFFF0] =	vst v4  }
0x7a9: {  	_ =	sdelay $0x2  }
0x7aa: {  	v1 =	vmul.f32 $1.961161350e-01, v1  }
0x7ab: {  	[tilespmem:s1+$0x0] =	vst v3;
	v2 =	vmul.f32 $1.961161350e-01, v2  }
0x7ac: {  	[tilespmem:s2+$0xFFFFFFF0] =	vst v1  }
0x7ad: {  	[tilespmem:s2+$0x0] =	vst v2  }
0x7ae: {  	s26 =	simm.s32 $0x1B780;
	s28 =	simm.s32 $0x6;
	s1 =	rddreg [dreg:$0x12]  }
0x7af: {  	[hbm4b:s1+s30] =	stream.strided.scatter [tilespmem:s26], [sflag:$0x6], $0x4000, s31, s30, $0x38;
	[tilespmem:$0x1F780] =	vst v63  }
0x7b0: {  	_ =	swait.ge [sflag:s28], $0x4000  }
0x7b1: {  	s5 =	rddreg [dreg:$0x19]  }
0x7b2: {  	s29 =	rddreg [dreg:$0x15];
	s5 =	sadd.s32 $0x1, s5  }
0x7b3: {  	p0 =	sne.s32 s5, s29  }
.Ltmp43:
0x7b4: {  	_ = 	snop;
	(pc) =	sbr.rel @p0 .LBB2_1-.Ltmp43, $3  }
0x7b5: {  	_ =	sdelay $0x1  }
0x7b6: {  	[sflag:s28] =	ssyncset.done $0x0  }
0x7b7: {  	[sflag:s28] =	ssyncadd.s32 $0xFFFFC000  }
0x7b8: {  	_ =	sfence.sel $0x180000  }
0x7b9: {  	[bflag:$0x0] =	sbarrier.arrive $0xFFFF  }
0x7ba: {  	_ =	strace $0x90000047  }
0x7bb: {  	s0 =	stileid.u32;
	[bflag:$0x2] =	sbarrier.arrive $0xFFFF  }
0x7bc: {  	p0 =	sne.s32 s0, $0x0;
	s0 =	rddreg [dreg:$0x4]  }
0x7bd: {  	s0 =	sadd.s32 @!p0 $0x100000, s0  }
0x7be: {  	[sflag:s0] =	ssyncadd.tile.s32 @!p0 $0x1;
	_ =	shalt  }
.Lfunc_end2:
_tile_overlayer_lowered:
.L_overlay_start_2:
0x7bf: {  	(tag) =	ssettag $0x2  }
0x7c0: {  	s0 =	rddreg [dreg:$0x0];
	s2 =	stileid.u32  }
0x7c1: {  	s1 =	rddreg [dreg:$0x1];
	p0 =	sne.s32 s2, $0x0  }
0x7c2: {  	s3 =	rddreg [dreg:$0x2];
	[bflag:$0x3] =	sbarrier.arrive $0xFFFF;
	s2 =	simm.s32 @!p0 $0x1C06  }
0x7c3: {  	[timem:s3], [sflag:s2] =	dma.local @!p0 [hbm:s0], s1  }
0x7c4: {  	s0 =	simm.s32 @!p0 $0x6  }
0x7c5: {  	_ =	swait.ge @!p0 [sflag:s0], s1  }
0x7c6: {  	s1 =	ssub.s32 @!p0 $0x0, s1;
	[sflag:s0] =	ssyncset.done @!p0 $0x0  }
0x7c7: {  	[sflag:s0] =	ssyncadd.s32 @!p0 s1  }
0x7c8: {  	[bflag:$0x3] =	sbarrier.arrive $0xFFFF  }
0x7c9: {  	_ =	shalt  }

</sc_bundles>
